<compile_context>
chip_gen: v7x
topology: tpu7x:2x2x1
jax: 0.10.2.dev20260603
libtpu: 0.0.44.dev20260713+nightly
codegen_flags: <defaults>
</compile_context>

<pallas_src>
import functools

import jax
import jax.numpy as jnp
from jax import lax
from jax.experimental import pallas as pl
from jax.experimental.pallas import tpu as pltpu
from jax.experimental.pallas import tpu_sc as plsc

_K = 8192
_CODE_DIM = 32
_TOKENS = 8
_BATCH = 1024
_T = 50
_D_MODEL = 768
_FAN_IN = _TOKENS * _CODE_DIM

_NW = 32
_STREAM = 128
_TL_PER_BLK = 1
_CHUNKS = (10, 20, 20)
_BPW = 64


def _sc_gather(cb_B, cb_H, idx, t0, tc):
    mesh = plsc.VectorSubcoreMesh(core_axis_name="c", subcore_axis_name="s")
    th = tc // 2
    n_blks = th // _TL_PER_BLK
    cols = th * _TOKENS

    @functools.partial(
        pl.kernel,
        mesh=mesh,
        compiler_params=pltpu.CompilerParams(
            use_tc_tiling_on_sc=False, needs_layout_passes=False),
        out_type=jax.ShapeDtypeStruct((tc * 2 * _BATCH, 4 * _CODE_DIM),
                                      jnp.float32),
        scratch_types=[
            pltpu.VMEM((_BPW, cols), jnp.int32),
            pltpu.VMEM((4 * _TL_PER_BLK, _STREAM), jnp.int32),
            pltpu.VMEM((4, _TL_PER_BLK * _STREAM, _CODE_DIM), jnp.float32),
            pltpu.VMEM_SHARED((2 * _K, _CODE_DIM), jnp.float32),
            pltpu.SemaphoreType.DMA,
        ],
    )
    def k(cb_b_hbm, cb_h_hbm, idx_hbm, out_hbm,
          idx_v, sidx_v, rows_v, table_sp, sem):
        cid = lax.axis_index("c")
        sid = lax.axis_index("s")
        wid = sid * 2 + cid
        wb = wid % 16
        wt = wid // 16

        stage = _K // 16
        pltpu.sync_copy(
            cb_b_hbm.at[pl.ds(sid * stage, stage)],
            table_sp.at[pl.ds(sid * stage, stage)],
        )
        pltpu.sync_copy(
            cb_h_hbm.at[pl.ds(sid * stage, stage)],
            table_sp.at[pl.ds(_K + sid * stage, stage)],
        )
        pltpu.sync_copy(
            idx_hbm.at[pl.ds(wb * _BPW, _BPW),
                       pl.ds((t0 + wt * th) * _TOKENS, cols)],
            idx_v,
        )
        plsc.subcore_barrier()

        lane = lax.iota(jnp.int32, 16)
        rowpat = lane // 2
        colpat = (lane % 2) * 4
        kpat = (lane % 2) * _K

        def body(blk, carry):
            for tl2 in range(_TL_PER_BLK):
                for q in range(4):
                    s = tl2 * 4 + q
                    col0 = (blk * _TL_PER_BLK + tl2) * _TOKENS + q
                    for c in range(_STREAM // 16):
                        vals = plsc.load_gather(
                            idx_v, [8 * c + rowpat, col0 + colpat])
                        sidx_v[s, pl.ds(c * 16, 16)] = vals + kpat
            copies = []
            for tl2 in range(_TL_PER_BLK):
                for q in range(4):
                    copies.append(
                        pltpu.async_copy(
                            table_sp.at[sidx_v.at[tl2 * 4 + q]],
                            rows_v.at[q, pl.ds(tl2 * _STREAM, _STREAM)],
                            sem,
                        )
                    )
            for cp in copies:
                cp.wait()
            for tl2 in range(_TL_PER_BLK):
                g0 = ((wt * th + blk * _TL_PER_BLK + tl2) * 2 * _BATCH
                      + wb * _STREAM)
                for q in range(4):
                    pltpu.sync_copy(
                        rows_v.at[q, pl.ds(tl2 * _STREAM, _STREAM)],
                        out_hbm.at[pl.ds(g0, _STREAM),
                                   pl.ds(q * _CODE_DIM, _CODE_DIM)],
                    )
            return carry

        lax.fori_loop(0, n_blks, body, 0)

    return k(cb_B, cb_H, idx)


def _make_tc_body(first):
    def body(x_ref, w_ref, b_ref, g_ref, bt_ref, *rest):
        if first:
            out_ref, pool_ref = rest
        else:
            _zin_ref, pool_in_ref, out_ref, pool_ref = rest
        i = pl.program_id(0)
        z = x_ref[...].reshape(2 * _BATCH, _FAN_IN)
        y = jnp.dot(z, w_ref[...], preferred_element_type=jnp.float32)
        y = y + b_ref[...]
        mean = jnp.mean(y, axis=-1, keepdims=True)
        var = jnp.mean((y - mean) ** 2, axis=-1, keepdims=True)
        zn = (y - mean) * lax.rsqrt(var + 1e-5) * g_ref[...] + bt_ref[...]
        out_ref[...] = zn
        pstep = (zn[:_BATCH, :] + zn[_BATCH:, :]) * (1.0 / _T)

        @pl.when(i == 0)
        def _():
            if first:
                pool_ref[...] = pstep
            else:
                pool_ref[...] = pool_in_ref[...] + pstep

        @pl.when(i > 0)
        def _():
            pool_ref[...] += pstep

    return body


def _tc_chunk(emb128, W, b, gamma, beta, t0, tc, z_prev, pool_prev):
    first = z_prev is None
    in_specs = [
        pl.BlockSpec((4 * _BATCH, 4 * _CODE_DIM), lambda i: (i, 0)),
        pl.BlockSpec((_FAN_IN, _D_MODEL), lambda i: (0, 0)),
        pl.BlockSpec((1, _D_MODEL), lambda i: (0, 0)),
        pl.BlockSpec((1, _D_MODEL), lambda i: (0, 0)),
        pl.BlockSpec((1, _D_MODEL), lambda i: (0, 0)),
    ]
    args = [emb128, W, b.reshape(1, -1), gamma.reshape(1, -1),
            beta.reshape(1, -1)]
    aliases = {}
    if not first:
        in_specs.append(pl.BlockSpec((8, _D_MODEL), lambda i: (0, 0)))
        in_specs.append(pl.BlockSpec((_BATCH, _D_MODEL), lambda i: (0, 0)))
        args += [z_prev, pool_prev]
        aliases = {5: 0, 6: 1}
    return pl.pallas_call(
        _make_tc_body(first),
        grid=(tc // 2,),
        in_specs=in_specs,
        out_specs=[
            pl.BlockSpec((2 * _BATCH, _D_MODEL),
                         lambda i, t0=t0: (t0 // 2 + i, 0)),
            pl.BlockSpec((_BATCH, _D_MODEL), lambda i: (0, 0)),
        ],
        out_shape=[
            jax.ShapeDtypeStruct((_T * _BATCH, _D_MODEL), jnp.float32),
            jax.ShapeDtypeStruct((_BATCH, _D_MODEL), jnp.float32),
        ],
        input_output_aliases=aliases,
    )(*args)


def kernel(idx, codebook_B, codebook_H, W, b, gamma, beta):
    z_buf, pool = None, None
    t0 = 0
    for tc in _CHUNKS:
        emb128 = _sc_gather(codebook_B, codebook_H, idx, t0, tc)
        z_buf, pool = _tc_chunk(emb128, W, b, gamma, beta, t0, tc,
                                z_buf, pool)
        t0 += tc

    z = z_buf.reshape(_T, _BATCH, _D_MODEL).transpose(1, 0, 2)
    return (z, pool)

# --- scband reference (transcript-rebuilt; emitter-appended) ---
"""Pipeline reference for scband-motion-encoder-82051055222980 (READ-ONLY COPY).

The authoritative reference and input builder live on the scoring server;
editing this copy changes nothing except your own understanding.
"""

import jax, jax.numpy as jnp
import numpy as np

BODY_T = 4
HAND_T = 4
TOKENS_PER_T = BODY_T + HAND_T
CODE_DIM = 32
K = 8192
D_MODEL = 768
BATCH = 1024
T = 50


def setup_inputs(seed: int = 0) -> dict:
    key = jax.random.key(seed)
    ks = jax.random.split(key, 7)
    idx = jax.random.randint(ks[0], (BATCH, T * TOKENS_PER_T), 0, K, dtype=jnp.int64 if jax.config.jax_enable_x64 else jnp.int32).astype(jnp.int32)
    codebook_B = jax.random.normal(ks[1], (K, CODE_DIM), dtype=jnp.float32) * 0.02
    codebook_H = jax.random.normal(ks[2], (K, CODE_DIM), dtype=jnp.float32) * 0.02
    fan_in = (BODY_T + HAND_T) * CODE_DIM
    W = jax.random.normal(ks[3], (fan_in, D_MODEL), dtype=jnp.float32) * (1.0 / np.sqrt(fan_in))
    b = jnp.zeros((D_MODEL,), dtype=jnp.float32)
    gamma = jnp.ones((D_MODEL,), dtype=jnp.float32)
    beta = jnp.zeros((D_MODEL,), dtype=jnp.float32)
    return {"idx": idx, "codebook_B": codebook_B, "codebook_H": codebook_H, "W": W, "b": b, "gamma": gamma, "beta": beta}


def reference(idx, codebook_B, codebook_H, W, b, gamma, beta):
    B = idx.shape[0]
    idx3 = idx.reshape(B, -1, TOKENS_PER_T)
    Tn = idx3.shape[1]
    idxB = idx3[:, :, :BODY_T]
    idxH = idx3[:, :, BODY_T:]
    embB = jnp.take(codebook_B, idxB, axis=0)  # [B, T, BODY_T, CODE_DIM]
    embH = jnp.take(codebook_H, idxH, axis=0)  # [B, T, HAND_T, CODE_DIM]
    zB = embB.reshape(B, Tn, BODY_T * CODE_DIM)
    zH = embH.reshape(B, Tn, HAND_T * CODE_DIM)
    z = jnp.concatenate([zB, zH], axis=-1)
    z = jnp.dot(z, W) + b
    mean = jnp.mean(z, axis=-1, keepdims=True)
    var = jnp.var(z, axis=-1, keepdims=True)
    z = (z - mean) / jnp.sqrt(var + 1e-5) * gamma + beta
    pooled = jnp.mean(z, axis=1)
    return (z, pooled)

if __name__ == "__main__":
    import jax
    _d = setup_inputs()
    print(jax.jit(kernel)(*tuple(_d.values())))

</pallas_src>

<mosaic_0001>
#map = affine_map<(d0, d1) -> (0, 0)>
module attributes {stable_mosaic.version = 14 : i64} {
  func.func @k(%arg0: i32, %arg1: i32, %arg2: memref<8192x32xf32, #tpu.memory_space<hbm>>, %arg3: memref<8192x32xf32, #tpu.memory_space<hbm>>, %arg4: memref<1024x400xi32, #tpu.memory_space<hbm>>, %arg5: memref<40960x128xf32, #tpu.memory_space<hbm>>, %arg6: memref<64x80xi32, #tpu.memory_space<vmem>>, %arg7: memref<4x128xi32, #tpu.memory_space<vmem>>, %arg8: memref<4x128x32xf32, #tpu.memory_space<vmem>>, %arg9: memref<16384x32xf32, #tpu.memory_space<vmem_shared>>, %arg10: memref<!tpu.dma_semaphore, #tpu.memory_space<semaphore_mem>>) attributes {dimension_semantics = [#tpu.dimension_semantics<core_parallel>, #tpu.dimension_semantics<subcore_parallel>], iteration_bounds = array<i64: 2, 16>, scalar_prefetch = 0 : i64, scratch_operands = 5 : i64, tpu.core_type = #tpu.core_type<sc_vector_subcore>, window_params = [{transform_indices = #map}, {transform_indices = #map}, {transform_indices = #map}, {transform_indices = #map}]} {
    %mul3A = arith.constant 2 : i32
    %mul3A_0 = arith.muli %arg1, %mul3A : i32
    %add3A = arith.addi %mul3A_0, %arg0 : i32
    %jit3A = arith.constant 16 : i32
    %eq3A = arith.constant 0 : i32
    %eq3A_1 = arith.cmpi eq, %jit3A, %eq3A : i32
    %jit3A_2 = arith.constant 1 : i32
    %select_n3A = arith.select %eq3A_1, %jit3A_2, %jit3A : i32
    %rem3A = arith.remsi %add3A, %select_n3A : i32
    %ne3A = arith.constant 0 : i32
    %ne3A_3 = arith.cmpi ne, %rem3A, %ne3A : i32
    %lt3A = arith.constant 0 : i32
    %lt3A_4 = arith.cmpi slt, %rem3A, %lt3A : i32
    %lt3A_5 = arith.constant 0 : i32
    %lt3A_6 = arith.cmpi slt, %select_n3A, %lt3A_5 : i32
    %ne3A_7 = arith.xori %lt3A_4, %lt3A_6 : i1
    %and3A = arith.andi %ne3A_7, %ne3A_3 : i1
    %add3A_8 = arith.addi %rem3A, %select_n3A : i32
    %select_n3A_9 = arith.select %and3A, %add3A_8, %rem3A : i32
    %jit3A_10 = arith.constant 16 : i32
    %div3A = arith.divsi %add3A, %jit3A_10 : i32
    %sign3A = arith.constant 0 : i32
    %sign3A_11 = arith.cmpi sgt, %add3A, %sign3A : i32
    %sign3A_12 = arith.extui %sign3A_11 : i1 to i32
    %sign3A_13 = arith.constant 0 : i32
    %sign3A_14 = arith.cmpi slt, %add3A, %sign3A_13 : i32
    %sign3A_15 = arith.extui %sign3A_14 : i1 to i32
    %sign3A_16 = arith.subi %sign3A_12, %sign3A_15 : i32
    %sign3A_17 = arith.constant 0 : i32
    %sign3A_18 = arith.cmpi sgt, %jit3A_10, %sign3A_17 : i32
    %sign3A_19 = arith.extui %sign3A_18 : i1 to i32
    %sign3A_20 = arith.constant 0 : i32
    %sign3A_21 = arith.cmpi slt, %jit3A_10, %sign3A_20 : i32
    %sign3A_22 = arith.extui %sign3A_21 : i1 to i32
    %sign3A_23 = arith.subi %sign3A_19, %sign3A_22 : i32
    %ne3A_24 = arith.cmpi ne, %sign3A_16, %sign3A_23 : i32
    %rem3A_25 = arith.remsi %add3A, %jit3A_10 : i32
    %ne3A_26 = arith.constant 0 : i32
    %ne3A_27 = arith.cmpi ne, %rem3A_25, %ne3A_26 : i32
    %and3A_28 = arith.andi %ne3A_24, %ne3A_27 : i1
    %sub3A = arith.constant 1 : i32
    %sub3A_29 = arith.subi %div3A, %sub3A : i32
    %select_n3A_30 = arith.select %and3A_28, %sub3A_29, %div3A : i32
    %mul3A_31 = arith.constant 512 : i32
    %mul3A_32 = arith.muli %arg1, %mul3A_31 : i32
    %mul3A_33 = arith.constant 512 : i32
    %mul3A_34 = arith.muli %arg1, %mul3A_33 : i32
    "tpu.region"() ({
      %run_scoped3A = tpu.sem_alloc : memref<!tpu.dma_semaphore, #tpu.memory_space<semaphore_mem>>
      %dma_start3A = arith.constant 0 : i32
      %dma_start3A_135 = tpu.memref_slice %arg9[%mul3A_34, %dma_start3A] : memref<16384x32xf32, #tpu.memory_space<vmem_shared>> -> memref<512x32xf32, #tpu.memory_space<vmem_shared>>
      %dma_start3A_136 = arith.constant 0 : i32
      %dma_start3A_137 = tpu.memref_slice %arg2[%mul3A_32, %dma_start3A_136] : memref<8192x32xf32, #tpu.memory_space<hbm>> -> memref<512x32xf32, #tpu.memory_space<hbm>>
      tpu.enqueue_dma source(%dma_start3A_137 : memref<512x32xf32, #tpu.memory_space<hbm>>) target(%dma_start3A_135 : memref<512x32xf32, #tpu.memory_space<vmem_shared>>) target_semaphore(%run_scoped3A : memref<!tpu.dma_semaphore, #tpu.memory_space<semaphore_mem>>)
      %dma_wait3A = arith.constant 0 : i32
      %dma_wait3A_138 = tpu.memref_slice %arg9[%mul3A_34, %dma_wait3A] : memref<16384x32xf32, #tpu.memory_space<vmem_shared>> -> memref<512x32xf32, #tpu.memory_space<vmem_shared>>
      %dma_wait3A_139 = arith.constant 0 : i32
      %dma_wait3A_140 = tpu.memref_slice %arg2[%mul3A_32, %dma_wait3A_139] : memref<8192x32xf32, #tpu.memory_space<hbm>> -> memref<512x32xf32, #tpu.memory_space<hbm>>
      tpu.wait_dma2 semaphore(%run_scoped3A : memref<!tpu.dma_semaphore, #tpu.memory_space<semaphore_mem>>) src(%dma_wait3A_140 : memref<512x32xf32, #tpu.memory_space<hbm>>) dst(%dma_wait3A_138 : memref<512x32xf32, #tpu.memory_space<vmem_shared>>)
      tpu.yield
    }) : () -> ()
    %mul3A_35 = arith.constant 512 : i32
    %mul3A_36 = arith.muli %arg1, %mul3A_35 : i32
    %mul3A_37 = arith.constant 512 : i32
    %mul3A_38 = arith.muli %arg1, %mul3A_37 : i32
    %add3A_39 = arith.constant 8192 : i32
    %add3A_40 = arith.addi %add3A_39, %mul3A_38 : i32
    "tpu.region"() ({
      %run_scoped3A = tpu.sem_alloc : memref<!tpu.dma_semaphore, #tpu.memory_space<semaphore_mem>>
      %dma_start3A = arith.constant 0 : i32
      %dma_start3A_135 = tpu.memref_slice %arg9[%add3A_40, %dma_start3A] : memref<16384x32xf32, #tpu.memory_space<vmem_shared>> -> memref<512x32xf32, #tpu.memory_space<vmem_shared>>
      %dma_start3A_136 = arith.constant 0 : i32
      %dma_start3A_137 = tpu.memref_slice %arg3[%mul3A_36, %dma_start3A_136] : memref<8192x32xf32, #tpu.memory_space<hbm>> -> memref<512x32xf32, #tpu.memory_space<hbm>>
      tpu.enqueue_dma source(%dma_start3A_137 : memref<512x32xf32, #tpu.memory_space<hbm>>) target(%dma_start3A_135 : memref<512x32xf32, #tpu.memory_space<vmem_shared>>) target_semaphore(%run_scoped3A : memref<!tpu.dma_semaphore, #tpu.memory_space<semaphore_mem>>)
      %dma_wait3A = arith.constant 0 : i32
      %dma_wait3A_138 = tpu.memref_slice %arg9[%add3A_40, %dma_wait3A] : memref<16384x32xf32, #tpu.memory_space<vmem_shared>> -> memref<512x32xf32, #tpu.memory_space<vmem_shared>>
      %dma_wait3A_139 = arith.constant 0 : i32
      %dma_wait3A_140 = tpu.memref_slice %arg3[%mul3A_36, %dma_wait3A_139] : memref<8192x32xf32, #tpu.memory_space<hbm>> -> memref<512x32xf32, #tpu.memory_space<hbm>>
      tpu.wait_dma2 semaphore(%run_scoped3A : memref<!tpu.dma_semaphore, #tpu.memory_space<semaphore_mem>>) src(%dma_wait3A_140 : memref<512x32xf32, #tpu.memory_space<hbm>>) dst(%dma_wait3A_138 : memref<512x32xf32, #tpu.memory_space<vmem_shared>>)
      tpu.yield
    }) : () -> ()
    %mul3A_41 = arith.constant 64 : i32
    %mul3A_42 = arith.muli %select_n3A_9, %mul3A_41 : i32
    %mul3A_43 = arith.constant 10 : i32
    %mul3A_44 = arith.muli %select_n3A_30, %mul3A_43 : i32
    %add3A_45 = arith.constant 10 : i32
    %add3A_46 = arith.addi %add3A_45, %mul3A_44 : i32
    %mul3A_47 = arith.constant 8 : i32
    %mul3A_48 = arith.muli %add3A_46, %mul3A_47 : i32
    "tpu.region"() ({
      %run_scoped3A = tpu.sem_alloc : memref<!tpu.dma_semaphore, #tpu.memory_space<semaphore_mem>>
      %dma_start3A = tpu.memref_slice %arg4[%mul3A_42, %mul3A_48] : memref<1024x400xi32, #tpu.memory_space<hbm>> -> memref<64x80xi32, #tpu.memory_space<hbm>>
      %dma_start3A_135 = tpu.memref_slice %arg4[%mul3A_42, %mul3A_48] : memref<1024x400xi32, #tpu.memory_space<hbm>> -> memref<64x80xi32, #tpu.memory_space<hbm>>
      tpu.enqueue_dma source(%dma_start3A_135 : memref<64x80xi32, #tpu.memory_space<hbm>>) target(%arg6 : memref<64x80xi32, #tpu.memory_space<vmem>>) target_semaphore(%run_scoped3A : memref<!tpu.dma_semaphore, #tpu.memory_space<semaphore_mem>>)
      %dma_wait3A = tpu.memref_slice %arg4[%mul3A_42, %mul3A_48] : memref<1024x400xi32, #tpu.memory_space<hbm>> -> memref<64x80xi32, #tpu.memory_space<hbm>>
      %dma_wait3A_136 = tpu.memref_slice %arg4[%mul3A_42, %mul3A_48] : memref<1024x400xi32, #tpu.memory_space<hbm>> -> memref<64x80xi32, #tpu.memory_space<hbm>>
      tpu.wait_dma2 semaphore(%run_scoped3A : memref<!tpu.dma_semaphore, #tpu.memory_space<semaphore_mem>>) src(%dma_wait3A_136 : memref<64x80xi32, #tpu.memory_space<hbm>>) dst(%arg6 : memref<64x80xi32, #tpu.memory_space<vmem>>)
      tpu.yield
    }) : () -> ()
    %barrier3A = arith.constant 0 : index
    tpu.barrier barrier_id(%barrier3A)
    %iota3A = tpu.iota {dimensions = array<i32: 0>} : vector<16xi32>
    %jit3A_49 = arith.constant 2 : i32
    %div3A_50 = vector.broadcast %jit3A_49 : i32 to vector<16xi32>
    %div3A_51 = arith.divsi %iota3A, %div3A_50 : vector<16xi32>
    %sign3A_52 = arith.constant 0 : i32
    %sign3A_53 = vector.broadcast %sign3A_52 : i32 to vector<16xi32>
    %sign3A_54 = arith.cmpi sgt, %iota3A, %sign3A_53 : vector<16xi32>
    %sign3A_55 = arith.extui %sign3A_54 : vector<16xi1> to vector<16xi32>
    %sign3A_56 = arith.constant 0 : i32
    %sign3A_57 = vector.broadcast %sign3A_56 : i32 to vector<16xi32>
    %sign3A_58 = arith.cmpi slt, %iota3A, %sign3A_57 : vector<16xi32>
    %sign3A_59 = arith.extui %sign3A_58 : vector<16xi1> to vector<16xi32>
    %sign3A_60 = arith.subi %sign3A_55, %sign3A_59 : vector<16xi32>
    %sign3A_61 = arith.constant 0 : i32
    %sign3A_62 = arith.cmpi sgt, %jit3A_49, %sign3A_61 : i32
    %sign3A_63 = arith.extui %sign3A_62 : i1 to i32
    %sign3A_64 = arith.constant 0 : i32
    %sign3A_65 = arith.cmpi slt, %jit3A_49, %sign3A_64 : i32
    %sign3A_66 = arith.extui %sign3A_65 : i1 to i32
    %sign3A_67 = arith.subi %sign3A_63, %sign3A_66 : i32
    %ne3A_68 = vector.broadcast %sign3A_67 : i32 to vector<16xi32>
    %ne3A_69 = arith.cmpi ne, %sign3A_60, %ne3A_68 : vector<16xi32>
    %rem3A_70 = vector.broadcast %jit3A_49 : i32 to vector<16xi32>
    %rem3A_71 = arith.remsi %iota3A, %rem3A_70 : vector<16xi32>
    %ne3A_72 = arith.constant 0 : i32
    %ne3A_73 = vector.broadcast %ne3A_72 : i32 to vector<16xi32>
    %ne3A_74 = arith.cmpi ne, %rem3A_71, %ne3A_73 : vector<16xi32>
    %and3A_75 = arith.andi %ne3A_69, %ne3A_74 : vector<16xi1>
    %sub3A_76 = arith.constant 1 : i32
    %sub3A_77 = vector.broadcast %sub3A_76 : i32 to vector<16xi32>
    %sub3A_78 = arith.subi %div3A_51, %sub3A_77 : vector<16xi32>
    %select_n3A_79 = arith.select %and3A_75, %sub3A_78, %div3A_51 : vector<16xi1>, vector<16xi32>
    %jit3A_80 = arith.constant 2 : i32
    %eq3A_81 = arith.constant 0 : i32
    %eq3A_82 = arith.cmpi eq, %jit3A_80, %eq3A_81 : i32
    %jit3A_83 = arith.constant 1 : i32
    %select_n3A_84 = arith.select %eq3A_82, %jit3A_83, %jit3A_80 : i32
    %rem3A_85 = vector.broadcast %select_n3A_84 : i32 to vector<16xi32>
    %rem3A_86 = arith.remsi %iota3A, %rem3A_85 : vector<16xi32>
    %ne3A_87 = arith.constant 0 : i32
    %ne3A_88 = vector.broadcast %ne3A_87 : i32 to vector<16xi32>
    %ne3A_89 = arith.cmpi ne, %rem3A_86, %ne3A_88 : vector<16xi32>
    %lt3A_90 = arith.constant 0 : i32
    %lt3A_91 = vector.broadcast %lt3A_90 : i32 to vector<16xi32>
    %lt3A_92 = arith.cmpi slt, %rem3A_86, %lt3A_91 : vector<16xi32>
    %lt3A_93 = arith.constant 0 : i32
    %lt3A_94 = arith.cmpi slt, %select_n3A_84, %lt3A_93 : i32
    %ne3A_95 = vector.broadcast %lt3A_94 : i1 to vector<16xi1>
    %ne3A_96 = vector.broadcast %ne3A_95 : vector<16xi1> to vector<16xi1>
    %ne3A_97 = arith.xori %lt3A_92, %ne3A_96 : vector<16xi1>
    %and3A_98 = arith.andi %ne3A_97, %ne3A_89 : vector<16xi1>
    %add3A_99 = vector.broadcast %select_n3A_84 : i32 to vector<16xi32>
    %add3A_100 = arith.addi %rem3A_86, %add3A_99 : vector<16xi32>
    %select_n3A_101 = arith.select %and3A_98, %add3A_100, %rem3A_86 : vector<16xi1>, vector<16xi32>
    %mul3A_102 = arith.constant 4 : i32
    %mul3A_103 = vector.broadcast %mul3A_102 : i32 to vector<16xi32>
    %mul3A_104 = arith.muli %select_n3A_101, %mul3A_103 : vector<16xi32>
    %jit3A_105 = arith.constant 2 : i32
    %eq3A_106 = arith.constant 0 : i32
    %eq3A_107 = arith.cmpi eq, %jit3A_105, %eq3A_106 : i32
    %jit3A_108 = arith.constant 1 : i32
    %select_n3A_109 = arith.select %eq3A_107, %jit3A_108, %jit3A_105 : i32
    %rem3A_110 = vector.broadcast %select_n3A_109 : i32 to vector<16xi32>
    %rem3A_111 = arith.remsi %iota3A, %rem3A_110 : vector<16xi32>
    %ne3A_112 = arith.constant 0 : i32
    %ne3A_113 = vector.broadcast %ne3A_112 : i32 to vector<16xi32>
    %ne3A_114 = arith.cmpi ne, %rem3A_111, %ne3A_113 : vector<16xi32>
    %lt3A_115 = arith.constant 0 : i32
    %lt3A_116 = vector.broadcast %lt3A_115 : i32 to vector<16xi32>
    %lt3A_117 = arith.cmpi slt, %rem3A_111, %lt3A_116 : vector<16xi32>
    %lt3A_118 = arith.constant 0 : i32
    %lt3A_119 = arith.cmpi slt, %select_n3A_109, %lt3A_118 : i32
    %ne3A_120 = vector.broadcast %lt3A_119 : i1 to vector<16xi1>
    %ne3A_121 = vector.broadcast %ne3A_120 : vector<16xi1> to vector<16xi1>
    %ne3A_122 = arith.xori %lt3A_117, %ne3A_121 : vector<16xi1>
    %and3A_123 = arith.andi %ne3A_122, %ne3A_114 : vector<16xi1>
    %add3A_124 = vector.broadcast %select_n3A_109 : i32 to vector<16xi32>
    %add3A_125 = arith.addi %rem3A_111, %add3A_124 : vector<16xi32>
    %select_n3A_126 = arith.select %and3A_123, %add3A_125, %rem3A_111 : vector<16xi1>, vector<16xi32>
    %mul3A_127 = arith.constant 8192 : i32
    %mul3A_128 = vector.broadcast %mul3A_127 : i32 to vector<16xi32>
    %mul3A_129 = arith.muli %select_n3A_126, %mul3A_128 : vector<16xi32>
    %scan3A = arith.constant 0 : i32
    %scan3A_130 = arith.constant 0 : i32
    %scan3A_131 = arith.constant 10 : i32
    %scan3A_132 = arith.addi %scan3A_130, %scan3A_131 : i32
    %scan3A_133 = arith.constant 1 : i32
    scf.for %scan3A_135 = %scan3A_130 to %scan3A_132 step %scan3A_133  : i32 {
      %mul3A_136 = arith.constant 1 : i32
      %mul3A_137 = arith.muli %scan3A_135, %mul3A_136 : i32
      %add3A_138 = arith.constant 0 : i32
      %add3A_139 = arith.addi %mul3A_137, %add3A_138 : i32
      %mul3A_140 = arith.constant 8 : i32
      %mul3A_141 = arith.muli %add3A_139, %mul3A_140 : i32
      %add3A_142 = arith.constant 0 : i32
      %add3A_143 = arith.addi %mul3A_141, %add3A_142 : i32
      %add3A_144 = arith.constant 0 : i32
      %add3A_145 = vector.broadcast %add3A_144 : i32 to vector<16xi32>
      %add3A_146 = arith.addi %add3A_145, %select_n3A_79 : vector<16xi32>
      %add3A_147 = vector.broadcast %add3A_143 : i32 to vector<16xi32>
      %add3A_148 = arith.addi %add3A_147, %mul3A_104 : vector<16xi32>
      %gather3A = tpu.vector_load_idx %arg6[%add3A_146, %add3A_148] : memref<64x80xi32, #tpu.memory_space<vmem>>[vector<16xi32>, vector<16xi32>], vector<16xi32>,
      %add3A_149 = arith.addi %gather3A, %mul3A_129 : vector<16xi32>
      %swap3A = arith.constant 0 : i32
      %swap3A_150 = arith.index_cast %swap3A : i32 to index
      %swap3A_151 = arith.constant 0 : index
      %swap3A_152 = tpu.vector_load %arg7[%swap3A_150, %swap3A_151] {strides = array<i32>} : memref<4x128xi32, #tpu.memory_space<vmem>>, vector<16xi32>,
      tpu.vector_store %arg7[%swap3A_150, %swap3A_151], %add3A_149 {strides = array<i32>} : memref<4x128xi32, #tpu.memory_space<vmem>>, vector<16xi32>,
      %add3A_153 = arith.constant 8 : i32
      %add3A_154 = vector.broadcast %add3A_153 : i32 to vector<16xi32>
      %add3A_155 = arith.addi %add3A_154, %select_n3A_79 : vector<16xi32>
      %add3A_156 = vector.broadcast %add3A_143 : i32 to vector<16xi32>
      %add3A_157 = arith.addi %add3A_156, %mul3A_104 : vector<16xi32>
      %gather3A_158 = tpu.vector_load_idx %arg6[%add3A_155, %add3A_157] : memref<64x80xi32, #tpu.memory_space<vmem>>[vector<16xi32>, vector<16xi32>], vector<16xi32>,
      %add3A_159 = arith.addi %gather3A_158, %mul3A_129 : vector<16xi32>
      %swap3A_160 = arith.constant 0 : i32
      %swap3A_161 = arith.index_cast %swap3A_160 : i32 to index
      %swap3A_162 = arith.constant 16 : index
      %swap3A_163 = tpu.vector_load %arg7[%swap3A_161, %swap3A_162] {strides = array<i32>} : memref<4x128xi32, #tpu.memory_space<vmem>>, vector<16xi32>,
      tpu.vector_store %arg7[%swap3A_161, %swap3A_162], %add3A_159 {strides = array<i32>} : memref<4x128xi32, #tpu.memory_space<vmem>>, vector<16xi32>,
      %add3A_164 = arith.constant 16 : i32
      %add3A_165 = vector.broadcast %add3A_164 : i32 to vector<16xi32>
      %add3A_166 = arith.addi %add3A_165, %select_n3A_79 : vector<16xi32>
      %add3A_167 = vector.broadcast %add3A_143 : i32 to vector<16xi32>
      %add3A_168 = arith.addi %add3A_167, %mul3A_104 : vector<16xi32>
      %gather3A_169 = tpu.vector_load_idx %arg6[%add3A_166, %add3A_168] : memref<64x80xi32, #tpu.memory_space<vmem>>[vector<16xi32>, vector<16xi32>], vector<16xi32>,
      %add3A_170 = arith.addi %gather3A_169, %mul3A_129 : vector<16xi32>
      %swap3A_171 = arith.constant 0 : i32
      %swap3A_172 = arith.index_cast %swap3A_171 : i32 to index
      %swap3A_173 = arith.constant 32 : index
      %swap3A_174 = tpu.vector_load %arg7[%swap3A_172, %swap3A_173] {strides = array<i32>} : memref<4x128xi32, #tpu.memory_space<vmem>>, vector<16xi32>,
      tpu.vector_store %arg7[%swap3A_172, %swap3A_173], %add3A_170 {strides = array<i32>} : memref<4x128xi32, #tpu.memory_space<vmem>>, vector<16xi32>,
      %add3A_175 = arith.constant 24 : i32
      %add3A_176 = vector.broadcast %add3A_175 : i32 to vector<16xi32>
      %add3A_177 = arith.addi %add3A_176, %select_n3A_79 : vector<16xi32>
      %add3A_178 = vector.broadcast %add3A_143 : i32 to vector<16xi32>
      %add3A_179 = arith.addi %add3A_178, %mul3A_104 : vector<16xi32>
      %gather3A_180 = tpu.vector_load_idx %arg6[%add3A_177, %add3A_179] : memref<64x80xi32, #tpu.memory_space<vmem>>[vector<16xi32>, vector<16xi32>], vector<16xi32>,
      %add3A_181 = arith.addi %gather3A_180, %mul3A_129 : vector<16xi32>
      %swap3A_182 = arith.constant 0 : i32
      %swap3A_183 = arith.index_cast %swap3A_182 : i32 to index
      %swap3A_184 = arith.constant 48 : index
      %swap3A_185 = tpu.vector_load %arg7[%swap3A_183, %swap3A_184] {strides = array<i32>} : memref<4x128xi32, #tpu.memory_space<vmem>>, vector<16xi32>,
      tpu.vector_store %arg7[%swap3A_183, %swap3A_184], %add3A_181 {strides = array<i32>} : memref<4x128xi32, #tpu.memory_space<vmem>>, vector<16xi32>,
      %add3A_186 = arith.constant 32 : i32
      %add3A_187 = vector.broadcast %add3A_186 : i32 to vector<16xi32>
      %add3A_188 = arith.addi %add3A_187, %select_n3A_79 : vector<16xi32>
      %add3A_189 = vector.broadcast %add3A_143 : i32 to vector<16xi32>
      %add3A_190 = arith.addi %add3A_189, %mul3A_104 : vector<16xi32>
      %gather3A_191 = tpu.vector_load_idx %arg6[%add3A_188, %add3A_190] : memref<64x80xi32, #tpu.memory_space<vmem>>[vector<16xi32>, vector<16xi32>], vector<16xi32>,
      %add3A_192 = arith.addi %gather3A_191, %mul3A_129 : vector<16xi32>
      %swap3A_193 = arith.constant 0 : i32
      %swap3A_194 = arith.index_cast %swap3A_193 : i32 to index
      %swap3A_195 = arith.constant 64 : index
      %swap3A_196 = tpu.vector_load %arg7[%swap3A_194, %swap3A_195] {strides = array<i32>} : memref<4x128xi32, #tpu.memory_space<vmem>>, vector<16xi32>,
      tpu.vector_store %arg7[%swap3A_194, %swap3A_195], %add3A_192 {strides = array<i32>} : memref<4x128xi32, #tpu.memory_space<vmem>>, vector<16xi32>,
      %add3A_197 = arith.constant 40 : i32
      %add3A_198 = vector.broadcast %add3A_197 : i32 to vector<16xi32>
      %add3A_199 = arith.addi %add3A_198, %select_n3A_79 : vector<16xi32>
      %add3A_200 = vector.broadcast %add3A_143 : i32 to vector<16xi32>
      %add3A_201 = arith.addi %add3A_200, %mul3A_104 : vector<16xi32>
      %gather3A_202 = tpu.vector_load_idx %arg6[%add3A_199, %add3A_201] : memref<64x80xi32, #tpu.memory_space<vmem>>[vector<16xi32>, vector<16xi32>], vector<16xi32>,
      %add3A_203 = arith.addi %gather3A_202, %mul3A_129 : vector<16xi32>
      %swap3A_204 = arith.constant 0 : i32
      %swap3A_205 = arith.index_cast %swap3A_204 : i32 to index
      %swap3A_206 = arith.constant 80 : index
      %swap3A_207 = tpu.vector_load %arg7[%swap3A_205, %swap3A_206] {strides = array<i32>} : memref<4x128xi32, #tpu.memory_space<vmem>>, vector<16xi32>,
      tpu.vector_store %arg7[%swap3A_205, %swap3A_206], %add3A_203 {strides = array<i32>} : memref<4x128xi32, #tpu.memory_space<vmem>>, vector<16xi32>,
      %add3A_208 = arith.constant 48 : i32
      %add3A_209 = vector.broadcast %add3A_208 : i32 to vector<16xi32>
      %add3A_210 = arith.addi %add3A_209, %select_n3A_79 : vector<16xi32>
      %add3A_211 = vector.broadcast %add3A_143 : i32 to vector<16xi32>
      %add3A_212 = arith.addi %add3A_211, %mul3A_104 : vector<16xi32>
      %gather3A_213 = tpu.vector_load_idx %arg6[%add3A_210, %add3A_212] : memref<64x80xi32, #tpu.memory_space<vmem>>[vector<16xi32>, vector<16xi32>], vector<16xi32>,
      %add3A_214 = arith.addi %gather3A_213, %mul3A_129 : vector<16xi32>
      %swap3A_215 = arith.constant 0 : i32
      %swap3A_216 = arith.index_cast %swap3A_215 : i32 to index
      %swap3A_217 = arith.constant 96 : index
      %swap3A_218 = tpu.vector_load %arg7[%swap3A_216, %swap3A_217] {strides = array<i32>} : memref<4x128xi32, #tpu.memory_space<vmem>>, vector<16xi32>,
      tpu.vector_store %arg7[%swap3A_216, %swap3A_217], %add3A_214 {strides = array<i32>} : memref<4x128xi32, #tpu.memory_space<vmem>>, vector<16xi32>,
      %add3A_219 = arith.constant 56 : i32
      %add3A_220 = vector.broadcast %add3A_219 : i32 to vector<16xi32>
      %add3A_221 = arith.addi %add3A_220, %select_n3A_79 : vector<16xi32>
      %add3A_222 = vector.broadcast %add3A_143 : i32 to vector<16xi32>
      %add3A_223 = arith.addi %add3A_222, %mul3A_104 : vector<16xi32>
      %gather3A_224 = tpu.vector_load_idx %arg6[%add3A_221, %add3A_223] : memref<64x80xi32, #tpu.memory_space<vmem>>[vector<16xi32>, vector<16xi32>], vector<16xi32>,
      %add3A_225 = arith.addi %gather3A_224, %mul3A_129 : vector<16xi32>
      %swap3A_226 = arith.constant 0 : i32
      %swap3A_227 = arith.index_cast %swap3A_226 : i32 to index
      %swap3A_228 = arith.constant 112 : index
      %swap3A_229 = tpu.vector_load %arg7[%swap3A_227, %swap3A_228] {strides = array<i32>} : memref<4x128xi32, #tpu.memory_space<vmem>>, vector<16xi32>,
      tpu.vector_store %arg7[%swap3A_227, %swap3A_228], %add3A_225 {strides = array<i32>} : memref<4x128xi32, #tpu.memory_space<vmem>>, vector<16xi32>,
      %mul3A_230 = arith.constant 1 : i32
      %mul3A_231 = arith.muli %scan3A_135, %mul3A_230 : i32
      %add3A_232 = arith.constant 0 : i32
      %add3A_233 = arith.addi %mul3A_231, %add3A_232 : i32
      %mul3A_234 = arith.constant 8 : i32
      %mul3A_235 = arith.muli %add3A_233, %mul3A_234 : i32
      %add3A_236 = arith.constant 1 : i32
      %add3A_237 = arith.addi %mul3A_235, %add3A_236 : i32
      %add3A_238 = arith.constant 0 : i32
      %add3A_239 = vector.broadcast %add3A_238 : i32 to vector<16xi32>
      %add3A_240 = arith.addi %add3A_239, %select_n3A_79 : vector<16xi32>
      %add3A_241 = vector.broadcast %add3A_237 : i32 to vector<16xi32>
      %add3A_242 = arith.addi %add3A_241, %mul3A_104 : vector<16xi32>
      %gather3A_243 = tpu.vector_load_idx %arg6[%add3A_240, %add3A_242] : memref<64x80xi32, #tpu.memory_space<vmem>>[vector<16xi32>, vector<16xi32>], vector<16xi32>,
      %add3A_244 = arith.addi %gather3A_243, %mul3A_129 : vector<16xi32>
      %swap3A_245 = arith.constant 1 : i32
      %swap3A_246 = arith.index_cast %swap3A_245 : i32 to index
      %swap3A_247 = arith.constant 0 : index
      %swap3A_248 = tpu.vector_load %arg7[%swap3A_246, %swap3A_247] {strides = array<i32>} : memref<4x128xi32, #tpu.memory_space<vmem>>, vector<16xi32>,
      tpu.vector_store %arg7[%swap3A_246, %swap3A_247], %add3A_244 {strides = array<i32>} : memref<4x128xi32, #tpu.memory_space<vmem>>, vector<16xi32>,
      %add3A_249 = arith.constant 8 : i32
      %add3A_250 = vector.broadcast %add3A_249 : i32 to vector<16xi32>
      %add3A_251 = arith.addi %add3A_250, %select_n3A_79 : vector<16xi32>
      %add3A_252 = vector.broadcast %add3A_237 : i32 to vector<16xi32>
      %add3A_253 = arith.addi %add3A_252, %mul3A_104 : vector<16xi32>
      %gather3A_254 = tpu.vector_load_idx %arg6[%add3A_251, %add3A_253] : memref<64x80xi32, #tpu.memory_space<vmem>>[vector<16xi32>, vector<16xi32>], vector<16xi32>,
      %add3A_255 = arith.addi %gather3A_254, %mul3A_129 : vector<16xi32>
      %swap3A_256 = arith.constant 1 : i32
      %swap3A_257 = arith.index_cast %swap3A_256 : i32 to index
      %swap3A_258 = arith.constant 16 : index
      %swap3A_259 = tpu.vector_load %arg7[%swap3A_257, %swap3A_258] {strides = array<i32>} : memref<4x128xi32, #tpu.memory_space<vmem>>, vector<16xi32>,
      tpu.vector_store %arg7[%swap3A_257, %swap3A_258], %add3A_255 {strides = array<i32>} : memref<4x128xi32, #tpu.memory_space<vmem>>, vector<16xi32>,
      %add3A_260 = arith.constant 16 : i32
      %add3A_261 = vector.broadcast %add3A_260 : i32 to vector<16xi32>
      %add3A_262 = arith.addi %add3A_261, %select_n3A_79 : vector<16xi32>
      %add3A_263 = vector.broadcast %add3A_237 : i32 to vector<16xi32>
      %add3A_264 = arith.addi %add3A_263, %mul3A_104 : vector<16xi32>
      %gather3A_265 = tpu.vector_load_idx %arg6[%add3A_262, %add3A_264] : memref<64x80xi32, #tpu.memory_space<vmem>>[vector<16xi32>, vector<16xi32>], vector<16xi32>,
      %add3A_266 = arith.addi %gather3A_265, %mul3A_129 : vector<16xi32>
      %swap3A_267 = arith.constant 1 : i32
      %swap3A_268 = arith.index_cast %swap3A_267 : i32 to index
      %swap3A_269 = arith.constant 32 : index
      %swap3A_270 = tpu.vector_load %arg7[%swap3A_268, %swap3A_269] {strides = array<i32>} : memref<4x128xi32, #tpu.memory_space<vmem>>, vector<16xi32>,
      tpu.vector_store %arg7[%swap3A_268, %swap3A_269], %add3A_266 {strides = array<i32>} : memref<4x128xi32, #tpu.memory_space<vmem>>, vector<16xi32>,
      %add3A_271 = arith.constant 24 : i32
      %add3A_272 = vector.broadcast %add3A_271 : i32 to vector<16xi32>
      %add3A_273 = arith.addi %add3A_272, %select_n3A_79 : vector<16xi32>
      %add3A_274 = vector.broadcast %add3A_237 : i32 to vector<16xi32>
      %add3A_275 = arith.addi %add3A_274, %mul3A_104 : vector<16xi32>
      %gather3A_276 = tpu.vector_load_idx %arg6[%add3A_273, %add3A_275] : memref<64x80xi32, #tpu.memory_space<vmem>>[vector<16xi32>, vector<16xi32>], vector<16xi32>,
      %add3A_277 = arith.addi %gather3A_276, %mul3A_129 : vector<16xi32>
      %swap3A_278 = arith.constant 1 : i32
      %swap3A_279 = arith.index_cast %swap3A_278 : i32 to index
      %swap3A_280 = arith.constant 48 : index
      %swap3A_281 = tpu.vector_load %arg7[%swap3A_279, %swap3A_280] {strides = array<i32>} : memref<4x128xi32, #tpu.memory_space<vmem>>, vector<16xi32>,
      tpu.vector_store %arg7[%swap3A_279, %swap3A_280], %add3A_277 {strides = array<i32>} : memref<4x128xi32, #tpu.memory_space<vmem>>, vector<16xi32>,
      %add3A_282 = arith.constant 32 : i32
      %add3A_283 = vector.broadcast %add3A_282 : i32 to vector<16xi32>
      %add3A_284 = arith.addi %add3A_283, %select_n3A_79 : vector<16xi32>
      %add3A_285 = vector.broadcast %add3A_237 : i32 to vector<16xi32>
      %add3A_286 = arith.addi %add3A_285, %mul3A_104 : vector<16xi32>
      %gather3A_287 = tpu.vector_load_idx %arg6[%add3A_284, %add3A_286] : memref<64x80xi32, #tpu.memory_space<vmem>>[vector<16xi32>, vector<16xi32>], vector<16xi32>,
      %add3A_288 = arith.addi %gather3A_287, %mul3A_129 : vector<16xi32>
      %swap3A_289 = arith.constant 1 : i32
      %swap3A_290 = arith.index_cast %swap3A_289 : i32 to index
      %swap3A_291 = arith.constant 64 : index
      %swap3A_292 = tpu.vector_load %arg7[%swap3A_290, %swap3A_291] {strides = array<i32>} : memref<4x128xi32, #tpu.memory_space<vmem>>, vector<16xi32>,
      tpu.vector_store %arg7[%swap3A_290, %swap3A_291], %add3A_288 {strides = array<i32>} : memref<4x128xi32, #tpu.memory_space<vmem>>, vector<16xi32>,
      %add3A_293 = arith.constant 40 : i32
      %add3A_294 = vector.broadcast %add3A_293 : i32 to vector<16xi32>
      %add3A_295 = arith.addi %add3A_294, %select_n3A_79 : vector<16xi32>
      %add3A_296 = vector.broadcast %add3A_237 : i32 to vector<16xi32>
      %add3A_297 = arith.addi %add3A_296, %mul3A_104 : vector<16xi32>
      %gather3A_298 = tpu.vector_load_idx %arg6[%add3A_295, %add3A_297] : memref<64x80xi32, #tpu.memory_space<vmem>>[vector<16xi32>, vector<16xi32>], vector<16xi32>,
      %add3A_299 = arith.addi %gather3A_298, %mul3A_129 : vector<16xi32>
      %swap3A_300 = arith.constant 1 : i32
      %swap3A_301 = arith.index_cast %swap3A_300 : i32 to index
      %swap3A_302 = arith.constant 80 : index
      %swap3A_303 = tpu.vector_load %arg7[%swap3A_301, %swap3A_302] {strides = array<i32>} : memref<4x128xi32, #tpu.memory_space<vmem>>, vector<16xi32>,
      tpu.vector_store %arg7[%swap3A_301, %swap3A_302], %add3A_299 {strides = array<i32>} : memref<4x128xi32, #tpu.memory_space<vmem>>, vector<16xi32>,
      %add3A_304 = arith.constant 48 : i32
      %add3A_305 = vector.broadcast %add3A_304 : i32 to vector<16xi32>
      %add3A_306 = arith.addi %add3A_305, %select_n3A_79 : vector<16xi32>
      %add3A_307 = vector.broadcast %add3A_237 : i32 to vector<16xi32>
      %add3A_308 = arith.addi %add3A_307, %mul3A_104 : vector<16xi32>
      %gather3A_309 = tpu.vector_load_idx %arg6[%add3A_306, %add3A_308] : memref<64x80xi32, #tpu.memory_space<vmem>>[vector<16xi32>, vector<16xi32>], vector<16xi32>,
      %add3A_310 = arith.addi %gather3A_309, %mul3A_129 : vector<16xi32>
      %swap3A_311 = arith.constant 1 : i32
      %swap3A_312 = arith.index_cast %swap3A_311 : i32 to index
      %swap3A_313 = arith.constant 96 : index
      %swap3A_314 = tpu.vector_load %arg7[%swap3A_312, %swap3A_313] {strides = array<i32>} : memref<4x128xi32, #tpu.memory_space<vmem>>, vector<16xi32>,
      tpu.vector_store %arg7[%swap3A_312, %swap3A_313], %add3A_310 {strides = array<i32>} : memref<4x128xi32, #tpu.memory_space<vmem>>, vector<16xi32>,
      %add3A_315 = arith.constant 56 : i32
      %add3A_316 = vector.broadcast %add3A_315 : i32 to vector<16xi32>
      %add3A_317 = arith.addi %add3A_316, %select_n3A_79 : vector<16xi32>
      %add3A_318 = vector.broadcast %add3A_237 : i32 to vector<16xi32>
      %add3A_319 = arith.addi %add3A_318, %mul3A_104 : vector<16xi32>
      %gather3A_320 = tpu.vector_load_idx %arg6[%add3A_317, %add3A_319] : memref<64x80xi32, #tpu.memory_space<vmem>>[vector<16xi32>, vector<16xi32>], vector<16xi32>,
      %add3A_321 = arith.addi %gather3A_320, %mul3A_129 : vector<16xi32>
      %swap3A_322 = arith.constant 1 : i32
      %swap3A_323 = arith.index_cast %swap3A_322 : i32 to index
      %swap3A_324 = arith.constant 112 : index
      %swap3A_325 = tpu.vector_load %arg7[%swap3A_323, %swap3A_324] {strides = array<i32>} : memref<4x128xi32, #tpu.memory_space<vmem>>, vector<16xi32>,
      tpu.vector_store %arg7[%swap3A_323, %swap3A_324], %add3A_321 {strides = array<i32>} : memref<4x128xi32, #tpu.memory_space<vmem>>, vector<16xi32>,
      %mul3A_326 = arith.constant 1 : i32
      %mul3A_327 = arith.muli %scan3A_135, %mul3A_326 : i32
      %add3A_328 = arith.constant 0 : i32
      %add3A_329 = arith.addi %mul3A_327, %add3A_328 : i32
      %mul3A_330 = arith.constant 8 : i32
      %mul3A_331 = arith.muli %add3A_329, %mul3A_330 : i32
      %add3A_332 = arith.constant 2 : i32
      %add3A_333 = arith.addi %mul3A_331, %add3A_332 : i32
      %add3A_334 = arith.constant 0 : i32
      %add3A_335 = vector.broadcast %add3A_334 : i32 to vector<16xi32>
      %add3A_336 = arith.addi %add3A_335, %select_n3A_79 : vector<16xi32>
      %add3A_337 = vector.broadcast %add3A_333 : i32 to vector<16xi32>
      %add3A_338 = arith.addi %add3A_337, %mul3A_104 : vector<16xi32>
      %gather3A_339 = tpu.vector_load_idx %arg6[%add3A_336, %add3A_338] : memref<64x80xi32, #tpu.memory_space<vmem>>[vector<16xi32>, vector<16xi32>], vector<16xi32>,
      %add3A_340 = arith.addi %gather3A_339, %mul3A_129 : vector<16xi32>
      %swap3A_341 = arith.constant 2 : i32
      %swap3A_342 = arith.index_cast %swap3A_341 : i32 to index
      %swap3A_343 = arith.constant 0 : index
      %swap3A_344 = tpu.vector_load %arg7[%swap3A_342, %swap3A_343] {strides = array<i32>} : memref<4x128xi32, #tpu.memory_space<vmem>>, vector<16xi32>,
      tpu.vector_store %arg7[%swap3A_342, %swap3A_343], %add3A_340 {strides = array<i32>} : memref<4x128xi32, #tpu.memory_space<vmem>>, vector<16xi32>,
      %add3A_345 = arith.constant 8 : i32
      %add3A_346 = vector.broadcast %add3A_345 : i32 to vector<16xi32>
      %add3A_347 = arith.addi %add3A_346, %select_n3A_79 : vector<16xi32>
      %add3A_348 = vector.broadcast %add3A_333 : i32 to vector<16xi32>
      %add3A_349 = arith.addi %add3A_348, %mul3A_104 : vector<16xi32>
      %gather3A_350 = tpu.vector_load_idx %arg6[%add3A_347, %add3A_349] : memref<64x80xi32, #tpu.memory_space<vmem>>[vector<16xi32>, vector<16xi32>], vector<16xi32>,
      %add3A_351 = arith.addi %gather3A_350, %mul3A_129 : vector<16xi32>
      %swap3A_352 = arith.constant 2 : i32
      %swap3A_353 = arith.index_cast %swap3A_352 : i32 to index
      %swap3A_354 = arith.constant 16 : index
      %swap3A_355 = tpu.vector_load %arg7[%swap3A_353, %swap3A_354] {strides = array<i32>} : memref<4x128xi32, #tpu.memory_space<vmem>>, vector<16xi32>,
      tpu.vector_store %arg7[%swap3A_353, %swap3A_354], %add3A_351 {strides = array<i32>} : memref<4x128xi32, #tpu.memory_space<vmem>>, vector<16xi32>,
      %add3A_356 = arith.constant 16 : i32
      %add3A_357 = vector.broadcast %add3A_356 : i32 to vector<16xi32>
      %add3A_358 = arith.addi %add3A_357, %select_n3A_79 : vector<16xi32>
      %add3A_359 = vector.broadcast %add3A_333 : i32 to vector<16xi32>
      %add3A_360 = arith.addi %add3A_359, %mul3A_104 : vector<16xi32>
      %gather3A_361 = tpu.vector_load_idx %arg6[%add3A_358, %add3A_360] : memref<64x80xi32, #tpu.memory_space<vmem>>[vector<16xi32>, vector<16xi32>], vector<16xi32>,
      %add3A_362 = arith.addi %gather3A_361, %mul3A_129 : vector<16xi32>
      %swap3A_363 = arith.constant 2 : i32
      %swap3A_364 = arith.index_cast %swap3A_363 : i32 to index
      %swap3A_365 = arith.constant 32 : index
      %swap3A_366 = tpu.vector_load %arg7[%swap3A_364, %swap3A_365] {strides = array<i32>} : memref<4x128xi32, #tpu.memory_space<vmem>>, vector<16xi32>,
      tpu.vector_store %arg7[%swap3A_364, %swap3A_365], %add3A_362 {strides = array<i32>} : memref<4x128xi32, #tpu.memory_space<vmem>>, vector<16xi32>,
      %add3A_367 = arith.constant 24 : i32
      %add3A_368 = vector.broadcast %add3A_367 : i32 to vector<16xi32>
      %add3A_369 = arith.addi %add3A_368, %select_n3A_79 : vector<16xi32>
      %add3A_370 = vector.broadcast %add3A_333 : i32 to vector<16xi32>
      %add3A_371 = arith.addi %add3A_370, %mul3A_104 : vector<16xi32>
      %gather3A_372 = tpu.vector_load_idx %arg6[%add3A_369, %add3A_371] : memref<64x80xi32, #tpu.memory_space<vmem>>[vector<16xi32>, vector<16xi32>], vector<16xi32>,
      %add3A_373 = arith.addi %gather3A_372, %mul3A_129 : vector<16xi32>
      %swap3A_374 = arith.constant 2 : i32
      %swap3A_375 = arith.index_cast %swap3A_374 : i32 to index
      %swap3A_376 = arith.constant 48 : index
      %swap3A_377 = tpu.vector_load %arg7[%swap3A_375, %swap3A_376] {strides = array<i32>} : memref<4x128xi32, #tpu.memory_space<vmem>>, vector<16xi32>,
      tpu.vector_store %arg7[%swap3A_375, %swap3A_376], %add3A_373 {strides = array<i32>} : memref<4x128xi32, #tpu.memory_space<vmem>>, vector<16xi32>,
      %add3A_378 = arith.constant 32 : i32
      %add3A_379 = vector.broadcast %add3A_378 : i32 to vector<16xi32>
      %add3A_380 = arith.addi %add3A_379, %select_n3A_79 : vector<16xi32>
      %add3A_381 = vector.broadcast %add3A_333 : i32 to vector<16xi32>
      %add3A_382 = arith.addi %add3A_381, %mul3A_104 : vector<16xi32>
      %gather3A_383 = tpu.vector_load_idx %arg6[%add3A_380, %add3A_382] : memref<64x80xi32, #tpu.memory_space<vmem>>[vector<16xi32>, vector<16xi32>], vector<16xi32>,
      %add3A_384 = arith.addi %gather3A_383, %mul3A_129 : vector<16xi32>
      %swap3A_385 = arith.constant 2 : i32
      %swap3A_386 = arith.index_cast %swap3A_385 : i32 to index
      %swap3A_387 = arith.constant 64 : index
      %swap3A_388 = tpu.vector_load %arg7[%swap3A_386, %swap3A_387] {strides = array<i32>} : memref<4x128xi32, #tpu.memory_space<vmem>>, vector<16xi32>,
      tpu.vector_store %arg7[%swap3A_386, %swap3A_387], %add3A_384 {strides = array<i32>} : memref<4x128xi32, #tpu.memory_space<vmem>>, vector<16xi32>,
      %add3A_389 = arith.constant 40 : i32
      %add3A_390 = vector.broadcast %add3A_389 : i32 to vector<16xi32>
      %add3A_391 = arith.addi %add3A_390, %select_n3A_79 : vector<16xi32>
      %add3A_392 = vector.broadcast %add3A_333 : i32 to vector<16xi32>
      %add3A_393 = arith.addi %add3A_392, %mul3A_104 : vector<16xi32>
      %gather3A_394 = tpu.vector_load_idx %arg6[%add3A_391, %add3A_393] : memref<64x80xi32, #tpu.memory_space<vmem>>[vector<16xi32>, vector<16xi32>], vector<16xi32>,
      %add3A_395 = arith.addi %gather3A_394, %mul3A_129 : vector<16xi32>
      %swap3A_396 = arith.constant 2 : i32
      %swap3A_397 = arith.index_cast %swap3A_396 : i32 to index
      %swap3A_398 = arith.constant 80 : index
      %swap3A_399 = tpu.vector_load %arg7[%swap3A_397, %swap3A_398] {strides = array<i32>} : memref<4x128xi32, #tpu.memory_space<vmem>>, vector<16xi32>,
      tpu.vector_store %arg7[%swap3A_397, %swap3A_398], %add3A_395 {strides = array<i32>} : memref<4x128xi32, #tpu.memory_space<vmem>>, vector<16xi32>,
      %add3A_400 = arith.constant 48 : i32
      %add3A_401 = vector.broadcast %add3A_400 : i32 to vector<16xi32>
      %add3A_402 = arith.addi %add3A_401, %select_n3A_79 : vector<16xi32>
      %add3A_403 = vector.broadcast %add3A_333 : i32 to vector<16xi32>
      %add3A_404 = arith.addi %add3A_403, %mul3A_104 : vector<16xi32>
      %gather3A_405 = tpu.vector_load_idx %arg6[%add3A_402, %add3A_404] : memref<64x80xi32, #tpu.memory_space<vmem>>[vector<16xi32>, vector<16xi32>], vector<16xi32>,
      %add3A_406 = arith.addi %gather3A_405, %mul3A_129 : vector<16xi32>
      %swap3A_407 = arith.constant 2 : i32
      %swap3A_408 = arith.index_cast %swap3A_407 : i32 to index
      %swap3A_409 = arith.constant 96 : index
      %swap3A_410 = tpu.vector_load %arg7[%swap3A_408, %swap3A_409] {strides = array<i32>} : memref<4x128xi32, #tpu.memory_space<vmem>>, vector<16xi32>,
      tpu.vector_store %arg7[%swap3A_408, %swap3A_409], %add3A_406 {strides = array<i32>} : memref<4x128xi32, #tpu.memory_space<vmem>>, vector<16xi32>,
      %add3A_411 = arith.constant 56 : i32
      %add3A_412 = vector.broadcast %add3A_411 : i32 to vector<16xi32>
      %add3A_413 = arith.addi %add3A_412, %select_n3A_79 : vector<16xi32>
      %add3A_414 = vector.broadcast %add3A_333 : i32 to vector<16xi32>
      %add3A_415 = arith.addi %add3A_414, %mul3A_104 : vector<16xi32>
      %gather3A_416 = tpu.vector_load_idx %arg6[%add3A_413, %add3A_415] : memref<64x80xi32, #tpu.memory_space<vmem>>[vector<16xi32>, vector<16xi32>], vector<16xi32>,
      %add3A_417 = arith.addi %gather3A_416, %mul3A_129 : vector<16xi32>
      %swap3A_418 = arith.constant 2 : i32
      %swap3A_419 = arith.index_cast %swap3A_418 : i32 to index
      %swap3A_420 = arith.constant 112 : index
      %swap3A_421 = tpu.vector_load %arg7[%swap3A_419, %swap3A_420] {strides = array<i32>} : memref<4x128xi32, #tpu.memory_space<vmem>>, vector<16xi32>,
      tpu.vector_store %arg7[%swap3A_419, %swap3A_420], %add3A_417 {strides = array<i32>} : memref<4x128xi32, #tpu.memory_space<vmem>>, vector<16xi32>,
      %mul3A_422 = arith.constant 1 : i32
      %mul3A_423 = arith.muli %scan3A_135, %mul3A_422 : i32
      %add3A_424 = arith.constant 0 : i32
      %add3A_425 = arith.addi %mul3A_423, %add3A_424 : i32
      %mul3A_426 = arith.constant 8 : i32
      %mul3A_427 = arith.muli %add3A_425, %mul3A_426 : i32
      %add3A_428 = arith.constant 3 : i32
      %add3A_429 = arith.addi %mul3A_427, %add3A_428 : i32
      %add3A_430 = arith.constant 0 : i32
      %add3A_431 = vector.broadcast %add3A_430 : i32 to vector<16xi32>
      %add3A_432 = arith.addi %add3A_431, %select_n3A_79 : vector<16xi32>
      %add3A_433 = vector.broadcast %add3A_429 : i32 to vector<16xi32>
      %add3A_434 = arith.addi %add3A_433, %mul3A_104 : vector<16xi32>
      %gather3A_435 = tpu.vector_load_idx %arg6[%add3A_432, %add3A_434] : memref<64x80xi32, #tpu.memory_space<vmem>>[vector<16xi32>, vector<16xi32>], vector<16xi32>,
      %add3A_436 = arith.addi %gather3A_435, %mul3A_129 : vector<16xi32>
      %swap3A_437 = arith.constant 3 : i32
      %swap3A_438 = arith.index_cast %swap3A_437 : i32 to index
      %swap3A_439 = arith.constant 0 : index
      %swap3A_440 = tpu.vector_load %arg7[%swap3A_438, %swap3A_439] {strides = array<i32>} : memref<4x128xi32, #tpu.memory_space<vmem>>, vector<16xi32>,
      tpu.vector_store %arg7[%swap3A_438, %swap3A_439], %add3A_436 {strides = array<i32>} : memref<4x128xi32, #tpu.memory_space<vmem>>, vector<16xi32>,
      %add3A_441 = arith.constant 8 : i32
      %add3A_442 = vector.broadcast %add3A_441 : i32 to vector<16xi32>
      %add3A_443 = arith.addi %add3A_442, %select_n3A_79 : vector<16xi32>
      %add3A_444 = vector.broadcast %add3A_429 : i32 to vector<16xi32>
      %add3A_445 = arith.addi %add3A_444, %mul3A_104 : vector<16xi32>
      %gather3A_446 = tpu.vector_load_idx %arg6[%add3A_443, %add3A_445] : memref<64x80xi32, #tpu.memory_space<vmem>>[vector<16xi32>, vector<16xi32>], vector<16xi32>,
      %add3A_447 = arith.addi %gather3A_446, %mul3A_129 : vector<16xi32>
      %swap3A_448 = arith.constant 3 : i32
      %swap3A_449 = arith.index_cast %swap3A_448 : i32 to index
      %swap3A_450 = arith.constant 16 : index
      %swap3A_451 = tpu.vector_load %arg7[%swap3A_449, %swap3A_450] {strides = array<i32>} : memref<4x128xi32, #tpu.memory_space<vmem>>, vector<16xi32>,
      tpu.vector_store %arg7[%swap3A_449, %swap3A_450], %add3A_447 {strides = array<i32>} : memref<4x128xi32, #tpu.memory_space<vmem>>, vector<16xi32>,
      %add3A_452 = arith.constant 16 : i32
      %add3A_453 = vector.broadcast %add3A_452 : i32 to vector<16xi32>
      %add3A_454 = arith.addi %add3A_453, %select_n3A_79 : vector<16xi32>
      %add3A_455 = vector.broadcast %add3A_429 : i32 to vector<16xi32>
      %add3A_456 = arith.addi %add3A_455, %mul3A_104 : vector<16xi32>
      %gather3A_457 = tpu.vector_load_idx %arg6[%add3A_454, %add3A_456] : memref<64x80xi32, #tpu.memory_space<vmem>>[vector<16xi32>, vector<16xi32>], vector<16xi32>,
      %add3A_458 = arith.addi %gather3A_457, %mul3A_129 : vector<16xi32>
      %swap3A_459 = arith.constant 3 : i32
      %swap3A_460 = arith.index_cast %swap3A_459 : i32 to index
      %swap3A_461 = arith.constant 32 : index
      %swap3A_462 = tpu.vector_load %arg7[%swap3A_460, %swap3A_461] {strides = array<i32>} : memref<4x128xi32, #tpu.memory_space<vmem>>, vector<16xi32>,
      tpu.vector_store %arg7[%swap3A_460, %swap3A_461], %add3A_458 {strides = array<i32>} : memref<4x128xi32, #tpu.memory_space<vmem>>, vector<16xi32>,
      %add3A_463 = arith.constant 24 : i32
      %add3A_464 = vector.broadcast %add3A_463 : i32 to vector<16xi32>
      %add3A_465 = arith.addi %add3A_464, %select_n3A_79 : vector<16xi32>
      %add3A_466 = vector.broadcast %add3A_429 : i32 to vector<16xi32>
      %add3A_467 = arith.addi %add3A_466, %mul3A_104 : vector<16xi32>
      %gather3A_468 = tpu.vector_load_idx %arg6[%add3A_465, %add3A_467] : memref<64x80xi32, #tpu.memory_space<vmem>>[vector<16xi32>, vector<16xi32>], vector<16xi32>,
      %add3A_469 = arith.addi %gather3A_468, %mul3A_129 : vector<16xi32>
      %swap3A_470 = arith.constant 3 : i32
      %swap3A_471 = arith.index_cast %swap3A_470 : i32 to index
      %swap3A_472 = arith.constant 48 : index
      %swap3A_473 = tpu.vector_load %arg7[%swap3A_471, %swap3A_472] {strides = array<i32>} : memref<4x128xi32, #tpu.memory_space<vmem>>, vector<16xi32>,
      tpu.vector_store %arg7[%swap3A_471, %swap3A_472], %add3A_469 {strides = array<i32>} : memref<4x128xi32, #tpu.memory_space<vmem>>, vector<16xi32>,
      %add3A_474 = arith.constant 32 : i32
      %add3A_475 = vector.broadcast %add3A_474 : i32 to vector<16xi32>
      %add3A_476 = arith.addi %add3A_475, %select_n3A_79 : vector<16xi32>
      %add3A_477 = vector.broadcast %add3A_429 : i32 to vector<16xi32>
      %add3A_478 = arith.addi %add3A_477, %mul3A_104 : vector<16xi32>
      %gather3A_479 = tpu.vector_load_idx %arg6[%add3A_476, %add3A_478] : memref<64x80xi32, #tpu.memory_space<vmem>>[vector<16xi32>, vector<16xi32>], vector<16xi32>,
      %add3A_480 = arith.addi %gather3A_479, %mul3A_129 : vector<16xi32>
      %swap3A_481 = arith.constant 3 : i32
      %swap3A_482 = arith.index_cast %swap3A_481 : i32 to index
      %swap3A_483 = arith.constant 64 : index
      %swap3A_484 = tpu.vector_load %arg7[%swap3A_482, %swap3A_483] {strides = array<i32>} : memref<4x128xi32, #tpu.memory_space<vmem>>, vector<16xi32>,
      tpu.vector_store %arg7[%swap3A_482, %swap3A_483], %add3A_480 {strides = array<i32>} : memref<4x128xi32, #tpu.memory_space<vmem>>, vector<16xi32>,
      %add3A_485 = arith.constant 40 : i32
      %add3A_486 = vector.broadcast %add3A_485 : i32 to vector<16xi32>
      %add3A_487 = arith.addi %add3A_486, %select_n3A_79 : vector<16xi32>
      %add3A_488 = vector.broadcast %add3A_429 : i32 to vector<16xi32>
      %add3A_489 = arith.addi %add3A_488, %mul3A_104 : vector<16xi32>
      %gather3A_490 = tpu.vector_load_idx %arg6[%add3A_487, %add3A_489] : memref<64x80xi32, #tpu.memory_space<vmem>>[vector<16xi32>, vector<16xi32>], vector<16xi32>,
      %add3A_491 = arith.addi %gather3A_490, %mul3A_129 : vector<16xi32>
      %swap3A_492 = arith.constant 3 : i32
      %swap3A_493 = arith.index_cast %swap3A_492 : i32 to index
      %swap3A_494 = arith.constant 80 : index
      %swap3A_495 = tpu.vector_load %arg7[%swap3A_493, %swap3A_494] {strides = array<i32>} : memref<4x128xi32, #tpu.memory_space<vmem>>, vector<16xi32>,
      tpu.vector_store %arg7[%swap3A_493, %swap3A_494], %add3A_491 {strides = array<i32>} : memref<4x128xi32, #tpu.memory_space<vmem>>, vector<16xi32>,
      %add3A_496 = arith.constant 48 : i32
      %add3A_497 = vector.broadcast %add3A_496 : i32 to vector<16xi32>
      %add3A_498 = arith.addi %add3A_497, %select_n3A_79 : vector<16xi32>
      %add3A_499 = vector.broadcast %add3A_429 : i32 to vector<16xi32>
      %add3A_500 = arith.addi %add3A_499, %mul3A_104 : vector<16xi32>
      %gather3A_501 = tpu.vector_load_idx %arg6[%add3A_498, %add3A_500] : memref<64x80xi32, #tpu.memory_space<vmem>>[vector<16xi32>, vector<16xi32>], vector<16xi32>,
      %add3A_502 = arith.addi %gather3A_501, %mul3A_129 : vector<16xi32>
      %swap3A_503 = arith.constant 3 : i32
      %swap3A_504 = arith.index_cast %swap3A_503 : i32 to index
      %swap3A_505 = arith.constant 96 : index
      %swap3A_506 = tpu.vector_load %arg7[%swap3A_504, %swap3A_505] {strides = array<i32>} : memref<4x128xi32, #tpu.memory_space<vmem>>, vector<16xi32>,
      tpu.vector_store %arg7[%swap3A_504, %swap3A_505], %add3A_502 {strides = array<i32>} : memref<4x128xi32, #tpu.memory_space<vmem>>, vector<16xi32>,
      %add3A_507 = arith.constant 56 : i32
      %add3A_508 = vector.broadcast %add3A_507 : i32 to vector<16xi32>
      %add3A_509 = arith.addi %add3A_508, %select_n3A_79 : vector<16xi32>
      %add3A_510 = vector.broadcast %add3A_429 : i32 to vector<16xi32>
      %add3A_511 = arith.addi %add3A_510, %mul3A_104 : vector<16xi32>
      %gather3A_512 = tpu.vector_load_idx %arg6[%add3A_509, %add3A_511] : memref<64x80xi32, #tpu.memory_space<vmem>>[vector<16xi32>, vector<16xi32>], vector<16xi32>,
      %add3A_513 = arith.addi %gather3A_512, %mul3A_129 : vector<16xi32>
      %swap3A_514 = arith.constant 3 : i32
      %swap3A_515 = arith.index_cast %swap3A_514 : i32 to index
      %swap3A_516 = arith.constant 112 : index
      %swap3A_517 = tpu.vector_load %arg7[%swap3A_515, %swap3A_516] {strides = array<i32>} : memref<4x128xi32, #tpu.memory_space<vmem>>, vector<16xi32>,
      tpu.vector_store %arg7[%swap3A_515, %swap3A_516], %add3A_513 {strides = array<i32>} : memref<4x128xi32, #tpu.memory_space<vmem>>, vector<16xi32>,
      %dma_start3A = arith.constant 0 : i32
      %dma_start3A_518 = arith.constant 0 : i32
      %dma_start3A_519 = arith.constant 0 : i32
      %dma_start3A_520 = arith.constant 0 : i32
      %dma_start3A_521 = tpu.memref_slice %arg8[%dma_start3A_518, %dma_start3A_519, %dma_start3A_520] : memref<4x128x32xf32, #tpu.memory_space<vmem>> -> memref<1x128x32xf32, #tpu.memory_space<vmem>>
      %dma_start3A_522 = tpu.memref_squeeze %dma_start3A_521 : memref<1x128x32xf32, #tpu.memory_space<vmem>> -> memref<128x32xf32, #tpu.memory_space<vmem>>
      %dma_start3A_523 = arith.constant 0 : i32
      %dma_start3A_524 = tpu.memref_slice %arg7[%dma_start3A, %dma_start3A_523] : memref<4x128xi32, #tpu.memory_space<vmem>> -> memref<1x128xi32, #tpu.memory_space<vmem>>
      %dma_start3A_525 = tpu.memref_squeeze %dma_start3A_524 : memref<1x128xi32, #tpu.memory_space<vmem>> -> memref<128xi32, #tpu.memory_space<vmem>>
      %dma_start3A_526 = arith.constant 0 : i32
      %dma_start3A_527 = arith.constant 0 : i32
      %dma_start3A_528 = tpu.memref_slice %arg9[%dma_start3A_526, %dma_start3A_527] : memref<16384x32xf32, #tpu.memory_space<vmem_shared>> -> memref<16384x32xf32, #tpu.memory_space<vmem_shared>>
      tpu.enqueue_indirect_dma source(%dma_start3A_528 : memref<16384x32xf32, #tpu.memory_space<vmem_shared>>) target(%dma_start3A_522 : memref<128x32xf32, #tpu.memory_space<vmem>>) offsets(%dma_start3A_525 : memref<128xi32, #tpu.memory_space<vmem>>) semaphore(%arg10 : memref<!tpu.dma_semaphore, #tpu.memory_space<semaphore_mem>>)
      %dma_start3A_529 = arith.constant 1 : i32
      %dma_start3A_530 = arith.constant 1 : i32
      %dma_start3A_531 = arith.constant 0 : i32
      %dma_start3A_532 = arith.constant 0 : i32
      %dma_start3A_533 = tpu.memref_slice %arg8[%dma_start3A_530, %dma_start3A_531, %dma_start3A_532] : memref<4x128x32xf32, #tpu.memory_space<vmem>> -> memref<1x128x32xf32, #tpu.memory_space<vmem>>
      %dma_start3A_534 = tpu.memref_squeeze %dma_start3A_533 : memref<1x128x32xf32, #tpu.memory_space<vmem>> -> memref<128x32xf32, #tpu.memory_space<vmem>>
      %dma_start3A_535 = arith.constant 0 : i32
      %dma_start3A_536 = tpu.memref_slice %arg7[%dma_start3A_529, %dma_start3A_535] : memref<4x128xi32, #tpu.memory_space<vmem>> -> memref<1x128xi32, #tpu.memory_space<vmem>>
      %dma_start3A_537 = tpu.memref_squeeze %dma_start3A_536 : memref<1x128xi32, #tpu.memory_space<vmem>> -> memref<128xi32, #tpu.memory_space<vmem>>
      %dma_start3A_538 = arith.constant 0 : i32
      %dma_start3A_539 = arith.constant 0 : i32
      %dma_start3A_540 = tpu.memref_slice %arg9[%dma_start3A_538, %dma_start3A_539] : memref<16384x32xf32, #tpu.memory_space<vmem_shared>> -> memref<16384x32xf32, #tpu.memory_space<vmem_shared>>
      tpu.enqueue_indirect_dma source(%dma_start3A_540 : memref<16384x32xf32, #tpu.memory_space<vmem_shared>>) target(%dma_start3A_534 : memref<128x32xf32, #tpu.memory_space<vmem>>) offsets(%dma_start3A_537 : memref<128xi32, #tpu.memory_space<vmem>>) semaphore(%arg10 : memref<!tpu.dma_semaphore, #tpu.memory_space<semaphore_mem>>)
      %dma_start3A_541 = arith.constant 2 : i32
      %dma_start3A_542 = arith.constant 2 : i32
      %dma_start3A_543 = arith.constant 0 : i32
      %dma_start3A_544 = arith.constant 0 : i32
      %dma_start3A_545 = tpu.memref_slice %arg8[%dma_start3A_542, %dma_start3A_543, %dma_start3A_544] : memref<4x128x32xf32, #tpu.memory_space<vmem>> -> memref<1x128x32xf32, #tpu.memory_space<vmem>>
      %dma_start3A_546 = tpu.memref_squeeze %dma_start3A_545 : memref<1x128x32xf32, #tpu.memory_space<vmem>> -> memref<128x32xf32, #tpu.memory_space<vmem>>
      %dma_start3A_547 = arith.constant 0 : i32
      %dma_start3A_548 = tpu.memref_slice %arg7[%dma_start3A_541, %dma_start3A_547] : memref<4x128xi32, #tpu.memory_space<vmem>> -> memref<1x128xi32, #tpu.memory_space<vmem>>
      %dma_start3A_549 = tpu.memref_squeeze %dma_start3A_548 : memref<1x128xi32, #tpu.memory_space<vmem>> -> memref<128xi32, #tpu.memory_space<vmem>>
      %dma_start3A_550 = arith.constant 0 : i32
      %dma_start3A_551 = arith.constant 0 : i32
      %dma_start3A_552 = tpu.memref_slice %arg9[%dma_start3A_550, %dma_start3A_551] : memref<16384x32xf32, #tpu.memory_space<vmem_shared>> -> memref<16384x32xf32, #tpu.memory_space<vmem_shared>>
      tpu.enqueue_indirect_dma source(%dma_start3A_552 : memref<16384x32xf32, #tpu.memory_space<vmem_shared>>) target(%dma_start3A_546 : memref<128x32xf32, #tpu.memory_space<vmem>>) offsets(%dma_start3A_549 : memref<128xi32, #tpu.memory_space<vmem>>) semaphore(%arg10 : memref<!tpu.dma_semaphore, #tpu.memory_space<semaphore_mem>>)
      %dma_start3A_553 = arith.constant 3 : i32
      %dma_start3A_554 = arith.constant 3 : i32
      %dma_start3A_555 = arith.constant 0 : i32
      %dma_start3A_556 = arith.constant 0 : i32
      %dma_start3A_557 = tpu.memref_slice %arg8[%dma_start3A_554, %dma_start3A_555, %dma_start3A_556] : memref<4x128x32xf32, #tpu.memory_space<vmem>> -> memref<1x128x32xf32, #tpu.memory_space<vmem>>
      %dma_start3A_558 = tpu.memref_squeeze %dma_start3A_557 : memref<1x128x32xf32, #tpu.memory_space<vmem>> -> memref<128x32xf32, #tpu.memory_space<vmem>>
      %dma_start3A_559 = arith.constant 0 : i32
      %dma_start3A_560 = tpu.memref_slice %arg7[%dma_start3A_553, %dma_start3A_559] : memref<4x128xi32, #tpu.memory_space<vmem>> -> memref<1x128xi32, #tpu.memory_space<vmem>>
      %dma_start3A_561 = tpu.memref_squeeze %dma_start3A_560 : memref<1x128xi32, #tpu.memory_space<vmem>> -> memref<128xi32, #tpu.memory_space<vmem>>
      %dma_start3A_562 = arith.constant 0 : i32
      %dma_start3A_563 = arith.constant 0 : i32
      %dma_start3A_564 = tpu.memref_slice %arg9[%dma_start3A_562, %dma_start3A_563] : memref<16384x32xf32, #tpu.memory_space<vmem_shared>> -> memref<16384x32xf32, #tpu.memory_space<vmem_shared>>
      tpu.enqueue_indirect_dma source(%dma_start3A_564 : memref<16384x32xf32, #tpu.memory_space<vmem_shared>>) target(%dma_start3A_558 : memref<128x32xf32, #tpu.memory_space<vmem>>) offsets(%dma_start3A_561 : memref<128xi32, #tpu.memory_space<vmem>>) semaphore(%arg10 : memref<!tpu.dma_semaphore, #tpu.memory_space<semaphore_mem>>)
      %dma_wait3A = arith.constant 0 : i32
      %dma_wait3A_565 = arith.constant 0 : i32
      %dma_wait3A_566 = arith.constant 0 : i32
      %dma_wait3A_567 = arith.constant 0 : i32
      %dma_wait3A_568 = tpu.memref_slice %arg8[%dma_wait3A_565, %dma_wait3A_566, %dma_wait3A_567] : memref<4x128x32xf32, #tpu.memory_space<vmem>> -> memref<1x128x32xf32, #tpu.memory_space<vmem>>
      %dma_wait3A_569 = tpu.memref_squeeze %dma_wait3A_568 : memref<1x128x32xf32, #tpu.memory_space<vmem>> -> memref<128x32xf32, #tpu.memory_space<vmem>>
      %dma_wait3A_570 = arith.constant 0 : i32
      %dma_wait3A_571 = tpu.memref_slice %arg7[%dma_wait3A, %dma_wait3A_570] : memref<4x128xi32, #tpu.memory_space<vmem>> -> memref<1x128xi32, #tpu.memory_space<vmem>>
      %dma_wait3A_572 = tpu.memref_squeeze %dma_wait3A_571 : memref<1x128xi32, #tpu.memory_space<vmem>> -> memref<128xi32, #tpu.memory_space<vmem>>
      %dma_wait3A_573 = arith.constant 0 : i32
      %dma_wait3A_574 = arith.constant 0 : i32
      %dma_wait3A_575 = tpu.memref_slice %arg9[%dma_wait3A_573, %dma_wait3A_574] : memref<16384x32xf32, #tpu.memory_space<vmem_shared>> -> memref<16384x32xf32, #tpu.memory_space<vmem_shared>>
      tpu.wait_indirect_dma semaphore(%arg10 : memref<!tpu.dma_semaphore, #tpu.memory_space<semaphore_mem>>) src(%dma_wait3A_575 : memref<16384x32xf32, #tpu.memory_space<vmem_shared>>) dst(%dma_wait3A_569 : memref<128x32xf32, #tpu.memory_space<vmem>>)
      %dma_wait3A_576 = arith.constant 1 : i32
      %dma_wait3A_577 = arith.constant 1 : i32
      %dma_wait3A_578 = arith.constant 0 : i32
      %dma_wait3A_579 = arith.constant 0 : i32
      %dma_wait3A_580 = tpu.memref_slice %arg8[%dma_wait3A_577, %dma_wait3A_578, %dma_wait3A_579] : memref<4x128x32xf32, #tpu.memory_space<vmem>> -> memref<1x128x32xf32, #tpu.memory_space<vmem>>
      %dma_wait3A_581 = tpu.memref_squeeze %dma_wait3A_580 : memref<1x128x32xf32, #tpu.memory_space<vmem>> -> memref<128x32xf32, #tpu.memory_space<vmem>>
      %dma_wait3A_582 = arith.constant 0 : i32
      %dma_wait3A_583 = tpu.memref_slice %arg7[%dma_wait3A_576, %dma_wait3A_582] : memref<4x128xi32, #tpu.memory_space<vmem>> -> memref<1x128xi32, #tpu.memory_space<vmem>>
      %dma_wait3A_584 = tpu.memref_squeeze %dma_wait3A_583 : memref<1x128xi32, #tpu.memory_space<vmem>> -> memref<128xi32, #tpu.memory_space<vmem>>
      %dma_wait3A_585 = arith.constant 0 : i32
      %dma_wait3A_586 = arith.constant 0 : i32
      %dma_wait3A_587 = tpu.memref_slice %arg9[%dma_wait3A_585, %dma_wait3A_586] : memref<16384x32xf32, #tpu.memory_space<vmem_shared>> -> memref<16384x32xf32, #tpu.memory_space<vmem_shared>>
      tpu.wait_indirect_dma semaphore(%arg10 : memref<!tpu.dma_semaphore, #tpu.memory_space<semaphore_mem>>) src(%dma_wait3A_587 : memref<16384x32xf32, #tpu.memory_space<vmem_shared>>) dst(%dma_wait3A_581 : memref<128x32xf32, #tpu.memory_space<vmem>>)
      %dma_wait3A_588 = arith.constant 2 : i32
      %dma_wait3A_589 = arith.constant 2 : i32
      %dma_wait3A_590 = arith.constant 0 : i32
      %dma_wait3A_591 = arith.constant 0 : i32
      %dma_wait3A_592 = tpu.memref_slice %arg8[%dma_wait3A_589, %dma_wait3A_590, %dma_wait3A_591] : memref<4x128x32xf32, #tpu.memory_space<vmem>> -> memref<1x128x32xf32, #tpu.memory_space<vmem>>
      %dma_wait3A_593 = tpu.memref_squeeze %dma_wait3A_592 : memref<1x128x32xf32, #tpu.memory_space<vmem>> -> memref<128x32xf32, #tpu.memory_space<vmem>>
      %dma_wait3A_594 = arith.constant 0 : i32
      %dma_wait3A_595 = tpu.memref_slice %arg7[%dma_wait3A_588, %dma_wait3A_594] : memref<4x128xi32, #tpu.memory_space<vmem>> -> memref<1x128xi32, #tpu.memory_space<vmem>>
      %dma_wait3A_596 = tpu.memref_squeeze %dma_wait3A_595 : memref<1x128xi32, #tpu.memory_space<vmem>> -> memref<128xi32, #tpu.memory_space<vmem>>
      %dma_wait3A_597 = arith.constant 0 : i32
      %dma_wait3A_598 = arith.constant 0 : i32
      %dma_wait3A_599 = tpu.memref_slice %arg9[%dma_wait3A_597, %dma_wait3A_598] : memref<16384x32xf32, #tpu.memory_space<vmem_shared>> -> memref<16384x32xf32, #tpu.memory_space<vmem_shared>>
      tpu.wait_indirect_dma semaphore(%arg10 : memref<!tpu.dma_semaphore, #tpu.memory_space<semaphore_mem>>) src(%dma_wait3A_599 : memref<16384x32xf32, #tpu.memory_space<vmem_shared>>) dst(%dma_wait3A_593 : memref<128x32xf32, #tpu.memory_space<vmem>>)
      %dma_wait3A_600 = arith.constant 3 : i32
      %dma_wait3A_601 = arith.constant 3 : i32
      %dma_wait3A_602 = arith.constant 0 : i32
      %dma_wait3A_603 = arith.constant 0 : i32
      %dma_wait3A_604 = tpu.memref_slice %arg8[%dma_wait3A_601, %dma_wait3A_602, %dma_wait3A_603] : memref<4x128x32xf32, #tpu.memory_space<vmem>> -> memref<1x128x32xf32, #tpu.memory_space<vmem>>
      %dma_wait3A_605 = tpu.memref_squeeze %dma_wait3A_604 : memref<1x128x32xf32, #tpu.memory_space<vmem>> -> memref<128x32xf32, #tpu.memory_space<vmem>>
      %dma_wait3A_606 = arith.constant 0 : i32
      %dma_wait3A_607 = tpu.memref_slice %arg7[%dma_wait3A_600, %dma_wait3A_606] : memref<4x128xi32, #tpu.memory_space<vmem>> -> memref<1x128xi32, #tpu.memory_space<vmem>>
      %dma_wait3A_608 = tpu.memref_squeeze %dma_wait3A_607 : memref<1x128xi32, #tpu.memory_space<vmem>> -> memref<128xi32, #tpu.memory_space<vmem>>
      %dma_wait3A_609 = arith.constant 0 : i32
      %dma_wait3A_610 = arith.constant 0 : i32
      %dma_wait3A_611 = tpu.memref_slice %arg9[%dma_wait3A_609, %dma_wait3A_610] : memref<16384x32xf32, #tpu.memory_space<vmem_shared>> -> memref<16384x32xf32, #tpu.memory_space<vmem_shared>>
      tpu.wait_indirect_dma semaphore(%arg10 : memref<!tpu.dma_semaphore, #tpu.memory_space<semaphore_mem>>) src(%dma_wait3A_611 : memref<16384x32xf32, #tpu.memory_space<vmem_shared>>) dst(%dma_wait3A_605 : memref<128x32xf32, #tpu.memory_space<vmem>>)
      %mul3A_612 = arith.constant 10 : i32
      %mul3A_613 = arith.muli %select_n3A_30, %mul3A_612 : i32
      %mul3A_614 = arith.constant 1 : i32
      %mul3A_615 = arith.muli %scan3A_135, %mul3A_614 : i32
      %add3A_616 = arith.addi %mul3A_613, %mul3A_615 : i32
      %add3A_617 = arith.constant 0 : i32
      %add3A_618 = arith.addi %add3A_616, %add3A_617 : i32
      %mul3A_619 = arith.constant 2 : i32
      %mul3A_620 = arith.muli %add3A_618, %mul3A_619 : i32
      %mul3A_621 = arith.constant 1024 : i32
      %mul3A_622 = arith.muli %mul3A_620, %mul3A_621 : i32
      %mul3A_623 = arith.constant 128 : i32
      %mul3A_624 = arith.muli %select_n3A_9, %mul3A_623 : i32
      %add3A_625 = arith.addi %mul3A_622, %mul3A_624 : i32
      %run_scoped3A = arith.constant 0 : i32
      "tpu.region"() ({
        %run_scoped3A_629 = tpu.sem_alloc : memref<!tpu.dma_semaphore, #tpu.memory_space<semaphore_mem>>
        %dma_start3A_630 = arith.constant 0 : i32
        %dma_start3A_631 = arith.constant 0 : i32
        %dma_start3A_632 = tpu.memref_slice %arg8[%run_scoped3A, %dma_start3A_630, %dma_start3A_631] : memref<4x128x32xf32, #tpu.memory_space<vmem>> -> memref<1x128x32xf32, #tpu.memory_space<vmem>>
        %dma_start3A_633 = tpu.memref_squeeze %dma_start3A_632 : memref<1x128x32xf32, #tpu.memory_space<vmem>> -> memref<128x32xf32, #tpu.memory_space<vmem>>
        %dma_start3A_634 = arith.constant 0 : i32
        %dma_start3A_635 = tpu.memref_slice %arg5[%add3A_625, %dma_start3A_634] : memref<40960x128xf32, #tpu.memory_space<hbm>> -> memref<128x32xf32, #tpu.memory_space<hbm>>
        %dma_start3A_636 = arith.constant 0 : i32
        %dma_start3A_637 = tpu.memref_slice %arg5[%add3A_625, %dma_start3A_636] : memref<40960x128xf32, #tpu.memory_space<hbm>> -> memref<128x32xf32, #tpu.memory_space<hbm>>
        %dma_start3A_638 = arith.constant 0 : i32
        %dma_start3A_639 = arith.constant 0 : i32
        %dma_start3A_640 = tpu.memref_slice %arg8[%run_scoped3A, %dma_start3A_638, %dma_start3A_639] : memref<4x128x32xf32, #tpu.memory_space<vmem>> -> memref<1x128x32xf32, #tpu.memory_space<vmem>>
        %dma_start3A_641 = tpu.memref_squeeze %dma_start3A_640 : memref<1x128x32xf32, #tpu.memory_space<vmem>> -> memref<128x32xf32, #tpu.memory_space<vmem>>
        tpu.enqueue_dma source(%dma_start3A_641 : memref<128x32xf32, #tpu.memory_space<vmem>>) target(%dma_start3A_637 : memref<128x32xf32, #tpu.memory_space<hbm>>) target_semaphore(%run_scoped3A_629 : memref<!tpu.dma_semaphore, #tpu.memory_space<semaphore_mem>>)
        %dma_wait3A_642 = arith.constant 0 : i32
        %dma_wait3A_643 = arith.constant 0 : i32
        %dma_wait3A_644 = tpu.memref_slice %arg8[%run_scoped3A, %dma_wait3A_642, %dma_wait3A_643] : memref<4x128x32xf32, #tpu.memory_space<vmem>> -> memref<1x128x32xf32, #tpu.memory_space<vmem>>
        %dma_wait3A_645 = tpu.memref_squeeze %dma_wait3A_644 : memref<1x128x32xf32, #tpu.memory_space<vmem>> -> memref<128x32xf32, #tpu.memory_space<vmem>>
        %dma_wait3A_646 = arith.constant 0 : i32
        %dma_wait3A_647 = tpu.memref_slice %arg5[%add3A_625, %dma_wait3A_646] : memref<40960x128xf32, #tpu.memory_space<hbm>> -> memref<128x32xf32, #tpu.memory_space<hbm>>
        %dma_wait3A_648 = arith.constant 0 : i32
        %dma_wait3A_649 = tpu.memref_slice %arg5[%add3A_625, %dma_wait3A_648] : memref<40960x128xf32, #tpu.memory_space<hbm>> -> memref<128x32xf32, #tpu.memory_space<hbm>>
        %dma_wait3A_650 = arith.constant 0 : i32
        %dma_wait3A_651 = arith.constant 0 : i32
        %dma_wait3A_652 = tpu.memref_slice %arg8[%run_scoped3A, %dma_wait3A_650, %dma_wait3A_651] : memref<4x128x32xf32, #tpu.memory_space<vmem>> -> memref<1x128x32xf32, #tpu.memory_space<vmem>>
        %dma_wait3A_653 = tpu.memref_squeeze %dma_wait3A_652 : memref<1x128x32xf32, #tpu.memory_space<vmem>> -> memref<128x32xf32, #tpu.memory_space<vmem>>
        tpu.wait_dma2 semaphore(%run_scoped3A_629 : memref<!tpu.dma_semaphore, #tpu.memory_space<semaphore_mem>>) src(%dma_wait3A_653 : memref<128x32xf32, #tpu.memory_space<vmem>>) dst(%dma_wait3A_649 : memref<128x32xf32, #tpu.memory_space<hbm>>)
        tpu.yield
      }) : () -> ()
      %run_scoped3A_626 = arith.constant 1 : i32
      "tpu.region"() ({
        %run_scoped3A_629 = tpu.sem_alloc : memref<!tpu.dma_semaphore, #tpu.memory_space<semaphore_mem>>
        %dma_start3A_630 = arith.constant 0 : i32
        %dma_start3A_631 = arith.constant 0 : i32
        %dma_start3A_632 = tpu.memref_slice %arg8[%run_scoped3A_626, %dma_start3A_630, %dma_start3A_631] : memref<4x128x32xf32, #tpu.memory_space<vmem>> -> memref<1x128x32xf32, #tpu.memory_space<vmem>>
        %dma_start3A_633 = tpu.memref_squeeze %dma_start3A_632 : memref<1x128x32xf32, #tpu.memory_space<vmem>> -> memref<128x32xf32, #tpu.memory_space<vmem>>
        %dma_start3A_634 = arith.constant 32 : i32
        %dma_start3A_635 = tpu.memref_slice %arg5[%add3A_625, %dma_start3A_634] : memref<40960x128xf32, #tpu.memory_space<hbm>> -> memref<128x32xf32, #tpu.memory_space<hbm>>
        %dma_start3A_636 = arith.constant 32 : i32
        %dma_start3A_637 = tpu.memref_slice %arg5[%add3A_625, %dma_start3A_636] : memref<40960x128xf32, #tpu.memory_space<hbm>> -> memref<128x32xf32, #tpu.memory_space<hbm>>
        %dma_start3A_638 = arith.constant 0 : i32
        %dma_start3A_639 = arith.constant 0 : i32
        %dma_start3A_640 = tpu.memref_slice %arg8[%run_scoped3A_626, %dma_start3A_638, %dma_start3A_639] : memref<4x128x32xf32, #tpu.memory_space<vmem>> -> memref<1x128x32xf32, #tpu.memory_space<vmem>>
        %dma_start3A_641 = tpu.memref_squeeze %dma_start3A_640 : memref<1x128x32xf32, #tpu.memory_space<vmem>> -> memref<128x32xf32, #tpu.memory_space<vmem>>
        tpu.enqueue_dma source(%dma_start3A_641 : memref<128x32xf32, #tpu.memory_space<vmem>>) target(%dma_start3A_637 : memref<128x32xf32, #tpu.memory_space<hbm>>) target_semaphore(%run_scoped3A_629 : memref<!tpu.dma_semaphore, #tpu.memory_space<semaphore_mem>>)
        %dma_wait3A_642 = arith.constant 0 : i32
        %dma_wait3A_643 = arith.constant 0 : i32
        %dma_wait3A_644 = tpu.memref_slice %arg8[%run_scoped3A_626, %dma_wait3A_642, %dma_wait3A_643] : memref<4x128x32xf32, #tpu.memory_space<vmem>> -> memref<1x128x32xf32, #tpu.memory_space<vmem>>
        %dma_wait3A_645 = tpu.memref_squeeze %dma_wait3A_644 : memref<1x128x32xf32, #tpu.memory_space<vmem>> -> memref<128x32xf32, #tpu.memory_space<vmem>>
        %dma_wait3A_646 = arith.constant 32 : i32
        %dma_wait3A_647 = tpu.memref_slice %arg5[%add3A_625, %dma_wait3A_646] : memref<40960x128xf32, #tpu.memory_space<hbm>> -> memref<128x32xf32, #tpu.memory_space<hbm>>
        %dma_wait3A_648 = arith.constant 32 : i32
        %dma_wait3A_649 = tpu.memref_slice %arg5[%add3A_625, %dma_wait3A_648] : memref<40960x128xf32, #tpu.memory_space<hbm>> -> memref<128x32xf32, #tpu.memory_space<hbm>>
        %dma_wait3A_650 = arith.constant 0 : i32
        %dma_wait3A_651 = arith.constant 0 : i32
        %dma_wait3A_652 = tpu.memref_slice %arg8[%run_scoped3A_626, %dma_wait3A_650, %dma_wait3A_651] : memref<4x128x32xf32, #tpu.memory_space<vmem>> -> memref<1x128x32xf32, #tpu.memory_space<vmem>>
        %dma_wait3A_653 = tpu.memref_squeeze %dma_wait3A_652 : memref<1x128x32xf32, #tpu.memory_space<vmem>> -> memref<128x32xf32, #tpu.memory_space<vmem>>
        tpu.wait_dma2 semaphore(%run_scoped3A_629 : memref<!tpu.dma_semaphore, #tpu.memory_space<semaphore_mem>>) src(%dma_wait3A_653 : memref<128x32xf32, #tpu.memory_space<vmem>>) dst(%dma_wait3A_649 : memref<128x32xf32, #tpu.memory_space<hbm>>)
        tpu.yield
      }) : () -> ()
      %run_scoped3A_627 = arith.constant 2 : i32
      "tpu.region"() ({
        %run_scoped3A_629 = tpu.sem_alloc : memref<!tpu.dma_semaphore, #tpu.memory_space<semaphore_mem>>
        %dma_start3A_630 = arith.constant 0 : i32
        %dma_start3A_631 = arith.constant 0 : i32
        %dma_start3A_632 = tpu.memref_slice %arg8[%run_scoped3A_627, %dma_start3A_630, %dma_start3A_631] : memref<4x128x32xf32, #tpu.memory_space<vmem>> -> memref<1x128x32xf32, #tpu.memory_space<vmem>>
        %dma_start3A_633 = tpu.memref_squeeze %dma_start3A_632 : memref<1x128x32xf32, #tpu.memory_space<vmem>> -> memref<128x32xf32, #tpu.memory_space<vmem>>
        %dma_start3A_634 = arith.constant 64 : i32
        %dma_start3A_635 = tpu.memref_slice %arg5[%add3A_625, %dma_start3A_634] : memref<40960x128xf32, #tpu.memory_space<hbm>> -> memref<128x32xf32, #tpu.memory_space<hbm>>
        %dma_start3A_636 = arith.constant 64 : i32
        %dma_start3A_637 = tpu.memref_slice %arg5[%add3A_625, %dma_start3A_636] : memref<40960x128xf32, #tpu.memory_space<hbm>> -> memref<128x32xf32, #tpu.memory_space<hbm>>
        %dma_start3A_638 = arith.constant 0 : i32
        %dma_start3A_639 = arith.constant 0 : i32
        %dma_start3A_640 = tpu.memref_slice %arg8[%run_scoped3A_627, %dma_start3A_638, %dma_start3A_639] : memref<4x128x32xf32, #tpu.memory_space<vmem>> -> memref<1x128x32xf32, #tpu.memory_space<vmem>>
        %dma_start3A_641 = tpu.memref_squeeze %dma_start3A_640 : memref<1x128x32xf32, #tpu.memory_space<vmem>> -> memref<128x32xf32, #tpu.memory_space<vmem>>
        tpu.enqueue_dma source(%dma_start3A_641 : memref<128x32xf32, #tpu.memory_space<vmem>>) target(%dma_start3A_637 : memref<128x32xf32, #tpu.memory_space<hbm>>) target_semaphore(%run_scoped3A_629 : memref<!tpu.dma_semaphore, #tpu.memory_space<semaphore_mem>>)
        %dma_wait3A_642 = arith.constant 0 : i32
        %dma_wait3A_643 = arith.constant 0 : i32
        %dma_wait3A_644 = tpu.memref_slice %arg8[%run_scoped3A_627, %dma_wait3A_642, %dma_wait3A_643] : memref<4x128x32xf32, #tpu.memory_space<vmem>> -> memref<1x128x32xf32, #tpu.memory_space<vmem>>
        %dma_wait3A_645 = tpu.memref_squeeze %dma_wait3A_644 : memref<1x128x32xf32, #tpu.memory_space<vmem>> -> memref<128x32xf32, #tpu.memory_space<vmem>>
        %dma_wait3A_646 = arith.constant 64 : i32
        %dma_wait3A_647 = tpu.memref_slice %arg5[%add3A_625, %dma_wait3A_646] : memref<40960x128xf32, #tpu.memory_space<hbm>> -> memref<128x32xf32, #tpu.memory_space<hbm>>
        %dma_wait3A_648 = arith.constant 64 : i32
        %dma_wait3A_649 = tpu.memref_slice %arg5[%add3A_625, %dma_wait3A_648] : memref<40960x128xf32, #tpu.memory_space<hbm>> -> memref<128x32xf32, #tpu.memory_space<hbm>>
        %dma_wait3A_650 = arith.constant 0 : i32
        %dma_wait3A_651 = arith.constant 0 : i32
        %dma_wait3A_652 = tpu.memref_slice %arg8[%run_scoped3A_627, %dma_wait3A_650, %dma_wait3A_651] : memref<4x128x32xf32, #tpu.memory_space<vmem>> -> memref<1x128x32xf32, #tpu.memory_space<vmem>>
        %dma_wait3A_653 = tpu.memref_squeeze %dma_wait3A_652 : memref<1x128x32xf32, #tpu.memory_space<vmem>> -> memref<128x32xf32, #tpu.memory_space<vmem>>
        tpu.wait_dma2 semaphore(%run_scoped3A_629 : memref<!tpu.dma_semaphore, #tpu.memory_space<semaphore_mem>>) src(%dma_wait3A_653 : memref<128x32xf32, #tpu.memory_space<vmem>>) dst(%dma_wait3A_649 : memref<128x32xf32, #tpu.memory_space<hbm>>)
        tpu.yield
      }) : () -> ()
      %run_scoped3A_628 = arith.constant 3 : i32
      "tpu.region"() ({
        %run_scoped3A_629 = tpu.sem_alloc : memref<!tpu.dma_semaphore, #tpu.memory_space<semaphore_mem>>
        %dma_start3A_630 = arith.constant 0 : i32
        %dma_start3A_631 = arith.constant 0 : i32
        %dma_start3A_632 = tpu.memref_slice %arg8[%run_scoped3A_628, %dma_start3A_630, %dma_start3A_631] : memref<4x128x32xf32, #tpu.memory_space<vmem>> -> memref<1x128x32xf32, #tpu.memory_space<vmem>>
        %dma_start3A_633 = tpu.memref_squeeze %dma_start3A_632 : memref<1x128x32xf32, #tpu.memory_space<vmem>> -> memref<128x32xf32, #tpu.memory_space<vmem>>
        %dma_start3A_634 = arith.constant 96 : i32
        %dma_start3A_635 = tpu.memref_slice %arg5[%add3A_625, %dma_start3A_634] : memref<40960x128xf32, #tpu.memory_space<hbm>> -> memref<128x32xf32, #tpu.memory_space<hbm>>
        %dma_start3A_636 = arith.constant 96 : i32
        %dma_start3A_637 = tpu.memref_slice %arg5[%add3A_625, %dma_start3A_636] : memref<40960x128xf32, #tpu.memory_space<hbm>> -> memref<128x32xf32, #tpu.memory_space<hbm>>
        %dma_start3A_638 = arith.constant 0 : i32
        %dma_start3A_639 = arith.constant 0 : i32
        %dma_start3A_640 = tpu.memref_slice %arg8[%run_scoped3A_628, %dma_start3A_638, %dma_start3A_639] : memref<4x128x32xf32, #tpu.memory_space<vmem>> -> memref<1x128x32xf32, #tpu.memory_space<vmem>>
        %dma_start3A_641 = tpu.memref_squeeze %dma_start3A_640 : memref<1x128x32xf32, #tpu.memory_space<vmem>> -> memref<128x32xf32, #tpu.memory_space<vmem>>
        tpu.enqueue_dma source(%dma_start3A_641 : memref<128x32xf32, #tpu.memory_space<vmem>>) target(%dma_start3A_637 : memref<128x32xf32, #tpu.memory_space<hbm>>) target_semaphore(%run_scoped3A_629 : memref<!tpu.dma_semaphore, #tpu.memory_space<semaphore_mem>>)
        %dma_wait3A_642 = arith.constant 0 : i32
        %dma_wait3A_643 = arith.constant 0 : i32
        %dma_wait3A_644 = tpu.memref_slice %arg8[%run_scoped3A_628, %dma_wait3A_642, %dma_wait3A_643] : memref<4x128x32xf32, #tpu.memory_space<vmem>> -> memref<1x128x32xf32, #tpu.memory_space<vmem>>
        %dma_wait3A_645 = tpu.memref_squeeze %dma_wait3A_644 : memref<1x128x32xf32, #tpu.memory_space<vmem>> -> memref<128x32xf32, #tpu.memory_space<vmem>>
        %dma_wait3A_646 = arith.constant 96 : i32
        %dma_wait3A_647 = tpu.memref_slice %arg5[%add3A_625, %dma_wait3A_646] : memref<40960x128xf32, #tpu.memory_space<hbm>> -> memref<128x32xf32, #tpu.memory_space<hbm>>
        %dma_wait3A_648 = arith.constant 96 : i32
        %dma_wait3A_649 = tpu.memref_slice %arg5[%add3A_625, %dma_wait3A_648] : memref<40960x128xf32, #tpu.memory_space<hbm>> -> memref<128x32xf32, #tpu.memory_space<hbm>>
        %dma_wait3A_650 = arith.constant 0 : i32
        %dma_wait3A_651 = arith.constant 0 : i32
        %dma_wait3A_652 = tpu.memref_slice %arg8[%run_scoped3A_628, %dma_wait3A_650, %dma_wait3A_651] : memref<4x128x32xf32, #tpu.memory_space<vmem>> -> memref<1x128x32xf32, #tpu.memory_space<vmem>>
        %dma_wait3A_653 = tpu.memref_squeeze %dma_wait3A_652 : memref<1x128x32xf32, #tpu.memory_space<vmem>> -> memref<128x32xf32, #tpu.memory_space<vmem>>
        tpu.wait_dma2 semaphore(%run_scoped3A_629 : memref<!tpu.dma_semaphore, #tpu.memory_space<semaphore_mem>>) src(%dma_wait3A_653 : memref<128x32xf32, #tpu.memory_space<vmem>>) dst(%dma_wait3A_649 : memref<128x32xf32, #tpu.memory_space<hbm>>)
        tpu.yield
      }) : () -> ()
    }
    %scan3A_134 = arith.constant 10 : i32
    return
  }
}

#map = affine_map<(d0, d1) -> (0, 0)>
module attributes {stable_mosaic.version = 14 : i64} {
  func.func @k(%arg0: i32, %arg1: i32, %arg2: memref<8192x32xf32, #tpu.memory_space<hbm>>, %arg3: memref<8192x32xf32, #tpu.memory_space<hbm>>, %arg4: memref<1024x400xi32, #tpu.memory_space<hbm>>, %arg5: memref<40960x128xf32, #tpu.memory_space<hbm>>, %arg6: memref<64x80xi32, #tpu.memory_space<vmem>>, %arg7: memref<4x128xi32, #tpu.memory_space<vmem>>, %arg8: memref<4x128x32xf32, #tpu.memory_space<vmem>>, %arg9: memref<16384x32xf32, #tpu.memory_space<vmem_shared>>, %arg10: memref<!tpu.dma_semaphore, #tpu.memory_space<semaphore_mem>>) attributes {dimension_semantics = [#tpu.dimension_semantics<core_parallel>, #tpu.dimension_semantics<subcore_parallel>], iteration_bounds = array<i64: 2, 16>, scalar_prefetch = 0 : i64, scratch_operands = 5 : i64, tpu.core_type = #tpu.core_type<sc_vector_subcore>, window_params = [{transform_indices = #map}, {transform_indices = #map}, {transform_indices = #map}, {transform_indices = #map}]} {
    %mul3A = arith.constant 2 : i32
    %mul3A_0 = arith.muli %arg1, %mul3A : i32
    %add3A = arith.addi %mul3A_0, %arg0 : i32
    %jit3A = arith.constant 16 : i32
    %eq3A = arith.constant 0 : i32
    %eq3A_1 = arith.cmpi eq, %jit3A, %eq3A : i32
    %jit3A_2 = arith.constant 1 : i32
    %select_n3A = arith.select %eq3A_1, %jit3A_2, %jit3A : i32
    %rem3A = arith.remsi %add3A, %select_n3A : i32
    %ne3A = arith.constant 0 : i32
    %ne3A_3 = arith.cmpi ne, %rem3A, %ne3A : i32
    %lt3A = arith.constant 0 : i32
    %lt3A_4 = arith.cmpi slt, %rem3A, %lt3A : i32
    %lt3A_5 = arith.constant 0 : i32
    %lt3A_6 = arith.cmpi slt, %select_n3A, %lt3A_5 : i32
    %ne3A_7 = arith.xori %lt3A_4, %lt3A_6 : i1
    %and3A = arith.andi %ne3A_7, %ne3A_3 : i1
    %add3A_8 = arith.addi %rem3A, %select_n3A : i32
    %select_n3A_9 = arith.select %and3A, %add3A_8, %rem3A : i32
    %jit3A_10 = arith.constant 16 : i32
    %div3A = arith.divsi %add3A, %jit3A_10 : i32
    %sign3A = arith.constant 0 : i32
    %sign3A_11 = arith.cmpi sgt, %add3A, %sign3A : i32
    %sign3A_12 = arith.extui %sign3A_11 : i1 to i32
    %sign3A_13 = arith.constant 0 : i32
    %sign3A_14 = arith.cmpi slt, %add3A, %sign3A_13 : i32
    %sign3A_15 = arith.extui %sign3A_14 : i1 to i32
    %sign3A_16 = arith.subi %sign3A_12, %sign3A_15 : i32
    %sign3A_17 = arith.constant 0 : i32
    %sign3A_18 = arith.cmpi sgt, %jit3A_10, %sign3A_17 : i32
    %sign3A_19 = arith.extui %sign3A_18 : i1 to i32
    %sign3A_20 = arith.constant 0 : i32
    %sign3A_21 = arith.cmpi slt, %jit3A_10, %sign3A_20 : i32
    %sign3A_22 = arith.extui %sign3A_21 : i1 to i32
    %sign3A_23 = arith.subi %sign3A_19, %sign3A_22 : i32
    %ne3A_24 = arith.cmpi ne, %sign3A_16, %sign3A_23 : i32
    %rem3A_25 = arith.remsi %add3A, %jit3A_10 : i32
    %ne3A_26 = arith.constant 0 : i32
    %ne3A_27 = arith.cmpi ne, %rem3A_25, %ne3A_26 : i32
    %and3A_28 = arith.andi %ne3A_24, %ne3A_27 : i1
    %sub3A = arith.constant 1 : i32
    %sub3A_29 = arith.subi %div3A, %sub3A : i32
    %select_n3A_30 = arith.select %and3A_28, %sub3A_29, %div3A : i32
    %mul3A_31 = arith.constant 512 : i32
    %mul3A_32 = arith.muli %arg1, %mul3A_31 : i32
    %mul3A_33 = arith.constant 512 : i32
    %mul3A_34 = arith.muli %arg1, %mul3A_33 : i32
    "tpu.region"() ({
      %run_scoped3A = tpu.sem_alloc : memref<!tpu.dma_semaphore, #tpu.memory_space<semaphore_mem>>
      %dma_start3A = arith.constant 0 : i32
      %dma_start3A_135 = tpu.memref_slice %arg9[%mul3A_34, %dma_start3A] : memref<16384x32xf32, #tpu.memory_space<vmem_shared>> -> memref<512x32xf32, #tpu.memory_space<vmem_shared>>
      %dma_start3A_136 = arith.constant 0 : i32
      %dma_start3A_137 = tpu.memref_slice %arg2[%mul3A_32, %dma_start3A_136] : memref<8192x32xf32, #tpu.memory_space<hbm>> -> memref<512x32xf32, #tpu.memory_space<hbm>>
      tpu.enqueue_dma source(%dma_start3A_137 : memref<512x32xf32, #tpu.memory_space<hbm>>) target(%dma_start3A_135 : memref<512x32xf32, #tpu.memory_space<vmem_shared>>) target_semaphore(%run_scoped3A : memref<!tpu.dma_semaphore, #tpu.memory_space<semaphore_mem>>)
      %dma_wait3A = arith.constant 0 : i32
      %dma_wait3A_138 = tpu.memref_slice %arg9[%mul3A_34, %dma_wait3A] : memref<16384x32xf32, #tpu.memory_space<vmem_shared>> -> memref<512x32xf32, #tpu.memory_space<vmem_shared>>
      %dma_wait3A_139 = arith.constant 0 : i32
      %dma_wait3A_140 = tpu.memref_slice %arg2[%mul3A_32, %dma_wait3A_139] : memref<8192x32xf32, #tpu.memory_space<hbm>> -> memref<512x32xf32, #tpu.memory_space<hbm>>
      tpu.wait_dma2 semaphore(%run_scoped3A : memref<!tpu.dma_semaphore, #tpu.memory_space<semaphore_mem>>) src(%dma_wait3A_140 : memref<512x32xf32, #tpu.memory_space<hbm>>) dst(%dma_wait3A_138 : memref<512x32xf32, #tpu.memory_space<vmem_shared>>)
      tpu.yield
    }) : () -> ()
    %mul3A_35 = arith.constant 512 : i32
    %mul3A_36 = arith.muli %arg1, %mul3A_35 : i32
    %mul3A_37 = arith.constant 512 : i32
    %mul3A_38 = arith.muli %arg1, %mul3A_37 : i32
    %add3A_39 = arith.constant 8192 : i32
    %add3A_40 = arith.addi %add3A_39, %mul3A_38 : i32
    "tpu.region"() ({
      %run_scoped3A = tpu.sem_alloc : memref<!tpu.dma_semaphore, #tpu.memory_space<semaphore_mem>>
      %dma_start3A = arith.constant 0 : i32
      %dma_start3A_135 = tpu.memref_slice %arg9[%add3A_40, %dma_start3A] : memref<16384x32xf32, #tpu.memory_space<vmem_shared>> -> memref<512x32xf32, #tpu.memory_space<vmem_shared>>
      %dma_start3A_136 = arith.constant 0 : i32
      %dma_start3A_137 = tpu.memref_slice %arg3[%mul3A_36, %dma_start3A_136] : memref<8192x32xf32, #tpu.memory_space<hbm>> -> memref<512x32xf32, #tpu.memory_space<hbm>>
      tpu.enqueue_dma source(%dma_start3A_137 : memref<512x32xf32, #tpu.memory_space<hbm>>) target(%dma_start3A_135 : memref<512x32xf32, #tpu.memory_space<vmem_shared>>) target_semaphore(%run_scoped3A : memref<!tpu.dma_semaphore, #tpu.memory_space<semaphore_mem>>)
      %dma_wait3A = arith.constant 0 : i32
      %dma_wait3A_138 = tpu.memref_slice %arg9[%add3A_40, %dma_wait3A] : memref<16384x32xf32, #tpu.memory_space<vmem_shared>> -> memref<512x32xf32, #tpu.memory_space<vmem_shared>>
      %dma_wait3A_139 = arith.constant 0 : i32
      %dma_wait3A_140 = tpu.memref_slice %arg3[%mul3A_36, %dma_wait3A_139] : memref<8192x32xf32, #tpu.memory_space<hbm>> -> memref<512x32xf32, #tpu.memory_space<hbm>>
      tpu.wait_dma2 semaphore(%run_scoped3A : memref<!tpu.dma_semaphore, #tpu.memory_space<semaphore_mem>>) src(%dma_wait3A_140 : memref<512x32xf32, #tpu.memory_space<hbm>>) dst(%dma_wait3A_138 : memref<512x32xf32, #tpu.memory_space<vmem_shared>>)
      tpu.yield
    }) : () -> ()
    %mul3A_41 = arith.constant 64 : i32
    %mul3A_42 = arith.muli %select_n3A_9, %mul3A_41 : i32
    %mul3A_43 = arith.constant 10 : i32
    %mul3A_44 = arith.muli %select_n3A_30, %mul3A_43 : i32
    %add3A_45 = arith.constant 30 : i32
    %add3A_46 = arith.addi %add3A_45, %mul3A_44 : i32
    %mul3A_47 = arith.constant 8 : i32
    %mul3A_48 = arith.muli %add3A_46, %mul3A_47 : i32
    "tpu.region"() ({
      %run_scoped3A = tpu.sem_alloc : memref<!tpu.dma_semaphore, #tpu.memory_space<semaphore_mem>>
      %dma_start3A = tpu.memref_slice %arg4[%mul3A_42, %mul3A_48] : memref<1024x400xi32, #tpu.memory_space<hbm>> -> memref<64x80xi32, #tpu.memory_space<hbm>>
      %dma_start3A_135 = tpu.memref_slice %arg4[%mul3A_42, %mul3A_48] : memref<1024x400xi32, #tpu.memory_space<hbm>> -> memref<64x80xi32, #tpu.memory_space<hbm>>
      tpu.enqueue_dma source(%dma_start3A_135 : memref<64x80xi32, #tpu.memory_space<hbm>>) target(%arg6 : memref<64x80xi32, #tpu.memory_space<vmem>>) target_semaphore(%run_scoped3A : memref<!tpu.dma_semaphore, #tpu.memory_space<semaphore_mem>>)
      %dma_wait3A = tpu.memref_slice %arg4[%mul3A_42, %mul3A_48] : memref<1024x400xi32, #tpu.memory_space<hbm>> -> memref<64x80xi32, #tpu.memory_space<hbm>>
      %dma_wait3A_136 = tpu.memref_slice %arg4[%mul3A_42, %mul3A_48] : memref<1024x400xi32, #tpu.memory_space<hbm>> -> memref<64x80xi32, #tpu.memory_space<hbm>>
      tpu.wait_dma2 semaphore(%run_scoped3A : memref<!tpu.dma_semaphore, #tpu.memory_space<semaphore_mem>>) src(%dma_wait3A_136 : memref<64x80xi32, #tpu.memory_space<hbm>>) dst(%arg6 : memref<64x80xi32, #tpu.memory_space<vmem>>)
      tpu.yield
    }) : () -> ()
    %barrier3A = arith.constant 0 : index
    tpu.barrier barrier_id(%barrier3A)
    %iota3A = tpu.iota {dimensions = array<i32: 0>} : vector<16xi32>
    %jit3A_49 = arith.constant 2 : i32
    %div3A_50 = vector.broadcast %jit3A_49 : i32 to vector<16xi32>
    %div3A_51 = arith.divsi %iota3A, %div3A_50 : vector<16xi32>
    %sign3A_52 = arith.constant 0 : i32
    %sign3A_53 = vector.broadcast %sign3A_52 : i32 to vector<16xi32>
    %sign3A_54 = arith.cmpi sgt, %iota3A, %sign3A_53 : vector<16xi32>
    %sign3A_55 = arith.extui %sign3A_54 : vector<16xi1> to vector<16xi32>
    %sign3A_56 = arith.constant 0 : i32
    %sign3A_57 = vector.broadcast %sign3A_56 : i32 to vector<16xi32>
    %sign3A_58 = arith.cmpi slt, %iota3A, %sign3A_57 : vector<16xi32>
    %sign3A_59 = arith.extui %sign3A_58 : vector<16xi1> to vector<16xi32>
    %sign3A_60 = arith.subi %sign3A_55, %sign3A_59 : vector<16xi32>
    %sign3A_61 = arith.constant 0 : i32
    %sign3A_62 = arith.cmpi sgt, %jit3A_49, %sign3A_61 : i32
    %sign3A_63 = arith.extui %sign3A_62 : i1 to i32
    %sign3A_64 = arith.constant 0 : i32
    %sign3A_65 = arith.cmpi slt, %jit3A_49, %sign3A_64 : i32
    %sign3A_66 = arith.extui %sign3A_65 : i1 to i32
    %sign3A_67 = arith.subi %sign3A_63, %sign3A_66 : i32
    %ne3A_68 = vector.broadcast %sign3A_67 : i32 to vector<16xi32>
    %ne3A_69 = arith.cmpi ne, %sign3A_60, %ne3A_68 : vector<16xi32>
    %rem3A_70 = vector.broadcast %jit3A_49 : i32 to vector<16xi32>
    %rem3A_71 = arith.remsi %iota3A, %rem3A_70 : vector<16xi32>
    %ne3A_72 = arith.constant 0 : i32
    %ne3A_73 = vector.broadcast %ne3A_72 : i32 to vector<16xi32>
    %ne3A_74 = arith.cmpi ne, %rem3A_71, %ne3A_73 : vector<16xi32>
    %and3A_75 = arith.andi %ne3A_69, %ne3A_74 : vector<16xi1>
    %sub3A_76 = arith.constant 1 : i32
    %sub3A_77 = vector.broadcast %sub3A_76 : i32 to vector<16xi32>
    %sub3A_78 = arith.subi %div3A_51, %sub3A_77 : vector<16xi32>
    %select_n3A_79 = arith.select %and3A_75, %sub3A_78, %div3A_51 : vector<16xi1>, vector<16xi32>
    %jit3A_80 = arith.constant 2 : i32
    %eq3A_81 = arith.constant 0 : i32
    %eq3A_82 = arith.cmpi eq, %jit3A_80, %eq3A_81 : i32
    %jit3A_83 = arith.constant 1 : i32
    %select_n3A_84 = arith.select %eq3A_82, %jit3A_83, %jit3A_80 : i32
    %rem3A_85 = vector.broadcast %select_n3A_84 : i32 to vector<16xi32>
    %rem3A_86 = arith.remsi %iota3A, %rem3A_85 : vector<16xi32>
    %ne3A_87 = arith.constant 0 : i32
    %ne3A_88 = vector.broadcast %ne3A_87 : i32 to vector<16xi32>
    %ne3A_89 = arith.cmpi ne, %rem3A_86, %ne3A_88 : vector<16xi32>
    %lt3A_90 = arith.constant 0 : i32
    %lt3A_91 = vector.broadcast %lt3A_90 : i32 to vector<16xi32>
    %lt3A_92 = arith.cmpi slt, %rem3A_86, %lt3A_91 : vector<16xi32>
    %lt3A_93 = arith.constant 0 : i32
    %lt3A_94 = arith.cmpi slt, %select_n3A_84, %lt3A_93 : i32
    %ne3A_95 = vector.broadcast %lt3A_94 : i1 to vector<16xi1>
    %ne3A_96 = vector.broadcast %ne3A_95 : vector<16xi1> to vector<16xi1>
    %ne3A_97 = arith.xori %lt3A_92, %ne3A_96 : vector<16xi1>
    %and3A_98 = arith.andi %ne3A_97, %ne3A_89 : vector<16xi1>
    %add3A_99 = vector.broadcast %select_n3A_84 : i32 to vector<16xi32>
    %add3A_100 = arith.addi %rem3A_86, %add3A_99 : vector<16xi32>
    %select_n3A_101 = arith.select %and3A_98, %add3A_100, %rem3A_86 : vector<16xi1>, vector<16xi32>
    %mul3A_102 = arith.constant 4 : i32
    %mul3A_103 = vector.broadcast %mul3A_102 : i32 to vector<16xi32>
    %mul3A_104 = arith.muli %select_n3A_101, %mul3A_103 : vector<16xi32>
    %jit3A_105 = arith.constant 2 : i32
    %eq3A_106 = arith.constant 0 : i32
    %eq3A_107 = arith.cmpi eq, %jit3A_105, %eq3A_106 : i32
    %jit3A_108 = arith.constant 1 : i32
    %select_n3A_109 = arith.select %eq3A_107, %jit3A_108, %jit3A_105 : i32
    %rem3A_110 = vector.broadcast %select_n3A_109 : i32 to vector<16xi32>
    %rem3A_111 = arith.remsi %iota3A, %rem3A_110 : vector<16xi32>
    %ne3A_112 = arith.constant 0 : i32
    %ne3A_113 = vector.broadcast %ne3A_112 : i32 to vector<16xi32>
    %ne3A_114 = arith.cmpi ne, %rem3A_111, %ne3A_113 : vector<16xi32>
    %lt3A_115 = arith.constant 0 : i32
    %lt3A_116 = vector.broadcast %lt3A_115 : i32 to vector<16xi32>
    %lt3A_117 = arith.cmpi slt, %rem3A_111, %lt3A_116 : vector<16xi32>
    %lt3A_118 = arith.constant 0 : i32
    %lt3A_119 = arith.cmpi slt, %select_n3A_109, %lt3A_118 : i32
    %ne3A_120 = vector.broadcast %lt3A_119 : i1 to vector<16xi1>
    %ne3A_121 = vector.broadcast %ne3A_120 : vector<16xi1> to vector<16xi1>
    %ne3A_122 = arith.xori %lt3A_117, %ne3A_121 : vector<16xi1>
    %and3A_123 = arith.andi %ne3A_122, %ne3A_114 : vector<16xi1>
    %add3A_124 = vector.broadcast %select_n3A_109 : i32 to vector<16xi32>
    %add3A_125 = arith.addi %rem3A_111, %add3A_124 : vector<16xi32>
    %select_n3A_126 = arith.select %and3A_123, %add3A_125, %rem3A_111 : vector<16xi1>, vector<16xi32>
    %mul3A_127 = arith.constant 8192 : i32
    %mul3A_128 = vector.broadcast %mul3A_127 : i32 to vector<16xi32>
    %mul3A_129 = arith.muli %select_n3A_126, %mul3A_128 : vector<16xi32>
    %scan3A = arith.constant 0 : i32
    %scan3A_130 = arith.constant 0 : i32
    %scan3A_131 = arith.constant 10 : i32
    %scan3A_132 = arith.addi %scan3A_130, %scan3A_131 : i32
    %scan3A_133 = arith.constant 1 : i32
    scf.for %scan3A_135 = %scan3A_130 to %scan3A_132 step %scan3A_133  : i32 {
      %mul3A_136 = arith.constant 1 : i32
      %mul3A_137 = arith.muli %scan3A_135, %mul3A_136 : i32
      %add3A_138 = arith.constant 0 : i32
      %add3A_139 = arith.addi %mul3A_137, %add3A_138 : i32
      %mul3A_140 = arith.constant 8 : i32
      %mul3A_141 = arith.muli %add3A_139, %mul3A_140 : i32
      %add3A_142 = arith.constant 0 : i32
      %add3A_143 = arith.addi %mul3A_141, %add3A_142 : i32
      %add3A_144 = arith.constant 0 : i32
      %add3A_145 = vector.broadcast %add3A_144 : i32 to vector<16xi32>
      %add3A_146 = arith.addi %add3A_145, %select_n3A_79 : vector<16xi32>
      %add3A_147 = vector.broadcast %add3A_143 : i32 to vector<16xi32>
      %add3A_148 = arith.addi %add3A_147, %mul3A_104 : vector<16xi32>
      %gather3A = tpu.vector_load_idx %arg6[%add3A_146, %add3A_148] : memref<64x80xi32, #tpu.memory_space<vmem>>[vector<16xi32>, vector<16xi32>], vector<16xi32>,
      %add3A_149 = arith.addi %gather3A, %mul3A_129 : vector<16xi32>
      %swap3A = arith.constant 0 : i32
      %swap3A_150 = arith.index_cast %swap3A : i32 to index
      %swap3A_151 = arith.constant 0 : index
      %swap3A_152 = tpu.vector_load %arg7[%swap3A_150, %swap3A_151] {strides = array<i32>} : memref<4x128xi32, #tpu.memory_space<vmem>>, vector<16xi32>,
      tpu.vector_store %arg7[%swap3A_150, %swap3A_151], %add3A_149 {strides = array<i32>} : memref<4x128xi32, #tpu.memory_space<vmem>>, vector<16xi32>,
      %add3A_153 = arith.constant 8 : i32
      %add3A_154 = vector.broadcast %add3A_153 : i32 to vector<16xi32>
      %add3A_155 = arith.addi %add3A_154, %select_n3A_79 : vector<16xi32>
      %add3A_156 = vector.broadcast %add3A_143 : i32 to vector<16xi32>
      %add3A_157 = arith.addi %add3A_156, %mul3A_104 : vector<16xi32>
      %gather3A_158 = tpu.vector_load_idx %arg6[%add3A_155, %add3A_157] : memref<64x80xi32, #tpu.memory_space<vmem>>[vector<16xi32>, vector<16xi32>], vector<16xi32>,
      %add3A_159 = arith.addi %gather3A_158, %mul3A_129 : vector<16xi32>
      %swap3A_160 = arith.constant 0 : i32
      %swap3A_161 = arith.index_cast %swap3A_160 : i32 to index
      %swap3A_162 = arith.constant 16 : index
      %swap3A_163 = tpu.vector_load %arg7[%swap3A_161, %swap3A_162] {strides = array<i32>} : memref<4x128xi32, #tpu.memory_space<vmem>>, vector<16xi32>,
      tpu.vector_store %arg7[%swap3A_161, %swap3A_162], %add3A_159 {strides = array<i32>} : memref<4x128xi32, #tpu.memory_space<vmem>>, vector<16xi32>,
      %add3A_164 = arith.constant 16 : i32
      %add3A_165 = vector.broadcast %add3A_164 : i32 to vector<16xi32>
      %add3A_166 = arith.addi %add3A_165, %select_n3A_79 : vector<16xi32>
      %add3A_167 = vector.broadcast %add3A_143 : i32 to vector<16xi32>
      %add3A_168 = arith.addi %add3A_167, %mul3A_104 : vector<16xi32>
      %gather3A_169 = tpu.vector_load_idx %arg6[%add3A_166, %add3A_168] : memref<64x80xi32, #tpu.memory_space<vmem>>[vector<16xi32>, vector<16xi32>], vector<16xi32>,
      %add3A_170 = arith.addi %gather3A_169, %mul3A_129 : vector<16xi32>
      %swap3A_171 = arith.constant 0 : i32
      %swap3A_172 = arith.index_cast %swap3A_171 : i32 to index
      %swap3A_173 = arith.constant 32 : index
      %swap3A_174 = tpu.vector_load %arg7[%swap3A_172, %swap3A_173] {strides = array<i32>} : memref<4x128xi32, #tpu.memory_space<vmem>>, vector<16xi32>,
      tpu.vector_store %arg7[%swap3A_172, %swap3A_173], %add3A_170 {strides = array<i32>} : memref<4x128xi32, #tpu.memory_space<vmem>>, vector<16xi32>,
      %add3A_175 = arith.constant 24 : i32
      %add3A_176 = vector.broadcast %add3A_175 : i32 to vector<16xi32>
      %add3A_177 = arith.addi %add3A_176, %select_n3A_79 : vector<16xi32>
      %add3A_178 = vector.broadcast %add3A_143 : i32 to vector<16xi32>
      %add3A_179 = arith.addi %add3A_178, %mul3A_104 : vector<16xi32>
      %gather3A_180 = tpu.vector_load_idx %arg6[%add3A_177, %add3A_179] : memref<64x80xi32, #tpu.memory_space<vmem>>[vector<16xi32>, vector<16xi32>], vector<16xi32>,
      %add3A_181 = arith.addi %gather3A_180, %mul3A_129 : vector<16xi32>
      %swap3A_182 = arith.constant 0 : i32
      %swap3A_183 = arith.index_cast %swap3A_182 : i32 to index
      %swap3A_184 = arith.constant 48 : index
      %swap3A_185 = tpu.vector_load %arg7[%swap3A_183, %swap3A_184] {strides = array<i32>} : memref<4x128xi32, #tpu.memory_space<vmem>>, vector<16xi32>,
      tpu.vector_store %arg7[%swap3A_183, %swap3A_184], %add3A_181 {strides = array<i32>} : memref<4x128xi32, #tpu.memory_space<vmem>>, vector<16xi32>,
      %add3A_186 = arith.constant 32 : i32
      %add3A_187 = vector.broadcast %add3A_186 : i32 to vector<16xi32>
      %add3A_188 = arith.addi %add3A_187, %select_n3A_79 : vector<16xi32>
      %add3A_189 = vector.broadcast %add3A_143 : i32 to vector<16xi32>
      %add3A_190 = arith.addi %add3A_189, %mul3A_104 : vector<16xi32>
      %gather3A_191 = tpu.vector_load_idx %arg6[%add3A_188, %add3A_190] : memref<64x80xi32, #tpu.memory_space<vmem>>[vector<16xi32>, vector<16xi32>], vector<16xi32>,
      %add3A_192 = arith.addi %gather3A_191, %mul3A_129 : vector<16xi32>
      %swap3A_193 = arith.constant 0 : i32
      %swap3A_194 = arith.index_cast %swap3A_193 : i32 to index
      %swap3A_195 = arith.constant 64 : index
      %swap3A_196 = tpu.vector_load %arg7[%swap3A_194, %swap3A_195] {strides = array<i32>} : memref<4x128xi32, #tpu.memory_space<vmem>>, vector<16xi32>,
      tpu.vector_store %arg7[%swap3A_194, %swap3A_195], %add3A_192 {strides = array<i32>} : memref<4x128xi32, #tpu.memory_space<vmem>>, vector<16xi32>,
      %add3A_197 = arith.constant 40 : i32
      %add3A_198 = vector.broadcast %add3A_197 : i32 to vector<16xi32>
      %add3A_199 = arith.addi %add3A_198, %select_n3A_79 : vector<16xi32>
      %add3A_200 = vector.broadcast %add3A_143 : i32 to vector<16xi32>
      %add3A_201 = arith.addi %add3A_200, %mul3A_104 : vector<16xi32>
      %gather3A_202 = tpu.vector_load_idx %arg6[%add3A_199, %add3A_201] : memref<64x80xi32, #tpu.memory_space<vmem>>[vector<16xi32>, vector<16xi32>], vector<16xi32>,
      %add3A_203 = arith.addi %gather3A_202, %mul3A_129 : vector<16xi32>
      %swap3A_204 = arith.constant 0 : i32
      %swap3A_205 = arith.index_cast %swap3A_204 : i32 to index
      %swap3A_206 = arith.constant 80 : index
      %swap3A_207 = tpu.vector_load %arg7[%swap3A_205, %swap3A_206] {strides = array<i32>} : memref<4x128xi32, #tpu.memory_space<vmem>>, vector<16xi32>,
      tpu.vector_store %arg7[%swap3A_205, %swap3A_206], %add3A_203 {strides = array<i32>} : memref<4x128xi32, #tpu.memory_space<vmem>>, vector<16xi32>,
      %add3A_208 = arith.constant 48 : i32
      %add3A_209 = vector.broadcast %add3A_208 : i32 to vector<16xi32>
      %add3A_210 = arith.addi %add3A_209, %select_n3A_79 : vector<16xi32>
      %add3A_211 = vector.broadcast %add3A_143 : i32 to vector<16xi32>
      %add3A_212 = arith.addi %add3A_211, %mul3A_104 : vector<16xi32>
      %gather3A_213 = tpu.vector_load_idx %arg6[%add3A_210, %add3A_212] : memref<64x80xi32, #tpu.memory_space<vmem>>[vector<16xi32>, vector<16xi32>], vector<16xi32>,
      %add3A_214 = arith.addi %gather3A_213, %mul3A_129 : vector<16xi32>
      %swap3A_215 = arith.constant 0 : i32
      %swap3A_216 = arith.index_cast %swap3A_215 : i32 to index
      %swap3A_217 = arith.constant 96 : index
      %swap3A_218 = tpu.vector_load %arg7[%swap3A_216, %swap3A_217] {strides = array<i32>} : memref<4x128xi32, #tpu.memory_space<vmem>>, vector<16xi32>,
      tpu.vector_store %arg7[%swap3A_216, %swap3A_217], %add3A_214 {strides = array<i32>} : memref<4x128xi32, #tpu.memory_space<vmem>>, vector<16xi32>,
      %add3A_219 = arith.constant 56 : i32
      %add3A_220 = vector.broadcast %add3A_219 : i32 to vector<16xi32>
      %add3A_221 = arith.addi %add3A_220, %select_n3A_79 : vector<16xi32>
      %add3A_222 = vector.broadcast %add3A_143 : i32 to vector<16xi32>
      %add3A_223 = arith.addi %add3A_222, %mul3A_104 : vector<16xi32>
      %gather3A_224 = tpu.vector_load_idx %arg6[%add3A_221, %add3A_223] : memref<64x80xi32, #tpu.memory_space<vmem>>[vector<16xi32>, vector<16xi32>], vector<16xi32>,
      %add3A_225 = arith.addi %gather3A_224, %mul3A_129 : vector<16xi32>
      %swap3A_226 = arith.constant 0 : i32
      %swap3A_227 = arith.index_cast %swap3A_226 : i32 to index
      %swap3A_228 = arith.constant 112 : index
      %swap3A_229 = tpu.vector_load %arg7[%swap3A_227, %swap3A_228] {strides = array<i32>} : memref<4x128xi32, #tpu.memory_space<vmem>>, vector<16xi32>,
      tpu.vector_store %arg7[%swap3A_227, %swap3A_228], %add3A_225 {strides = array<i32>} : memref<4x128xi32, #tpu.memory_space<vmem>>, vector<16xi32>,
      %mul3A_230 = arith.constant 1 : i32
      %mul3A_231 = arith.muli %scan3A_135, %mul3A_230 : i32
      %add3A_232 = arith.constant 0 : i32
      %add3A_233 = arith.addi %mul3A_231, %add3A_232 : i32
      %mul3A_234 = arith.constant 8 : i32
      %mul3A_235 = arith.muli %add3A_233, %mul3A_234 : i32
      %add3A_236 = arith.constant 1 : i32
      %add3A_237 = arith.addi %mul3A_235, %add3A_236 : i32
      %add3A_238 = arith.constant 0 : i32
      %add3A_239 = vector.broadcast %add3A_238 : i32 to vector<16xi32>
      %add3A_240 = arith.addi %add3A_239, %select_n3A_79 : vector<16xi32>
      %add3A_241 = vector.broadcast %add3A_237 : i32 to vector<16xi32>
      %add3A_242 = arith.addi %add3A_241, %mul3A_104 : vector<16xi32>
      %gather3A_243 = tpu.vector_load_idx %arg6[%add3A_240, %add3A_242] : memref<64x80xi32, #tpu.memory_space<vmem>>[vector<16xi32>, vector<16xi32>], vector<16xi32>,
      %add3A_244 = arith.addi %gather3A_243, %mul3A_129 : vector<16xi32>
      %swap3A_245 = arith.constant 1 : i32
      %swap3A_246 = arith.index_cast %swap3A_245 : i32 to index
      %swap3A_247 = arith.constant 0 : index
      %swap3A_248 = tpu.vector_load %arg7[%swap3A_246, %swap3A_247] {strides = array<i32>} : memref<4x128xi32, #tpu.memory_space<vmem>>, vector<16xi32>,
      tpu.vector_store %arg7[%swap3A_246, %swap3A_247], %add3A_244 {strides = array<i32>} : memref<4x128xi32, #tpu.memory_space<vmem>>, vector<16xi32>,
      %add3A_249 = arith.constant 8 : i32
      %add3A_250 = vector.broadcast %add3A_249 : i32 to vector<16xi32>
      %add3A_251 = arith.addi %add3A_250, %select_n3A_79 : vector<16xi32>
      %add3A_252 = vector.broadcast %add3A_237 : i32 to vector<16xi32>
      %add3A_253 = arith.addi %add3A_252, %mul3A_104 : vector<16xi32>
      %gather3A_254 = tpu.vector_load_idx %arg6[%add3A_251, %add3A_253] : memref<64x80xi32, #tpu.memory_space<vmem>>[vector<16xi32>, vector<16xi32>], vector<16xi32>,
      %add3A_255 = arith.addi %gather3A_254, %mul3A_129 : vector<16xi32>
      %swap3A_256 = arith.constant 1 : i32
      %swap3A_257 = arith.index_cast %swap3A_256 : i32 to index
      %swap3A_258 = arith.constant 16 : index
      %swap3A_259 = tpu.vector_load %arg7[%swap3A_257, %swap3A_258] {strides = array<i32>} : memref<4x128xi32, #tpu.memory_space<vmem>>, vector<16xi32>,
      tpu.vector_store %arg7[%swap3A_257, %swap3A_258], %add3A_255 {strides = array<i32>} : memref<4x128xi32, #tpu.memory_space<vmem>>, vector<16xi32>,
      %add3A_260 = arith.constant 16 : i32
      %add3A_261 = vector.broadcast %add3A_260 : i32 to vector<16xi32>
      %add3A_262 = arith.addi %add3A_261, %select_n3A_79 : vector<16xi32>
      %add3A_263 = vector.broadcast %add3A_237 : i32 to vector<16xi32>
      %add3A_264 = arith.addi %add3A_263, %mul3A_104 : vector<16xi32>
      %gather3A_265 = tpu.vector_load_idx %arg6[%add3A_262, %add3A_264] : memref<64x80xi32, #tpu.memory_space<vmem>>[vector<16xi32>, vector<16xi32>], vector<16xi32>,
      %add3A_266 = arith.addi %gather3A_265, %mul3A_129 : vector<16xi32>
      %swap3A_267 = arith.constant 1 : i32
      %swap3A_268 = arith.index_cast %swap3A_267 : i32 to index
      %swap3A_269 = arith.constant 32 : index
      %swap3A_270 = tpu.vector_load %arg7[%swap3A_268, %swap3A_269] {strides = array<i32>} : memref<4x128xi32, #tpu.memory_space<vmem>>, vector<16xi32>,
      tpu.vector_store %arg7[%swap3A_268, %swap3A_269], %add3A_266 {strides = array<i32>} : memref<4x128xi32, #tpu.memory_space<vmem>>, vector<16xi32>,
      %add3A_271 = arith.constant 24 : i32
      %add3A_272 = vector.broadcast %add3A_271 : i32 to vector<16xi32>
      %add3A_273 = arith.addi %add3A_272, %select_n3A_79 : vector<16xi32>
      %add3A_274 = vector.broadcast %add3A_237 : i32 to vector<16xi32>
      %add3A_275 = arith.addi %add3A_274, %mul3A_104 : vector<16xi32>
      %gather3A_276 = tpu.vector_load_idx %arg6[%add3A_273, %add3A_275] : memref<64x80xi32, #tpu.memory_space<vmem>>[vector<16xi32>, vector<16xi32>], vector<16xi32>,
      %add3A_277 = arith.addi %gather3A_276, %mul3A_129 : vector<16xi32>
      %swap3A_278 = arith.constant 1 : i32
      %swap3A_279 = arith.index_cast %swap3A_278 : i32 to index
      %swap3A_280 = arith.constant 48 : index
      %swap3A_281 = tpu.vector_load %arg7[%swap3A_279, %swap3A_280] {strides = array<i32>} : memref<4x128xi32, #tpu.memory_space<vmem>>, vector<16xi32>,
      tpu.vector_store %arg7[%swap3A_279, %swap3A_280], %add3A_277 {strides = array<i32>} : memref<4x128xi32, #tpu.memory_space<vmem>>, vector<16xi32>,
      %add3A_282 = arith.constant 32 : i32
      %add3A_283 = vector.broadcast %add3A_282 : i32 to vector<16xi32>
      %add3A_284 = arith.addi %add3A_283, %select_n3A_79 : vector<16xi32>
      %add3A_285 = vector.broadcast %add3A_237 : i32 to vector<16xi32>
      %add3A_286 = arith.addi %add3A_285, %mul3A_104 : vector<16xi32>
      %gather3A_287 = tpu.vector_load_idx %arg6[%add3A_284, %add3A_286] : memref<64x80xi32, #tpu.memory_space<vmem>>[vector<16xi32>, vector<16xi32>], vector<16xi32>,
      %add3A_288 = arith.addi %gather3A_287, %mul3A_129 : vector<16xi32>
      %swap3A_289 = arith.constant 1 : i32
      %swap3A_290 = arith.index_cast %swap3A_289 : i32 to index
      %swap3A_291 = arith.constant 64 : index
      %swap3A_292 = tpu.vector_load %arg7[%swap3A_290, %swap3A_291] {strides = array<i32>} : memref<4x128xi32, #tpu.memory_space<vmem>>, vector<16xi32>,
      tpu.vector_store %arg7[%swap3A_290, %swap3A_291], %add3A_288 {strides = array<i32>} : memref<4x128xi32, #tpu.memory_space<vmem>>, vector<16xi32>,
      %add3A_293 = arith.constant 40 : i32
      %add3A_294 = vector.broadcast %add3A_293 : i32 to vector<16xi32>
      %add3A_295 = arith.addi %add3A_294, %select_n3A_79 : vector<16xi32>
      %add3A_296 = vector.broadcast %add3A_237 : i32 to vector<16xi32>
      %add3A_297 = arith.addi %add3A_296, %mul3A_104 : vector<16xi32>
      %gather3A_298 = tpu.vector_load_idx %arg6[%add3A_295, %add3A_297] : memref<64x80xi32, #tpu.memory_space<vmem>>[vector<16xi32>, vector<16xi32>], vector<16xi32>,
      %add3A_299 = arith.addi %gather3A_298, %mul3A_129 : vector<16xi32>
      %swap3A_300 = arith.constant 1 : i32
      %swap3A_301 = arith.index_cast %swap3A_300 : i32 to index
      %swap3A_302 = arith.constant 80 : index
      %swap3A_303 = tpu.vector_load %arg7[%swap3A_301, %swap3A_302] {strides = array<i32>} : memref<4x128xi32, #tpu.memory_space<vmem>>, vector<16xi32>,
      tpu.vector_store %arg7[%swap3A_301, %swap3A_302], %add3A_299 {strides = array<i32>} : memref<4x128xi32, #tpu.memory_space<vmem>>, vector<16xi32>,
      %add3A_304 = arith.constant 48 : i32
      %add3A_305 = vector.broadcast %add3A_304 : i32 to vector<16xi32>
      %add3A_306 = arith.addi %add3A_305, %select_n3A_79 : vector<16xi32>
      %add3A_307 = vector.broadcast %add3A_237 : i32 to vector<16xi32>
      %add3A_308 = arith.addi %add3A_307, %mul3A_104 : vector<16xi32>
      %gather3A_309 = tpu.vector_load_idx %arg6[%add3A_306, %add3A_308] : memref<64x80xi32, #tpu.memory_space<vmem>>[vector<16xi32>, vector<16xi32>], vector<16xi32>,
      %add3A_310 = arith.addi %gather3A_309, %mul3A_129 : vector<16xi32>
      %swap3A_311 = arith.constant 1 : i32
      %swap3A_312 = arith.index_cast %swap3A_311 : i32 to index
      %swap3A_313 = arith.constant 96 : index
      %swap3A_314 = tpu.vector_load %arg7[%swap3A_312, %swap3A_313] {strides = array<i32>} : memref<4x128xi32, #tpu.memory_space<vmem>>, vector<16xi32>,
      tpu.vector_store %arg7[%swap3A_312, %swap3A_313], %add3A_310 {strides = array<i32>} : memref<4x128xi32, #tpu.memory_space<vmem>>, vector<16xi32>,
      %add3A_315 = arith.constant 56 : i32
      %add3A_316 = vector.broadcast %add3A_315 : i32 to vector<16xi32>
      %add3A_317 = arith.addi %add3A_316, %select_n3A_79 : vector<16xi32>
      %add3A_318 = vector.broadcast %add3A_237 : i32 to vector<16xi32>
      %add3A_319 = arith.addi %add3A_318, %mul3A_104 : vector<16xi32>
      %gather3A_320 = tpu.vector_load_idx %arg6[%add3A_317, %add3A_319] : memref<64x80xi32, #tpu.memory_space<vmem>>[vector<16xi32>, vector<16xi32>], vector<16xi32>,
      %add3A_321 = arith.addi %gather3A_320, %mul3A_129 : vector<16xi32>
      %swap3A_322 = arith.constant 1 : i32
      %swap3A_323 = arith.index_cast %swap3A_322 : i32 to index
      %swap3A_324 = arith.constant 112 : index
      %swap3A_325 = tpu.vector_load %arg7[%swap3A_323, %swap3A_324] {strides = array<i32>} : memref<4x128xi32, #tpu.memory_space<vmem>>, vector<16xi32>,
      tpu.vector_store %arg7[%swap3A_323, %swap3A_324], %add3A_321 {strides = array<i32>} : memref<4x128xi32, #tpu.memory_space<vmem>>, vector<16xi32>,
      %mul3A_326 = arith.constant 1 : i32
      %mul3A_327 = arith.muli %scan3A_135, %mul3A_326 : i32
      %add3A_328 = arith.constant 0 : i32
      %add3A_329 = arith.addi %mul3A_327, %add3A_328 : i32
      %mul3A_330 = arith.constant 8 : i32
      %mul3A_331 = arith.muli %add3A_329, %mul3A_330 : i32
      %add3A_332 = arith.constant 2 : i32
      %add3A_333 = arith.addi %mul3A_331, %add3A_332 : i32
      %add3A_334 = arith.constant 0 : i32
      %add3A_335 = vector.broadcast %add3A_334 : i32 to vector<16xi32>
      %add3A_336 = arith.addi %add3A_335, %select_n3A_79 : vector<16xi32>
      %add3A_337 = vector.broadcast %add3A_333 : i32 to vector<16xi32>
      %add3A_338 = arith.addi %add3A_337, %mul3A_104 : vector<16xi32>
      %gather3A_339 = tpu.vector_load_idx %arg6[%add3A_336, %add3A_338] : memref<64x80xi32, #tpu.memory_space<vmem>>[vector<16xi32>, vector<16xi32>], vector<16xi32>,
      %add3A_340 = arith.addi %gather3A_339, %mul3A_129 : vector<16xi32>
      %swap3A_341 = arith.constant 2 : i32
      %swap3A_342 = arith.index_cast %swap3A_341 : i32 to index
      %swap3A_343 = arith.constant 0 : index
      %swap3A_344 = tpu.vector_load %arg7[%swap3A_342, %swap3A_343] {strides = array<i32>} : memref<4x128xi32, #tpu.memory_space<vmem>>, vector<16xi32>,
      tpu.vector_store %arg7[%swap3A_342, %swap3A_343], %add3A_340 {strides = array<i32>} : memref<4x128xi32, #tpu.memory_space<vmem>>, vector<16xi32>,
      %add3A_345 = arith.constant 8 : i32
      %add3A_346 = vector.broadcast %add3A_345 : i32 to vector<16xi32>
      %add3A_347 = arith.addi %add3A_346, %select_n3A_79 : vector<16xi32>
      %add3A_348 = vector.broadcast %add3A_333 : i32 to vector<16xi32>
      %add3A_349 = arith.addi %add3A_348, %mul3A_104 : vector<16xi32>
      %gather3A_350 = tpu.vector_load_idx %arg6[%add3A_347, %add3A_349] : memref<64x80xi32, #tpu.memory_space<vmem>>[vector<16xi32>, vector<16xi32>], vector<16xi32>,
      %add3A_351 = arith.addi %gather3A_350, %mul3A_129 : vector<16xi32>
      %swap3A_352 = arith.constant 2 : i32
      %swap3A_353 = arith.index_cast %swap3A_352 : i32 to index
      %swap3A_354 = arith.constant 16 : index
      %swap3A_355 = tpu.vector_load %arg7[%swap3A_353, %swap3A_354] {strides = array<i32>} : memref<4x128xi32, #tpu.memory_space<vmem>>, vector<16xi32>,
      tpu.vector_store %arg7[%swap3A_353, %swap3A_354], %add3A_351 {strides = array<i32>} : memref<4x128xi32, #tpu.memory_space<vmem>>, vector<16xi32>,
      %add3A_356 = arith.constant 16 : i32
      %add3A_357 = vector.broadcast %add3A_356 : i32 to vector<16xi32>
      %add3A_358 = arith.addi %add3A_357, %select_n3A_79 : vector<16xi32>
      %add3A_359 = vector.broadcast %add3A_333 : i32 to vector<16xi32>
      %add3A_360 = arith.addi %add3A_359, %mul3A_104 : vector<16xi32>
      %gather3A_361 = tpu.vector_load_idx %arg6[%add3A_358, %add3A_360] : memref<64x80xi32, #tpu.memory_space<vmem>>[vector<16xi32>, vector<16xi32>], vector<16xi32>,
      %add3A_362 = arith.addi %gather3A_361, %mul3A_129 : vector<16xi32>
      %swap3A_363 = arith.constant 2 : i32
      %swap3A_364 = arith.index_cast %swap3A_363 : i32 to index
      %swap3A_365 = arith.constant 32 : index
      %swap3A_366 = tpu.vector_load %arg7[%swap3A_364, %swap3A_365] {strides = array<i32>} : memref<4x128xi32, #tpu.memory_space<vmem>>, vector<16xi32>,
      tpu.vector_store %arg7[%swap3A_364, %swap3A_365], %add3A_362 {strides = array<i32>} : memref<4x128xi32, #tpu.memory_space<vmem>>, vector<16xi32>,
      %add3A_367 = arith.constant 24 : i32
      %add3A_368 = vector.broadcast %add3A_367 : i32 to vector<16xi32>
      %add3A_369 = arith.addi %add3A_368, %select_n3A_79 : vector<16xi32>
      %add3A_370 = vector.broadcast %add3A_333 : i32 to vector<16xi32>
      %add3A_371 = arith.addi %add3A_370, %mul3A_104 : vector<16xi32>
      %gather3A_372 = tpu.vector_load_idx %arg6[%add3A_369, %add3A_371] : memref<64x80xi32, #tpu.memory_space<vmem>>[vector<16xi32>, vector<16xi32>], vector<16xi32>,
      %add3A_373 = arith.addi %gather3A_372, %mul3A_129 : vector<16xi32>
      %swap3A_374 = arith.constant 2 : i32
      %swap3A_375 = arith.index_cast %swap3A_374 : i32 to index
      %swap3A_376 = arith.constant 48 : index
      %swap3A_377 = tpu.vector_load %arg7[%swap3A_375, %swap3A_376] {strides = array<i32>} : memref<4x128xi32, #tpu.memory_space<vmem>>, vector<16xi32>,
      tpu.vector_store %arg7[%swap3A_375, %swap3A_376], %add3A_373 {strides = array<i32>} : memref<4x128xi32, #tpu.memory_space<vmem>>, vector<16xi32>,
      %add3A_378 = arith.constant 32 : i32
      %add3A_379 = vector.broadcast %add3A_378 : i32 to vector<16xi32>
      %add3A_380 = arith.addi %add3A_379, %select_n3A_79 : vector<16xi32>
      %add3A_381 = vector.broadcast %add3A_333 : i32 to vector<16xi32>
      %add3A_382 = arith.addi %add3A_381, %mul3A_104 : vector<16xi32>
      %gather3A_383 = tpu.vector_load_idx %arg6[%add3A_380, %add3A_382] : memref<64x80xi32, #tpu.memory_space<vmem>>[vector<16xi32>, vector<16xi32>], vector<16xi32>,
      %add3A_384 = arith.addi %gather3A_383, %mul3A_129 : vector<16xi32>
      %swap3A_385 = arith.constant 2 : i32
      %swap3A_386 = arith.index_cast %swap3A_385 : i32 to index
      %swap3A_387 = arith.constant 64 : index
      %swap3A_388 = tpu.vector_load %arg7[%swap3A_386, %swap3A_387] {strides = array<i32>} : memref<4x128xi32, #tpu.memory_space<vmem>>, vector<16xi32>,
      tpu.vector_store %arg7[%swap3A_386, %swap3A_387], %add3A_384 {strides = array<i32>} : memref<4x128xi32, #tpu.memory_space<vmem>>, vector<16xi32>,
      %add3A_389 = arith.constant 40 : i32
      %add3A_390 = vector.broadcast %add3A_389 : i32 to vector<16xi32>
      %add3A_391 = arith.addi %add3A_390, %select_n3A_79 : vector<16xi32>
      %add3A_392 = vector.broadcast %add3A_333 : i32 to vector<16xi32>
      %add3A_393 = arith.addi %add3A_392, %mul3A_104 : vector<16xi32>
      %gather3A_394 = tpu.vector_load_idx %arg6[%add3A_391, %add3A_393] : memref<64x80xi32, #tpu.memory_space<vmem>>[vector<16xi32>, vector<16xi32>], vector<16xi32>,
      %add3A_395 = arith.addi %gather3A_394, %mul3A_129 : vector<16xi32>
      %swap3A_396 = arith.constant 2 : i32
      %swap3A_397 = arith.index_cast %swap3A_396 : i32 to index
      %swap3A_398 = arith.constant 80 : index
      %swap3A_399 = tpu.vector_load %arg7[%swap3A_397, %swap3A_398] {strides = array<i32>} : memref<4x128xi32, #tpu.memory_space<vmem>>, vector<16xi32>,
      tpu.vector_store %arg7[%swap3A_397, %swap3A_398], %add3A_395 {strides = array<i32>} : memref<4x128xi32, #tpu.memory_space<vmem>>, vector<16xi32>,
      %add3A_400 = arith.constant 48 : i32
      %add3A_401 = vector.broadcast %add3A_400 : i32 to vector<16xi32>
      %add3A_402 = arith.addi %add3A_401, %select_n3A_79 : vector<16xi32>
      %add3A_403 = vector.broadcast %add3A_333 : i32 to vector<16xi32>
      %add3A_404 = arith.addi %add3A_403, %mul3A_104 : vector<16xi32>
      %gather3A_405 = tpu.vector_load_idx %arg6[%add3A_402, %add3A_404] : memref<64x80xi32, #tpu.memory_space<vmem>>[vector<16xi32>, vector<16xi32>], vector<16xi32>,
      %add3A_406 = arith.addi %gather3A_405, %mul3A_129 : vector<16xi32>
      %swap3A_407 = arith.constant 2 : i32
      %swap3A_408 = arith.index_cast %swap3A_407 : i32 to index
      %swap3A_409 = arith.constant 96 : index
      %swap3A_410 = tpu.vector_load %arg7[%swap3A_408, %swap3A_409] {strides = array<i32>} : memref<4x128xi32, #tpu.memory_space<vmem>>, vector<16xi32>,
      tpu.vector_store %arg7[%swap3A_408, %swap3A_409], %add3A_406 {strides = array<i32>} : memref<4x128xi32, #tpu.memory_space<vmem>>, vector<16xi32>,
      %add3A_411 = arith.constant 56 : i32
      %add3A_412 = vector.broadcast %add3A_411 : i32 to vector<16xi32>
      %add3A_413 = arith.addi %add3A_412, %select_n3A_79 : vector<16xi32>
      %add3A_414 = vector.broadcast %add3A_333 : i32 to vector<16xi32>
      %add3A_415 = arith.addi %add3A_414, %mul3A_104 : vector<16xi32>
      %gather3A_416 = tpu.vector_load_idx %arg6[%add3A_413, %add3A_415] : memref<64x80xi32, #tpu.memory_space<vmem>>[vector<16xi32>, vector<16xi32>], vector<16xi32>,
      %add3A_417 = arith.addi %gather3A_416, %mul3A_129 : vector<16xi32>
      %swap3A_418 = arith.constant 2 : i32
      %swap3A_419 = arith.index_cast %swap3A_418 : i32 to index
      %swap3A_420 = arith.constant 112 : index
      %swap3A_421 = tpu.vector_load %arg7[%swap3A_419, %swap3A_420] {strides = array<i32>} : memref<4x128xi32, #tpu.memory_space<vmem>>, vector<16xi32>,
      tpu.vector_store %arg7[%swap3A_419, %swap3A_420], %add3A_417 {strides = array<i32>} : memref<4x128xi32, #tpu.memory_space<vmem>>, vector<16xi32>,
      %mul3A_422 = arith.constant 1 : i32
      %mul3A_423 = arith.muli %scan3A_135, %mul3A_422 : i32
      %add3A_424 = arith.constant 0 : i32
      %add3A_425 = arith.addi %mul3A_423, %add3A_424 : i32
      %mul3A_426 = arith.constant 8 : i32
      %mul3A_427 = arith.muli %add3A_425, %mul3A_426 : i32
      %add3A_428 = arith.constant 3 : i32
      %add3A_429 = arith.addi %mul3A_427, %add3A_428 : i32
      %add3A_430 = arith.constant 0 : i32
      %add3A_431 = vector.broadcast %add3A_430 : i32 to vector<16xi32>
      %add3A_432 = arith.addi %add3A_431, %select_n3A_79 : vector<16xi32>
      %add3A_433 = vector.broadcast %add3A_429 : i32 to vector<16xi32>
      %add3A_434 = arith.addi %add3A_433, %mul3A_104 : vector<16xi32>
      %gather3A_435 = tpu.vector_load_idx %arg6[%add3A_432, %add3A_434] : memref<64x80xi32, #tpu.memory_space<vmem>>[vector<16xi32>, vector<16xi32>], vector<16xi32>,
      %add3A_436 = arith.addi %gather3A_435, %mul3A_129 : vector<16xi32>
      %swap3A_437 = arith.constant 3 : i32
      %swap3A_438 = arith.index_cast %swap3A_437 : i32 to index
      %swap3A_439 = arith.constant 0 : index
      %swap3A_440 = tpu.vector_load %arg7[%swap3A_438, %swap3A_439] {strides = array<i32>} : memref<4x128xi32, #tpu.memory_space<vmem>>, vector<16xi32>,
      tpu.vector_store %arg7[%swap3A_438, %swap3A_439], %add3A_436 {strides = array<i32>} : memref<4x128xi32, #tpu.memory_space<vmem>>, vector<16xi32>,
      %add3A_441 = arith.constant 8 : i32
      %add3A_442 = vector.broadcast %add3A_441 : i32 to vector<16xi32>
      %add3A_443 = arith.addi %add3A_442, %select_n3A_79 : vector<16xi32>
      %add3A_444 = vector.broadcast %add3A_429 : i32 to vector<16xi32>
      %add3A_445 = arith.addi %add3A_444, %mul3A_104 : vector<16xi32>
      %gather3A_446 = tpu.vector_load_idx %arg6[%add3A_443, %add3A_445] : memref<64x80xi32, #tpu.memory_space<vmem>>[vector<16xi32>, vector<16xi32>], vector<16xi32>,
      %add3A_447 = arith.addi %gather3A_446, %mul3A_129 : vector<16xi32>
      %swap3A_448 = arith.constant 3 : i32
      %swap3A_449 = arith.index_cast %swap3A_448 : i32 to index
      %swap3A_450 = arith.constant 16 : index
      %swap3A_451 = tpu.vector_load %arg7[%swap3A_449, %swap3A_450] {strides = array<i32>} : memref<4x128xi32, #tpu.memory_space<vmem>>, vector<16xi32>,
      tpu.vector_store %arg7[%swap3A_449, %swap3A_450], %add3A_447 {strides = array<i32>} : memref<4x128xi32, #tpu.memory_space<vmem>>, vector<16xi32>,
      %add3A_452 = arith.constant 16 : i32
      %add3A_453 = vector.broadcast %add3A_452 : i32 to vector<16xi32>
      %add3A_454 = arith.addi %add3A_453, %select_n3A_79 : vector<16xi32>
      %add3A_455 = vector.broadcast %add3A_429 : i32 to vector<16xi32>
      %add3A_456 = arith.addi %add3A_455, %mul3A_104 : vector<16xi32>
      %gather3A_457 = tpu.vector_load_idx %arg6[%add3A_454, %add3A_456] : memref<64x80xi32, #tpu.memory_space<vmem>>[vector<16xi32>, vector<16xi32>], vector<16xi32>,
      %add3A_458 = arith.addi %gather3A_457, %mul3A_129 : vector<16xi32>
      %swap3A_459 = arith.constant 3 : i32
      %swap3A_460 = arith.index_cast %swap3A_459 : i32 to index
      %swap3A_461 = arith.constant 32 : index
      %swap3A_462 = tpu.vector_load %arg7[%swap3A_460, %swap3A_461] {strides = array<i32>} : memref<4x128xi32, #tpu.memory_space<vmem>>, vector<16xi32>,
      tpu.vector_store %arg7[%swap3A_460, %swap3A_461], %add3A_458 {strides = array<i32>} : memref<4x128xi32, #tpu.memory_space<vmem>>, vector<16xi32>,
      %add3A_463 = arith.constant 24 : i32
      %add3A_464 = vector.broadcast %add3A_463 : i32 to vector<16xi32>
      %add3A_465 = arith.addi %add3A_464, %select_n3A_79 : vector<16xi32>
      %add3A_466 = vector.broadcast %add3A_429 : i32 to vector<16xi32>
      %add3A_467 = arith.addi %add3A_466, %mul3A_104 : vector<16xi32>
      %gather3A_468 = tpu.vector_load_idx %arg6[%add3A_465, %add3A_467] : memref<64x80xi32, #tpu.memory_space<vmem>>[vector<16xi32>, vector<16xi32>], vector<16xi32>,
      %add3A_469 = arith.addi %gather3A_468, %mul3A_129 : vector<16xi32>
      %swap3A_470 = arith.constant 3 : i32
      %swap3A_471 = arith.index_cast %swap3A_470 : i32 to index
      %swap3A_472 = arith.constant 48 : index
      %swap3A_473 = tpu.vector_load %arg7[%swap3A_471, %swap3A_472] {strides = array<i32>} : memref<4x128xi32, #tpu.memory_space<vmem>>, vector<16xi32>,
      tpu.vector_store %arg7[%swap3A_471, %swap3A_472], %add3A_469 {strides = array<i32>} : memref<4x128xi32, #tpu.memory_space<vmem>>, vector<16xi32>,
      %add3A_474 = arith.constant 32 : i32
      %add3A_475 = vector.broadcast %add3A_474 : i32 to vector<16xi32>
      %add3A_476 = arith.addi %add3A_475, %select_n3A_79 : vector<16xi32>
      %add3A_477 = vector.broadcast %add3A_429 : i32 to vector<16xi32>
      %add3A_478 = arith.addi %add3A_477, %mul3A_104 : vector<16xi32>
      %gather3A_479 = tpu.vector_load_idx %arg6[%add3A_476, %add3A_478] : memref<64x80xi32, #tpu.memory_space<vmem>>[vector<16xi32>, vector<16xi32>], vector<16xi32>,
      %add3A_480 = arith.addi %gather3A_479, %mul3A_129 : vector<16xi32>
      %swap3A_481 = arith.constant 3 : i32
      %swap3A_482 = arith.index_cast %swap3A_481 : i32 to index
      %swap3A_483 = arith.constant 64 : index
      %swap3A_484 = tpu.vector_load %arg7[%swap3A_482, %swap3A_483] {strides = array<i32>} : memref<4x128xi32, #tpu.memory_space<vmem>>, vector<16xi32>,
      tpu.vector_store %arg7[%swap3A_482, %swap3A_483], %add3A_480 {strides = array<i32>} : memref<4x128xi32, #tpu.memory_space<vmem>>, vector<16xi32>,
      %add3A_485 = arith.constant 40 : i32
      %add3A_486 = vector.broadcast %add3A_485 : i32 to vector<16xi32>
      %add3A_487 = arith.addi %add3A_486, %select_n3A_79 : vector<16xi32>
      %add3A_488 = vector.broadcast %add3A_429 : i32 to vector<16xi32>
      %add3A_489 = arith.addi %add3A_488, %mul3A_104 : vector<16xi32>
      %gather3A_490 = tpu.vector_load_idx %arg6[%add3A_487, %add3A_489] : memref<64x80xi32, #tpu.memory_space<vmem>>[vector<16xi32>, vector<16xi32>], vector<16xi32>,
      %add3A_491 = arith.addi %gather3A_490, %mul3A_129 : vector<16xi32>
      %swap3A_492 = arith.constant 3 : i32
      %swap3A_493 = arith.index_cast %swap3A_492 : i32 to index
      %swap3A_494 = arith.constant 80 : index
      %swap3A_495 = tpu.vector_load %arg7[%swap3A_493, %swap3A_494] {strides = array<i32>} : memref<4x128xi32, #tpu.memory_space<vmem>>, vector<16xi32>,
      tpu.vector_store %arg7[%swap3A_493, %swap3A_494], %add3A_491 {strides = array<i32>} : memref<4x128xi32, #tpu.memory_space<vmem>>, vector<16xi32>,
      %add3A_496 = arith.constant 48 : i32
      %add3A_497 = vector.broadcast %add3A_496 : i32 to vector<16xi32>
      %add3A_498 = arith.addi %add3A_497, %select_n3A_79 : vector<16xi32>
      %add3A_499 = vector.broadcast %add3A_429 : i32 to vector<16xi32>
      %add3A_500 = arith.addi %add3A_499, %mul3A_104 : vector<16xi32>
      %gather3A_501 = tpu.vector_load_idx %arg6[%add3A_498, %add3A_500] : memref<64x80xi32, #tpu.memory_space<vmem>>[vector<16xi32>, vector<16xi32>], vector<16xi32>,
      %add3A_502 = arith.addi %gather3A_501, %mul3A_129 : vector<16xi32>
      %swap3A_503 = arith.constant 3 : i32
      %swap3A_504 = arith.index_cast %swap3A_503 : i32 to index
      %swap3A_505 = arith.constant 96 : index
      %swap3A_506 = tpu.vector_load %arg7[%swap3A_504, %swap3A_505] {strides = array<i32>} : memref<4x128xi32, #tpu.memory_space<vmem>>, vector<16xi32>,
      tpu.vector_store %arg7[%swap3A_504, %swap3A_505], %add3A_502 {strides = array<i32>} : memref<4x128xi32, #tpu.memory_space<vmem>>, vector<16xi32>,
      %add3A_507 = arith.constant 56 : i32
      %add3A_508 = vector.broadcast %add3A_507 : i32 to vector<16xi32>
      %add3A_509 = arith.addi %add3A_508, %select_n3A_79 : vector<16xi32>
      %add3A_510 = vector.broadcast %add3A_429 : i32 to vector<16xi32>
      %add3A_511 = arith.addi %add3A_510, %mul3A_104 : vector<16xi32>
      %gather3A_512 = tpu.vector_load_idx %arg6[%add3A_509, %add3A_511] : memref<64x80xi32, #tpu.memory_space<vmem>>[vector<16xi32>, vector<16xi32>], vector<16xi32>,
      %add3A_513 = arith.addi %gather3A_512, %mul3A_129 : vector<16xi32>
      %swap3A_514 = arith.constant 3 : i32
      %swap3A_515 = arith.index_cast %swap3A_514 : i32 to index
      %swap3A_516 = arith.constant 112 : index
      %swap3A_517 = tpu.vector_load %arg7[%swap3A_515, %swap3A_516] {strides = array<i32>} : memref<4x128xi32, #tpu.memory_space<vmem>>, vector<16xi32>,
      tpu.vector_store %arg7[%swap3A_515, %swap3A_516], %add3A_513 {strides = array<i32>} : memref<4x128xi32, #tpu.memory_space<vmem>>, vector<16xi32>,
      %dma_start3A = arith.constant 0 : i32
      %dma_start3A_518 = arith.constant 0 : i32
      %dma_start3A_519 = arith.constant 0 : i32
      %dma_start3A_520 = arith.constant 0 : i32
      %dma_start3A_521 = tpu.memref_slice %arg8[%dma_start3A_518, %dma_start3A_519, %dma_start3A_520] : memref<4x128x32xf32, #tpu.memory_space<vmem>> -> memref<1x128x32xf32, #tpu.memory_space<vmem>>
      %dma_start3A_522 = tpu.memref_squeeze %dma_start3A_521 : memref<1x128x32xf32, #tpu.memory_space<vmem>> -> memref<128x32xf32, #tpu.memory_space<vmem>>
      %dma_start3A_523 = arith.constant 0 : i32
      %dma_start3A_524 = tpu.memref_slice %arg7[%dma_start3A, %dma_start3A_523] : memref<4x128xi32, #tpu.memory_space<vmem>> -> memref<1x128xi32, #tpu.memory_space<vmem>>
      %dma_start3A_525 = tpu.memref_squeeze %dma_start3A_524 : memref<1x128xi32, #tpu.memory_space<vmem>> -> memref<128xi32, #tpu.memory_space<vmem>>
      %dma_start3A_526 = arith.constant 0 : i32
      %dma_start3A_527 = arith.constant 0 : i32
      %dma_start3A_528 = tpu.memref_slice %arg9[%dma_start3A_526, %dma_start3A_527] : memref<16384x32xf32, #tpu.memory_space<vmem_shared>> -> memref<16384x32xf32, #tpu.memory_space<vmem_shared>>
      tpu.enqueue_indirect_dma source(%dma_start3A_528 : memref<16384x32xf32, #tpu.memory_space<vmem_shared>>) target(%dma_start3A_522 : memref<128x32xf32, #tpu.memory_space<vmem>>) offsets(%dma_start3A_525 : memref<128xi32, #tpu.memory_space<vmem>>) semaphore(%arg10 : memref<!tpu.dma_semaphore, #tpu.memory_space<semaphore_mem>>)
      %dma_start3A_529 = arith.constant 1 : i32
      %dma_start3A_530 = arith.constant 1 : i32
      %dma_start3A_531 = arith.constant 0 : i32
      %dma_start3A_532 = arith.constant 0 : i32
      %dma_start3A_533 = tpu.memref_slice %arg8[%dma_start3A_530, %dma_start3A_531, %dma_start3A_532] : memref<4x128x32xf32, #tpu.memory_space<vmem>> -> memref<1x128x32xf32, #tpu.memory_space<vmem>>
      %dma_start3A_534 = tpu.memref_squeeze %dma_start3A_533 : memref<1x128x32xf32, #tpu.memory_space<vmem>> -> memref<128x32xf32, #tpu.memory_space<vmem>>
      %dma_start3A_535 = arith.constant 0 : i32
      %dma_start3A_536 = tpu.memref_slice %arg7[%dma_start3A_529, %dma_start3A_535] : memref<4x128xi32, #tpu.memory_space<vmem>> -> memref<1x128xi32, #tpu.memory_space<vmem>>
      %dma_start3A_537 = tpu.memref_squeeze %dma_start3A_536 : memref<1x128xi32, #tpu.memory_space<vmem>> -> memref<128xi32, #tpu.memory_space<vmem>>
      %dma_start3A_538 = arith.constant 0 : i32
      %dma_start3A_539 = arith.constant 0 : i32
      %dma_start3A_540 = tpu.memref_slice %arg9[%dma_start3A_538, %dma_start3A_539] : memref<16384x32xf32, #tpu.memory_space<vmem_shared>> -> memref<16384x32xf32, #tpu.memory_space<vmem_shared>>
      tpu.enqueue_indirect_dma source(%dma_start3A_540 : memref<16384x32xf32, #tpu.memory_space<vmem_shared>>) target(%dma_start3A_534 : memref<128x32xf32, #tpu.memory_space<vmem>>) offsets(%dma_start3A_537 : memref<128xi32, #tpu.memory_space<vmem>>) semaphore(%arg10 : memref<!tpu.dma_semaphore, #tpu.memory_space<semaphore_mem>>)
      %dma_start3A_541 = arith.constant 2 : i32
      %dma_start3A_542 = arith.constant 2 : i32
      %dma_start3A_543 = arith.constant 0 : i32
      %dma_start3A_544 = arith.constant 0 : i32
      %dma_start3A_545 = tpu.memref_slice %arg8[%dma_start3A_542, %dma_start3A_543, %dma_start3A_544] : memref<4x128x32xf32, #tpu.memory_space<vmem>> -> memref<1x128x32xf32, #tpu.memory_space<vmem>>
      %dma_start3A_546 = tpu.memref_squeeze %dma_start3A_545 : memref<1x128x32xf32, #tpu.memory_space<vmem>> -> memref<128x32xf32, #tpu.memory_space<vmem>>
      %dma_start3A_547 = arith.constant 0 : i32
      %dma_start3A_548 = tpu.memref_slice %arg7[%dma_start3A_541, %dma_start3A_547] : memref<4x128xi32, #tpu.memory_space<vmem>> -> memref<1x128xi32, #tpu.memory_space<vmem>>
      %dma_start3A_549 = tpu.memref_squeeze %dma_start3A_548 : memref<1x128xi32, #tpu.memory_space<vmem>> -> memref<128xi32, #tpu.memory_space<vmem>>
      %dma_start3A_550 = arith.constant 0 : i32
      %dma_start3A_551 = arith.constant 0 : i32
      %dma_start3A_552 = tpu.memref_slice %arg9[%dma_start3A_550, %dma_start3A_551] : memref<16384x32xf32, #tpu.memory_space<vmem_shared>> -> memref<16384x32xf32, #tpu.memory_space<vmem_shared>>
      tpu.enqueue_indirect_dma source(%dma_start3A_552 : memref<16384x32xf32, #tpu.memory_space<vmem_shared>>) target(%dma_start3A_546 : memref<128x32xf32, #tpu.memory_space<vmem>>) offsets(%dma_start3A_549 : memref<128xi32, #tpu.memory_space<vmem>>) semaphore(%arg10 : memref<!tpu.dma_semaphore, #tpu.memory_space<semaphore_mem>>)
      %dma_start3A_553 = arith.constant 3 : i32
      %dma_start3A_554 = arith.constant 3 : i32
      %dma_start3A_555 = arith.constant 0 : i32
      %dma_start3A_556 = arith.constant 0 : i32
      %dma_start3A_557 = tpu.memref_slice %arg8[%dma_start3A_554, %dma_start3A_555, %dma_start3A_556] : memref<4x128x32xf32, #tpu.memory_space<vmem>> -> memref<1x128x32xf32, #tpu.memory_space<vmem>>
      %dma_start3A_558 = tpu.memref_squeeze %dma_start3A_557 : memref<1x128x32xf32, #tpu.memory_space<vmem>> -> memref<128x32xf32, #tpu.memory_space<vmem>>
      %dma_start3A_559 = arith.constant 0 : i32
      %dma_start3A_560 = tpu.memref_slice %arg7[%dma_start3A_553, %dma_start3A_559] : memref<4x128xi32, #tpu.memory_space<vmem>> -> memref<1x128xi32, #tpu.memory_space<vmem>>
      %dma_start3A_561 = tpu.memref_squeeze %dma_start3A_560 : memref<1x128xi32, #tpu.memory_space<vmem>> -> memref<128xi32, #tpu.memory_space<vmem>>
      %dma_start3A_562 = arith.constant 0 : i32
      %dma_start3A_563 = arith.constant 0 : i32
      %dma_start3A_564 = tpu.memref_slice %arg9[%dma_start3A_562, %dma_start3A_563] : memref<16384x32xf32, #tpu.memory_space<vmem_shared>> -> memref<16384x32xf32, #tpu.memory_space<vmem_shared>>
      tpu.enqueue_indirect_dma source(%dma_start3A_564 : memref<16384x32xf32, #tpu.memory_space<vmem_shared>>) target(%dma_start3A_558 : memref<128x32xf32, #tpu.memory_space<vmem>>) offsets(%dma_start3A_561 : memref<128xi32, #tpu.memory_space<vmem>>) semaphore(%arg10 : memref<!tpu.dma_semaphore, #tpu.memory_space<semaphore_mem>>)
      %dma_wait3A = arith.constant 0 : i32
      %dma_wait3A_565 = arith.constant 0 : i32
      %dma_wait3A_566 = arith.constant 0 : i32
      %dma_wait3A_567 = arith.constant 0 : i32
      %dma_wait3A_568 = tpu.memref_slice %arg8[%dma_wait3A_565, %dma_wait3A_566, %dma_wait3A_567] : memref<4x128x32xf32, #tpu.memory_space<vmem>> -> memref<1x128x32xf32, #tpu.memory_space<vmem>>
      %dma_wait3A_569 = tpu.memref_squeeze %dma_wait3A_568 : memref<1x128x32xf32, #tpu.memory_space<vmem>> -> memref<128x32xf32, #tpu.memory_space<vmem>>
      %dma_wait3A_570 = arith.constant 0 : i32
      %dma_wait3A_571 = tpu.memref_slice %arg7[%dma_wait3A, %dma_wait3A_570] : memref<4x128xi32, #tpu.memory_space<vmem>> -> memref<1x128xi32, #tpu.memory_space<vmem>>
      %dma_wait3A_572 = tpu.memref_squeeze %dma_wait3A_571 : memref<1x128xi32, #tpu.memory_space<vmem>> -> memref<128xi32, #tpu.memory_space<vmem>>
      %dma_wait3A_573 = arith.constant 0 : i32
      %dma_wait3A_574 = arith.constant 0 : i32
      %dma_wait3A_575 = tpu.memref_slice %arg9[%dma_wait3A_573, %dma_wait3A_574] : memref<16384x32xf32, #tpu.memory_space<vmem_shared>> -> memref<16384x32xf32, #tpu.memory_space<vmem_shared>>
      tpu.wait_indirect_dma semaphore(%arg10 : memref<!tpu.dma_semaphore, #tpu.memory_space<semaphore_mem>>) src(%dma_wait3A_575 : memref<16384x32xf32, #tpu.memory_space<vmem_shared>>) dst(%dma_wait3A_569 : memref<128x32xf32, #tpu.memory_space<vmem>>)
      %dma_wait3A_576 = arith.constant 1 : i32
      %dma_wait3A_577 = arith.constant 1 : i32
      %dma_wait3A_578 = arith.constant 0 : i32
      %dma_wait3A_579 = arith.constant 0 : i32
      %dma_wait3A_580 = tpu.memref_slice %arg8[%dma_wait3A_577, %dma_wait3A_578, %dma_wait3A_579] : memref<4x128x32xf32, #tpu.memory_space<vmem>> -> memref<1x128x32xf32, #tpu.memory_space<vmem>>
      %dma_wait3A_581 = tpu.memref_squeeze %dma_wait3A_580 : memref<1x128x32xf32, #tpu.memory_space<vmem>> -> memref<128x32xf32, #tpu.memory_space<vmem>>
      %dma_wait3A_582 = arith.constant 0 : i32
      %dma_wait3A_583 = tpu.memref_slice %arg7[%dma_wait3A_576, %dma_wait3A_582] : memref<4x128xi32, #tpu.memory_space<vmem>> -> memref<1x128xi32, #tpu.memory_space<vmem>>
      %dma_wait3A_584 = tpu.memref_squeeze %dma_wait3A_583 : memref<1x128xi32, #tpu.memory_space<vmem>> -> memref<128xi32, #tpu.memory_space<vmem>>
      %dma_wait3A_585 = arith.constant 0 : i32
      %dma_wait3A_586 = arith.constant 0 : i32
      %dma_wait3A_587 = tpu.memref_slice %arg9[%dma_wait3A_585, %dma_wait3A_586] : memref<16384x32xf32, #tpu.memory_space<vmem_shared>> -> memref<16384x32xf32, #tpu.memory_space<vmem_shared>>
      tpu.wait_indirect_dma semaphore(%arg10 : memref<!tpu.dma_semaphore, #tpu.memory_space<semaphore_mem>>) src(%dma_wait3A_587 : memref<16384x32xf32, #tpu.memory_space<vmem_shared>>) dst(%dma_wait3A_581 : memref<128x32xf32, #tpu.memory_space<vmem>>)
      %dma_wait3A_588 = arith.constant 2 : i32
      %dma_wait3A_589 = arith.constant 2 : i32
      %dma_wait3A_590 = arith.constant 0 : i32
      %dma_wait3A_591 = arith.constant 0 : i32
      %dma_wait3A_592 = tpu.memref_slice %arg8[%dma_wait3A_589, %dma_wait3A_590, %dma_wait3A_591] : memref<4x128x32xf32, #tpu.memory_space<vmem>> -> memref<1x128x32xf32, #tpu.memory_space<vmem>>
      %dma_wait3A_593 = tpu.memref_squeeze %dma_wait3A_592 : memref<1x128x32xf32, #tpu.memory_space<vmem>> -> memref<128x32xf32, #tpu.memory_space<vmem>>
      %dma_wait3A_594 = arith.constant 0 : i32
      %dma_wait3A_595 = tpu.memref_slice %arg7[%dma_wait3A_588, %dma_wait3A_594] : memref<4x128xi32, #tpu.memory_space<vmem>> -> memref<1x128xi32, #tpu.memory_space<vmem>>
      %dma_wait3A_596 = tpu.memref_squeeze %dma_wait3A_595 : memref<1x128xi32, #tpu.memory_space<vmem>> -> memref<128xi32, #tpu.memory_space<vmem>>
      %dma_wait3A_597 = arith.constant 0 : i32
      %dma_wait3A_598 = arith.constant 0 : i32
      %dma_wait3A_599 = tpu.memref_slice %arg9[%dma_wait3A_597, %dma_wait3A_598] : memref<16384x32xf32, #tpu.memory_space<vmem_shared>> -> memref<16384x32xf32, #tpu.memory_space<vmem_shared>>
      tpu.wait_indirect_dma semaphore(%arg10 : memref<!tpu.dma_semaphore, #tpu.memory_space<semaphore_mem>>) src(%dma_wait3A_599 : memref<16384x32xf32, #tpu.memory_space<vmem_shared>>) dst(%dma_wait3A_593 : memref<128x32xf32, #tpu.memory_space<vmem>>)
      %dma_wait3A_600 = arith.constant 3 : i32
      %dma_wait3A_601 = arith.constant 3 : i32
      %dma_wait3A_602 = arith.constant 0 : i32
      %dma_wait3A_603 = arith.constant 0 : i32
      %dma_wait3A_604 = tpu.memref_slice %arg8[%dma_wait3A_601, %dma_wait3A_602, %dma_wait3A_603] : memref<4x128x32xf32, #tpu.memory_space<vmem>> -> memref<1x128x32xf32, #tpu.memory_space<vmem>>
      %dma_wait3A_605 = tpu.memref_squeeze %dma_wait3A_604 : memref<1x128x32xf32, #tpu.memory_space<vmem>> -> memref<128x32xf32, #tpu.memory_space<vmem>>
      %dma_wait3A_606 = arith.constant 0 : i32
      %dma_wait3A_607 = tpu.memref_slice %arg7[%dma_wait3A_600, %dma_wait3A_606] : memref<4x128xi32, #tpu.memory_space<vmem>> -> memref<1x128xi32, #tpu.memory_space<vmem>>
      %dma_wait3A_608 = tpu.memref_squeeze %dma_wait3A_607 : memref<1x128xi32, #tpu.memory_space<vmem>> -> memref<128xi32, #tpu.memory_space<vmem>>
      %dma_wait3A_609 = arith.constant 0 : i32
      %dma_wait3A_610 = arith.constant 0 : i32
      %dma_wait3A_611 = tpu.memref_slice %arg9[%dma_wait3A_609, %dma_wait3A_610] : memref<16384x32xf32, #tpu.memory_space<vmem_shared>> -> memref<16384x32xf32, #tpu.memory_space<vmem_shared>>
      tpu.wait_indirect_dma semaphore(%arg10 : memref<!tpu.dma_semaphore, #tpu.memory_space<semaphore_mem>>) src(%dma_wait3A_611 : memref<16384x32xf32, #tpu.memory_space<vmem_shared>>) dst(%dma_wait3A_605 : memref<128x32xf32, #tpu.memory_space<vmem>>)
      %mul3A_612 = arith.constant 10 : i32
      %mul3A_613 = arith.muli %select_n3A_30, %mul3A_612 : i32
      %mul3A_614 = arith.constant 1 : i32
      %mul3A_615 = arith.muli %scan3A_135, %mul3A_614 : i32
      %add3A_616 = arith.addi %mul3A_613, %mul3A_615 : i32
      %add3A_617 = arith.constant 0 : i32
      %add3A_618 = arith.addi %add3A_616, %add3A_617 : i32
      %mul3A_619 = arith.constant 2 : i32
      %mul3A_620 = arith.muli %add3A_618, %mul3A_619 : i32
      %mul3A_621 = arith.constant 1024 : i32
      %mul3A_622 = arith.muli %mul3A_620, %mul3A_621 : i32
      %mul3A_623 = arith.constant 128 : i32
      %mul3A_624 = arith.muli %select_n3A_9, %mul3A_623 : i32
      %add3A_625 = arith.addi %mul3A_622, %mul3A_624 : i32
      %run_scoped3A = arith.constant 0 : i32
      "tpu.region"() ({
        %run_scoped3A_629 = tpu.sem_alloc : memref<!tpu.dma_semaphore, #tpu.memory_space<semaphore_mem>>
        %dma_start3A_630 = arith.constant 0 : i32
        %dma_start3A_631 = arith.constant 0 : i32
        %dma_start3A_632 = tpu.memref_slice %arg8[%run_scoped3A, %dma_start3A_630, %dma_start3A_631] : memref<4x128x32xf32, #tpu.memory_space<vmem>> -> memref<1x128x32xf32, #tpu.memory_space<vmem>>
        %dma_start3A_633 = tpu.memref_squeeze %dma_start3A_632 : memref<1x128x32xf32, #tpu.memory_space<vmem>> -> memref<128x32xf32, #tpu.memory_space<vmem>>
        %dma_start3A_634 = arith.constant 0 : i32
        %dma_start3A_635 = tpu.memref_slice %arg5[%add3A_625, %dma_start3A_634] : memref<40960x128xf32, #tpu.memory_space<hbm>> -> memref<128x32xf32, #tpu.memory_space<hbm>>
        %dma_start3A_636 = arith.constant 0 : i32
        %dma_start3A_637 = tpu.memref_slice %arg5[%add3A_625, %dma_start3A_636] : memref<40960x128xf32, #tpu.memory_space<hbm>> -> memref<128x32xf32, #tpu.memory_space<hbm>>
        %dma_start3A_638 = arith.constant 0 : i32
        %dma_start3A_639 = arith.constant 0 : i32
        %dma_start3A_640 = tpu.memref_slice %arg8[%run_scoped3A, %dma_start3A_638, %dma_start3A_639] : memref<4x128x32xf32, #tpu.memory_space<vmem>> -> memref<1x128x32xf32, #tpu.memory_space<vmem>>
        %dma_start3A_641 = tpu.memref_squeeze %dma_start3A_640 : memref<1x128x32xf32, #tpu.memory_space<vmem>> -> memref<128x32xf32, #tpu.memory_space<vmem>>
        tpu.enqueue_dma source(%dma_start3A_641 : memref<128x32xf32, #tpu.memory_space<vmem>>) target(%dma_start3A_637 : memref<128x32xf32, #tpu.memory_space<hbm>>) target_semaphore(%run_scoped3A_629 : memref<!tpu.dma_semaphore, #tpu.memory_space<semaphore_mem>>)
        %dma_wait3A_642 = arith.constant 0 : i32
        %dma_wait3A_643 = arith.constant 0 : i32
        %dma_wait3A_644 = tpu.memref_slice %arg8[%run_scoped3A, %dma_wait3A_642, %dma_wait3A_643] : memref<4x128x32xf32, #tpu.memory_space<vmem>> -> memref<1x128x32xf32, #tpu.memory_space<vmem>>
        %dma_wait3A_645 = tpu.memref_squeeze %dma_wait3A_644 : memref<1x128x32xf32, #tpu.memory_space<vmem>> -> memref<128x32xf32, #tpu.memory_space<vmem>>
        %dma_wait3A_646 = arith.constant 0 : i32
        %dma_wait3A_647 = tpu.memref_slice %arg5[%add3A_625, %dma_wait3A_646] : memref<40960x128xf32, #tpu.memory_space<hbm>> -> memref<128x32xf32, #tpu.memory_space<hbm>>
        %dma_wait3A_648 = arith.constant 0 : i32
        %dma_wait3A_649 = tpu.memref_slice %arg5[%add3A_625, %dma_wait3A_648] : memref<40960x128xf32, #tpu.memory_space<hbm>> -> memref<128x32xf32, #tpu.memory_space<hbm>>
        %dma_wait3A_650 = arith.constant 0 : i32
        %dma_wait3A_651 = arith.constant 0 : i32
        %dma_wait3A_652 = tpu.memref_slice %arg8[%run_scoped3A, %dma_wait3A_650, %dma_wait3A_651] : memref<4x128x32xf32, #tpu.memory_space<vmem>> -> memref<1x128x32xf32, #tpu.memory_space<vmem>>
        %dma_wait3A_653 = tpu.memref_squeeze %dma_wait3A_652 : memref<1x128x32xf32, #tpu.memory_space<vmem>> -> memref<128x32xf32, #tpu.memory_space<vmem>>
        tpu.wait_dma2 semaphore(%run_scoped3A_629 : memref<!tpu.dma_semaphore, #tpu.memory_space<semaphore_mem>>) src(%dma_wait3A_653 : memref<128x32xf32, #tpu.memory_space<vmem>>) dst(%dma_wait3A_649 : memref<128x32xf32, #tpu.memory_space<hbm>>)
        tpu.yield
      }) : () -> ()
      %run_scoped3A_626 = arith.constant 1 : i32
      "tpu.region"() ({
        %run_scoped3A_629 = tpu.sem_alloc : memref<!tpu.dma_semaphore, #tpu.memory_space<semaphore_mem>>
        %dma_start3A_630 = arith.constant 0 : i32
        %dma_start3A_631 = arith.constant 0 : i32
        %dma_start3A_632 = tpu.memref_slice %arg8[%run_scoped3A_626, %dma_start3A_630, %dma_start3A_631] : memref<4x128x32xf32, #tpu.memory_space<vmem>> -> memref<1x128x32xf32, #tpu.memory_space<vmem>>
        %dma_start3A_633 = tpu.memref_squeeze %dma_start3A_632 : memref<1x128x32xf32, #tpu.memory_space<vmem>> -> memref<128x32xf32, #tpu.memory_space<vmem>>
        %dma_start3A_634 = arith.constant 32 : i32
        %dma_start3A_635 = tpu.memref_slice %arg5[%add3A_625, %dma_start3A_634] : memref<40960x128xf32, #tpu.memory_space<hbm>> -> memref<128x32xf32, #tpu.memory_space<hbm>>
        %dma_start3A_636 = arith.constant 32 : i32
        %dma_start3A_637 = tpu.memref_slice %arg5[%add3A_625, %dma_start3A_636] : memref<40960x128xf32, #tpu.memory_space<hbm>> -> memref<128x32xf32, #tpu.memory_space<hbm>>
        %dma_start3A_638 = arith.constant 0 : i32
        %dma_start3A_639 = arith.constant 0 : i32
        %dma_start3A_640 = tpu.memref_slice %arg8[%run_scoped3A_626, %dma_start3A_638, %dma_start3A_639] : memref<4x128x32xf32, #tpu.memory_space<vmem>> -> memref<1x128x32xf32, #tpu.memory_space<vmem>>
        %dma_start3A_641 = tpu.memref_squeeze %dma_start3A_640 : memref<1x128x32xf32, #tpu.memory_space<vmem>> -> memref<128x32xf32, #tpu.memory_space<vmem>>
        tpu.enqueue_dma source(%dma_start3A_641 : memref<128x32xf32, #tpu.memory_space<vmem>>) target(%dma_start3A_637 : memref<128x32xf32, #tpu.memory_space<hbm>>) target_semaphore(%run_scoped3A_629 : memref<!tpu.dma_semaphore, #tpu.memory_space<semaphore_mem>>)
        %dma_wait3A_642 = arith.constant 0 : i32
        %dma_wait3A_643 = arith.constant 0 : i32
        %dma_wait3A_644 = tpu.memref_slice %arg8[%run_scoped3A_626, %dma_wait3A_642, %dma_wait3A_643] : memref<4x128x32xf32, #tpu.memory_space<vmem>> -> memref<1x128x32xf32, #tpu.memory_space<vmem>>
        %dma_wait3A_645 = tpu.memref_squeeze %dma_wait3A_644 : memref<1x128x32xf32, #tpu.memory_space<vmem>> -> memref<128x32xf32, #tpu.memory_space<vmem>>
        %dma_wait3A_646 = arith.constant 32 : i32
        %dma_wait3A_647 = tpu.memref_slice %arg5[%add3A_625, %dma_wait3A_646] : memref<40960x128xf32, #tpu.memory_space<hbm>> -> memref<128x32xf32, #tpu.memory_space<hbm>>
        %dma_wait3A_648 = arith.constant 32 : i32
        %dma_wait3A_649 = tpu.memref_slice %arg5[%add3A_625, %dma_wait3A_648] : memref<40960x128xf32, #tpu.memory_space<hbm>> -> memref<128x32xf32, #tpu.memory_space<hbm>>
        %dma_wait3A_650 = arith.constant 0 : i32
        %dma_wait3A_651 = arith.constant 0 : i32
        %dma_wait3A_652 = tpu.memref_slice %arg8[%run_scoped3A_626, %dma_wait3A_650, %dma_wait3A_651] : memref<4x128x32xf32, #tpu.memory_space<vmem>> -> memref<1x128x32xf32, #tpu.memory_space<vmem>>
        %dma_wait3A_653 = tpu.memref_squeeze %dma_wait3A_652 : memref<1x128x32xf32, #tpu.memory_space<vmem>> -> memref<128x32xf32, #tpu.memory_space<vmem>>
        tpu.wait_dma2 semaphore(%run_scoped3A_629 : memref<!tpu.dma_semaphore, #tpu.memory_space<semaphore_mem>>) src(%dma_wait3A_653 : memref<128x32xf32, #tpu.memory_space<vmem>>) dst(%dma_wait3A_649 : memref<128x32xf32, #tpu.memory_space<hbm>>)
        tpu.yield
      }) : () -> ()
      %run_scoped3A_627 = arith.constant 2 : i32
      "tpu.region"() ({
        %run_scoped3A_629 = tpu.sem_alloc : memref<!tpu.dma_semaphore, #tpu.memory_space<semaphore_mem>>
        %dma_start3A_630 = arith.constant 0 : i32
        %dma_start3A_631 = arith.constant 0 : i32
        %dma_start3A_632 = tpu.memref_slice %arg8[%run_scoped3A_627, %dma_start3A_630, %dma_start3A_631] : memref<4x128x32xf32, #tpu.memory_space<vmem>> -> memref<1x128x32xf32, #tpu.memory_space<vmem>>
        %dma_start3A_633 = tpu.memref_squeeze %dma_start3A_632 : memref<1x128x32xf32, #tpu.memory_space<vmem>> -> memref<128x32xf32, #tpu.memory_space<vmem>>
        %dma_start3A_634 = arith.constant 64 : i32
        %dma_start3A_635 = tpu.memref_slice %arg5[%add3A_625, %dma_start3A_634] : memref<40960x128xf32, #tpu.memory_space<hbm>> -> memref<128x32xf32, #tpu.memory_space<hbm>>
        %dma_start3A_636 = arith.constant 64 : i32
        %dma_start3A_637 = tpu.memref_slice %arg5[%add3A_625, %dma_start3A_636] : memref<40960x128xf32, #tpu.memory_space<hbm>> -> memref<128x32xf32, #tpu.memory_space<hbm>>
        %dma_start3A_638 = arith.constant 0 : i32
        %dma_start3A_639 = arith.constant 0 : i32
        %dma_start3A_640 = tpu.memref_slice %arg8[%run_scoped3A_627, %dma_start3A_638, %dma_start3A_639] : memref<4x128x32xf32, #tpu.memory_space<vmem>> -> memref<1x128x32xf32, #tpu.memory_space<vmem>>
        %dma_start3A_641 = tpu.memref_squeeze %dma_start3A_640 : memref<1x128x32xf32, #tpu.memory_space<vmem>> -> memref<128x32xf32, #tpu.memory_space<vmem>>
        tpu.enqueue_dma source(%dma_start3A_641 : memref<128x32xf32, #tpu.memory_space<vmem>>) target(%dma_start3A_637 : memref<128x32xf32, #tpu.memory_space<hbm>>) target_semaphore(%run_scoped3A_629 : memref<!tpu.dma_semaphore, #tpu.memory_space<semaphore_mem>>)
        %dma_wait3A_642 = arith.constant 0 : i32
        %dma_wait3A_643 = arith.constant 0 : i32
        %dma_wait3A_644 = tpu.memref_slice %arg8[%run_scoped3A_627, %dma_wait3A_642, %dma_wait3A_643] : memref<4x128x32xf32, #tpu.memory_space<vmem>> -> memref<1x128x32xf32, #tpu.memory_space<vmem>>
        %dma_wait3A_645 = tpu.memref_squeeze %dma_wait3A_644 : memref<1x128x32xf32, #tpu.memory_space<vmem>> -> memref<128x32xf32, #tpu.memory_space<vmem>>
        %dma_wait3A_646 = arith.constant 64 : i32
        %dma_wait3A_647 = tpu.memref_slice %arg5[%add3A_625, %dma_wait3A_646] : memref<40960x128xf32, #tpu.memory_space<hbm>> -> memref<128x32xf32, #tpu.memory_space<hbm>>
        %dma_wait3A_648 = arith.constant 64 : i32
        %dma_wait3A_649 = tpu.memref_slice %arg5[%add3A_625, %dma_wait3A_648] : memref<40960x128xf32, #tpu.memory_space<hbm>> -> memref<128x32xf32, #tpu.memory_space<hbm>>
        %dma_wait3A_650 = arith.constant 0 : i32
        %dma_wait3A_651 = arith.constant 0 : i32
        %dma_wait3A_652 = tpu.memref_slice %arg8[%run_scoped3A_627, %dma_wait3A_650, %dma_wait3A_651] : memref<4x128x32xf32, #tpu.memory_space<vmem>> -> memref<1x128x32xf32, #tpu.memory_space<vmem>>
        %dma_wait3A_653 = tpu.memref_squeeze %dma_wait3A_652 : memref<1x128x32xf32, #tpu.memory_space<vmem>> -> memref<128x32xf32, #tpu.memory_space<vmem>>
        tpu.wait_dma2 semaphore(%run_scoped3A_629 : memref<!tpu.dma_semaphore, #tpu.memory_space<semaphore_mem>>) src(%dma_wait3A_653 : memref<128x32xf32, #tpu.memory_space<vmem>>) dst(%dma_wait3A_649 : memref<128x32xf32, #tpu.memory_space<hbm>>)
        tpu.yield
      }) : () -> ()
      %run_scoped3A_628 = arith.constant 3 : i32
      "tpu.region"() ({
        %run_scoped3A_629 = tpu.sem_alloc : memref<!tpu.dma_semaphore, #tpu.memory_space<semaphore_mem>>
        %dma_start3A_630 = arith.constant 0 : i32
        %dma_start3A_631 = arith.constant 0 : i32
        %dma_start3A_632 = tpu.memref_slice %arg8[%run_scoped3A_628, %dma_start3A_630, %dma_start3A_631] : memref<4x128x32xf32, #tpu.memory_space<vmem>> -> memref<1x128x32xf32, #tpu.memory_space<vmem>>
        %dma_start3A_633 = tpu.memref_squeeze %dma_start3A_632 : memref<1x128x32xf32, #tpu.memory_space<vmem>> -> memref<128x32xf32, #tpu.memory_space<vmem>>
        %dma_start3A_634 = arith.constant 96 : i32
        %dma_start3A_635 = tpu.memref_slice %arg5[%add3A_625, %dma_start3A_634] : memref<40960x128xf32, #tpu.memory_space<hbm>> -> memref<128x32xf32, #tpu.memory_space<hbm>>
        %dma_start3A_636 = arith.constant 96 : i32
        %dma_start3A_637 = tpu.memref_slice %arg5[%add3A_625, %dma_start3A_636] : memref<40960x128xf32, #tpu.memory_space<hbm>> -> memref<128x32xf32, #tpu.memory_space<hbm>>
        %dma_start3A_638 = arith.constant 0 : i32
        %dma_start3A_639 = arith.constant 0 : i32
        %dma_start3A_640 = tpu.memref_slice %arg8[%run_scoped3A_628, %dma_start3A_638, %dma_start3A_639] : memref<4x128x32xf32, #tpu.memory_space<vmem>> -> memref<1x128x32xf32, #tpu.memory_space<vmem>>
        %dma_start3A_641 = tpu.memref_squeeze %dma_start3A_640 : memref<1x128x32xf32, #tpu.memory_space<vmem>> -> memref<128x32xf32, #tpu.memory_space<vmem>>
        tpu.enqueue_dma source(%dma_start3A_641 : memref<128x32xf32, #tpu.memory_space<vmem>>) target(%dma_start3A_637 : memref<128x32xf32, #tpu.memory_space<hbm>>) target_semaphore(%run_scoped3A_629 : memref<!tpu.dma_semaphore, #tpu.memory_space<semaphore_mem>>)
        %dma_wait3A_642 = arith.constant 0 : i32
        %dma_wait3A_643 = arith.constant 0 : i32
        %dma_wait3A_644 = tpu.memref_slice %arg8[%run_scoped3A_628, %dma_wait3A_642, %dma_wait3A_643] : memref<4x128x32xf32, #tpu.memory_space<vmem>> -> memref<1x128x32xf32, #tpu.memory_space<vmem>>
        %dma_wait3A_645 = tpu.memref_squeeze %dma_wait3A_644 : memref<1x128x32xf32, #tpu.memory_space<vmem>> -> memref<128x32xf32, #tpu.memory_space<vmem>>
        %dma_wait3A_646 = arith.constant 96 : i32
        %dma_wait3A_647 = tpu.memref_slice %arg5[%add3A_625, %dma_wait3A_646] : memref<40960x128xf32, #tpu.memory_space<hbm>> -> memref<128x32xf32, #tpu.memory_space<hbm>>
        %dma_wait3A_648 = arith.constant 96 : i32
        %dma_wait3A_649 = tpu.memref_slice %arg5[%add3A_625, %dma_wait3A_648] : memref<40960x128xf32, #tpu.memory_space<hbm>> -> memref<128x32xf32, #tpu.memory_space<hbm>>
        %dma_wait3A_650 = arith.constant 0 : i32
        %dma_wait3A_651 = arith.constant 0 : i32
        %dma_wait3A_652 = tpu.memref_slice %arg8[%run_scoped3A_628, %dma_wait3A_650, %dma_wait3A_651] : memref<4x128x32xf32, #tpu.memory_space<vmem>> -> memref<1x128x32xf32, #tpu.memory_space<vmem>>
        %dma_wait3A_653 = tpu.memref_squeeze %dma_wait3A_652 : memref<1x128x32xf32, #tpu.memory_space<vmem>> -> memref<128x32xf32, #tpu.memory_space<vmem>>
        tpu.wait_dma2 semaphore(%run_scoped3A_629 : memref<!tpu.dma_semaphore, #tpu.memory_space<semaphore_mem>>) src(%dma_wait3A_653 : memref<128x32xf32, #tpu.memory_space<vmem>>) dst(%dma_wait3A_649 : memref<128x32xf32, #tpu.memory_space<hbm>>)
        tpu.yield
      }) : () -> ()
    }
    %scan3A_134 = arith.constant 10 : i32
    return
  }
}

#map = affine_map<(d0, d1) -> (0, 0)>
module attributes {stable_mosaic.version = 14 : i64} {
  func.func @k(%arg0: i32, %arg1: i32, %arg2: memref<8192x32xf32, #tpu.memory_space<hbm>>, %arg3: memref<8192x32xf32, #tpu.memory_space<hbm>>, %arg4: memref<1024x400xi32, #tpu.memory_space<hbm>>, %arg5: memref<20480x128xf32, #tpu.memory_space<hbm>>, %arg6: memref<64x40xi32, #tpu.memory_space<vmem>>, %arg7: memref<4x128xi32, #tpu.memory_space<vmem>>, %arg8: memref<4x128x32xf32, #tpu.memory_space<vmem>>, %arg9: memref<16384x32xf32, #tpu.memory_space<vmem_shared>>, %arg10: memref<!tpu.dma_semaphore, #tpu.memory_space<semaphore_mem>>) attributes {dimension_semantics = [#tpu.dimension_semantics<core_parallel>, #tpu.dimension_semantics<subcore_parallel>], iteration_bounds = array<i64: 2, 16>, scalar_prefetch = 0 : i64, scratch_operands = 5 : i64, tpu.core_type = #tpu.core_type<sc_vector_subcore>, window_params = [{transform_indices = #map}, {transform_indices = #map}, {transform_indices = #map}, {transform_indices = #map}]} {
    %mul3A = arith.constant 2 : i32
    %mul3A_0 = arith.muli %arg1, %mul3A : i32
    %add3A = arith.addi %mul3A_0, %arg0 : i32
    %jit3A = arith.constant 16 : i32
    %eq3A = arith.constant 0 : i32
    %eq3A_1 = arith.cmpi eq, %jit3A, %eq3A : i32
    %jit3A_2 = arith.constant 1 : i32
    %select_n3A = arith.select %eq3A_1, %jit3A_2, %jit3A : i32
    %rem3A = arith.remsi %add3A, %select_n3A : i32
    %ne3A = arith.constant 0 : i32
    %ne3A_3 = arith.cmpi ne, %rem3A, %ne3A : i32
    %lt3A = arith.constant 0 : i32
    %lt3A_4 = arith.cmpi slt, %rem3A, %lt3A : i32
    %lt3A_5 = arith.constant 0 : i32
    %lt3A_6 = arith.cmpi slt, %select_n3A, %lt3A_5 : i32
    %ne3A_7 = arith.xori %lt3A_4, %lt3A_6 : i1
    %and3A = arith.andi %ne3A_7, %ne3A_3 : i1
    %add3A_8 = arith.addi %rem3A, %select_n3A : i32
    %select_n3A_9 = arith.select %and3A, %add3A_8, %rem3A : i32
    %jit3A_10 = arith.constant 16 : i32
    %div3A = arith.divsi %add3A, %jit3A_10 : i32
    %sign3A = arith.constant 0 : i32
    %sign3A_11 = arith.cmpi sgt, %add3A, %sign3A : i32
    %sign3A_12 = arith.extui %sign3A_11 : i1 to i32
    %sign3A_13 = arith.constant 0 : i32
    %sign3A_14 = arith.cmpi slt, %add3A, %sign3A_13 : i32
    %sign3A_15 = arith.extui %sign3A_14 : i1 to i32
    %sign3A_16 = arith.subi %sign3A_12, %sign3A_15 : i32
    %sign3A_17 = arith.constant 0 : i32
    %sign3A_18 = arith.cmpi sgt, %jit3A_10, %sign3A_17 : i32
    %sign3A_19 = arith.extui %sign3A_18 : i1 to i32
    %sign3A_20 = arith.constant 0 : i32
    %sign3A_21 = arith.cmpi slt, %jit3A_10, %sign3A_20 : i32
    %sign3A_22 = arith.extui %sign3A_21 : i1 to i32
    %sign3A_23 = arith.subi %sign3A_19, %sign3A_22 : i32
    %ne3A_24 = arith.cmpi ne, %sign3A_16, %sign3A_23 : i32
    %rem3A_25 = arith.remsi %add3A, %jit3A_10 : i32
    %ne3A_26 = arith.constant 0 : i32
    %ne3A_27 = arith.cmpi ne, %rem3A_25, %ne3A_26 : i32
    %and3A_28 = arith.andi %ne3A_24, %ne3A_27 : i1
    %sub3A = arith.constant 1 : i32
    %sub3A_29 = arith.subi %div3A, %sub3A : i32
    %select_n3A_30 = arith.select %and3A_28, %sub3A_29, %div3A : i32
    %mul3A_31 = arith.constant 512 : i32
    %mul3A_32 = arith.muli %arg1, %mul3A_31 : i32
    %mul3A_33 = arith.constant 512 : i32
    %mul3A_34 = arith.muli %arg1, %mul3A_33 : i32
    "tpu.region"() ({
      %run_scoped3A = tpu.sem_alloc : memref<!tpu.dma_semaphore, #tpu.memory_space<semaphore_mem>>
      %dma_start3A = arith.constant 0 : i32
      %dma_start3A_135 = tpu.memref_slice %arg9[%mul3A_34, %dma_start3A] : memref<16384x32xf32, #tpu.memory_space<vmem_shared>> -> memref<512x32xf32, #tpu.memory_space<vmem_shared>>
      %dma_start3A_136 = arith.constant 0 : i32
      %dma_start3A_137 = tpu.memref_slice %arg2[%mul3A_32, %dma_start3A_136] : memref<8192x32xf32, #tpu.memory_space<hbm>> -> memref<512x32xf32, #tpu.memory_space<hbm>>
      tpu.enqueue_dma source(%dma_start3A_137 : memref<512x32xf32, #tpu.memory_space<hbm>>) target(%dma_start3A_135 : memref<512x32xf32, #tpu.memory_space<vmem_shared>>) target_semaphore(%run_scoped3A : memref<!tpu.dma_semaphore, #tpu.memory_space<semaphore_mem>>)
      %dma_wait3A = arith.constant 0 : i32
      %dma_wait3A_138 = tpu.memref_slice %arg9[%mul3A_34, %dma_wait3A] : memref<16384x32xf32, #tpu.memory_space<vmem_shared>> -> memref<512x32xf32, #tpu.memory_space<vmem_shared>>
      %dma_wait3A_139 = arith.constant 0 : i32
      %dma_wait3A_140 = tpu.memref_slice %arg2[%mul3A_32, %dma_wait3A_139] : memref<8192x32xf32, #tpu.memory_space<hbm>> -> memref<512x32xf32, #tpu.memory_space<hbm>>
      tpu.wait_dma2 semaphore(%run_scoped3A : memref<!tpu.dma_semaphore, #tpu.memory_space<semaphore_mem>>) src(%dma_wait3A_140 : memref<512x32xf32, #tpu.memory_space<hbm>>) dst(%dma_wait3A_138 : memref<512x32xf32, #tpu.memory_space<vmem_shared>>)
      tpu.yield
    }) : () -> ()
    %mul3A_35 = arith.constant 512 : i32
    %mul3A_36 = arith.muli %arg1, %mul3A_35 : i32
    %mul3A_37 = arith.constant 512 : i32
    %mul3A_38 = arith.muli %arg1, %mul3A_37 : i32
    %add3A_39 = arith.constant 8192 : i32
    %add3A_40 = arith.addi %add3A_39, %mul3A_38 : i32
    "tpu.region"() ({
      %run_scoped3A = tpu.sem_alloc : memref<!tpu.dma_semaphore, #tpu.memory_space<semaphore_mem>>
      %dma_start3A = arith.constant 0 : i32
      %dma_start3A_135 = tpu.memref_slice %arg9[%add3A_40, %dma_start3A] : memref<16384x32xf32, #tpu.memory_space<vmem_shared>> -> memref<512x32xf32, #tpu.memory_space<vmem_shared>>
      %dma_start3A_136 = arith.constant 0 : i32
      %dma_start3A_137 = tpu.memref_slice %arg3[%mul3A_36, %dma_start3A_136] : memref<8192x32xf32, #tpu.memory_space<hbm>> -> memref<512x32xf32, #tpu.memory_space<hbm>>
      tpu.enqueue_dma source(%dma_start3A_137 : memref<512x32xf32, #tpu.memory_space<hbm>>) target(%dma_start3A_135 : memref<512x32xf32, #tpu.memory_space<vmem_shared>>) target_semaphore(%run_scoped3A : memref<!tpu.dma_semaphore, #tpu.memory_space<semaphore_mem>>)
      %dma_wait3A = arith.constant 0 : i32
      %dma_wait3A_138 = tpu.memref_slice %arg9[%add3A_40, %dma_wait3A] : memref<16384x32xf32, #tpu.memory_space<vmem_shared>> -> memref<512x32xf32, #tpu.memory_space<vmem_shared>>
      %dma_wait3A_139 = arith.constant 0 : i32
      %dma_wait3A_140 = tpu.memref_slice %arg3[%mul3A_36, %dma_wait3A_139] : memref<8192x32xf32, #tpu.memory_space<hbm>> -> memref<512x32xf32, #tpu.memory_space<hbm>>
      tpu.wait_dma2 semaphore(%run_scoped3A : memref<!tpu.dma_semaphore, #tpu.memory_space<semaphore_mem>>) src(%dma_wait3A_140 : memref<512x32xf32, #tpu.memory_space<hbm>>) dst(%dma_wait3A_138 : memref<512x32xf32, #tpu.memory_space<vmem_shared>>)
      tpu.yield
    }) : () -> ()
    %mul3A_41 = arith.constant 64 : i32
    %mul3A_42 = arith.muli %select_n3A_9, %mul3A_41 : i32
    %mul3A_43 = arith.constant 5 : i32
    %mul3A_44 = arith.muli %select_n3A_30, %mul3A_43 : i32
    %add3A_45 = arith.constant 0 : i32
    %add3A_46 = arith.addi %add3A_45, %mul3A_44 : i32
    %mul3A_47 = arith.constant 8 : i32
    %mul3A_48 = arith.muli %add3A_46, %mul3A_47 : i32
    "tpu.region"() ({
      %run_scoped3A = tpu.sem_alloc : memref<!tpu.dma_semaphore, #tpu.memory_space<semaphore_mem>>
      %dma_start3A = tpu.memref_slice %arg4[%mul3A_42, %mul3A_48] : memref<1024x400xi32, #tpu.memory_space<hbm>> -> memref<64x40xi32, #tpu.memory_space<hbm>>
      %dma_start3A_135 = tpu.memref_slice %arg4[%mul3A_42, %mul3A_48] : memref<1024x400xi32, #tpu.memory_space<hbm>> -> memref<64x40xi32, #tpu.memory_space<hbm>>
      tpu.enqueue_dma source(%dma_start3A_135 : memref<64x40xi32, #tpu.memory_space<hbm>>) target(%arg6 : memref<64x40xi32, #tpu.memory_space<vmem>>) target_semaphore(%run_scoped3A : memref<!tpu.dma_semaphore, #tpu.memory_space<semaphore_mem>>)
      %dma_wait3A = tpu.memref_slice %arg4[%mul3A_42, %mul3A_48] : memref<1024x400xi32, #tpu.memory_space<hbm>> -> memref<64x40xi32, #tpu.memory_space<hbm>>
      %dma_wait3A_136 = tpu.memref_slice %arg4[%mul3A_42, %mul3A_48] : memref<1024x400xi32, #tpu.memory_space<hbm>> -> memref<64x40xi32, #tpu.memory_space<hbm>>
      tpu.wait_dma2 semaphore(%run_scoped3A : memref<!tpu.dma_semaphore, #tpu.memory_space<semaphore_mem>>) src(%dma_wait3A_136 : memref<64x40xi32, #tpu.memory_space<hbm>>) dst(%arg6 : memref<64x40xi32, #tpu.memory_space<vmem>>)
      tpu.yield
    }) : () -> ()
    %barrier3A = arith.constant 0 : index
    tpu.barrier barrier_id(%barrier3A)
    %iota3A = tpu.iota {dimensions = array<i32: 0>} : vector<16xi32>
    %jit3A_49 = arith.constant 2 : i32
    %div3A_50 = vector.broadcast %jit3A_49 : i32 to vector<16xi32>
    %div3A_51 = arith.divsi %iota3A, %div3A_50 : vector<16xi32>
    %sign3A_52 = arith.constant 0 : i32
    %sign3A_53 = vector.broadcast %sign3A_52 : i32 to vector<16xi32>
    %sign3A_54 = arith.cmpi sgt, %iota3A, %sign3A_53 : vector<16xi32>
    %sign3A_55 = arith.extui %sign3A_54 : vector<16xi1> to vector<16xi32>
    %sign3A_56 = arith.constant 0 : i32
    %sign3A_57 = vector.broadcast %sign3A_56 : i32 to vector<16xi32>
    %sign3A_58 = arith.cmpi slt, %iota3A, %sign3A_57 : vector<16xi32>
    %sign3A_59 = arith.extui %sign3A_58 : vector<16xi1> to vector<16xi32>
    %sign3A_60 = arith.subi %sign3A_55, %sign3A_59 : vector<16xi32>
    %sign3A_61 = arith.constant 0 : i32
    %sign3A_62 = arith.cmpi sgt, %jit3A_49, %sign3A_61 : i32
    %sign3A_63 = arith.extui %sign3A_62 : i1 to i32
    %sign3A_64 = arith.constant 0 : i32
    %sign3A_65 = arith.cmpi slt, %jit3A_49, %sign3A_64 : i32
    %sign3A_66 = arith.extui %sign3A_65 : i1 to i32
    %sign3A_67 = arith.subi %sign3A_63, %sign3A_66 : i32
    %ne3A_68 = vector.broadcast %sign3A_67 : i32 to vector<16xi32>
    %ne3A_69 = arith.cmpi ne, %sign3A_60, %ne3A_68 : vector<16xi32>
    %rem3A_70 = vector.broadcast %jit3A_49 : i32 to vector<16xi32>
    %rem3A_71 = arith.remsi %iota3A, %rem3A_70 : vector<16xi32>
    %ne3A_72 = arith.constant 0 : i32
    %ne3A_73 = vector.broadcast %ne3A_72 : i32 to vector<16xi32>
    %ne3A_74 = arith.cmpi ne, %rem3A_71, %ne3A_73 : vector<16xi32>
    %and3A_75 = arith.andi %ne3A_69, %ne3A_74 : vector<16xi1>
    %sub3A_76 = arith.constant 1 : i32
    %sub3A_77 = vector.broadcast %sub3A_76 : i32 to vector<16xi32>
    %sub3A_78 = arith.subi %div3A_51, %sub3A_77 : vector<16xi32>
    %select_n3A_79 = arith.select %and3A_75, %sub3A_78, %div3A_51 : vector<16xi1>, vector<16xi32>
    %jit3A_80 = arith.constant 2 : i32
    %eq3A_81 = arith.constant 0 : i32
    %eq3A_82 = arith.cmpi eq, %jit3A_80, %eq3A_81 : i32
    %jit3A_83 = arith.constant 1 : i32
    %select_n3A_84 = arith.select %eq3A_82, %jit3A_83, %jit3A_80 : i32
    %rem3A_85 = vector.broadcast %select_n3A_84 : i32 to vector<16xi32>
    %rem3A_86 = arith.remsi %iota3A, %rem3A_85 : vector<16xi32>
    %ne3A_87 = arith.constant 0 : i32
    %ne3A_88 = vector.broadcast %ne3A_87 : i32 to vector<16xi32>
    %ne3A_89 = arith.cmpi ne, %rem3A_86, %ne3A_88 : vector<16xi32>
    %lt3A_90 = arith.constant 0 : i32
    %lt3A_91 = vector.broadcast %lt3A_90 : i32 to vector<16xi32>
    %lt3A_92 = arith.cmpi slt, %rem3A_86, %lt3A_91 : vector<16xi32>
    %lt3A_93 = arith.constant 0 : i32
    %lt3A_94 = arith.cmpi slt, %select_n3A_84, %lt3A_93 : i32
    %ne3A_95 = vector.broadcast %lt3A_94 : i1 to vector<16xi1>
    %ne3A_96 = vector.broadcast %ne3A_95 : vector<16xi1> to vector<16xi1>
    %ne3A_97 = arith.xori %lt3A_92, %ne3A_96 : vector<16xi1>
    %and3A_98 = arith.andi %ne3A_97, %ne3A_89 : vector<16xi1>
    %add3A_99 = vector.broadcast %select_n3A_84 : i32 to vector<16xi32>
    %add3A_100 = arith.addi %rem3A_86, %add3A_99 : vector<16xi32>
    %select_n3A_101 = arith.select %and3A_98, %add3A_100, %rem3A_86 : vector<16xi1>, vector<16xi32>
    %mul3A_102 = arith.constant 4 : i32
    %mul3A_103 = vector.broadcast %mul3A_102 : i32 to vector<16xi32>
    %mul3A_104 = arith.muli %select_n3A_101, %mul3A_103 : vector<16xi32>
    %jit3A_105 = arith.constant 2 : i32
    %eq3A_106 = arith.constant 0 : i32
    %eq3A_107 = arith.cmpi eq, %jit3A_105, %eq3A_106 : i32
    %jit3A_108 = arith.constant 1 : i32
    %select_n3A_109 = arith.select %eq3A_107, %jit3A_108, %jit3A_105 : i32
    %rem3A_110 = vector.broadcast %select_n3A_109 : i32 to vector<16xi32>
    %rem3A_111 = arith.remsi %iota3A, %rem3A_110 : vector<16xi32>
    %ne3A_112 = arith.constant 0 : i32
    %ne3A_113 = vector.broadcast %ne3A_112 : i32 to vector<16xi32>
    %ne3A_114 = arith.cmpi ne, %rem3A_111, %ne3A_113 : vector<16xi32>
    %lt3A_115 = arith.constant 0 : i32
    %lt3A_116 = vector.broadcast %lt3A_115 : i32 to vector<16xi32>
    %lt3A_117 = arith.cmpi slt, %rem3A_111, %lt3A_116 : vector<16xi32>
    %lt3A_118 = arith.constant 0 : i32
    %lt3A_119 = arith.cmpi slt, %select_n3A_109, %lt3A_118 : i32
    %ne3A_120 = vector.broadcast %lt3A_119 : i1 to vector<16xi1>
    %ne3A_121 = vector.broadcast %ne3A_120 : vector<16xi1> to vector<16xi1>
    %ne3A_122 = arith.xori %lt3A_117, %ne3A_121 : vector<16xi1>
    %and3A_123 = arith.andi %ne3A_122, %ne3A_114 : vector<16xi1>
    %add3A_124 = vector.broadcast %select_n3A_109 : i32 to vector<16xi32>
    %add3A_125 = arith.addi %rem3A_111, %add3A_124 : vector<16xi32>
    %select_n3A_126 = arith.select %and3A_123, %add3A_125, %rem3A_111 : vector<16xi1>, vector<16xi32>
    %mul3A_127 = arith.constant 8192 : i32
    %mul3A_128 = vector.broadcast %mul3A_127 : i32 to vector<16xi32>
    %mul3A_129 = arith.muli %select_n3A_126, %mul3A_128 : vector<16xi32>
    %scan3A = arith.constant 0 : i32
    %scan3A_130 = arith.constant 0 : i32
    %scan3A_131 = arith.constant 5 : i32
    %scan3A_132 = arith.addi %scan3A_130, %scan3A_131 : i32
    %scan3A_133 = arith.constant 1 : i32
    scf.for %scan3A_135 = %scan3A_130 to %scan3A_132 step %scan3A_133  : i32 {
      %mul3A_136 = arith.constant 1 : i32
      %mul3A_137 = arith.muli %scan3A_135, %mul3A_136 : i32
      %add3A_138 = arith.constant 0 : i32
      %add3A_139 = arith.addi %mul3A_137, %add3A_138 : i32
      %mul3A_140 = arith.constant 8 : i32
      %mul3A_141 = arith.muli %add3A_139, %mul3A_140 : i32
      %add3A_142 = arith.constant 0 : i32
      %add3A_143 = arith.addi %mul3A_141, %add3A_142 : i32
      %add3A_144 = arith.constant 0 : i32
      %add3A_145 = vector.broadcast %add3A_144 : i32 to vector<16xi32>
      %add3A_146 = arith.addi %add3A_145, %select_n3A_79 : vector<16xi32>
      %add3A_147 = vector.broadcast %add3A_143 : i32 to vector<16xi32>
      %add3A_148 = arith.addi %add3A_147, %mul3A_104 : vector<16xi32>
      %gather3A = tpu.vector_load_idx %arg6[%add3A_146, %add3A_148] : memref<64x40xi32, #tpu.memory_space<vmem>>[vector<16xi32>, vector<16xi32>], vector<16xi32>,
      %add3A_149 = arith.addi %gather3A, %mul3A_129 : vector<16xi32>
      %swap3A = arith.constant 0 : i32
      %swap3A_150 = arith.index_cast %swap3A : i32 to index
      %swap3A_151 = arith.constant 0 : index
      %swap3A_152 = tpu.vector_load %arg7[%swap3A_150, %swap3A_151] {strides = array<i32>} : memref<4x128xi32, #tpu.memory_space<vmem>>, vector<16xi32>,
      tpu.vector_store %arg7[%swap3A_150, %swap3A_151], %add3A_149 {strides = array<i32>} : memref<4x128xi32, #tpu.memory_space<vmem>>, vector<16xi32>,
      %add3A_153 = arith.constant 8 : i32
      %add3A_154 = vector.broadcast %add3A_153 : i32 to vector<16xi32>
      %add3A_155 = arith.addi %add3A_154, %select_n3A_79 : vector<16xi32>
      %add3A_156 = vector.broadcast %add3A_143 : i32 to vector<16xi32>
      %add3A_157 = arith.addi %add3A_156, %mul3A_104 : vector<16xi32>
      %gather3A_158 = tpu.vector_load_idx %arg6[%add3A_155, %add3A_157] : memref<64x40xi32, #tpu.memory_space<vmem>>[vector<16xi32>, vector<16xi32>], vector<16xi32>,
      %add3A_159 = arith.addi %gather3A_158, %mul3A_129 : vector<16xi32>
      %swap3A_160 = arith.constant 0 : i32
      %swap3A_161 = arith.index_cast %swap3A_160 : i32 to index
      %swap3A_162 = arith.constant 16 : index
      %swap3A_163 = tpu.vector_load %arg7[%swap3A_161, %swap3A_162] {strides = array<i32>} : memref<4x128xi32, #tpu.memory_space<vmem>>, vector<16xi32>,
      tpu.vector_store %arg7[%swap3A_161, %swap3A_162], %add3A_159 {strides = array<i32>} : memref<4x128xi32, #tpu.memory_space<vmem>>, vector<16xi32>,
      %add3A_164 = arith.constant 16 : i32
      %add3A_165 = vector.broadcast %add3A_164 : i32 to vector<16xi32>
      %add3A_166 = arith.addi %add3A_165, %select_n3A_79 : vector<16xi32>
      %add3A_167 = vector.broadcast %add3A_143 : i32 to vector<16xi32>
      %add3A_168 = arith.addi %add3A_167, %mul3A_104 : vector<16xi32>
      %gather3A_169 = tpu.vector_load_idx %arg6[%add3A_166, %add3A_168] : memref<64x40xi32, #tpu.memory_space<vmem>>[vector<16xi32>, vector<16xi32>], vector<16xi32>,
      %add3A_170 = arith.addi %gather3A_169, %mul3A_129 : vector<16xi32>
      %swap3A_171 = arith.constant 0 : i32
      %swap3A_172 = arith.index_cast %swap3A_171 : i32 to index
      %swap3A_173 = arith.constant 32 : index
      %swap3A_174 = tpu.vector_load %arg7[%swap3A_172, %swap3A_173] {strides = array<i32>} : memref<4x128xi32, #tpu.memory_space<vmem>>, vector<16xi32>,
      tpu.vector_store %arg7[%swap3A_172, %swap3A_173], %add3A_170 {strides = array<i32>} : memref<4x128xi32, #tpu.memory_space<vmem>>, vector<16xi32>,
      %add3A_175 = arith.constant 24 : i32
      %add3A_176 = vector.broadcast %add3A_175 : i32 to vector<16xi32>
      %add3A_177 = arith.addi %add3A_176, %select_n3A_79 : vector<16xi32>
      %add3A_178 = vector.broadcast %add3A_143 : i32 to vector<16xi32>
      %add3A_179 = arith.addi %add3A_178, %mul3A_104 : vector<16xi32>
      %gather3A_180 = tpu.vector_load_idx %arg6[%add3A_177, %add3A_179] : memref<64x40xi32, #tpu.memory_space<vmem>>[vector<16xi32>, vector<16xi32>], vector<16xi32>,
      %add3A_181 = arith.addi %gather3A_180, %mul3A_129 : vector<16xi32>
      %swap3A_182 = arith.constant 0 : i32
      %swap3A_183 = arith.index_cast %swap3A_182 : i32 to index
      %swap3A_184 = arith.constant 48 : index
      %swap3A_185 = tpu.vector_load %arg7[%swap3A_183, %swap3A_184] {strides = array<i32>} : memref<4x128xi32, #tpu.memory_space<vmem>>, vector<16xi32>,
      tpu.vector_store %arg7[%swap3A_183, %swap3A_184], %add3A_181 {strides = array<i32>} : memref<4x128xi32, #tpu.memory_space<vmem>>, vector<16xi32>,
      %add3A_186 = arith.constant 32 : i32
      %add3A_187 = vector.broadcast %add3A_186 : i32 to vector<16xi32>
      %add3A_188 = arith.addi %add3A_187, %select_n3A_79 : vector<16xi32>
      %add3A_189 = vector.broadcast %add3A_143 : i32 to vector<16xi32>
      %add3A_190 = arith.addi %add3A_189, %mul3A_104 : vector<16xi32>
      %gather3A_191 = tpu.vector_load_idx %arg6[%add3A_188, %add3A_190] : memref<64x40xi32, #tpu.memory_space<vmem>>[vector<16xi32>, vector<16xi32>], vector<16xi32>,
      %add3A_192 = arith.addi %gather3A_191, %mul3A_129 : vector<16xi32>
      %swap3A_193 = arith.constant 0 : i32
      %swap3A_194 = arith.index_cast %swap3A_193 : i32 to index
      %swap3A_195 = arith.constant 64 : index
      %swap3A_196 = tpu.vector_load %arg7[%swap3A_194, %swap3A_195] {strides = array<i32>} : memref<4x128xi32, #tpu.memory_space<vmem>>, vector<16xi32>,
      tpu.vector_store %arg7[%swap3A_194, %swap3A_195], %add3A_192 {strides = array<i32>} : memref<4x128xi32, #tpu.memory_space<vmem>>, vector<16xi32>,
      %add3A_197 = arith.constant 40 : i32
      %add3A_198 = vector.broadcast %add3A_197 : i32 to vector<16xi32>
      %add3A_199 = arith.addi %add3A_198, %select_n3A_79 : vector<16xi32>
      %add3A_200 = vector.broadcast %add3A_143 : i32 to vector<16xi32>
      %add3A_201 = arith.addi %add3A_200, %mul3A_104 : vector<16xi32>
      %gather3A_202 = tpu.vector_load_idx %arg6[%add3A_199, %add3A_201] : memref<64x40xi32, #tpu.memory_space<vmem>>[vector<16xi32>, vector<16xi32>], vector<16xi32>,
      %add3A_203 = arith.addi %gather3A_202, %mul3A_129 : vector<16xi32>
      %swap3A_204 = arith.constant 0 : i32
      %swap3A_205 = arith.index_cast %swap3A_204 : i32 to index
      %swap3A_206 = arith.constant 80 : index
      %swap3A_207 = tpu.vector_load %arg7[%swap3A_205, %swap3A_206] {strides = array<i32>} : memref<4x128xi32, #tpu.memory_space<vmem>>, vector<16xi32>,
      tpu.vector_store %arg7[%swap3A_205, %swap3A_206], %add3A_203 {strides = array<i32>} : memref<4x128xi32, #tpu.memory_space<vmem>>, vector<16xi32>,
      %add3A_208 = arith.constant 48 : i32
      %add3A_209 = vector.broadcast %add3A_208 : i32 to vector<16xi32>
      %add3A_210 = arith.addi %add3A_209, %select_n3A_79 : vector<16xi32>
      %add3A_211 = vector.broadcast %add3A_143 : i32 to vector<16xi32>
      %add3A_212 = arith.addi %add3A_211, %mul3A_104 : vector<16xi32>
      %gather3A_213 = tpu.vector_load_idx %arg6[%add3A_210, %add3A_212] : memref<64x40xi32, #tpu.memory_space<vmem>>[vector<16xi32>, vector<16xi32>], vector<16xi32>,
      %add3A_214 = arith.addi %gather3A_213, %mul3A_129 : vector<16xi32>
      %swap3A_215 = arith.constant 0 : i32
      %swap3A_216 = arith.index_cast %swap3A_215 : i32 to index
      %swap3A_217 = arith.constant 96 : index
      %swap3A_218 = tpu.vector_load %arg7[%swap3A_216, %swap3A_217] {strides = array<i32>} : memref<4x128xi32, #tpu.memory_space<vmem>>, vector<16xi32>,
      tpu.vector_store %arg7[%swap3A_216, %swap3A_217], %add3A_214 {strides = array<i32>} : memref<4x128xi32, #tpu.memory_space<vmem>>, vector<16xi32>,
      %add3A_219 = arith.constant 56 : i32
      %add3A_220 = vector.broadcast %add3A_219 : i32 to vector<16xi32>
      %add3A_221 = arith.addi %add3A_220, %select_n3A_79 : vector<16xi32>
      %add3A_222 = vector.broadcast %add3A_143 : i32 to vector<16xi32>
      %add3A_223 = arith.addi %add3A_222, %mul3A_104 : vector<16xi32>
      %gather3A_224 = tpu.vector_load_idx %arg6[%add3A_221, %add3A_223] : memref<64x40xi32, #tpu.memory_space<vmem>>[vector<16xi32>, vector<16xi32>], vector<16xi32>,
      %add3A_225 = arith.addi %gather3A_224, %mul3A_129 : vector<16xi32>
      %swap3A_226 = arith.constant 0 : i32
      %swap3A_227 = arith.index_cast %swap3A_226 : i32 to index
      %swap3A_228 = arith.constant 112 : index
      %swap3A_229 = tpu.vector_load %arg7[%swap3A_227, %swap3A_228] {strides = array<i32>} : memref<4x128xi32, #tpu.memory_space<vmem>>, vector<16xi32>,
      tpu.vector_store %arg7[%swap3A_227, %swap3A_228], %add3A_225 {strides = array<i32>} : memref<4x128xi32, #tpu.memory_space<vmem>>, vector<16xi32>,
      %mul3A_230 = arith.constant 1 : i32
      %mul3A_231 = arith.muli %scan3A_135, %mul3A_230 : i32
      %add3A_232 = arith.constant 0 : i32
      %add3A_233 = arith.addi %mul3A_231, %add3A_232 : i32
      %mul3A_234 = arith.constant 8 : i32
      %mul3A_235 = arith.muli %add3A_233, %mul3A_234 : i32
      %add3A_236 = arith.constant 1 : i32
      %add3A_237 = arith.addi %mul3A_235, %add3A_236 : i32
      %add3A_238 = arith.constant 0 : i32
      %add3A_239 = vector.broadcast %add3A_238 : i32 to vector<16xi32>
      %add3A_240 = arith.addi %add3A_239, %select_n3A_79 : vector<16xi32>
      %add3A_241 = vector.broadcast %add3A_237 : i32 to vector<16xi32>
      %add3A_242 = arith.addi %add3A_241, %mul3A_104 : vector<16xi32>
      %gather3A_243 = tpu.vector_load_idx %arg6[%add3A_240, %add3A_242] : memref<64x40xi32, #tpu.memory_space<vmem>>[vector<16xi32>, vector<16xi32>], vector<16xi32>,
      %add3A_244 = arith.addi %gather3A_243, %mul3A_129 : vector<16xi32>
      %swap3A_245 = arith.constant 1 : i32
      %swap3A_246 = arith.index_cast %swap3A_245 : i32 to index
      %swap3A_247 = arith.constant 0 : index
      %swap3A_248 = tpu.vector_load %arg7[%swap3A_246, %swap3A_247] {strides = array<i32>} : memref<4x128xi32, #tpu.memory_space<vmem>>, vector<16xi32>,
      tpu.vector_store %arg7[%swap3A_246, %swap3A_247], %add3A_244 {strides = array<i32>} : memref<4x128xi32, #tpu.memory_space<vmem>>, vector<16xi32>,
      %add3A_249 = arith.constant 8 : i32
      %add3A_250 = vector.broadcast %add3A_249 : i32 to vector<16xi32>
      %add3A_251 = arith.addi %add3A_250, %select_n3A_79 : vector<16xi32>
      %add3A_252 = vector.broadcast %add3A_237 : i32 to vector<16xi32>
      %add3A_253 = arith.addi %add3A_252, %mul3A_104 : vector<16xi32>
      %gather3A_254 = tpu.vector_load_idx %arg6[%add3A_251, %add3A_253] : memref<64x40xi32, #tpu.memory_space<vmem>>[vector<16xi32>, vector<16xi32>], vector<16xi32>,
      %add3A_255 = arith.addi %gather3A_254, %mul3A_129 : vector<16xi32>
      %swap3A_256 = arith.constant 1 : i32
      %swap3A_257 = arith.index_cast %swap3A_256 : i32 to index
      %swap3A_258 = arith.constant 16 : index
      %swap3A_259 = tpu.vector_load %arg7[%swap3A_257, %swap3A_258] {strides = array<i32>} : memref<4x128xi32, #tpu.memory_space<vmem>>, vector<16xi32>,
      tpu.vector_store %arg7[%swap3A_257, %swap3A_258], %add3A_255 {strides = array<i32>} : memref<4x128xi32, #tpu.memory_space<vmem>>, vector<16xi32>,
      %add3A_260 = arith.constant 16 : i32
      %add3A_261 = vector.broadcast %add3A_260 : i32 to vector<16xi32>
      %add3A_262 = arith.addi %add3A_261, %select_n3A_79 : vector<16xi32>
      %add3A_263 = vector.broadcast %add3A_237 : i32 to vector<16xi32>
      %add3A_264 = arith.addi %add3A_263, %mul3A_104 : vector<16xi32>
      %gather3A_265 = tpu.vector_load_idx %arg6[%add3A_262, %add3A_264] : memref<64x40xi32, #tpu.memory_space<vmem>>[vector<16xi32>, vector<16xi32>], vector<16xi32>,
      %add3A_266 = arith.addi %gather3A_265, %mul3A_129 : vector<16xi32>
      %swap3A_267 = arith.constant 1 : i32
      %swap3A_268 = arith.index_cast %swap3A_267 : i32 to index
      %swap3A_269 = arith.constant 32 : index
      %swap3A_270 = tpu.vector_load %arg7[%swap3A_268, %swap3A_269] {strides = array<i32>} : memref<4x128xi32, #tpu.memory_space<vmem>>, vector<16xi32>,
      tpu.vector_store %arg7[%swap3A_268, %swap3A_269], %add3A_266 {strides = array<i32>} : memref<4x128xi32, #tpu.memory_space<vmem>>, vector<16xi32>,
      %add3A_271 = arith.constant 24 : i32
      %add3A_272 = vector.broadcast %add3A_271 : i32 to vector<16xi32>
      %add3A_273 = arith.addi %add3A_272, %select_n3A_79 : vector<16xi32>
      %add3A_274 = vector.broadcast %add3A_237 : i32 to vector<16xi32>
      %add3A_275 = arith.addi %add3A_274, %mul3A_104 : vector<16xi32>
      %gather3A_276 = tpu.vector_load_idx %arg6[%add3A_273, %add3A_275] : memref<64x40xi32, #tpu.memory_space<vmem>>[vector<16xi32>, vector<16xi32>], vector<16xi32>,
      %add3A_277 = arith.addi %gather3A_276, %mul3A_129 : vector<16xi32>
      %swap3A_278 = arith.constant 1 : i32
      %swap3A_279 = arith.index_cast %swap3A_278 : i32 to index
      %swap3A_280 = arith.constant 48 : index
      %swap3A_281 = tpu.vector_load %arg7[%swap3A_279, %swap3A_280] {strides = array<i32>} : memref<4x128xi32, #tpu.memory_space<vmem>>, vector<16xi32>,
      tpu.vector_store %arg7[%swap3A_279, %swap3A_280], %add3A_277 {strides = array<i32>} : memref<4x128xi32, #tpu.memory_space<vmem>>, vector<16xi32>,
      %add3A_282 = arith.constant 32 : i32
      %add3A_283 = vector.broadcast %add3A_282 : i32 to vector<16xi32>
      %add3A_284 = arith.addi %add3A_283, %select_n3A_79 : vector<16xi32>
      %add3A_285 = vector.broadcast %add3A_237 : i32 to vector<16xi32>
      %add3A_286 = arith.addi %add3A_285, %mul3A_104 : vector<16xi32>
      %gather3A_287 = tpu.vector_load_idx %arg6[%add3A_284, %add3A_286] : memref<64x40xi32, #tpu.memory_space<vmem>>[vector<16xi32>, vector<16xi32>], vector<16xi32>,
      %add3A_288 = arith.addi %gather3A_287, %mul3A_129 : vector<16xi32>
      %swap3A_289 = arith.constant 1 : i32
      %swap3A_290 = arith.index_cast %swap3A_289 : i32 to index
      %swap3A_291 = arith.constant 64 : index
      %swap3A_292 = tpu.vector_load %arg7[%swap3A_290, %swap3A_291] {strides = array<i32>} : memref<4x128xi32, #tpu.memory_space<vmem>>, vector<16xi32>,
      tpu.vector_store %arg7[%swap3A_290, %swap3A_291], %add3A_288 {strides = array<i32>} : memref<4x128xi32, #tpu.memory_space<vmem>>, vector<16xi32>,
      %add3A_293 = arith.constant 40 : i32
      %add3A_294 = vector.broadcast %add3A_293 : i32 to vector<16xi32>
      %add3A_295 = arith.addi %add3A_294, %select_n3A_79 : vector<16xi32>
      %add3A_296 = vector.broadcast %add3A_237 : i32 to vector<16xi32>
      %add3A_297 = arith.addi %add3A_296, %mul3A_104 : vector<16xi32>
      %gather3A_298 = tpu.vector_load_idx %arg6[%add3A_295, %add3A_297] : memref<64x40xi32, #tpu.memory_space<vmem>>[vector<16xi32>, vector<16xi32>], vector<16xi32>,
      %add3A_299 = arith.addi %gather3A_298, %mul3A_129 : vector<16xi32>
      %swap3A_300 = arith.constant 1 : i32
      %swap3A_301 = arith.index_cast %swap3A_300 : i32 to index
      %swap3A_302 = arith.constant 80 : index
      %swap3A_303 = tpu.vector_load %arg7[%swap3A_301, %swap3A_302] {strides = array<i32>} : memref<4x128xi32, #tpu.memory_space<vmem>>, vector<16xi32>,
      tpu.vector_store %arg7[%swap3A_301, %swap3A_302], %add3A_299 {strides = array<i32>} : memref<4x128xi32, #tpu.memory_space<vmem>>, vector<16xi32>,
      %add3A_304 = arith.constant 48 : i32
      %add3A_305 = vector.broadcast %add3A_304 : i32 to vector<16xi32>
      %add3A_306 = arith.addi %add3A_305, %select_n3A_79 : vector<16xi32>
      %add3A_307 = vector.broadcast %add3A_237 : i32 to vector<16xi32>
      %add3A_308 = arith.addi %add3A_307, %mul3A_104 : vector<16xi32>
      %gather3A_309 = tpu.vector_load_idx %arg6[%add3A_306, %add3A_308] : memref<64x40xi32, #tpu.memory_space<vmem>>[vector<16xi32>, vector<16xi32>], vector<16xi32>,
      %add3A_310 = arith.addi %gather3A_309, %mul3A_129 : vector<16xi32>
      %swap3A_311 = arith.constant 1 : i32
      %swap3A_312 = arith.index_cast %swap3A_311 : i32 to index
      %swap3A_313 = arith.constant 96 : index
      %swap3A_314 = tpu.vector_load %arg7[%swap3A_312, %swap3A_313] {strides = array<i32>} : memref<4x128xi32, #tpu.memory_space<vmem>>, vector<16xi32>,
      tpu.vector_store %arg7[%swap3A_312, %swap3A_313], %add3A_310 {strides = array<i32>} : memref<4x128xi32, #tpu.memory_space<vmem>>, vector<16xi32>,
      %add3A_315 = arith.constant 56 : i32
      %add3A_316 = vector.broadcast %add3A_315 : i32 to vector<16xi32>
      %add3A_317 = arith.addi %add3A_316, %select_n3A_79 : vector<16xi32>
      %add3A_318 = vector.broadcast %add3A_237 : i32 to vector<16xi32>
      %add3A_319 = arith.addi %add3A_318, %mul3A_104 : vector<16xi32>
      %gather3A_320 = tpu.vector_load_idx %arg6[%add3A_317, %add3A_319] : memref<64x40xi32, #tpu.memory_space<vmem>>[vector<16xi32>, vector<16xi32>], vector<16xi32>,
      %add3A_321 = arith.addi %gather3A_320, %mul3A_129 : vector<16xi32>
      %swap3A_322 = arith.constant 1 : i32
      %swap3A_323 = arith.index_cast %swap3A_322 : i32 to index
      %swap3A_324 = arith.constant 112 : index
      %swap3A_325 = tpu.vector_load %arg7[%swap3A_323, %swap3A_324] {strides = array<i32>} : memref<4x128xi32, #tpu.memory_space<vmem>>, vector<16xi32>,
      tpu.vector_store %arg7[%swap3A_323, %swap3A_324], %add3A_321 {strides = array<i32>} : memref<4x128xi32, #tpu.memory_space<vmem>>, vector<16xi32>,
      %mul3A_326 = arith.constant 1 : i32
      %mul3A_327 = arith.muli %scan3A_135, %mul3A_326 : i32
      %add3A_328 = arith.constant 0 : i32
      %add3A_329 = arith.addi %mul3A_327, %add3A_328 : i32
      %mul3A_330 = arith.constant 8 : i32
      %mul3A_331 = arith.muli %add3A_329, %mul3A_330 : i32
      %add3A_332 = arith.constant 2 : i32
      %add3A_333 = arith.addi %mul3A_331, %add3A_332 : i32
      %add3A_334 = arith.constant 0 : i32
      %add3A_335 = vector.broadcast %add3A_334 : i32 to vector<16xi32>
      %add3A_336 = arith.addi %add3A_335, %select_n3A_79 : vector<16xi32>
      %add3A_337 = vector.broadcast %add3A_333 : i32 to vector<16xi32>
      %add3A_338 = arith.addi %add3A_337, %mul3A_104 : vector<16xi32>
      %gather3A_339 = tpu.vector_load_idx %arg6[%add3A_336, %add3A_338] : memref<64x40xi32, #tpu.memory_space<vmem>>[vector<16xi32>, vector<16xi32>], vector<16xi32>,
      %add3A_340 = arith.addi %gather3A_339, %mul3A_129 : vector<16xi32>
      %swap3A_341 = arith.constant 2 : i32
      %swap3A_342 = arith.index_cast %swap3A_341 : i32 to index
      %swap3A_343 = arith.constant 0 : index
      %swap3A_344 = tpu.vector_load %arg7[%swap3A_342, %swap3A_343] {strides = array<i32>} : memref<4x128xi32, #tpu.memory_space<vmem>>, vector<16xi32>,
      tpu.vector_store %arg7[%swap3A_342, %swap3A_343], %add3A_340 {strides = array<i32>} : memref<4x128xi32, #tpu.memory_space<vmem>>, vector<16xi32>,
      %add3A_345 = arith.constant 8 : i32
      %add3A_346 = vector.broadcast %add3A_345 : i32 to vector<16xi32>
      %add3A_347 = arith.addi %add3A_346, %select_n3A_79 : vector<16xi32>
      %add3A_348 = vector.broadcast %add3A_333 : i32 to vector<16xi32>
      %add3A_349 = arith.addi %add3A_348, %mul3A_104 : vector<16xi32>
      %gather3A_350 = tpu.vector_load_idx %arg6[%add3A_347, %add3A_349] : memref<64x40xi32, #tpu.memory_space<vmem>>[vector<16xi32>, vector<16xi32>], vector<16xi32>,
      %add3A_351 = arith.addi %gather3A_350, %mul3A_129 : vector<16xi32>
      %swap3A_352 = arith.constant 2 : i32
      %swap3A_353 = arith.index_cast %swap3A_352 : i32 to index
      %swap3A_354 = arith.constant 16 : index
      %swap3A_355 = tpu.vector_load %arg7[%swap3A_353, %swap3A_354] {strides = array<i32>} : memref<4x128xi32, #tpu.memory_space<vmem>>, vector<16xi32>,
      tpu.vector_store %arg7[%swap3A_353, %swap3A_354], %add3A_351 {strides = array<i32>} : memref<4x128xi32, #tpu.memory_space<vmem>>, vector<16xi32>,
      %add3A_356 = arith.constant 16 : i32
      %add3A_357 = vector.broadcast %add3A_356 : i32 to vector<16xi32>
      %add3A_358 = arith.addi %add3A_357, %select_n3A_79 : vector<16xi32>
      %add3A_359 = vector.broadcast %add3A_333 : i32 to vector<16xi32>
      %add3A_360 = arith.addi %add3A_359, %mul3A_104 : vector<16xi32>
      %gather3A_361 = tpu.vector_load_idx %arg6[%add3A_358, %add3A_360] : memref<64x40xi32, #tpu.memory_space<vmem>>[vector<16xi32>, vector<16xi32>], vector<16xi32>,
      %add3A_362 = arith.addi %gather3A_361, %mul3A_129 : vector<16xi32>
      %swap3A_363 = arith.constant 2 : i32
      %swap3A_364 = arith.index_cast %swap3A_363 : i32 to index
      %swap3A_365 = arith.constant 32 : index
      %swap3A_366 = tpu.vector_load %arg7[%swap3A_364, %swap3A_365] {strides = array<i32>} : memref<4x128xi32, #tpu.memory_space<vmem>>, vector<16xi32>,
      tpu.vector_store %arg7[%swap3A_364, %swap3A_365], %add3A_362 {strides = array<i32>} : memref<4x128xi32, #tpu.memory_space<vmem>>, vector<16xi32>,
      %add3A_367 = arith.constant 24 : i32
      %add3A_368 = vector.broadcast %add3A_367 : i32 to vector<16xi32>
      %add3A_369 = arith.addi %add3A_368, %select_n3A_79 : vector<16xi32>
      %add3A_370 = vector.broadcast %add3A_333 : i32 to vector<16xi32>
      %add3A_371 = arith.addi %add3A_370, %mul3A_104 : vector<16xi32>
      %gather3A_372 = tpu.vector_load_idx %arg6[%add3A_369, %add3A_371] : memref<64x40xi32, #tpu.memory_space<vmem>>[vector<16xi32>, vector<16xi32>], vector<16xi32>,
      %add3A_373 = arith.addi %gather3A_372, %mul3A_129 : vector<16xi32>
      %swap3A_374 = arith.constant 2 : i32
      %swap3A_375 = arith.index_cast %swap3A_374 : i32 to index
      %swap3A_376 = arith.constant 48 : index
      %swap3A_377 = tpu.vector_load %arg7[%swap3A_375, %swap3A_376] {strides = array<i32>} : memref<4x128xi32, #tpu.memory_space<vmem>>, vector<16xi32>,
      tpu.vector_store %arg7[%swap3A_375, %swap3A_376], %add3A_373 {strides = array<i32>} : memref<4x128xi32, #tpu.memory_space<vmem>>, vector<16xi32>,
      %add3A_378 = arith.constant 32 : i32
      %add3A_379 = vector.broadcast %add3A_378 : i32 to vector<16xi32>
      %add3A_380 = arith.addi %add3A_379, %select_n3A_79 : vector<16xi32>
      %add3A_381 = vector.broadcast %add3A_333 : i32 to vector<16xi32>
      %add3A_382 = arith.addi %add3A_381, %mul3A_104 : vector<16xi32>
      %gather3A_383 = tpu.vector_load_idx %arg6[%add3A_380, %add3A_382] : memref<64x40xi32, #tpu.memory_space<vmem>>[vector<16xi32>, vector<16xi32>], vector<16xi32>,
      %add3A_384 = arith.addi %gather3A_383, %mul3A_129 : vector<16xi32>
      %swap3A_385 = arith.constant 2 : i32
      %swap3A_386 = arith.index_cast %swap3A_385 : i32 to index
      %swap3A_387 = arith.constant 64 : index
      %swap3A_388 = tpu.vector_load %arg7[%swap3A_386, %swap3A_387] {strides = array<i32>} : memref<4x128xi32, #tpu.memory_space<vmem>>, vector<16xi32>,
      tpu.vector_store %arg7[%swap3A_386, %swap3A_387], %add3A_384 {strides = array<i32>} : memref<4x128xi32, #tpu.memory_space<vmem>>, vector<16xi32>,
      %add3A_389 = arith.constant 40 : i32
      %add3A_390 = vector.broadcast %add3A_389 : i32 to vector<16xi32>
      %add3A_391 = arith.addi %add3A_390, %select_n3A_79 : vector<16xi32>
      %add3A_392 = vector.broadcast %add3A_333 : i32 to vector<16xi32>
      %add3A_393 = arith.addi %add3A_392, %mul3A_104 : vector<16xi32>
      %gather3A_394 = tpu.vector_load_idx %arg6[%add3A_391, %add3A_393] : memref<64x40xi32, #tpu.memory_space<vmem>>[vector<16xi32>, vector<16xi32>], vector<16xi32>,
      %add3A_395 = arith.addi %gather3A_394, %mul3A_129 : vector<16xi32>
      %swap3A_396 = arith.constant 2 : i32
      %swap3A_397 = arith.index_cast %swap3A_396 : i32 to index
      %swap3A_398 = arith.constant 80 : index
      %swap3A_399 = tpu.vector_load %arg7[%swap3A_397, %swap3A_398] {strides = array<i32>} : memref<4x128xi32, #tpu.memory_space<vmem>>, vector<16xi32>,
      tpu.vector_store %arg7[%swap3A_397, %swap3A_398], %add3A_395 {strides = array<i32>} : memref<4x128xi32, #tpu.memory_space<vmem>>, vector<16xi32>,
      %add3A_400 = arith.constant 48 : i32
      %add3A_401 = vector.broadcast %add3A_400 : i32 to vector<16xi32>
      %add3A_402 = arith.addi %add3A_401, %select_n3A_79 : vector<16xi32>
      %add3A_403 = vector.broadcast %add3A_333 : i32 to vector<16xi32>
      %add3A_404 = arith.addi %add3A_403, %mul3A_104 : vector<16xi32>
      %gather3A_405 = tpu.vector_load_idx %arg6[%add3A_402, %add3A_404] : memref<64x40xi32, #tpu.memory_space<vmem>>[vector<16xi32>, vector<16xi32>], vector<16xi32>,
      %add3A_406 = arith.addi %gather3A_405, %mul3A_129 : vector<16xi32>
      %swap3A_407 = arith.constant 2 : i32
      %swap3A_408 = arith.index_cast %swap3A_407 : i32 to index
      %swap3A_409 = arith.constant 96 : index
      %swap3A_410 = tpu.vector_load %arg7[%swap3A_408, %swap3A_409] {strides = array<i32>} : memref<4x128xi32, #tpu.memory_space<vmem>>, vector<16xi32>,
      tpu.vector_store %arg7[%swap3A_408, %swap3A_409], %add3A_406 {strides = array<i32>} : memref<4x128xi32, #tpu.memory_space<vmem>>, vector<16xi32>,
      %add3A_411 = arith.constant 56 : i32
      %add3A_412 = vector.broadcast %add3A_411 : i32 to vector<16xi32>
      %add3A_413 = arith.addi %add3A_412, %select_n3A_79 : vector<16xi32>
      %add3A_414 = vector.broadcast %add3A_333 : i32 to vector<16xi32>
      %add3A_415 = arith.addi %add3A_414, %mul3A_104 : vector<16xi32>
      %gather3A_416 = tpu.vector_load_idx %arg6[%add3A_413, %add3A_415] : memref<64x40xi32, #tpu.memory_space<vmem>>[vector<16xi32>, vector<16xi32>], vector<16xi32>,
      %add3A_417 = arith.addi %gather3A_416, %mul3A_129 : vector<16xi32>
      %swap3A_418 = arith.constant 2 : i32
      %swap3A_419 = arith.index_cast %swap3A_418 : i32 to index
      %swap3A_420 = arith.constant 112 : index
      %swap3A_421 = tpu.vector_load %arg7[%swap3A_419, %swap3A_420] {strides = array<i32>} : memref<4x128xi32, #tpu.memory_space<vmem>>, vector<16xi32>,
      tpu.vector_store %arg7[%swap3A_419, %swap3A_420], %add3A_417 {strides = array<i32>} : memref<4x128xi32, #tpu.memory_space<vmem>>, vector<16xi32>,
      %mul3A_422 = arith.constant 1 : i32
      %mul3A_423 = arith.muli %scan3A_135, %mul3A_422 : i32
      %add3A_424 = arith.constant 0 : i32
      %add3A_425 = arith.addi %mul3A_423, %add3A_424 : i32
      %mul3A_426 = arith.constant 8 : i32
      %mul3A_427 = arith.muli %add3A_425, %mul3A_426 : i32
      %add3A_428 = arith.constant 3 : i32
      %add3A_429 = arith.addi %mul3A_427, %add3A_428 : i32
      %add3A_430 = arith.constant 0 : i32
      %add3A_431 = vector.broadcast %add3A_430 : i32 to vector<16xi32>
      %add3A_432 = arith.addi %add3A_431, %select_n3A_79 : vector<16xi32>
      %add3A_433 = vector.broadcast %add3A_429 : i32 to vector<16xi32>
      %add3A_434 = arith.addi %add3A_433, %mul3A_104 : vector<16xi32>
      %gather3A_435 = tpu.vector_load_idx %arg6[%add3A_432, %add3A_434] : memref<64x40xi32, #tpu.memory_space<vmem>>[vector<16xi32>, vector<16xi32>], vector<16xi32>,
      %add3A_436 = arith.addi %gather3A_435, %mul3A_129 : vector<16xi32>
      %swap3A_437 = arith.constant 3 : i32
      %swap3A_438 = arith.index_cast %swap3A_437 : i32 to index
      %swap3A_439 = arith.constant 0 : index
      %swap3A_440 = tpu.vector_load %arg7[%swap3A_438, %swap3A_439] {strides = array<i32>} : memref<4x128xi32, #tpu.memory_space<vmem>>, vector<16xi32>,
      tpu.vector_store %arg7[%swap3A_438, %swap3A_439], %add3A_436 {strides = array<i32>} : memref<4x128xi32, #tpu.memory_space<vmem>>, vector<16xi32>,
      %add3A_441 = arith.constant 8 : i32
      %add3A_442 = vector.broadcast %add3A_441 : i32 to vector<16xi32>
      %add3A_443 = arith.addi %add3A_442, %select_n3A_79 : vector<16xi32>
      %add3A_444 = vector.broadcast %add3A_429 : i32 to vector<16xi32>
      %add3A_445 = arith.addi %add3A_444, %mul3A_104 : vector<16xi32>
      %gather3A_446 = tpu.vector_load_idx %arg6[%add3A_443, %add3A_445] : memref<64x40xi32, #tpu.memory_space<vmem>>[vector<16xi32>, vector<16xi32>], vector<16xi32>,
      %add3A_447 = arith.addi %gather3A_446, %mul3A_129 : vector<16xi32>
      %swap3A_448 = arith.constant 3 : i32
      %swap3A_449 = arith.index_cast %swap3A_448 : i32 to index
      %swap3A_450 = arith.constant 16 : index
      %swap3A_451 = tpu.vector_load %arg7[%swap3A_449, %swap3A_450] {strides = array<i32>} : memref<4x128xi32, #tpu.memory_space<vmem>>, vector<16xi32>,
      tpu.vector_store %arg7[%swap3A_449, %swap3A_450], %add3A_447 {strides = array<i32>} : memref<4x128xi32, #tpu.memory_space<vmem>>, vector<16xi32>,
      %add3A_452 = arith.constant 16 : i32
      %add3A_453 = vector.broadcast %add3A_452 : i32 to vector<16xi32>
      %add3A_454 = arith.addi %add3A_453, %select_n3A_79 : vector<16xi32>
      %add3A_455 = vector.broadcast %add3A_429 : i32 to vector<16xi32>
      %add3A_456 = arith.addi %add3A_455, %mul3A_104 : vector<16xi32>
      %gather3A_457 = tpu.vector_load_idx %arg6[%add3A_454, %add3A_456] : memref<64x40xi32, #tpu.memory_space<vmem>>[vector<16xi32>, vector<16xi32>], vector<16xi32>,
      %add3A_458 = arith.addi %gather3A_457, %mul3A_129 : vector<16xi32>
      %swap3A_459 = arith.constant 3 : i32
      %swap3A_460 = arith.index_cast %swap3A_459 : i32 to index
      %swap3A_461 = arith.constant 32 : index
      %swap3A_462 = tpu.vector_load %arg7[%swap3A_460, %swap3A_461] {strides = array<i32>} : memref<4x128xi32, #tpu.memory_space<vmem>>, vector<16xi32>,
      tpu.vector_store %arg7[%swap3A_460, %swap3A_461], %add3A_458 {strides = array<i32>} : memref<4x128xi32, #tpu.memory_space<vmem>>, vector<16xi32>,
      %add3A_463 = arith.constant 24 : i32
      %add3A_464 = vector.broadcast %add3A_463 : i32 to vector<16xi32>
      %add3A_465 = arith.addi %add3A_464, %select_n3A_79 : vector<16xi32>
      %add3A_466 = vector.broadcast %add3A_429 : i32 to vector<16xi32>
      %add3A_467 = arith.addi %add3A_466, %mul3A_104 : vector<16xi32>
      %gather3A_468 = tpu.vector_load_idx %arg6[%add3A_465, %add3A_467] : memref<64x40xi32, #tpu.memory_space<vmem>>[vector<16xi32>, vector<16xi32>], vector<16xi32>,
      %add3A_469 = arith.addi %gather3A_468, %mul3A_129 : vector<16xi32>
      %swap3A_470 = arith.constant 3 : i32
      %swap3A_471 = arith.index_cast %swap3A_470 : i32 to index
      %swap3A_472 = arith.constant 48 : index
      %swap3A_473 = tpu.vector_load %arg7[%swap3A_471, %swap3A_472] {strides = array<i32>} : memref<4x128xi32, #tpu.memory_space<vmem>>, vector<16xi32>,
      tpu.vector_store %arg7[%swap3A_471, %swap3A_472], %add3A_469 {strides = array<i32>} : memref<4x128xi32, #tpu.memory_space<vmem>>, vector<16xi32>,
      %add3A_474 = arith.constant 32 : i32
      %add3A_475 = vector.broadcast %add3A_474 : i32 to vector<16xi32>
      %add3A_476 = arith.addi %add3A_475, %select_n3A_79 : vector<16xi32>
      %add3A_477 = vector.broadcast %add3A_429 : i32 to vector<16xi32>
      %add3A_478 = arith.addi %add3A_477, %mul3A_104 : vector<16xi32>
      %gather3A_479 = tpu.vector_load_idx %arg6[%add3A_476, %add3A_478] : memref<64x40xi32, #tpu.memory_space<vmem>>[vector<16xi32>, vector<16xi32>], vector<16xi32>,
      %add3A_480 = arith.addi %gather3A_479, %mul3A_129 : vector<16xi32>
      %swap3A_481 = arith.constant 3 : i32
      %swap3A_482 = arith.index_cast %swap3A_481 : i32 to index
      %swap3A_483 = arith.constant 64 : index
      %swap3A_484 = tpu.vector_load %arg7[%swap3A_482, %swap3A_483] {strides = array<i32>} : memref<4x128xi32, #tpu.memory_space<vmem>>, vector<16xi32>,
      tpu.vector_store %arg7[%swap3A_482, %swap3A_483], %add3A_480 {strides = array<i32>} : memref<4x128xi32, #tpu.memory_space<vmem>>, vector<16xi32>,
      %add3A_485 = arith.constant 40 : i32
      %add3A_486 = vector.broadcast %add3A_485 : i32 to vector<16xi32>
      %add3A_487 = arith.addi %add3A_486, %select_n3A_79 : vector<16xi32>
      %add3A_488 = vector.broadcast %add3A_429 : i32 to vector<16xi32>
      %add3A_489 = arith.addi %add3A_488, %mul3A_104 : vector<16xi32>
      %gather3A_490 = tpu.vector_load_idx %arg6[%add3A_487, %add3A_489] : memref<64x40xi32, #tpu.memory_space<vmem>>[vector<16xi32>, vector<16xi32>], vector<16xi32>,
      %add3A_491 = arith.addi %gather3A_490, %mul3A_129 : vector<16xi32>
      %swap3A_492 = arith.constant 3 : i32
      %swap3A_493 = arith.index_cast %swap3A_492 : i32 to index
      %swap3A_494 = arith.constant 80 : index
      %swap3A_495 = tpu.vector_load %arg7[%swap3A_493, %swap3A_494] {strides = array<i32>} : memref<4x128xi32, #tpu.memory_space<vmem>>, vector<16xi32>,
      tpu.vector_store %arg7[%swap3A_493, %swap3A_494], %add3A_491 {strides = array<i32>} : memref<4x128xi32, #tpu.memory_space<vmem>>, vector<16xi32>,
      %add3A_496 = arith.constant 48 : i32
      %add3A_497 = vector.broadcast %add3A_496 : i32 to vector<16xi32>
      %add3A_498 = arith.addi %add3A_497, %select_n3A_79 : vector<16xi32>
      %add3A_499 = vector.broadcast %add3A_429 : i32 to vector<16xi32>
      %add3A_500 = arith.addi %add3A_499, %mul3A_104 : vector<16xi32>
      %gather3A_501 = tpu.vector_load_idx %arg6[%add3A_498, %add3A_500] : memref<64x40xi32, #tpu.memory_space<vmem>>[vector<16xi32>, vector<16xi32>], vector<16xi32>,
      %add3A_502 = arith.addi %gather3A_501, %mul3A_129 : vector<16xi32>
      %swap3A_503 = arith.constant 3 : i32
      %swap3A_504 = arith.index_cast %swap3A_503 : i32 to index
      %swap3A_505 = arith.constant 96 : index
      %swap3A_506 = tpu.vector_load %arg7[%swap3A_504, %swap3A_505] {strides = array<i32>} : memref<4x128xi32, #tpu.memory_space<vmem>>, vector<16xi32>,
      tpu.vector_store %arg7[%swap3A_504, %swap3A_505], %add3A_502 {strides = array<i32>} : memref<4x128xi32, #tpu.memory_space<vmem>>, vector<16xi32>,
      %add3A_507 = arith.constant 56 : i32
      %add3A_508 = vector.broadcast %add3A_507 : i32 to vector<16xi32>
      %add3A_509 = arith.addi %add3A_508, %select_n3A_79 : vector<16xi32>
      %add3A_510 = vector.broadcast %add3A_429 : i32 to vector<16xi32>
      %add3A_511 = arith.addi %add3A_510, %mul3A_104 : vector<16xi32>
      %gather3A_512 = tpu.vector_load_idx %arg6[%add3A_509, %add3A_511] : memref<64x40xi32, #tpu.memory_space<vmem>>[vector<16xi32>, vector<16xi32>], vector<16xi32>,
      %add3A_513 = arith.addi %gather3A_512, %mul3A_129 : vector<16xi32>
      %swap3A_514 = arith.constant 3 : i32
      %swap3A_515 = arith.index_cast %swap3A_514 : i32 to index
      %swap3A_516 = arith.constant 112 : index
      %swap3A_517 = tpu.vector_load %arg7[%swap3A_515, %swap3A_516] {strides = array<i32>} : memref<4x128xi32, #tpu.memory_space<vmem>>, vector<16xi32>,
      tpu.vector_store %arg7[%swap3A_515, %swap3A_516], %add3A_513 {strides = array<i32>} : memref<4x128xi32, #tpu.memory_space<vmem>>, vector<16xi32>,
      %dma_start3A = arith.constant 0 : i32
      %dma_start3A_518 = arith.constant 0 : i32
      %dma_start3A_519 = arith.constant 0 : i32
      %dma_start3A_520 = arith.constant 0 : i32
      %dma_start3A_521 = tpu.memref_slice %arg8[%dma_start3A_518, %dma_start3A_519, %dma_start3A_520] : memref<4x128x32xf32, #tpu.memory_space<vmem>> -> memref<1x128x32xf32, #tpu.memory_space<vmem>>
      %dma_start3A_522 = tpu.memref_squeeze %dma_start3A_521 : memref<1x128x32xf32, #tpu.memory_space<vmem>> -> memref<128x32xf32, #tpu.memory_space<vmem>>
      %dma_start3A_523 = arith.constant 0 : i32
      %dma_start3A_524 = tpu.memref_slice %arg7[%dma_start3A, %dma_start3A_523] : memref<4x128xi32, #tpu.memory_space<vmem>> -> memref<1x128xi32, #tpu.memory_space<vmem>>
      %dma_start3A_525 = tpu.memref_squeeze %dma_start3A_524 : memref<1x128xi32, #tpu.memory_space<vmem>> -> memref<128xi32, #tpu.memory_space<vmem>>
      %dma_start3A_526 = arith.constant 0 : i32
      %dma_start3A_527 = arith.constant 0 : i32
      %dma_start3A_528 = tpu.memref_slice %arg9[%dma_start3A_526, %dma_start3A_527] : memref<16384x32xf32, #tpu.memory_space<vmem_shared>> -> memref<16384x32xf32, #tpu.memory_space<vmem_shared>>
      tpu.enqueue_indirect_dma source(%dma_start3A_528 : memref<16384x32xf32, #tpu.memory_space<vmem_shared>>) target(%dma_start3A_522 : memref<128x32xf32, #tpu.memory_space<vmem>>) offsets(%dma_start3A_525 : memref<128xi32, #tpu.memory_space<vmem>>) semaphore(%arg10 : memref<!tpu.dma_semaphore, #tpu.memory_space<semaphore_mem>>)
      %dma_start3A_529 = arith.constant 1 : i32
      %dma_start3A_530 = arith.constant 1 : i32
      %dma_start3A_531 = arith.constant 0 : i32
      %dma_start3A_532 = arith.constant 0 : i32
      %dma_start3A_533 = tpu.memref_slice %arg8[%dma_start3A_530, %dma_start3A_531, %dma_start3A_532] : memref<4x128x32xf32, #tpu.memory_space<vmem>> -> memref<1x128x32xf32, #tpu.memory_space<vmem>>
      %dma_start3A_534 = tpu.memref_squeeze %dma_start3A_533 : memref<1x128x32xf32, #tpu.memory_space<vmem>> -> memref<128x32xf32, #tpu.memory_space<vmem>>
      %dma_start3A_535 = arith.constant 0 : i32
      %dma_start3A_536 = tpu.memref_slice %arg7[%dma_start3A_529, %dma_start3A_535] : memref<4x128xi32, #tpu.memory_space<vmem>> -> memref<1x128xi32, #tpu.memory_space<vmem>>
      %dma_start3A_537 = tpu.memref_squeeze %dma_start3A_536 : memref<1x128xi32, #tpu.memory_space<vmem>> -> memref<128xi32, #tpu.memory_space<vmem>>
      %dma_start3A_538 = arith.constant 0 : i32
      %dma_start3A_539 = arith.constant 0 : i32
      %dma_start3A_540 = tpu.memref_slice %arg9[%dma_start3A_538, %dma_start3A_539] : memref<16384x32xf32, #tpu.memory_space<vmem_shared>> -> memref<16384x32xf32, #tpu.memory_space<vmem_shared>>
      tpu.enqueue_indirect_dma source(%dma_start3A_540 : memref<16384x32xf32, #tpu.memory_space<vmem_shared>>) target(%dma_start3A_534 : memref<128x32xf32, #tpu.memory_space<vmem>>) offsets(%dma_start3A_537 : memref<128xi32, #tpu.memory_space<vmem>>) semaphore(%arg10 : memref<!tpu.dma_semaphore, #tpu.memory_space<semaphore_mem>>)
      %dma_start3A_541 = arith.constant 2 : i32
      %dma_start3A_542 = arith.constant 2 : i32
      %dma_start3A_543 = arith.constant 0 : i32
      %dma_start3A_544 = arith.constant 0 : i32
      %dma_start3A_545 = tpu.memref_slice %arg8[%dma_start3A_542, %dma_start3A_543, %dma_start3A_544] : memref<4x128x32xf32, #tpu.memory_space<vmem>> -> memref<1x128x32xf32, #tpu.memory_space<vmem>>
      %dma_start3A_546 = tpu.memref_squeeze %dma_start3A_545 : memref<1x128x32xf32, #tpu.memory_space<vmem>> -> memref<128x32xf32, #tpu.memory_space<vmem>>
      %dma_start3A_547 = arith.constant 0 : i32
      %dma_start3A_548 = tpu.memref_slice %arg7[%dma_start3A_541, %dma_start3A_547] : memref<4x128xi32, #tpu.memory_space<vmem>> -> memref<1x128xi32, #tpu.memory_space<vmem>>
      %dma_start3A_549 = tpu.memref_squeeze %dma_start3A_548 : memref<1x128xi32, #tpu.memory_space<vmem>> -> memref<128xi32, #tpu.memory_space<vmem>>
      %dma_start3A_550 = arith.constant 0 : i32
      %dma_start3A_551 = arith.constant 0 : i32
      %dma_start3A_552 = tpu.memref_slice %arg9[%dma_start3A_550, %dma_start3A_551] : memref<16384x32xf32, #tpu.memory_space<vmem_shared>> -> memref<16384x32xf32, #tpu.memory_space<vmem_shared>>
      tpu.enqueue_indirect_dma source(%dma_start3A_552 : memref<16384x32xf32, #tpu.memory_space<vmem_shared>>) target(%dma_start3A_546 : memref<128x32xf32, #tpu.memory_space<vmem>>) offsets(%dma_start3A_549 : memref<128xi32, #tpu.memory_space<vmem>>) semaphore(%arg10 : memref<!tpu.dma_semaphore, #tpu.memory_space<semaphore_mem>>)
      %dma_start3A_553 = arith.constant 3 : i32
      %dma_start3A_554 = arith.constant 3 : i32
      %dma_start3A_555 = arith.constant 0 : i32
      %dma_start3A_556 = arith.constant 0 : i32
      %dma_start3A_557 = tpu.memref_slice %arg8[%dma_start3A_554, %dma_start3A_555, %dma_start3A_556] : memref<4x128x32xf32, #tpu.memory_space<vmem>> -> memref<1x128x32xf32, #tpu.memory_space<vmem>>
      %dma_start3A_558 = tpu.memref_squeeze %dma_start3A_557 : memref<1x128x32xf32, #tpu.memory_space<vmem>> -> memref<128x32xf32, #tpu.memory_space<vmem>>
      %dma_start3A_559 = arith.constant 0 : i32
      %dma_start3A_560 = tpu.memref_slice %arg7[%dma_start3A_553, %dma_start3A_559] : memref<4x128xi32, #tpu.memory_space<vmem>> -> memref<1x128xi32, #tpu.memory_space<vmem>>
      %dma_start3A_561 = tpu.memref_squeeze %dma_start3A_560 : memref<1x128xi32, #tpu.memory_space<vmem>> -> memref<128xi32, #tpu.memory_space<vmem>>
      %dma_start3A_562 = arith.constant 0 : i32
      %dma_start3A_563 = arith.constant 0 : i32
      %dma_start3A_564 = tpu.memref_slice %arg9[%dma_start3A_562, %dma_start3A_563] : memref<16384x32xf32, #tpu.memory_space<vmem_shared>> -> memref<16384x32xf32, #tpu.memory_space<vmem_shared>>
      tpu.enqueue_indirect_dma source(%dma_start3A_564 : memref<16384x32xf32, #tpu.memory_space<vmem_shared>>) target(%dma_start3A_558 : memref<128x32xf32, #tpu.memory_space<vmem>>) offsets(%dma_start3A_561 : memref<128xi32, #tpu.memory_space<vmem>>) semaphore(%arg10 : memref<!tpu.dma_semaphore, #tpu.memory_space<semaphore_mem>>)
      %dma_wait3A = arith.constant 0 : i32
      %dma_wait3A_565 = arith.constant 0 : i32
      %dma_wait3A_566 = arith.constant 0 : i32
      %dma_wait3A_567 = arith.constant 0 : i32
      %dma_wait3A_568 = tpu.memref_slice %arg8[%dma_wait3A_565, %dma_wait3A_566, %dma_wait3A_567] : memref<4x128x32xf32, #tpu.memory_space<vmem>> -> memref<1x128x32xf32, #tpu.memory_space<vmem>>
      %dma_wait3A_569 = tpu.memref_squeeze %dma_wait3A_568 : memref<1x128x32xf32, #tpu.memory_space<vmem>> -> memref<128x32xf32, #tpu.memory_space<vmem>>
      %dma_wait3A_570 = arith.constant 0 : i32
      %dma_wait3A_571 = tpu.memref_slice %arg7[%dma_wait3A, %dma_wait3A_570] : memref<4x128xi32, #tpu.memory_space<vmem>> -> memref<1x128xi32, #tpu.memory_space<vmem>>
      %dma_wait3A_572 = tpu.memref_squeeze %dma_wait3A_571 : memref<1x128xi32, #tpu.memory_space<vmem>> -> memref<128xi32, #tpu.memory_space<vmem>>
      %dma_wait3A_573 = arith.constant 0 : i32
      %dma_wait3A_574 = arith.constant 0 : i32
      %dma_wait3A_575 = tpu.memref_slice %arg9[%dma_wait3A_573, %dma_wait3A_574] : memref<16384x32xf32, #tpu.memory_space<vmem_shared>> -> memref<16384x32xf32, #tpu.memory_space<vmem_shared>>
      tpu.wait_indirect_dma semaphore(%arg10 : memref<!tpu.dma_semaphore, #tpu.memory_space<semaphore_mem>>) src(%dma_wait3A_575 : memref<16384x32xf32, #tpu.memory_space<vmem_shared>>) dst(%dma_wait3A_569 : memref<128x32xf32, #tpu.memory_space<vmem>>)
      %dma_wait3A_576 = arith.constant 1 : i32
      %dma_wait3A_577 = arith.constant 1 : i32
      %dma_wait3A_578 = arith.constant 0 : i32
      %dma_wait3A_579 = arith.constant 0 : i32
      %dma_wait3A_580 = tpu.memref_slice %arg8[%dma_wait3A_577, %dma_wait3A_578, %dma_wait3A_579] : memref<4x128x32xf32, #tpu.memory_space<vmem>> -> memref<1x128x32xf32, #tpu.memory_space<vmem>>
      %dma_wait3A_581 = tpu.memref_squeeze %dma_wait3A_580 : memref<1x128x32xf32, #tpu.memory_space<vmem>> -> memref<128x32xf32, #tpu.memory_space<vmem>>
      %dma_wait3A_582 = arith.constant 0 : i32
      %dma_wait3A_583 = tpu.memref_slice %arg7[%dma_wait3A_576, %dma_wait3A_582] : memref<4x128xi32, #tpu.memory_space<vmem>> -> memref<1x128xi32, #tpu.memory_space<vmem>>
      %dma_wait3A_584 = tpu.memref_squeeze %dma_wait3A_583 : memref<1x128xi32, #tpu.memory_space<vmem>> -> memref<128xi32, #tpu.memory_space<vmem>>
      %dma_wait3A_585 = arith.constant 0 : i32
      %dma_wait3A_586 = arith.constant 0 : i32
      %dma_wait3A_587 = tpu.memref_slice %arg9[%dma_wait3A_585, %dma_wait3A_586] : memref<16384x32xf32, #tpu.memory_space<vmem_shared>> -> memref<16384x32xf32, #tpu.memory_space<vmem_shared>>
      tpu.wait_indirect_dma semaphore(%arg10 : memref<!tpu.dma_semaphore, #tpu.memory_space<semaphore_mem>>) src(%dma_wait3A_587 : memref<16384x32xf32, #tpu.memory_space<vmem_shared>>) dst(%dma_wait3A_581 : memref<128x32xf32, #tpu.memory_space<vmem>>)
      %dma_wait3A_588 = arith.constant 2 : i32
      %dma_wait3A_589 = arith.constant 2 : i32
      %dma_wait3A_590 = arith.constant 0 : i32
      %dma_wait3A_591 = arith.constant 0 : i32
      %dma_wait3A_592 = tpu.memref_slice %arg8[%dma_wait3A_589, %dma_wait3A_590, %dma_wait3A_591] : memref<4x128x32xf32, #tpu.memory_space<vmem>> -> memref<1x128x32xf32, #tpu.memory_space<vmem>>
      %dma_wait3A_593 = tpu.memref_squeeze %dma_wait3A_592 : memref<1x128x32xf32, #tpu.memory_space<vmem>> -> memref<128x32xf32, #tpu.memory_space<vmem>>
      %dma_wait3A_594 = arith.constant 0 : i32
      %dma_wait3A_595 = tpu.memref_slice %arg7[%dma_wait3A_588, %dma_wait3A_594] : memref<4x128xi32, #tpu.memory_space<vmem>> -> memref<1x128xi32, #tpu.memory_space<vmem>>
      %dma_wait3A_596 = tpu.memref_squeeze %dma_wait3A_595 : memref<1x128xi32, #tpu.memory_space<vmem>> -> memref<128xi32, #tpu.memory_space<vmem>>
      %dma_wait3A_597 = arith.constant 0 : i32
      %dma_wait3A_598 = arith.constant 0 : i32
      %dma_wait3A_599 = tpu.memref_slice %arg9[%dma_wait3A_597, %dma_wait3A_598] : memref<16384x32xf32, #tpu.memory_space<vmem_shared>> -> memref<16384x32xf32, #tpu.memory_space<vmem_shared>>
      tpu.wait_indirect_dma semaphore(%arg10 : memref<!tpu.dma_semaphore, #tpu.memory_space<semaphore_mem>>) src(%dma_wait3A_599 : memref<16384x32xf32, #tpu.memory_space<vmem_shared>>) dst(%dma_wait3A_593 : memref<128x32xf32, #tpu.memory_space<vmem>>)
      %dma_wait3A_600 = arith.constant 3 : i32
      %dma_wait3A_601 = arith.constant 3 : i32
      %dma_wait3A_602 = arith.constant 0 : i32
      %dma_wait3A_603 = arith.constant 0 : i32
      %dma_wait3A_604 = tpu.memref_slice %arg8[%dma_wait3A_601, %dma_wait3A_602, %dma_wait3A_603] : memref<4x128x32xf32, #tpu.memory_space<vmem>> -> memref<1x128x32xf32, #tpu.memory_space<vmem>>
      %dma_wait3A_605 = tpu.memref_squeeze %dma_wait3A_604 : memref<1x128x32xf32, #tpu.memory_space<vmem>> -> memref<128x32xf32, #tpu.memory_space<vmem>>
      %dma_wait3A_606 = arith.constant 0 : i32
      %dma_wait3A_607 = tpu.memref_slice %arg7[%dma_wait3A_600, %dma_wait3A_606] : memref<4x128xi32, #tpu.memory_space<vmem>> -> memref<1x128xi32, #tpu.memory_space<vmem>>
      %dma_wait3A_608 = tpu.memref_squeeze %dma_wait3A_607 : memref<1x128xi32, #tpu.memory_space<vmem>> -> memref<128xi32, #tpu.memory_space<vmem>>
      %dma_wait3A_609 = arith.constant 0 : i32
      %dma_wait3A_610 = arith.constant 0 : i32
      %dma_wait3A_611 = tpu.memref_slice %arg9[%dma_wait3A_609, %dma_wait3A_610] : memref<16384x32xf32, #tpu.memory_space<vmem_shared>> -> memref<16384x32xf32, #tpu.memory_space<vmem_shared>>
      tpu.wait_indirect_dma semaphore(%arg10 : memref<!tpu.dma_semaphore, #tpu.memory_space<semaphore_mem>>) src(%dma_wait3A_611 : memref<16384x32xf32, #tpu.memory_space<vmem_shared>>) dst(%dma_wait3A_605 : memref<128x32xf32, #tpu.memory_space<vmem>>)
      %mul3A_612 = arith.constant 5 : i32
      %mul3A_613 = arith.muli %select_n3A_30, %mul3A_612 : i32
      %mul3A_614 = arith.constant 1 : i32
      %mul3A_615 = arith.muli %scan3A_135, %mul3A_614 : i32
      %add3A_616 = arith.addi %mul3A_613, %mul3A_615 : i32
      %add3A_617 = arith.constant 0 : i32
      %add3A_618 = arith.addi %add3A_616, %add3A_617 : i32
      %mul3A_619 = arith.constant 2 : i32
      %mul3A_620 = arith.muli %add3A_618, %mul3A_619 : i32
      %mul3A_621 = arith.constant 1024 : i32
      %mul3A_622 = arith.muli %mul3A_620, %mul3A_621 : i32
      %mul3A_623 = arith.constant 128 : i32
      %mul3A_624 = arith.muli %select_n3A_9, %mul3A_623 : i32
      %add3A_625 = arith.addi %mul3A_622, %mul3A_624 : i32
      %run_scoped3A = arith.constant 0 : i32
      "tpu.region"() ({
        %run_scoped3A_629 = tpu.sem_alloc : memref<!tpu.dma_semaphore, #tpu.memory_space<semaphore_mem>>
        %dma_start3A_630 = arith.constant 0 : i32
        %dma_start3A_631 = arith.constant 0 : i32
        %dma_start3A_632 = tpu.memref_slice %arg8[%run_scoped3A, %dma_start3A_630, %dma_start3A_631] : memref<4x128x32xf32, #tpu.memory_space<vmem>> -> memref<1x128x32xf32, #tpu.memory_space<vmem>>
        %dma_start3A_633 = tpu.memref_squeeze %dma_start3A_632 : memref<1x128x32xf32, #tpu.memory_space<vmem>> -> memref<128x32xf32, #tpu.memory_space<vmem>>
        %dma_start3A_634 = arith.constant 0 : i32
        %dma_start3A_635 = tpu.memref_slice %arg5[%add3A_625, %dma_start3A_634] : memref<20480x128xf32, #tpu.memory_space<hbm>> -> memref<128x32xf32, #tpu.memory_space<hbm>>
        %dma_start3A_636 = arith.constant 0 : i32
        %dma_start3A_637 = tpu.memref_slice %arg5[%add3A_625, %dma_start3A_636] : memref<20480x128xf32, #tpu.memory_space<hbm>> -> memref<128x32xf32, #tpu.memory_space<hbm>>
        %dma_start3A_638 = arith.constant 0 : i32
        %dma_start3A_639 = arith.constant 0 : i32
        %dma_start3A_640 = tpu.memref_slice %arg8[%run_scoped3A, %dma_start3A_638, %dma_start3A_639] : memref<4x128x32xf32, #tpu.memory_space<vmem>> -> memref<1x128x32xf32, #tpu.memory_space<vmem>>
        %dma_start3A_641 = tpu.memref_squeeze %dma_start3A_640 : memref<1x128x32xf32, #tpu.memory_space<vmem>> -> memref<128x32xf32, #tpu.memory_space<vmem>>
        tpu.enqueue_dma source(%dma_start3A_641 : memref<128x32xf32, #tpu.memory_space<vmem>>) target(%dma_start3A_637 : memref<128x32xf32, #tpu.memory_space<hbm>>) target_semaphore(%run_scoped3A_629 : memref<!tpu.dma_semaphore, #tpu.memory_space<semaphore_mem>>)
        %dma_wait3A_642 = arith.constant 0 : i32
        %dma_wait3A_643 = arith.constant 0 : i32
        %dma_wait3A_644 = tpu.memref_slice %arg8[%run_scoped3A, %dma_wait3A_642, %dma_wait3A_643] : memref<4x128x32xf32, #tpu.memory_space<vmem>> -> memref<1x128x32xf32, #tpu.memory_space<vmem>>
        %dma_wait3A_645 = tpu.memref_squeeze %dma_wait3A_644 : memref<1x128x32xf32, #tpu.memory_space<vmem>> -> memref<128x32xf32, #tpu.memory_space<vmem>>
        %dma_wait3A_646 = arith.constant 0 : i32
        %dma_wait3A_647 = tpu.memref_slice %arg5[%add3A_625, %dma_wait3A_646] : memref<20480x128xf32, #tpu.memory_space<hbm>> -> memref<128x32xf32, #tpu.memory_space<hbm>>
        %dma_wait3A_648 = arith.constant 0 : i32
        %dma_wait3A_649 = tpu.memref_slice %arg5[%add3A_625, %dma_wait3A_648] : memref<20480x128xf32, #tpu.memory_space<hbm>> -> memref<128x32xf32, #tpu.memory_space<hbm>>
        %dma_wait3A_650 = arith.constant 0 : i32
        %dma_wait3A_651 = arith.constant 0 : i32
        %dma_wait3A_652 = tpu.memref_slice %arg8[%run_scoped3A, %dma_wait3A_650, %dma_wait3A_651] : memref<4x128x32xf32, #tpu.memory_space<vmem>> -> memref<1x128x32xf32, #tpu.memory_space<vmem>>
        %dma_wait3A_653 = tpu.memref_squeeze %dma_wait3A_652 : memref<1x128x32xf32, #tpu.memory_space<vmem>> -> memref<128x32xf32, #tpu.memory_space<vmem>>
        tpu.wait_dma2 semaphore(%run_scoped3A_629 : memref<!tpu.dma_semaphore, #tpu.memory_space<semaphore_mem>>) src(%dma_wait3A_653 : memref<128x32xf32, #tpu.memory_space<vmem>>) dst(%dma_wait3A_649 : memref<128x32xf32, #tpu.memory_space<hbm>>)
        tpu.yield
      }) : () -> ()
      %run_scoped3A_626 = arith.constant 1 : i32
      "tpu.region"() ({
        %run_scoped3A_629 = tpu.sem_alloc : memref<!tpu.dma_semaphore, #tpu.memory_space<semaphore_mem>>
        %dma_start3A_630 = arith.constant 0 : i32
        %dma_start3A_631 = arith.constant 0 : i32
        %dma_start3A_632 = tpu.memref_slice %arg8[%run_scoped3A_626, %dma_start3A_630, %dma_start3A_631] : memref<4x128x32xf32, #tpu.memory_space<vmem>> -> memref<1x128x32xf32, #tpu.memory_space<vmem>>
        %dma_start3A_633 = tpu.memref_squeeze %dma_start3A_632 : memref<1x128x32xf32, #tpu.memory_space<vmem>> -> memref<128x32xf32, #tpu.memory_space<vmem>>
        %dma_start3A_634 = arith.constant 32 : i32
        %dma_start3A_635 = tpu.memref_slice %arg5[%add3A_625, %dma_start3A_634] : memref<20480x128xf32, #tpu.memory_space<hbm>> -> memref<128x32xf32, #tpu.memory_space<hbm>>
        %dma_start3A_636 = arith.constant 32 : i32
        %dma_start3A_637 = tpu.memref_slice %arg5[%add3A_625, %dma_start3A_636] : memref<20480x128xf32, #tpu.memory_space<hbm>> -> memref<128x32xf32, #tpu.memory_space<hbm>>
        %dma_start3A_638 = arith.constant 0 : i32
        %dma_start3A_639 = arith.constant 0 : i32
        %dma_start3A_640 = tpu.memref_slice %arg8[%run_scoped3A_626, %dma_start3A_638, %dma_start3A_639] : memref<4x128x32xf32, #tpu.memory_space<vmem>> -> memref<1x128x32xf32, #tpu.memory_space<vmem>>
        %dma_start3A_641 = tpu.memref_squeeze %dma_start3A_640 : memref<1x128x32xf32, #tpu.memory_space<vmem>> -> memref<128x32xf32, #tpu.memory_space<vmem>>
        tpu.enqueue_dma source(%dma_start3A_641 : memref<128x32xf32, #tpu.memory_space<vmem>>) target(%dma_start3A_637 : memref<128x32xf32, #tpu.memory_space<hbm>>) target_semaphore(%run_scoped3A_629 : memref<!tpu.dma_semaphore, #tpu.memory_space<semaphore_mem>>)
        %dma_wait3A_642 = arith.constant 0 : i32
        %dma_wait3A_643 = arith.constant 0 : i32
        %dma_wait3A_644 = tpu.memref_slice %arg8[%run_scoped3A_626, %dma_wait3A_642, %dma_wait3A_643] : memref<4x128x32xf32, #tpu.memory_space<vmem>> -> memref<1x128x32xf32, #tpu.memory_space<vmem>>
        %dma_wait3A_645 = tpu.memref_squeeze %dma_wait3A_644 : memref<1x128x32xf32, #tpu.memory_space<vmem>> -> memref<128x32xf32, #tpu.memory_space<vmem>>
        %dma_wait3A_646 = arith.constant 32 : i32
        %dma_wait3A_647 = tpu.memref_slice %arg5[%add3A_625, %dma_wait3A_646] : memref<20480x128xf32, #tpu.memory_space<hbm>> -> memref<128x32xf32, #tpu.memory_space<hbm>>
        %dma_wait3A_648 = arith.constant 32 : i32
        %dma_wait3A_649 = tpu.memref_slice %arg5[%add3A_625, %dma_wait3A_648] : memref<20480x128xf32, #tpu.memory_space<hbm>> -> memref<128x32xf32, #tpu.memory_space<hbm>>
        %dma_wait3A_650 = arith.constant 0 : i32
        %dma_wait3A_651 = arith.constant 0 : i32
        %dma_wait3A_652 = tpu.memref_slice %arg8[%run_scoped3A_626, %dma_wait3A_650, %dma_wait3A_651] : memref<4x128x32xf32, #tpu.memory_space<vmem>> -> memref<1x128x32xf32, #tpu.memory_space<vmem>>
        %dma_wait3A_653 = tpu.memref_squeeze %dma_wait3A_652 : memref<1x128x32xf32, #tpu.memory_space<vmem>> -> memref<128x32xf32, #tpu.memory_space<vmem>>
        tpu.wait_dma2 semaphore(%run_scoped3A_629 : memref<!tpu.dma_semaphore, #tpu.memory_space<semaphore_mem>>) src(%dma_wait3A_653 : memref<128x32xf32, #tpu.memory_space<vmem>>) dst(%dma_wait3A_649 : memref<128x32xf32, #tpu.memory_space<hbm>>)
        tpu.yield
      }) : () -> ()
      %run_scoped3A_627 = arith.constant 2 : i32
      "tpu.region"() ({
        %run_scoped3A_629 = tpu.sem_alloc : memref<!tpu.dma_semaphore, #tpu.memory_space<semaphore_mem>>
        %dma_start3A_630 = arith.constant 0 : i32
        %dma_start3A_631 = arith.constant 0 : i32
        %dma_start3A_632 = tpu.memref_slice %arg8[%run_scoped3A_627, %dma_start3A_630, %dma_start3A_631] : memref<4x128x32xf32, #tpu.memory_space<vmem>> -> memref<1x128x32xf32, #tpu.memory_space<vmem>>
        %dma_start3A_633 = tpu.memref_squeeze %dma_start3A_632 : memref<1x128x32xf32, #tpu.memory_space<vmem>> -> memref<128x32xf32, #tpu.memory_space<vmem>>
        %dma_start3A_634 = arith.constant 64 : i32
        %dma_start3A_635 = tpu.memref_slice %arg5[%add3A_625, %dma_start3A_634] : memref<20480x128xf32, #tpu.memory_space<hbm>> -> memref<128x32xf32, #tpu.memory_space<hbm>>
        %dma_start3A_636 = arith.constant 64 : i32
        %dma_start3A_637 = tpu.memref_slice %arg5[%add3A_625, %dma_start3A_636] : memref<20480x128xf32, #tpu.memory_space<hbm>> -> memref<128x32xf32, #tpu.memory_space<hbm>>
        %dma_start3A_638 = arith.constant 0 : i32
        %dma_start3A_639 = arith.constant 0 : i32
        %dma_start3A_640 = tpu.memref_slice %arg8[%run_scoped3A_627, %dma_start3A_638, %dma_start3A_639] : memref<4x128x32xf32, #tpu.memory_space<vmem>> -> memref<1x128x32xf32, #tpu.memory_space<vmem>>
        %dma_start3A_641 = tpu.memref_squeeze %dma_start3A_640 : memref<1x128x32xf32, #tpu.memory_space<vmem>> -> memref<128x32xf32, #tpu.memory_space<vmem>>
        tpu.enqueue_dma source(%dma_start3A_641 : memref<128x32xf32, #tpu.memory_space<vmem>>) target(%dma_start3A_637 : memref<128x32xf32, #tpu.memory_space<hbm>>) target_semaphore(%run_scoped3A_629 : memref<!tpu.dma_semaphore, #tpu.memory_space<semaphore_mem>>)
        %dma_wait3A_642 = arith.constant 0 : i32
        %dma_wait3A_643 = arith.constant 0 : i32
        %dma_wait3A_644 = tpu.memref_slice %arg8[%run_scoped3A_627, %dma_wait3A_642, %dma_wait3A_643] : memref<4x128x32xf32, #tpu.memory_space<vmem>> -> memref<1x128x32xf32, #tpu.memory_space<vmem>>
        %dma_wait3A_645 = tpu.memref_squeeze %dma_wait3A_644 : memref<1x128x32xf32, #tpu.memory_space<vmem>> -> memref<128x32xf32, #tpu.memory_space<vmem>>
        %dma_wait3A_646 = arith.constant 64 : i32
        %dma_wait3A_647 = tpu.memref_slice %arg5[%add3A_625, %dma_wait3A_646] : memref<20480x128xf32, #tpu.memory_space<hbm>> -> memref<128x32xf32, #tpu.memory_space<hbm>>
        %dma_wait3A_648 = arith.constant 64 : i32
        %dma_wait3A_649 = tpu.memref_slice %arg5[%add3A_625, %dma_wait3A_648] : memref<20480x128xf32, #tpu.memory_space<hbm>> -> memref<128x32xf32, #tpu.memory_space<hbm>>
        %dma_wait3A_650 = arith.constant 0 : i32
        %dma_wait3A_651 = arith.constant 0 : i32
        %dma_wait3A_652 = tpu.memref_slice %arg8[%run_scoped3A_627, %dma_wait3A_650, %dma_wait3A_651] : memref<4x128x32xf32, #tpu.memory_space<vmem>> -> memref<1x128x32xf32, #tpu.memory_space<vmem>>
        %dma_wait3A_653 = tpu.memref_squeeze %dma_wait3A_652 : memref<1x128x32xf32, #tpu.memory_space<vmem>> -> memref<128x32xf32, #tpu.memory_space<vmem>>
        tpu.wait_dma2 semaphore(%run_scoped3A_629 : memref<!tpu.dma_semaphore, #tpu.memory_space<semaphore_mem>>) src(%dma_wait3A_653 : memref<128x32xf32, #tpu.memory_space<vmem>>) dst(%dma_wait3A_649 : memref<128x32xf32, #tpu.memory_space<hbm>>)
        tpu.yield
      }) : () -> ()
      %run_scoped3A_628 = arith.constant 3 : i32
      "tpu.region"() ({
        %run_scoped3A_629 = tpu.sem_alloc : memref<!tpu.dma_semaphore, #tpu.memory_space<semaphore_mem>>
        %dma_start3A_630 = arith.constant 0 : i32
        %dma_start3A_631 = arith.constant 0 : i32
        %dma_start3A_632 = tpu.memref_slice %arg8[%run_scoped3A_628, %dma_start3A_630, %dma_start3A_631] : memref<4x128x32xf32, #tpu.memory_space<vmem>> -> memref<1x128x32xf32, #tpu.memory_space<vmem>>
        %dma_start3A_633 = tpu.memref_squeeze %dma_start3A_632 : memref<1x128x32xf32, #tpu.memory_space<vmem>> -> memref<128x32xf32, #tpu.memory_space<vmem>>
        %dma_start3A_634 = arith.constant 96 : i32
        %dma_start3A_635 = tpu.memref_slice %arg5[%add3A_625, %dma_start3A_634] : memref<20480x128xf32, #tpu.memory_space<hbm>> -> memref<128x32xf32, #tpu.memory_space<hbm>>
        %dma_start3A_636 = arith.constant 96 : i32
        %dma_start3A_637 = tpu.memref_slice %arg5[%add3A_625, %dma_start3A_636] : memref<20480x128xf32, #tpu.memory_space<hbm>> -> memref<128x32xf32, #tpu.memory_space<hbm>>
        %dma_start3A_638 = arith.constant 0 : i32
        %dma_start3A_639 = arith.constant 0 : i32
        %dma_start3A_640 = tpu.memref_slice %arg8[%run_scoped3A_628, %dma_start3A_638, %dma_start3A_639] : memref<4x128x32xf32, #tpu.memory_space<vmem>> -> memref<1x128x32xf32, #tpu.memory_space<vmem>>
        %dma_start3A_641 = tpu.memref_squeeze %dma_start3A_640 : memref<1x128x32xf32, #tpu.memory_space<vmem>> -> memref<128x32xf32, #tpu.memory_space<vmem>>
        tpu.enqueue_dma source(%dma_start3A_641 : memref<128x32xf32, #tpu.memory_space<vmem>>) target(%dma_start3A_637 : memref<128x32xf32, #tpu.memory_space<hbm>>) target_semaphore(%run_scoped3A_629 : memref<!tpu.dma_semaphore, #tpu.memory_space<semaphore_mem>>)
        %dma_wait3A_642 = arith.constant 0 : i32
        %dma_wait3A_643 = arith.constant 0 : i32
        %dma_wait3A_644 = tpu.memref_slice %arg8[%run_scoped3A_628, %dma_wait3A_642, %dma_wait3A_643] : memref<4x128x32xf32, #tpu.memory_space<vmem>> -> memref<1x128x32xf32, #tpu.memory_space<vmem>>
        %dma_wait3A_645 = tpu.memref_squeeze %dma_wait3A_644 : memref<1x128x32xf32, #tpu.memory_space<vmem>> -> memref<128x32xf32, #tpu.memory_space<vmem>>
        %dma_wait3A_646 = arith.constant 96 : i32
        %dma_wait3A_647 = tpu.memref_slice %arg5[%add3A_625, %dma_wait3A_646] : memref<20480x128xf32, #tpu.memory_space<hbm>> -> memref<128x32xf32, #tpu.memory_space<hbm>>
        %dma_wait3A_648 = arith.constant 96 : i32
        %dma_wait3A_649 = tpu.memref_slice %arg5[%add3A_625, %dma_wait3A_648] : memref<20480x128xf32, #tpu.memory_space<hbm>> -> memref<128x32xf32, #tpu.memory_space<hbm>>
        %dma_wait3A_650 = arith.constant 0 : i32
        %dma_wait3A_651 = arith.constant 0 : i32
        %dma_wait3A_652 = tpu.memref_slice %arg8[%run_scoped3A_628, %dma_wait3A_650, %dma_wait3A_651] : memref<4x128x32xf32, #tpu.memory_space<vmem>> -> memref<1x128x32xf32, #tpu.memory_space<vmem>>
        %dma_wait3A_653 = tpu.memref_squeeze %dma_wait3A_652 : memref<1x128x32xf32, #tpu.memory_space<vmem>> -> memref<128x32xf32, #tpu.memory_space<vmem>>
        tpu.wait_dma2 semaphore(%run_scoped3A_629 : memref<!tpu.dma_semaphore, #tpu.memory_space<semaphore_mem>>) src(%dma_wait3A_653 : memref<128x32xf32, #tpu.memory_space<vmem>>) dst(%dma_wait3A_649 : memref<128x32xf32, #tpu.memory_space<hbm>>)
        tpu.yield
      }) : () -> ()
    }
    %scan3A_134 = arith.constant 5 : i32
    return
  }
}

module attributes {stable_mosaic.version = 14 : i64} {
  func.func @body(%arg0: i32, %arg1: memref<4096x128xf32, #tpu.memory_space<vmem>>, %arg2: memref<256x768xf32, #tpu.memory_space<vmem>>, %arg3: memref<1x768xf32, #tpu.memory_space<vmem>>, %arg4: memref<1x768xf32, #tpu.memory_space<vmem>>, %arg5: memref<1x768xf32, #tpu.memory_space<vmem>>, %arg6: memref<2048x768xf32, #tpu.memory_space<vmem>>, %arg7: memref<1024x768xf32, #tpu.memory_space<vmem>>) attributes {dimension_semantics = [#tpu.dimension_semantics<arbitrary>], iteration_bounds = array<i64: 5>, scalar_prefetch = 0 : i64, scratch_operands = 0 : i64, tpu.core_type = #tpu.core_type<tc>, window_params = [{transform_indices = @transform_0, window_bounds = array<i64: 4096, 128>}, {pipeline_mode = #tpu.pipeline_mode<synchronous>, transform_indices = @transform_1, window_bounds = array<i64: 256, 768>}, {pipeline_mode = #tpu.pipeline_mode<synchronous>, transform_indices = @transform_2, window_bounds = array<i64: 1, 768>}, {pipeline_mode = #tpu.pipeline_mode<synchronous>, transform_indices = @transform_3, window_bounds = array<i64: 1, 768>}, {pipeline_mode = #tpu.pipeline_mode<synchronous>, transform_indices = @transform_4, window_bounds = array<i64: 1, 768>}, {transform_indices = @transform_5, window_bounds = array<i64: 2048, 768>}, {pipeline_mode = #tpu.pipeline_mode<synchronous>, transform_indices = @transform_6, window_bounds = array<i64: 1024, 768>}]} {
    %get3A = arith.constant 0 : index
    %get3A_0 = arith.constant 0 : index
    %get3A_1 = vector.load %arg1[%get3A, %get3A_0] : memref<4096x128xf32, #tpu.memory_space<vmem>>, vector<4096x128xf32>
    %reshape3A = vector.shape_cast %get3A_1 : vector<4096x128xf32> to vector<2048x256xf32>
    %get3A_2 = arith.constant 0 : index
    %get3A_3 = arith.constant 0 : index
    %get3A_4 = vector.load %arg2[%get3A_2, %get3A_3] : memref<256x768xf32, #tpu.memory_space<vmem>>, vector<256x768xf32>
    %dot_general3A = arith.constant dense<0.000000e+00> : vector<2048x768xf32>
    %dot_general3A_5 = tpu.matmul %reshape3A, %get3A_4, %dot_general3A {dimension_numbers = #tpu.dot_dimension_numbers<[1], [0], [0], [1], [0, 0, 1, 1], [], []>, transpose_lhs_hint = false} : vector<2048x256xf32>, vector<256x768xf32>, vector<2048x768xf32> -> vector<2048x768xf32>
    %get3A_6 = arith.constant 0 : index
    %get3A_7 = arith.constant 0 : index
    %get3A_8 = vector.load %arg3[%get3A_6, %get3A_7] : memref<1x768xf32, #tpu.memory_space<vmem>>, vector<1x768xf32>
    %add3A = vector.broadcast %get3A_8 : vector<1x768xf32> to vector<2048x768xf32>
    %add3A_9 = arith.addf %dot_general3A_5, %add3A : vector<2048x768xf32>
    %reduce_sum3A = arith.constant dense<0.000000e+00> : vector<2048xf32>
    %reduce_sum3A_10 = vector.multi_reduction <add>, %add3A_9, %reduce_sum3A [1] : vector<2048x768xf32> to vector<2048xf32>
    %broadcast_in_dim3A = vector.shape_cast %reduce_sum3A_10 : vector<2048xf32> to vector<2048x1xf32>
    %div3A = arith.constant 7.680000e+02 : f32
    %div3A_11 = vector.broadcast %div3A : f32 to vector<2048x1xf32>
    %div3A_12 = arith.divf %broadcast_in_dim3A, %div3A_11 : vector<2048x1xf32>
    %sub3A = vector.broadcast %div3A_12 : vector<2048x1xf32> to vector<2048x768xf32>
    %sub3A_13 = arith.subf %add3A_9, %sub3A : vector<2048x768xf32>
    %integer_pow3A = arith.mulf %sub3A_13, %sub3A_13 : vector<2048x768xf32>
    %reduce_sum3A_14 = arith.constant dense<0.000000e+00> : vector<2048xf32>
    %reduce_sum3A_15 = vector.multi_reduction <add>, %integer_pow3A, %reduce_sum3A_14 [1] : vector<2048x768xf32> to vector<2048xf32>
    %broadcast_in_dim3A_16 = vector.shape_cast %reduce_sum3A_15 : vector<2048xf32> to vector<2048x1xf32>
    %div3A_17 = arith.constant 7.680000e+02 : f32
    %div3A_18 = vector.broadcast %div3A_17 : f32 to vector<2048x1xf32>
    %div3A_19 = arith.divf %broadcast_in_dim3A_16, %div3A_18 : vector<2048x1xf32>
    %sub3A_20 = vector.broadcast %div3A_12 : vector<2048x1xf32> to vector<2048x768xf32>
    %sub3A_21 = arith.subf %add3A_9, %sub3A_20 : vector<2048x768xf32>
    %add3A_22 = arith.constant 9.99999974E-6 : f32
    %add3A_23 = vector.broadcast %add3A_22 : f32 to vector<2048x1xf32>
    %add3A_24 = arith.addf %div3A_19, %add3A_23 : vector<2048x1xf32>
    %rsqrt3A = math.rsqrt %add3A_24 : vector<2048x1xf32>
    %mul3A = vector.broadcast %rsqrt3A : vector<2048x1xf32> to vector<2048x768xf32>
    %mul3A_25 = arith.mulf %sub3A_21, %mul3A : vector<2048x768xf32>
    %get3A_26 = arith.constant 0 : index
    %get3A_27 = arith.constant 0 : index
    %get3A_28 = vector.load %arg4[%get3A_26, %get3A_27] : memref<1x768xf32, #tpu.memory_space<vmem>>, vector<1x768xf32>
    %mul3A_29 = vector.broadcast %get3A_28 : vector<1x768xf32> to vector<2048x768xf32>
    %mul3A_30 = arith.mulf %mul3A_25, %mul3A_29 : vector<2048x768xf32>
    %get3A_31 = arith.constant 0 : index
    %get3A_32 = arith.constant 0 : index
    %get3A_33 = vector.load %arg5[%get3A_31, %get3A_32] : memref<1x768xf32, #tpu.memory_space<vmem>>, vector<1x768xf32>
    %add3A_34 = vector.broadcast %get3A_33 : vector<1x768xf32> to vector<2048x768xf32>
    %add3A_35 = arith.addf %mul3A_30, %add3A_34 : vector<2048x768xf32>
    %swap3A = arith.constant 0 : index
    %swap3A_36 = arith.constant 0 : index
    %swap3A_37 = vector.load %arg6[%swap3A, %swap3A_36] : memref<2048x768xf32, #tpu.memory_space<vmem>>, vector<2048x768xf32>
    tpu.vector_store %arg6[%swap3A, %swap3A_36], %add3A_35 {strides = array<i32>} : memref<2048x768xf32, #tpu.memory_space<vmem>>, vector<2048x768xf32>,
    %slice3A = vector.extract_strided_slice %add3A_35 {offsets = [0, 0], sizes = [1024, 768], strides = [1, 1]} : vector<2048x768xf32> to vector<1024x768xf32>
    %slice3A_38 = vector.extract_strided_slice %add3A_35 {offsets = [1024, 0], sizes = [1024, 768], strides = [1, 1]} : vector<2048x768xf32> to vector<1024x768xf32>
    %add3A_39 = arith.addf %slice3A, %slice3A_38 : vector<1024x768xf32>
    %mul3A_40 = arith.constant 2.000000e-02 : f32
    %mul3A_41 = vector.broadcast %mul3A_40 : f32 to vector<1024x768xf32>
    %mul3A_42 = arith.mulf %add3A_39, %mul3A_41 : vector<1024x768xf32>
    %eq3A = arith.constant 0 : i32
    %eq3A_43 = arith.cmpi eq, %arg0, %eq3A : i32
    %convert_element_type3A = arith.extui %eq3A_43 : i1 to i32
    %cond3A = arith.constant 0 : i32
    %cond3A_44 = arith.cmpi ne, %convert_element_type3A, %cond3A : i32
    scf.if %cond3A_44 {
      %swap3A_49 = arith.constant 0 : index
      %swap3A_50 = arith.constant 0 : index
      %swap3A_51 = vector.load %arg7[%swap3A_49, %swap3A_50] : memref<1024x768xf32, #tpu.memory_space<vmem>>, vector<1024x768xf32>
      tpu.vector_store %arg7[%swap3A_49, %swap3A_50], %mul3A_42 {strides = array<i32>} : memref<1024x768xf32, #tpu.memory_space<vmem>>, vector<1024x768xf32>,
    } else {
    }
    %gt3A = arith.constant 0 : i32
    %gt3A_45 = arith.cmpi sgt, %arg0, %gt3A : i32
    %convert_element_type3A_46 = arith.extui %gt3A_45 : i1 to i32
    %cond3A_47 = arith.constant 0 : i32
    %cond3A_48 = arith.cmpi ne, %convert_element_type3A_46, %cond3A_47 : i32
    scf.if %cond3A_48 {
      %get3A_49 = arith.constant 0 : index
      %get3A_50 = arith.constant 0 : index
      %get3A_51 = vector.load %arg7[%get3A_49, %get3A_50] : memref<1024x768xf32, #tpu.memory_space<vmem>>, vector<1024x768xf32>
      %add3A_52 = arith.addf %get3A_51, %mul3A_42 : vector<1024x768xf32>
      %swap3A_53 = arith.constant 0 : index
      %swap3A_54 = arith.constant 0 : index
      %swap3A_55 = vector.load %arg7[%swap3A_53, %swap3A_54] : memref<1024x768xf32, #tpu.memory_space<vmem>>, vector<1024x768xf32>
      tpu.vector_store %arg7[%swap3A_53, %swap3A_54], %add3A_52 {strides = array<i32>} : memref<1024x768xf32, #tpu.memory_space<vmem>>, vector<1024x768xf32>,
    } else {
    }
    return
  }
  func.func @transform_0(%arg0: i32) -> (i32, i32) {
    %c0_i32 = arith.constant 0 : i32
    %c0_i32_0 = arith.constant 0 : i32
    return %arg0, %c0_i32 : i32, i32
  }
  func.func @transform_1(%arg0: i32) -> (i32, i32) {
    %c0_i32 = arith.constant 0 : i32
    %c0_i32_0 = arith.constant 0 : i32
    %c0_i32_1 = arith.constant 0 : i32
    return %c0_i32, %c0_i32_0 : i32, i32
  }
  func.func @transform_2(%arg0: i32) -> (i32, i32) {
    %c0_i32 = arith.constant 0 : i32
    %c0_i32_0 = arith.constant 0 : i32
    %c0_i32_1 = arith.constant 0 : i32
    return %c0_i32, %c0_i32_0 : i32, i32
  }
  func.func @transform_3(%arg0: i32) -> (i32, i32) {
    %c0_i32 = arith.constant 0 : i32
    %c0_i32_0 = arith.constant 0 : i32
    %c0_i32_1 = arith.constant 0 : i32
    return %c0_i32, %c0_i32_0 : i32, i32
  }
  func.func @transform_4(%arg0: i32) -> (i32, i32) {
    %c0_i32 = arith.constant 0 : i32
    %c0_i32_0 = arith.constant 0 : i32
    %c0_i32_1 = arith.constant 0 : i32
    return %c0_i32, %c0_i32_0 : i32, i32
  }
  func.func @transform_5(%arg0: i32) -> (i32, i32) {
    %add3A = arith.constant 0 : i32
    %add3A_0 = arith.addi %add3A, %arg0 : i32
    %c0_i32 = arith.constant 0 : i32
    %c0_i32_1 = arith.constant 0 : i32
    return %add3A_0, %c0_i32 : i32, i32
  }
  func.func @transform_6(%arg0: i32) -> (i32, i32) {
    %c0_i32 = arith.constant 0 : i32
    %c0_i32_0 = arith.constant 0 : i32
    %c0_i32_1 = arith.constant 0 : i32
    return %c0_i32, %c0_i32_0 : i32, i32
  }
}

module attributes {stable_mosaic.version = 14 : i64} {
  func.func @body(%arg0: i32, %arg1: memref<4096x128xf32, #tpu.memory_space<vmem>>, %arg2: memref<256x768xf32, #tpu.memory_space<vmem>>, %arg3: memref<1x768xf32, #tpu.memory_space<vmem>>, %arg4: memref<1x768xf32, #tpu.memory_space<vmem>>, %arg5: memref<1x768xf32, #tpu.memory_space<vmem>>, %arg6: memref<8x768xf32, #tpu.memory_space<vmem>>, %arg7: memref<1024x768xf32, #tpu.memory_space<vmem>>, %arg8: memref<2048x768xf32, #tpu.memory_space<vmem>>, %arg9: memref<1024x768xf32, #tpu.memory_space<vmem>>) attributes {dimension_semantics = [#tpu.dimension_semantics<arbitrary>], iteration_bounds = array<i64: 10>, scalar_prefetch = 0 : i64, scratch_operands = 0 : i64, tpu.core_type = #tpu.core_type<tc>, window_params = [{transform_indices = @transform_0, window_bounds = array<i64: 4096, 128>}, {pipeline_mode = #tpu.pipeline_mode<synchronous>, transform_indices = @transform_1, window_bounds = array<i64: 256, 768>}, {pipeline_mode = #tpu.pipeline_mode<synchronous>, transform_indices = @transform_2, window_bounds = array<i64: 1, 768>}, {pipeline_mode = #tpu.pipeline_mode<synchronous>, transform_indices = @transform_3, window_bounds = array<i64: 1, 768>}, {pipeline_mode = #tpu.pipeline_mode<synchronous>, transform_indices = @transform_4, window_bounds = array<i64: 1, 768>}, {transform_indices = @transform_5, window_bounds = array<i64: 8, 768>}, {pipeline_mode = #tpu.pipeline_mode<synchronous>, transform_indices = @transform_6, window_bounds = array<i64: 1024, 768>}, {transform_indices = @transform_7, window_bounds = array<i64: 2048, 768>}, {pipeline_mode = #tpu.pipeline_mode<synchronous>, transform_indices = @transform_8, window_bounds = array<i64: 1024, 768>}]} {
    %get3A = arith.constant 0 : index
    %get3A_0 = arith.constant 0 : index
    %get3A_1 = vector.load %arg1[%get3A, %get3A_0] : memref<4096x128xf32, #tpu.memory_space<vmem>>, vector<4096x128xf32>
    %reshape3A = vector.shape_cast %get3A_1 : vector<4096x128xf32> to vector<2048x256xf32>
    %get3A_2 = arith.constant 0 : index
    %get3A_3 = arith.constant 0 : index
    %get3A_4 = vector.load %arg2[%get3A_2, %get3A_3] : memref<256x768xf32, #tpu.memory_space<vmem>>, vector<256x768xf32>
    %dot_general3A = arith.constant dense<0.000000e+00> : vector<2048x768xf32>
    %dot_general3A_5 = tpu.matmul %reshape3A, %get3A_4, %dot_general3A {dimension_numbers = #tpu.dot_dimension_numbers<[1], [0], [0], [1], [0, 0, 1, 1], [], []>, transpose_lhs_hint = false} : vector<2048x256xf32>, vector<256x768xf32>, vector<2048x768xf32> -> vector<2048x768xf32>
    %get3A_6 = arith.constant 0 : index
    %get3A_7 = arith.constant 0 : index
    %get3A_8 = vector.load %arg3[%get3A_6, %get3A_7] : memref<1x768xf32, #tpu.memory_space<vmem>>, vector<1x768xf32>
    %add3A = vector.broadcast %get3A_8 : vector<1x768xf32> to vector<2048x768xf32>
    %add3A_9 = arith.addf %dot_general3A_5, %add3A : vector<2048x768xf32>
    %reduce_sum3A = arith.constant dense<0.000000e+00> : vector<2048xf32>
    %reduce_sum3A_10 = vector.multi_reduction <add>, %add3A_9, %reduce_sum3A [1] : vector<2048x768xf32> to vector<2048xf32>
    %broadcast_in_dim3A = vector.shape_cast %reduce_sum3A_10 : vector<2048xf32> to vector<2048x1xf32>
    %div3A = arith.constant 7.680000e+02 : f32
    %div3A_11 = vector.broadcast %div3A : f32 to vector<2048x1xf32>
    %div3A_12 = arith.divf %broadcast_in_dim3A, %div3A_11 : vector<2048x1xf32>
    %sub3A = vector.broadcast %div3A_12 : vector<2048x1xf32> to vector<2048x768xf32>
    %sub3A_13 = arith.subf %add3A_9, %sub3A : vector<2048x768xf32>
    %integer_pow3A = arith.mulf %sub3A_13, %sub3A_13 : vector<2048x768xf32>
    %reduce_sum3A_14 = arith.constant dense<0.000000e+00> : vector<2048xf32>
    %reduce_sum3A_15 = vector.multi_reduction <add>, %integer_pow3A, %reduce_sum3A_14 [1] : vector<2048x768xf32> to vector<2048xf32>
    %broadcast_in_dim3A_16 = vector.shape_cast %reduce_sum3A_15 : vector<2048xf32> to vector<2048x1xf32>
    %div3A_17 = arith.constant 7.680000e+02 : f32
    %div3A_18 = vector.broadcast %div3A_17 : f32 to vector<2048x1xf32>
    %div3A_19 = arith.divf %broadcast_in_dim3A_16, %div3A_18 : vector<2048x1xf32>
    %sub3A_20 = vector.broadcast %div3A_12 : vector<2048x1xf32> to vector<2048x768xf32>
    %sub3A_21 = arith.subf %add3A_9, %sub3A_20 : vector<2048x768xf32>
    %add3A_22 = arith.constant 9.99999974E-6 : f32
    %add3A_23 = vector.broadcast %add3A_22 : f32 to vector<2048x1xf32>
    %add3A_24 = arith.addf %div3A_19, %add3A_23 : vector<2048x1xf32>
    %rsqrt3A = math.rsqrt %add3A_24 : vector<2048x1xf32>
    %mul3A = vector.broadcast %rsqrt3A : vector<2048x1xf32> to vector<2048x768xf32>
    %mul3A_25 = arith.mulf %sub3A_21, %mul3A : vector<2048x768xf32>
    %get3A_26 = arith.constant 0 : index
    %get3A_27 = arith.constant 0 : index
    %get3A_28 = vector.load %arg4[%get3A_26, %get3A_27] : memref<1x768xf32, #tpu.memory_space<vmem>>, vector<1x768xf32>
    %mul3A_29 = vector.broadcast %get3A_28 : vector<1x768xf32> to vector<2048x768xf32>
    %mul3A_30 = arith.mulf %mul3A_25, %mul3A_29 : vector<2048x768xf32>
    %get3A_31 = arith.constant 0 : index
    %get3A_32 = arith.constant 0 : index
    %get3A_33 = vector.load %arg5[%get3A_31, %get3A_32] : memref<1x768xf32, #tpu.memory_space<vmem>>, vector<1x768xf32>
    %add3A_34 = vector.broadcast %get3A_33 : vector<1x768xf32> to vector<2048x768xf32>
    %add3A_35 = arith.addf %mul3A_30, %add3A_34 : vector<2048x768xf32>
    %swap3A = arith.constant 0 : index
    %swap3A_36 = arith.constant 0 : index
    %swap3A_37 = vector.load %arg8[%swap3A, %swap3A_36] : memref<2048x768xf32, #tpu.memory_space<vmem>>, vector<2048x768xf32>
    tpu.vector_store %arg8[%swap3A, %swap3A_36], %add3A_35 {strides = array<i32>} : memref<2048x768xf32, #tpu.memory_space<vmem>>, vector<2048x768xf32>,
    %slice3A = vector.extract_strided_slice %add3A_35 {offsets = [0, 0], sizes = [1024, 768], strides = [1, 1]} : vector<2048x768xf32> to vector<1024x768xf32>
    %slice3A_38 = vector.extract_strided_slice %add3A_35 {offsets = [1024, 0], sizes = [1024, 768], strides = [1, 1]} : vector<2048x768xf32> to vector<1024x768xf32>
    %add3A_39 = arith.addf %slice3A, %slice3A_38 : vector<1024x768xf32>
    %mul3A_40 = arith.constant 2.000000e-02 : f32
    %mul3A_41 = vector.broadcast %mul3A_40 : f32 to vector<1024x768xf32>
    %mul3A_42 = arith.mulf %add3A_39, %mul3A_41 : vector<1024x768xf32>
    %eq3A = arith.constant 0 : i32
    %eq3A_43 = arith.cmpi eq, %arg0, %eq3A : i32
    %convert_element_type3A = arith.extui %eq3A_43 : i1 to i32
    %cond3A = arith.constant 0 : i32
    %cond3A_44 = arith.cmpi ne, %convert_element_type3A, %cond3A : i32
    scf.if %cond3A_44 {
      %get3A_49 = arith.constant 0 : index
      %get3A_50 = arith.constant 0 : index
      %get3A_51 = vector.load %arg7[%get3A_49, %get3A_50] : memref<1024x768xf32, #tpu.memory_space<vmem>>, vector<1024x768xf32>
      %add3A_52 = arith.addf %get3A_51, %mul3A_42 : vector<1024x768xf32>
      %swap3A_53 = arith.constant 0 : index
      %swap3A_54 = arith.constant 0 : index
      %swap3A_55 = vector.load %arg9[%swap3A_53, %swap3A_54] : memref<1024x768xf32, #tpu.memory_space<vmem>>, vector<1024x768xf32>
      tpu.vector_store %arg9[%swap3A_53, %swap3A_54], %add3A_52 {strides = array<i32>} : memref<1024x768xf32, #tpu.memory_space<vmem>>, vector<1024x768xf32>,
    } else {
    }
    %gt3A = arith.constant 0 : i32
    %gt3A_45 = arith.cmpi sgt, %arg0, %gt3A : i32
    %convert_element_type3A_46 = arith.extui %gt3A_45 : i1 to i32
    %cond3A_47 = arith.constant 0 : i32
    %cond3A_48 = arith.cmpi ne, %convert_element_type3A_46, %cond3A_47 : i32
    scf.if %cond3A_48 {
      %get3A_49 = arith.constant 0 : index
      %get3A_50 = arith.constant 0 : index
      %get3A_51 = vector.load %arg9[%get3A_49, %get3A_50] : memref<1024x768xf32, #tpu.memory_space<vmem>>, vector<1024x768xf32>
      %add3A_52 = arith.addf %get3A_51, %mul3A_42 : vector<1024x768xf32>
      %swap3A_53 = arith.constant 0 : index
      %swap3A_54 = arith.constant 0 : index
      %swap3A_55 = vector.load %arg9[%swap3A_53, %swap3A_54] : memref<1024x768xf32, #tpu.memory_space<vmem>>, vector<1024x768xf32>
      tpu.vector_store %arg9[%swap3A_53, %swap3A_54], %add3A_52 {strides = array<i32>} : memref<1024x768xf32, #tpu.memory_space<vmem>>, vector<1024x768xf32>,
    } else {
    }
    return
  }
  func.func @transform_0(%arg0: i32) -> (i32, i32) {
    %c0_i32 = arith.constant 0 : i32
    %c0_i32_0 = arith.constant 0 : i32
    return %arg0, %c0_i32 : i32, i32
  }
  func.func @transform_1(%arg0: i32) -> (i32, i32) {
    %c0_i32 = arith.constant 0 : i32
    %c0_i32_0 = arith.constant 0 : i32
    %c0_i32_1 = arith.constant 0 : i32
    return %c0_i32, %c0_i32_0 : i32, i32
  }
  func.func @transform_2(%arg0: i32) -> (i32, i32) {
    %c0_i32 = arith.constant 0 : i32
    %c0_i32_0 = arith.constant 0 : i32
    %c0_i32_1 = arith.constant 0 : i32
    return %c0_i32, %c0_i32_0 : i32, i32
  }
  func.func @transform_3(%arg0: i32) -> (i32, i32) {
    %c0_i32 = arith.constant 0 : i32
    %c0_i32_0 = arith.constant 0 : i32
    %c0_i32_1 = arith.constant 0 : i32
    return %c0_i32, %c0_i32_0 : i32, i32
  }
  func.func @transform_4(%arg0: i32) -> (i32, i32) {
    %c0_i32 = arith.constant 0 : i32
    %c0_i32_0 = arith.constant 0 : i32
    %c0_i32_1 = arith.constant 0 : i32
    return %c0_i32, %c0_i32_0 : i32, i32
  }
  func.func @transform_5(%arg0: i32) -> (i32, i32) {
    %c0_i32 = arith.constant 0 : i32
    %c0_i32_0 = arith.constant 0 : i32
    %c0_i32_1 = arith.constant 0 : i32
    return %c0_i32, %c0_i32_0 : i32, i32
  }
  func.func @transform_6(%arg0: i32) -> (i32, i32) {
    %c0_i32 = arith.constant 0 : i32
    %c0_i32_0 = arith.constant 0 : i32
    %c0_i32_1 = arith.constant 0 : i32
    return %c0_i32, %c0_i32_0 : i32, i32
  }
  func.func @transform_7(%arg0: i32) -> (i32, i32) {
    %add3A = arith.constant 5 : i32
    %add3A_0 = arith.addi %add3A, %arg0 : i32
    %c0_i32 = arith.constant 0 : i32
    %c0_i32_1 = arith.constant 0 : i32
    return %add3A_0, %c0_i32 : i32, i32
  }
  func.func @transform_8(%arg0: i32) -> (i32, i32) {
    %c0_i32 = arith.constant 0 : i32
    %c0_i32_0 = arith.constant 0 : i32
    %c0_i32_1 = arith.constant 0 : i32
    return %c0_i32, %c0_i32_0 : i32, i32
  }
}

module attributes {stable_mosaic.version = 14 : i64} {
  func.func @body(%arg0: i32, %arg1: memref<4096x128xf32, #tpu.memory_space<vmem>>, %arg2: memref<256x768xf32, #tpu.memory_space<vmem>>, %arg3: memref<1x768xf32, #tpu.memory_space<vmem>>, %arg4: memref<1x768xf32, #tpu.memory_space<vmem>>, %arg5: memref<1x768xf32, #tpu.memory_space<vmem>>, %arg6: memref<8x768xf32, #tpu.memory_space<vmem>>, %arg7: memref<1024x768xf32, #tpu.memory_space<vmem>>, %arg8: memref<2048x768xf32, #tpu.memory_space<vmem>>, %arg9: memref<1024x768xf32, #tpu.memory_space<vmem>>) attributes {dimension_semantics = [#tpu.dimension_semantics<arbitrary>], iteration_bounds = array<i64: 10>, scalar_prefetch = 0 : i64, scratch_operands = 0 : i64, tpu.core_type = #tpu.core_type<tc>, window_params = [{transform_indices = @transform_0, window_bounds = array<i64: 4096, 128>}, {pipeline_mode = #tpu.pipeline_mode<synchronous>, transform_indices = @transform_1, window_bounds = array<i64: 256, 768>}, {pipeline_mode = #tpu.pipeline_mode<synchronous>, transform_indices = @transform_2, window_bounds = array<i64: 1, 768>}, {pipeline_mode = #tpu.pipeline_mode<synchronous>, transform_indices = @transform_3, window_bounds = array<i64: 1, 768>}, {pipeline_mode = #tpu.pipeline_mode<synchronous>, transform_indices = @transform_4, window_bounds = array<i64: 1, 768>}, {transform_indices = @transform_5, window_bounds = array<i64: 8, 768>}, {pipeline_mode = #tpu.pipeline_mode<synchronous>, transform_indices = @transform_6, window_bounds = array<i64: 1024, 768>}, {transform_indices = @transform_7, window_bounds = array<i64: 2048, 768>}, {pipeline_mode = #tpu.pipeline_mode<synchronous>, transform_indices = @transform_8, window_bounds = array<i64: 1024, 768>}]} {
    %get3A = arith.constant 0 : index
    %get3A_0 = arith.constant 0 : index
    %get3A_1 = vector.load %arg1[%get3A, %get3A_0] : memref<4096x128xf32, #tpu.memory_space<vmem>>, vector<4096x128xf32>
    %reshape3A = vector.shape_cast %get3A_1 : vector<4096x128xf32> to vector<2048x256xf32>
    %get3A_2 = arith.constant 0 : index
    %get3A_3 = arith.constant 0 : index
    %get3A_4 = vector.load %arg2[%get3A_2, %get3A_3] : memref<256x768xf32, #tpu.memory_space<vmem>>, vector<256x768xf32>
    %dot_general3A = arith.constant dense<0.000000e+00> : vector<2048x768xf32>
    %dot_general3A_5 = tpu.matmul %reshape3A, %get3A_4, %dot_general3A {dimension_numbers = #tpu.dot_dimension_numbers<[1], [0], [0], [1], [0, 0, 1, 1], [], []>, transpose_lhs_hint = false} : vector<2048x256xf32>, vector<256x768xf32>, vector<2048x768xf32> -> vector<2048x768xf32>
    %get3A_6 = arith.constant 0 : index
    %get3A_7 = arith.constant 0 : index
    %get3A_8 = vector.load %arg3[%get3A_6, %get3A_7] : memref<1x768xf32, #tpu.memory_space<vmem>>, vector<1x768xf32>
    %add3A = vector.broadcast %get3A_8 : vector<1x768xf32> to vector<2048x768xf32>
    %add3A_9 = arith.addf %dot_general3A_5, %add3A : vector<2048x768xf32>
    %reduce_sum3A = arith.constant dense<0.000000e+00> : vector<2048xf32>
    %reduce_sum3A_10 = vector.multi_reduction <add>, %add3A_9, %reduce_sum3A [1] : vector<2048x768xf32> to vector<2048xf32>
    %broadcast_in_dim3A = vector.shape_cast %reduce_sum3A_10 : vector<2048xf32> to vector<2048x1xf32>
    %div3A = arith.constant 7.680000e+02 : f32
    %div3A_11 = vector.broadcast %div3A : f32 to vector<2048x1xf32>
    %div3A_12 = arith.divf %broadcast_in_dim3A, %div3A_11 : vector<2048x1xf32>
    %sub3A = vector.broadcast %div3A_12 : vector<2048x1xf32> to vector<2048x768xf32>
    %sub3A_13 = arith.subf %add3A_9, %sub3A : vector<2048x768xf32>
    %integer_pow3A = arith.mulf %sub3A_13, %sub3A_13 : vector<2048x768xf32>
    %reduce_sum3A_14 = arith.constant dense<0.000000e+00> : vector<2048xf32>
    %reduce_sum3A_15 = vector.multi_reduction <add>, %integer_pow3A, %reduce_sum3A_14 [1] : vector<2048x768xf32> to vector<2048xf32>
    %broadcast_in_dim3A_16 = vector.shape_cast %reduce_sum3A_15 : vector<2048xf32> to vector<2048x1xf32>
    %div3A_17 = arith.constant 7.680000e+02 : f32
    %div3A_18 = vector.broadcast %div3A_17 : f32 to vector<2048x1xf32>
    %div3A_19 = arith.divf %broadcast_in_dim3A_16, %div3A_18 : vector<2048x1xf32>
    %sub3A_20 = vector.broadcast %div3A_12 : vector<2048x1xf32> to vector<2048x768xf32>
    %sub3A_21 = arith.subf %add3A_9, %sub3A_20 : vector<2048x768xf32>
    %add3A_22 = arith.constant 9.99999974E-6 : f32
    %add3A_23 = vector.broadcast %add3A_22 : f32 to vector<2048x1xf32>
    %add3A_24 = arith.addf %div3A_19, %add3A_23 : vector<2048x1xf32>
    %rsqrt3A = math.rsqrt %add3A_24 : vector<2048x1xf32>
    %mul3A = vector.broadcast %rsqrt3A : vector<2048x1xf32> to vector<2048x768xf32>
    %mul3A_25 = arith.mulf %sub3A_21, %mul3A : vector<2048x768xf32>
    %get3A_26 = arith.constant 0 : index
    %get3A_27 = arith.constant 0 : index
    %get3A_28 = vector.load %arg4[%get3A_26, %get3A_27] : memref<1x768xf32, #tpu.memory_space<vmem>>, vector<1x768xf32>
    %mul3A_29 = vector.broadcast %get3A_28 : vector<1x768xf32> to vector<2048x768xf32>
    %mul3A_30 = arith.mulf %mul3A_25, %mul3A_29 : vector<2048x768xf32>
    %get3A_31 = arith.constant 0 : index
    %get3A_32 = arith.constant 0 : index
    %get3A_33 = vector.load %arg5[%get3A_31, %get3A_32] : memref<1x768xf32, #tpu.memory_space<vmem>>, vector<1x768xf32>
    %add3A_34 = vector.broadcast %get3A_33 : vector<1x768xf32> to vector<2048x768xf32>
    %add3A_35 = arith.addf %mul3A_30, %add3A_34 : vector<2048x768xf32>
    %swap3A = arith.constant 0 : index
    %swap3A_36 = arith.constant 0 : index
    %swap3A_37 = vector.load %arg8[%swap3A, %swap3A_36] : memref<2048x768xf32, #tpu.memory_space<vmem>>, vector<2048x768xf32>
    tpu.vector_store %arg8[%swap3A, %swap3A_36], %add3A_35 {strides = array<i32>} : memref<2048x768xf32, #tpu.memory_space<vmem>>, vector<2048x768xf32>,
    %slice3A = vector.extract_strided_slice %add3A_35 {offsets = [0, 0], sizes = [1024, 768], strides = [1, 1]} : vector<2048x768xf32> to vector<1024x768xf32>
    %slice3A_38 = vector.extract_strided_slice %add3A_35 {offsets = [1024, 0], sizes = [1024, 768], strides = [1, 1]} : vector<2048x768xf32> to vector<1024x768xf32>
    %add3A_39 = arith.addf %slice3A, %slice3A_38 : vector<1024x768xf32>
    %mul3A_40 = arith.constant 2.000000e-02 : f32
    %mul3A_41 = vector.broadcast %mul3A_40 : f32 to vector<1024x768xf32>
    %mul3A_42 = arith.mulf %add3A_39, %mul3A_41 : vector<1024x768xf32>
    %eq3A = arith.constant 0 : i32
    %eq3A_43 = arith.cmpi eq, %arg0, %eq3A : i32
    %convert_element_type3A = arith.extui %eq3A_43 : i1 to i32
    %cond3A = arith.constant 0 : i32
    %cond3A_44 = arith.cmpi ne, %convert_element_type3A, %cond3A : i32
    scf.if %cond3A_44 {
      %get3A_49 = arith.constant 0 : index
      %get3A_50 = arith.constant 0 : index
      %get3A_51 = vector.load %arg7[%get3A_49, %get3A_50] : memref<1024x768xf32, #tpu.memory_space<vmem>>, vector<1024x768xf32>
      %add3A_52 = arith.addf %get3A_51, %mul3A_42 : vector<1024x768xf32>
      %swap3A_53 = arith.constant 0 : index
      %swap3A_54 = arith.constant 0 : index
      %swap3A_55 = vector.load %arg9[%swap3A_53, %swap3A_54] : memref<1024x768xf32, #tpu.memory_space<vmem>>, vector<1024x768xf32>
      tpu.vector_store %arg9[%swap3A_53, %swap3A_54], %add3A_52 {strides = array<i32>} : memref<1024x768xf32, #tpu.memory_space<vmem>>, vector<1024x768xf32>,
    } else {
    }
    %gt3A = arith.constant 0 : i32
    %gt3A_45 = arith.cmpi sgt, %arg0, %gt3A : i32
    %convert_element_type3A_46 = arith.extui %gt3A_45 : i1 to i32
    %cond3A_47 = arith.constant 0 : i32
    %cond3A_48 = arith.cmpi ne, %convert_element_type3A_46, %cond3A_47 : i32
    scf.if %cond3A_48 {
      %get3A_49 = arith.constant 0 : index
      %get3A_50 = arith.constant 0 : index
      %get3A_51 = vector.load %arg9[%get3A_49, %get3A_50] : memref<1024x768xf32, #tpu.memory_space<vmem>>, vector<1024x768xf32>
      %add3A_52 = arith.addf %get3A_51, %mul3A_42 : vector<1024x768xf32>
      %swap3A_53 = arith.constant 0 : index
      %swap3A_54 = arith.constant 0 : index
      %swap3A_55 = vector.load %arg9[%swap3A_53, %swap3A_54] : memref<1024x768xf32, #tpu.memory_space<vmem>>, vector<1024x768xf32>
      tpu.vector_store %arg9[%swap3A_53, %swap3A_54], %add3A_52 {strides = array<i32>} : memref<1024x768xf32, #tpu.memory_space<vmem>>, vector<1024x768xf32>,
    } else {
    }
    return
  }
  func.func @transform_0(%arg0: i32) -> (i32, i32) {
    %c0_i32 = arith.constant 0 : i32
    %c0_i32_0 = arith.constant 0 : i32
    return %arg0, %c0_i32 : i32, i32
  }
  func.func @transform_1(%arg0: i32) -> (i32, i32) {
    %c0_i32 = arith.constant 0 : i32
    %c0_i32_0 = arith.constant 0 : i32
    %c0_i32_1 = arith.constant 0 : i32
    return %c0_i32, %c0_i32_0 : i32, i32
  }
  func.func @transform_2(%arg0: i32) -> (i32, i32) {
    %c0_i32 = arith.constant 0 : i32
    %c0_i32_0 = arith.constant 0 : i32
    %c0_i32_1 = arith.constant 0 : i32
    return %c0_i32, %c0_i32_0 : i32, i32
  }
  func.func @transform_3(%arg0: i32) -> (i32, i32) {
    %c0_i32 = arith.constant 0 : i32
    %c0_i32_0 = arith.constant 0 : i32
    %c0_i32_1 = arith.constant 0 : i32
    return %c0_i32, %c0_i32_0 : i32, i32
  }
  func.func @transform_4(%arg0: i32) -> (i32, i32) {
    %c0_i32 = arith.constant 0 : i32
    %c0_i32_0 = arith.constant 0 : i32
    %c0_i32_1 = arith.constant 0 : i32
    return %c0_i32, %c0_i32_0 : i32, i32
  }
  func.func @transform_5(%arg0: i32) -> (i32, i32) {
    %c0_i32 = arith.constant 0 : i32
    %c0_i32_0 = arith.constant 0 : i32
    %c0_i32_1 = arith.constant 0 : i32
    return %c0_i32, %c0_i32_0 : i32, i32
  }
  func.func @transform_6(%arg0: i32) -> (i32, i32) {
    %c0_i32 = arith.constant 0 : i32
    %c0_i32_0 = arith.constant 0 : i32
    %c0_i32_1 = arith.constant 0 : i32
    return %c0_i32, %c0_i32_0 : i32, i32
  }
  func.func @transform_7(%arg0: i32) -> (i32, i32) {
    %add3A = arith.constant 15 : i32
    %add3A_0 = arith.addi %add3A, %arg0 : i32
    %c0_i32 = arith.constant 0 : i32
    %c0_i32_1 = arith.constant 0 : i32
    return %add3A_0, %c0_i32 : i32, i32
  }
  func.func @transform_8(%arg0: i32) -> (i32, i32) {
    %c0_i32 = arith.constant 0 : i32
    %c0_i32_0 = arith.constant 0 : i32
    %c0_i32_1 = arith.constant 0 : i32
    return %c0_i32, %c0_i32_0 : i32, i32
  }
}

</mosaic_0001>

<sc_bundles>
// kernel: kernel.11.cloned.1.call-start
scs
__scs_entry_jumppad:
0x0: {  	(pc) =	sbr.rel $0x88, $3  }
0x1: {  	(tag) =	ssettag $0x0;
	lr =	simm.s32 $0x1  }
0x2: {  	[smem:$0x3F9A] =	sst lr;
	_ =	strace $0xD0000000  }
0x3: {  	_ = 	snop  }
0x4: {  	_ = 	snop  }
0x5: {  	_ = 	snop  }
0x6: {  	_ = 	snop  }
0x7: {  	_ = 	snop  }
__scs_overlays_trampoline_lowered:
0x8: {  	[smem:$0x3FA9] =	sst s0  }
0x9: {  	[smem:$0x3FAA] =	sst s1  }
0xa: {  	[smem:$0x3FAB] =	sst s2  }
0xb: {  	[smem:$0x3FAC] =	sst s3  }
0xc: {  	[smem:$0x3FAD] =	sst s4  }
0xd: {  	[smem:$0x3FAE] =	sst s5  }
0xe: {  	[smem:$0x3FAF] =	sst s6  }
0xf: {  	[smem:$0x3FB0] =	sst s7  }
0x10: {  	[smem:$0x3FB1] =	sst s8  }
0x11: {  	[smem:$0x3FB2] =	sst s9;
	s0 =	simm.s32 @!p0 $0x0  }
0x12: {  	s1 =	sld [smem:$0x3F98];
	s0 =	simm.s32 @p0 $0x1  }
0x13: {  	[smem:$0x3FB3] =	sst s0;
	s0 =	simm.s32 @!p1 $0x0  }
0x14: {  	s2 =	sld [smem:$0x3F97];
	s0 =	simm.s32 @p1 $0x1  }
0x15: {  	[smem:$0x3FB4] =	sst s0;
	s0 =	simm.s32 @!p2 $0x0  }
0x16: {  	s3 =	sld [smem:$0x3FDB];
	s0 =	simm.s32 @p2 $0x1  }
0x17: {  	s4 =	simm.s32 $0x1BF5;
	[smem:$0x3FB6] =	sst s0  }
0x18: {  	s0 =	sld [smem:$0x3F99];
	_ =	swait.ge [sflag:s4], $0x0  }
0x19: {  	s7 =	sld [smem:$0x3F9A]  }
0x1a: {  	s8 =	sadd.s32 $0xFFFFE003, lr  }
0x1b: {  	s9 =	sadd.s32 $0xFFFFFEF7, lr;
	s5 =	simm.s32 $0xFFFFFFFF;
	p2 =	slt.u32 s8, $0xFFFFF086  }
0x1c: {  	p1 =	slt.u32 s9, $0xF7A;
	s5 =	simm.s32 @!p2 $0x0  }
0x1d: {  	s5 =	simm.s32 @p1 $0x1;
	p0 =	seq.s32 s7, s2  }
0x1e: {  	s7 =	smul.u32 @!p0 $0xF7A, s2;
	p2 =	seq.s32 @!p0 s5, $0x0  }
0x1f: {  	s9 =	smul.u32 $0xF7A, s1;
	s8 =	simm.s32 @!p0 $0x1BF5;
	p2 =	por !p2, p0  }
0x20: {  	[sflag:s8] =	ssyncset.s32 @!p0 $0xFFFFF086;
	s6 =	sadd.s32 @!p0 s3, s7;
	s7 =	simm.s32 @!p0 $0x108  }
0x21: {  	s3 =	sadd.s32 s3, s9;
	s6 =	sadd.s32 @!p0 $0x88, s6;
	s7 =	simm.s32 @p2 $0x1082  }
0x22: {  	[simem:s7], [sflag:s8] =	dma.local @!p0 [hbm:s6], $0xF7A  }
0x23: {  	s9 =	sor.u32 $0xD0000000, s2;
	s6 =	simm.s32 $0x108;
	_ =	swait.ge @!p0 [sflag:s8], $0x0  }
0x24: {  	s3 =	sadd.s32 $0x88, s3;
	s6 =	simm.s32 @!p1 $0x1082;
	[sflag:s4] =	ssyncset.s32 $0xFFFFF086  }
0x25: {  	[simem:s6], [sflag:s4] =	dma.local [hbm:s3], $0xF7A  }
0x26: {  	[smem:$0x3F9A] =	sst s1;
	(tag) =	ssettag s2;
	_ =	strace s9  }
0x27: {  	s1 =	sld [smem:$0x3FAA]  }
0x28: {  	s2 =	sld [smem:$0x3FAB]  }
0x29: {  	s4 =	sld [smem:$0x3FAD]  }
0x2a: {  	p0 =	seq.s32 s5, $0x0;
	s5 =	sld [smem:$0x3FAE]  }
0x2b: {  	s6 =	sld [smem:$0x3FAF]  }
0x2c: {  	s7 =	sld [smem:$0x3FB0]  }
0x2d: {  	s3 =	simm.s32 $0x108;
	s8 =	sld [smem:$0x3FB1]  }
0x2e: {  	s3 =	simm.s32 @!p0 $0x1082;
	s9 =	sld [smem:$0x3FB2]  }
0x2f: {  	lr =	sadd.s32 s0, s3;
	s0 =	sld [smem:$0x3FA9]  }
0x30: {  	s3 =	sld [smem:$0x3FAC]  }
0x31: {  	[smem:$0x3FB5] =	sst s10  }
0x32: {  	s10 =	sld [smem:$0x3FB3];
	_ =	sdelay $0x3  }
0x33: {  	p0 =	seq.s32 s10, $0x1;
	s10 =	sld [smem:$0x3FB5];
	_ =	sdelay $0x3  }
0x34: {  	[smem:$0x3FB5] =	sst s10  }
0x35: {  	s10 =	sld [smem:$0x3FB4];
	_ =	sdelay $0x3  }
0x36: {  	p1 =	seq.s32 s10, $0x1;
	s10 =	sld [smem:$0x3FB5];
	_ =	sdelay $0x3  }
0x37: {  	[smem:$0x3FB5] =	sst s10  }
0x38: {  	s10 =	sld [smem:$0x3FB6]  }
0x39: {  	_ = 	snop;
	(pc) =	sbr.ind lr, $3  }
0x3a: {  	_ = 	snop  }
0x3b: {  	_ = 	snop  }
0x3c: {  	p2 =	seq.s32 s10, $0x1;
	s10 =	sld [smem:$0x3FB5]  }
0x3d: {  	_ =	shalt  }
0x3e: {  	_ =	shalt  }
0x3f: {  	_ =	shalt  }
0x40: {  	_ =	shalt  }
0x41: {  	_ =	shalt  }
0x42: {  	_ =	shalt  }
0x43: {  	_ =	shalt  }
0x44: {  	_ =	shalt  }
0x45: {  	_ =	shalt  }
0x46: {  	_ =	shalt  }
0x47: {  	_ =	shalt  }
0x48: {  	_ =	shalt  }
0x49: {  	_ =	shalt  }
0x4a: {  	_ =	shalt  }
0x4b: {  	_ =	shalt  }
0x4c: {  	_ =	shalt  }
0x4d: {  	_ =	shalt  }
0x4e: {  	_ =	shalt  }
0x4f: {  	_ =	shalt  }
0x50: {  	_ =	shalt  }
0x51: {  	_ =	shalt  }
0x52: {  	_ =	shalt  }
0x53: {  	_ =	shalt  }
0x54: {  	_ =	shalt  }
0x55: {  	_ =	shalt  }
0x56: {  	_ =	shalt  }
0x57: {  	_ =	shalt  }
0x58: {  	_ =	shalt  }
0x59: {  	_ =	shalt  }
0x5a: {  	_ =	shalt  }
0x5b: {  	_ =	shalt  }
0x5c: {  	_ =	shalt  }
0x5d: {  	_ =	shalt  }
0x5e: {  	_ =	shalt  }
0x5f: {  	_ =	shalt  }
0x60: {  	_ =	shalt  }
0x61: {  	_ =	shalt  }
0x62: {  	_ =	shalt  }
0x63: {  	_ =	shalt  }
0x64: {  	_ =	shalt  }
0x65: {  	_ =	shalt  }
0x66: {  	_ =	shalt  }
0x67: {  	_ =	shalt  }
0x68: {  	_ =	shalt  }
0x69: {  	_ =	shalt  }
0x6a: {  	_ =	shalt  }
0x6b: {  	_ =	shalt  }
0x6c: {  	_ =	shalt  }
0x6d: {  	_ =	shalt  }
0x6e: {  	_ =	shalt  }
0x6f: {  	_ =	shalt  }
0x70: {  	_ =	shalt  }
0x71: {  	_ =	shalt  }
0x72: {  	_ =	shalt  }
0x73: {  	_ =	shalt  }
0x74: {  	_ =	shalt  }
0x75: {  	_ =	shalt  }
0x76: {  	_ =	shalt  }
0x77: {  	_ =	shalt  }
0x78: {  	_ =	shalt  }
0x79: {  	_ =	shalt  }
0x7a: {  	_ =	shalt  }
0x7b: {  	_ =	shalt  }
0x7c: {  	_ =	shalt  }
0x7d: {  	_ =	shalt  }
0x7e: {  	_ =	shalt  }
0x7f: {  	_ =	shalt  }
0x80: {  	_ =	shalt  }
0x81: {  	_ =	shalt  }
0x82: {  	_ =	shalt  }
0x83: {  	_ =	shalt  }
0x84: {  	_ =	shalt  }
0x85: {  	_ =	shalt  }
0x86: {  	_ =	shalt  }
0x87: {  	_ =	shalt  }
.Lfunc_end0:
.L_simem_size_0:
called_computation.1_lowered:
.L_overlay_start_0:
0x88: {  	s2 =	sld [smem:$0x3FD9]  }
0x89: {  	s3 =	sld [smem:$0x3FFE];
	_ =	sdelay $0x1  }
0x8a: {  	s1 =	srdreg.scid  }
0x8b: {  	s0 =	sand.u32 $0x1, s1  }
0x8c: {  	s17 =	sshll.u32 s0, $0xA;
	s2 =	sadd.s32 s3, s2  }
0x8d: {  	s2 =	sadd.s32 s2, s17  }
0x8e: {  	[smem:$0x3FC1] =	sst s2  }
0x8f: {  	_ = 	snop  }
0x90: {  	(tm) =	ssettm $0x1  }
0x91: {  	s18 =	sld [smem:$0x3FFB];
	_ =	sdelay $0x3  }
0x92: {  	_ =	strace s18  }
0x93: {  	s2 =	sld [smem:$0x3FFC];
	_ =	sdelay $0x3  }
0x94: {  	_ =	strace s2  }
0x95: {  	s2 =	sld [smem:$0x3FFD];
	_ =	sdelay $0x3  }
0x96: {  	_ =	strace s2  }
0x97: {  	_ =	strace $0x8FFFFFFF  }
0x98: {  	s19 =	sld [smem:$0x3FDB];
	_ =	sdelay $0x1  }
0x99: {  	s20 =	simm.s32 $_scs_section_size  }
0x9a: {  	s4 =	simm.s32 $_size__tile_overlayer_lowered;
	s5 =	simm.s32 $_tile_overlayer_lowered  }
0x9b: {  	s6 =	simm.s32 $0x1BFF;
	s21 =	sshll.u32 s5, $0x1;
	s3 =	sadd.s32 s20, s19  }
0x9c: {  	s22 =	simm.s32 $0x0;
	s4 =	sshll.u32 s4, $0x1;
	s5 =	sadd.s32 s21, s3  }
0x9d: {  	[timem:s22], [sflag:s6] =	dma.local [hbm:s5], s4  }
0x9e: {  	_ =	swait.ge [sflag:s6], s4  }
0x9f: {  	s4 =	ssub.s32 $0x0, s4;
	[sflag:s6] =	ssyncset.done $0x0  }
0xa0: {  	[sflag:s6] =	ssyncadd.s32 s4;
	_ =	sdelay $0x1  }
0xa1: {  	s23 =	simm.s32 $0x1B8B  }
0xa2: {  	_ =	swait.ge [sflag:s23], $0x1  }
0xa3: {  	[sflag:s23] =	ssyncset.done $0x0  }
0xa4: {  	[sflag:s23] =	ssyncadd.s32 $0xFFFFFFFF  }
0xa5: {  	s4 =	sld [smem:$0x0]  }
0xa6: {  	s5 =	sand.u32 $0xFFFFFFFE, s1  }
0xa7: {  	p0 =	sne.s32 s1, s5  }
0xa8: {  	s5 =	sshll.u32 @p0 s5, $0xE  }
0xa9: {  	s5 =	sadd.s32 @p0 $0x11B8D, s5;
	s6 =	sshll.u32 @p0 s4, $0x11  }
0xaa: {  	s5 =	sor.u32 @p0 s6, s5  }
0xab: {  	[sflag:s5] =	ssyncadd.remote.s32 @p0 $0x1;
	_ =	sdelay $0x1  }
0xac: {  	s5 =	simm.s32 @p0 $0x1B8D  }
0xad: {  	_ =	swait.eq @p0 [sflag:s5], $0x1  }
0xae: {  	[sflag:s5] =	ssyncadd.s32 @p0 $0xFFFFFFFF  }
0xaf: {  	s6 =	sshll.u32 @!p0 s1, $0xE  }
0xb0: {  	s6 =	sor.u32 @!p0 $0x4000, s6;
	s5 =	simm.s32 @!p0 $0x1B8D  }
0xb1: {  	s4 =	sshll.u32 @!p0 s4, $0x11;
	s6 =	sadd.s32 @!p0 $0x11B8D, s6;
	_ =	swait.eq @!p0 [sflag:s5], $0x1  }
0xb2: {  	s4 =	sor.u32 @!p0 s4, s6;
	[sflag:s5] =	ssyncadd.s32 @!p0 $0xFFFFFFFF  }
0xb3: {  	s25 =	simm.s32 $0x1B8E;
	s24 =	sld [smem:$0x3FFE];
	[sflag:s4] =	ssyncadd.remote.s32 @!p0 $0x1  }
0xb4: {  	s26 =	simm.s32 $execute0_lowered;
	[smem:$0x3FD2] =	sst s25  }
0xb5: {  	s5 =	sshll.u32 s26, $0x1;
	_ =	strace $0x80000049;
	[dreg:$0x1] =	wrdreg $0xFFFFFFFF  }
0xb6: {  	s28 =	simm.s32 $_size_execute0_lowered;
	s3 =	sadd.s32 s3, s5;
	[dreg:$0x0] =	wrdreg $0x0  }
0xb7: {  	s5 =	sshll.u32 s28, $0x1;
	[dreg:$0x2] =	wrdreg s3  }
0xb8: {  	[dreg:$0x3] =	wrdreg s5  }
0xb9: {  	[dreg:$0x4] =	wrdreg $0xC0  }
0xba: {  	_ =	task [dreg:s22], $0x5FFFF  }
0xbb: {  	[dreg:$0x1] =	wrdreg $0xFFFFFFFF  }
0xbc: {  	[dreg:$0x0] =	wrdreg $0x60  }
0xbd: {  	[dreg:$0x2] =	wrdreg s24  }
0xbe: {  	[dreg:$0x3] =	wrdreg $0x56000  }
0xbf: {  	[dreg:$0x4] =	wrdreg $0xA  }
0xc0: {  	_ =	task.clear_ibuf [dreg:s22], $0x5FFFF;
	_ =	strace $0x90000049  }
0xc1: {  	s29 =	simm.s32 $0xA;
	_ =	strace $0x8000004B  }
0xc2: {  	_ =	swait.ge [sflag:s29], $0x1  }
0xc3: {  	[sflag:s29] =	ssyncadd.s32 $0xFFFFFFFF  }
0xc4: {  	_ =	strace $0x9000004B  }
0xc5: {  	_ =	sfence  }
0xc6: {  	s30 =	sld [smem:$0x0];
	_ =	sdelay $0x2  }
0xc7: {  	s31 =	sshll.u32 s1, $0xD;
	s1 =	sshrl.u32 s1, $0x2  }
0xc8: {  	s4 =	sand.u32 $0x4000, s31;
	s1 =	sadd.s32 s1, s30  }
0xc9: {  	s0 =	sor.u32 s4, s0;
	s1 =	sshll.u32 s1, $0x11  }
0xca: {  	s0 =	sor.u32 s1, s0  }
0xcb: {  	s0 =	sadd.s32 $0x8F2B, s0  }
0xcc: {  	[sflag:s0] =	ssyncadd.remote.s32 $0x1  }
0xcd: {  	_ =	sfence.sel $0xFFFF  }
0xce: {  	[dreg:$0x0] =	wrdreg $0xFFFFFFFF;
	(pc) =	sbr.abs _section_cstart, $3  }
0xcf: {  	[dreg:$0x1] =	wrdreg $0xFFFFFFFF  }
0xd0: {  	_ =	task.clear_ibuf [dreg:s22], $0x2FFFF;
	_ =	strace $0x9FFFFFFF  }
0xd1: {  	(tm) =	ssettm $0x7FFFFFFF  }
tec
execute0_lowered:
.L_overlay_start_1:
0x0: {  	(tag) =	ssettag $0x1  }
0x1: {  	v0 =	vimm.s32 $0x54500400;
	v1 =	vimm.s32 $0xF4F0A4A0;
	vm0 =	vcmask $0xF00  }
0x2: {  	vm4 =	vcmask $0x1F10;
	v2 =	vimm.s32 $0x4B4;
	vm2 =	vcmask $0x300  }
0x3: {  	v3 =	vimm.s32 $0x55510501;
	v4 =	vimm.s32 $0x56520602;
	vm3 =	vcmask $0x704  }
0x4: {  	v5 =	vimm.s32 $0x57530703;
	vm1 =	vcmask $0xB08;
	v11 =	vimm.s32 $0x4B5  }
0x5: {  	v12 =	vimm.s32 $0x735;
	v13 =	vimm.s32 $0x9B5;
	v14 =	vimm.s32 $0xC35  }
0x6: {  	v15 =	vimm.s32 $0xEB5;
	v16 =	vimm.s32 $0x1135;
	v17 =	vimm.s32 $0x13B5  }
0x7: {  	v18 =	vimm.s32 $0x4B6;
	v19 =	vimm.s32 $0x736;
	v20 =	vimm.s32 $0x9B6  }
0x8: {  	v21 =	vimm.s32 $0xC36;
	v22 =	vimm.s32 $0xEB6;
	v23 =	vimm.s32 $0x1136  }
0x9: {  	v24 =	vimm.s32 $0x13B6;
	v25 =	vimm.s32 $0x4B7;
	v26 =	vimm.s32 $0x737  }
0xa: {  	v27 =	vimm.s32 $0x9B7;
	v28 =	vimm.s32 $0xC37;
	v29 =	vimm.s32 $0xEB7  }
0xb: {  	v30 =	vimm.s32 $0x1137;
	v31 =	vimm.s32 $0x13B7;
	vm5 =	vcmask $0x1310  }
0xc: {  	vm6 =	vcmask $0x1714;
	vm7 =	vcmask $0x1B18;
	vm8 =	vcmask $0x2320  }
0xd: {  	vm9 =	vcmask $0x1F1C;
	vm10 =	vcmask $0x2724;
	vm11 =	vcmask $0x2B28  }
0xe: {  	vm12 =	vcmask $0x2F2C;
	vm13 =	vcmask $0x3330;
	vm14 =	vcmask $0x3734  }
0xf: {  	vm15 =	vcmask $0x3B38;
	v0 =	vunpack.c.0.s8.s32 v0;
	v1 =	vunpack.c.0.s8.s32 v1  }
0x10: {  	v2 =	vsel vm2, $0x280, v2;
	v3 =	vunpack.c.0.s8.s32 v3;
	v4 =	vunpack.c.0.s8.s32 v4  }
0x11: {  	v5 =	vunpack.c.0.s8.s32 v5;
	v11 =	vsel vm2, $0x281, v11;
	v12 =	vsel vm2, $0x501, v12  }
0x12: {  	v13 =	vsel vm2, $0x781, v13;
	v14 =	vsel vm2, $0xA01, v14;
	v15 =	vsel vm2, $0xC81, v15  }
0x13: {  	v16 =	vsel vm2, $0xF01, v16;
	v17 =	vsel vm2, $0x1181, v17;
	v18 =	vsel vm2, $0x282, v18  }
0x14: {  	v19 =	vsel vm2, $0x502, v19;
	v20 =	vsel vm2, $0x782, v20;
	v21 =	vsel vm2, $0xA02, v21  }
0x15: {  	v22 =	vsel vm2, $0xC82, v22;
	v23 =	vsel vm2, $0xF02, v23;
	v24 =	vsel vm2, $0x1182, v24  }
0x16: {  	v25 =	vsel vm2, $0x283, v25;
	v26 =	vsel vm2, $0x503, v26;
	v27 =	vsel vm2, $0x783, v27  }
0x17: {  	v28 =	vsel vm2, $0xA03, v28;
	v29 =	vsel vm2, $0xC83, v29;
	v30 =	vsel vm2, $0xF03, v30  }
0x18: {  	v31 =	vsel vm2, $0x1183, v31;
	v2 =	vsel vm3, $0x284, v2;
	v11 =	vsel vm3, $0x285, v11  }
0x19: {  	v12 =	vsel vm3, $0x505, v12;
	v13 =	vsel vm3, $0x785, v13;
	v14 =	vsel vm3, $0xA05, v14  }
0x1a: {  	v15 =	vsel vm3, $0xC85, v15;
	v16 =	vsel vm3, $0xF05, v16;
	v17 =	vsel vm3, $0x1185, v17  }
0x1b: {  	v18 =	vsel vm3, $0x286, v18;
	v19 =	vsel vm3, $0x506, v19;
	v20 =	vsel vm3, $0x786, v20  }
0x1c: {  	v21 =	vsel vm3, $0xA06, v21;
	v22 =	vsel vm3, $0xC86, v22;
	v23 =	vsel vm3, $0xF06, v23  }
0x1d: {  	v24 =	vsel vm3, $0x1186, v24;
	v25 =	vsel vm3, $0x287, v25;
	v26 =	vsel vm3, $0x507, v26  }
0x1e: {  	v27 =	vsel vm3, $0x787, v27;
	v28 =	vsel vm3, $0xA07, v28;
	v29 =	vsel vm3, $0xC87, v29  }
0x1f: {  	v30 =	vsel vm3, $0xF07, v30;
	v31 =	vsel vm3, $0x1187, v31;
	v0 =	vand.u32 $0xFF, v0  }
0x20: {  	v1 =	vand.u32 $0xFF, v1;
	v3 =	vand.u32 $0xFF, v3;
	v4 =	vand.u32 $0xFF, v4  }
0x21: {  	v10 =	vsel vm1, $0x2D0, v2;
	v11 =	vsel vm1, $0x2D1, v11;
	v12 =	vsel vm1, $0x551, v12  }
0x22: {  	v13 =	vsel vm1, $0x7D1, v13;
	v14 =	vsel vm1, $0xA51, v14;
	v15 =	vsel vm1, $0xCD1, v15  }
0x23: {  	v16 =	vsel vm1, $0xF51, v16;
	v17 =	vsel vm1, $0x11D1, v17;
	v18 =	vsel vm1, $0x2D2, v18  }
0x24: {  	v19 =	vsel vm1, $0x552, v19;
	v20 =	vsel vm1, $0x7D2, v20;
	v21 =	vsel vm1, $0xA52, v21  }
0x25: {  	v22 =	vsel vm1, $0xCD2, v22;
	v23 =	vsel vm1, $0xF52, v23;
	v24 =	vsel vm1, $0x11D2, v24  }
0x26: {  	v25 =	vsel vm1, $0x2D3, v25;
	v26 =	vsel vm1, $0x553, v26;
	v27 =	vsel vm1, $0x7D3, v27  }
0x27: {  	v28 =	vsel vm1, $0xA53, v28;
	v29 =	vsel vm1, $0xCD3, v29;
	v30 =	vsel vm1, $0xF53, v30  }
0x28: {  	v31 =	vsel vm1, $0x11D3, v31;
	v6 =	vnsel vm0, $0x235, v3;
	v3 =	vimm.s32 $0xF5F1A5A1  }
0x29: {  	v0 =	vnsel vm0, $0x234, v0;
	v7 =	vunpack.c.0.s8.s32 v3;
	v3 =	vand.u32 $0xFF, v5  }
0x2a: {  	v5 =	vimm.s32 $0xF6F2A6A2;
	v8 =	vnsel vm0, $0x237, v3;
	v3 =	vimm.s32 $0xF7F3A7A3  }
0x2b: {  	v4 =	vnsel vm0, $0x236, v4;
	v5 =	vunpack.c.0.s8.s32 v5;
	v9 =	vunpack.c.0.s8.s32 v3  }
0x2c: {  	v3 =	vsel vm4, v1, v0;
	v0 =	vand.u32 $0xFF, v7;
	v7 =	vimm.s32 $0xC34  }
0x2d: {  	v2 =	vsel vm4, v0, v6;
	v0 =	vand.u32 $0xFF, v5;
	v6 =	vimm.s32 $0x9B4  }
0x2e: {  	v7 =	vsel vm2, $0xA00, v7;
	v3 =	vsel vm8, $0x140, v3;
	v5 =	vand.u32 $0xFF, v9  }
0x2f: {  	v1 =	vsel vm4, v0, v4;
	v6 =	vsel vm2, $0x780, v6;
	v9 =	vimm.s32 $0x1134  }
0x30: {  	v7 =	vsel vm3, $0xA04, v7;
	v3 =	vsel vm10, $0x144, v3;
	v2 =	vsel vm8, $0x141, v2  }
0x31: {  	v0 =	vsel vm4, v5, v8;
	vm4 =	vcmask $0xF0C;
	v5 =	vimm.s32 $0x734  }
0x32: {  	v8 =	vimm.s32 $0xEB4;
	v9 =	vsel vm2, $0xF00, v9;
	v6 =	vsel vm3, $0x784, v6  }
0x33: {  	v7 =	vsel vm1, $0xA50, v7;
	v1 =	vsel vm8, $0x142, v1;
	v3 =	vsel vm11, $0x190, v3  }
0x34: {  	v2 =	vsel vm10, $0x145, v2;
	v4 =	vsel vm4, $0x2D4, v10;
	v5 =	vsel vm2, $0x500, v5  }
0x35: {  	v8 =	vsel vm2, $0xC80, v8;
	v10 =	vimm.s32 $0x13B4;
	v9 =	vsel vm3, $0xF04, v9  }
0x36: {  	v6 =	vsel vm1, $0x7D0, v6;
	v7 =	vsel vm4, $0xA54, v7;
	v11 =	vsel vm4, $0x2D5, v11  }
0x37: {  	v12 =	vsel vm4, $0x555, v12;
	v13 =	vsel vm4, $0x7D5, v13;
	v14 =	vsel vm4, $0xA55, v14  }
0x38: {  	v15 =	vsel vm4, $0xCD5, v15;
	v16 =	vsel vm4, $0xF55, v16;
	v17 =	vsel vm4, $0x11D5, v17  }
0x39: {  	v18 =	vsel vm4, $0x2D6, v18;
	v19 =	vsel vm4, $0x556, v19;
	v20 =	vsel vm4, $0x7D6, v20  }
0x3a: {  	v21 =	vsel vm4, $0xA56, v21;
	v22 =	vsel vm4, $0xCD6, v22;
	v23 =	vsel vm4, $0xF56, v23  }
0x3b: {  	v24 =	vsel vm4, $0x11D6, v24;
	v25 =	vsel vm4, $0x2D7, v25;
	v26 =	vsel vm4, $0x557, v26  }
0x3c: {  	v27 =	vsel vm4, $0x7D7, v27;
	v28 =	vsel vm4, $0xA57, v28;
	v29 =	vsel vm4, $0xCD7, v29  }
0x3d: {  	v30 =	vsel vm4, $0xF57, v30;
	v31 =	vsel vm4, $0x11D7, v31;
	v0 =	vsel vm8, $0x143, v0  }
0x3e: {  	v1 =	vsel vm10, $0x146, v1;
	v3 =	vsel vm12, $0x194, v3;
	v2 =	vsel vm11, $0x191, v2  }
0x3f: {  	v10 =	vsel vm2, $0x1180, v10;
	v5 =	vsel vm3, $0x504, v5;
	v8 =	vsel vm3, $0xC84, v8  }
0x40: {  	v4 =	vsel vm5, $0x320, v4;
	v9 =	vsel vm1, $0xF50, v9;
	v6 =	vsel vm4, $0x7D4, v6  }
0x41: {  	v7 =	vsel vm5, $0xAA0, v7;
	v11 =	vsel vm5, $0x321, v11;
	v12 =	vsel vm5, $0x5A1, v12  }
0x42: {  	v13 =	vsel vm5, $0x821, v13;
	v14 =	vsel vm5, $0xAA1, v14;
	v15 =	vsel vm5, $0xD21, v15  }
0x43: {  	v16 =	vsel vm5, $0xFA1, v16;
	v17 =	vsel vm5, $0x1221, v17;
	v18 =	vsel vm5, $0x322, v18  }
0x44: {  	v19 =	vsel vm5, $0x5A2, v19;
	v20 =	vsel vm5, $0x822, v20;
	v21 =	vsel vm5, $0xAA2, v21  }
0x45: {  	v22 =	vsel vm5, $0xD22, v22;
	v23 =	vsel vm5, $0xFA2, v23;
	v24 =	vsel vm5, $0x1222, v24  }
0x46: {  	v25 =	vsel vm5, $0x323, v25;
	v26 =	vsel vm5, $0x5A3, v26;
	v27 =	vsel vm5, $0x823, v27  }
0x47: {  	v28 =	vsel vm5, $0xAA3, v28;
	v29 =	vsel vm5, $0xD23, v29;
	v30 =	vsel vm5, $0xFA3, v30  }
0x48: {  	v31 =	vsel vm5, $0x1223, v31;
	v0 =	vsel vm10, $0x147, v0;
	v1 =	vsel vm11, $0x192, v1  }
0x49: {  	v3 =	vsel vm13, $0x1E0, v3;
	v2 =	vsel vm12, $0x195, v2;
	v10 =	vsel vm3, $0x1184, v10  }
0x4a: {  	v5 =	vsel vm1, $0x550, v5;
	v8 =	vsel vm1, $0xCD0, v8;
	v9 =	vsel vm4, $0xF54, v9  }
0x4b: {  	v4 =	vsel vm6, $0x324, v4;
	v6 =	vsel vm5, $0x820, v6;
	v7 =	vsel vm6, $0xAA4, v7  }
0x4c: {  	v11 =	vsel vm6, $0x325, v11;
	v12 =	vsel vm6, $0x5A5, v12;
	v13 =	vsel vm6, $0x825, v13  }
0x4d: {  	v14 =	vsel vm6, $0xAA5, v14;
	v15 =	vsel vm6, $0xD25, v15;
	v16 =	vsel vm6, $0xFA5, v16  }
0x4e: {  	v17 =	vsel vm6, $0x1225, v17;
	v18 =	vsel vm6, $0x326, v18;
	v19 =	vsel vm6, $0x5A6, v19  }
0x4f: {  	v20 =	vsel vm6, $0x826, v20;
	v21 =	vsel vm6, $0xAA6, v21;
	v22 =	vsel vm6, $0xD26, v22  }
0x50: {  	v23 =	vsel vm6, $0xFA6, v23;
	v24 =	vsel vm6, $0x1226, v24;
	v25 =	vsel vm6, $0x327, v25  }
0x51: {  	v26 =	vsel vm6, $0x5A7, v26;
	v27 =	vsel vm6, $0x827, v27;
	v28 =	vsel vm6, $0xAA7, v28  }
0x52: {  	v29 =	vsel vm6, $0xD27, v29;
	v30 =	vsel vm6, $0xFA7, v30;
	v31 =	vsel vm6, $0x1227, v31  }
0x53: {  	v0 =	vsel vm11, $0x193, v0;
	v1 =	vsel vm12, $0x196, v1;
	v3 =	vsel vm14, $0x1E4, v3  }
0x54: {  	v2 =	vsel vm13, $0x1E1, v2;
	v10 =	vsel vm1, $0x11D0, v10;
	v5 =	vsel vm4, $0x554, v5  }
0x55: {  	v8 =	vsel vm4, $0xCD4, v8;
	v9 =	vsel vm5, $0xFA0, v9;
	v6 =	vsel vm6, $0x824, v6  }
0x56: {  	v4 =	vsel vm7, $0x370, v4;
	v7 =	vsel vm7, $0xAF0, v7;
	v11 =	vsel vm7, $0x371, v11  }
0x57: {  	v12 =	vsel vm7, $0x5F1, v12;
	v13 =	vsel vm7, $0x871, v13;
	v14 =	vsel vm7, $0xAF1, v14  }
0x58: {  	v15 =	vsel vm7, $0xD71, v15;
	v16 =	vsel vm7, $0xFF1, v16;
	v17 =	vsel vm7, $0x1271, v17  }
0x59: {  	v18 =	vsel vm7, $0x372, v18;
	v19 =	vsel vm7, $0x5F2, v19;
	v20 =	vsel vm7, $0x872, v20  }
0x5a: {  	v21 =	vsel vm7, $0xAF2, v21;
	v22 =	vsel vm7, $0xD72, v22;
	v23 =	vsel vm7, $0xFF2, v23  }
0x5b: {  	v24 =	vsel vm7, $0x1272, v24;
	v25 =	vsel vm7, $0x373, v25;
	v26 =	vsel vm7, $0x5F3, v26  }
0x5c: {  	v27 =	vsel vm7, $0x873, v27;
	v28 =	vsel vm7, $0xAF3, v28;
	v29 =	vsel vm7, $0xD73, v29  }
0x5d: {  	v30 =	vsel vm7, $0xFF3, v30;
	v31 =	vsel vm7, $0x1273, v31;
	v0 =	vsel vm12, $0x197, v0  }
0x5e: {  	v1 =	vsel vm13, $0x1E2, v1;
	v32 =	vsel vm14, $0x1E5, v2;
	v10 =	vsel vm4, $0x11D4, v10  }
0x5f: {  	v5 =	vsel vm5, $0x5A0, v5;
	v8 =	vsel vm5, $0xD20, v8;
	v9 =	vsel vm6, $0xFA4, v9  }
0x60: {  	v6 =	vsel vm7, $0x870, v6;
	v4 =	vsel vm9, $0x374, v4;
	v7 =	vsel vm9, $0xAF4, v7  }
0x61: {  	v11 =	vsel vm9, $0x375, v11;
	v12 =	vsel vm9, $0x5F5, v12;
	v13 =	vsel vm9, $0x875, v13  }
0x62: {  	v14 =	vsel vm9, $0xAF5, v14;
	v15 =	vsel vm9, $0xD75, v15;
	v16 =	vsel vm9, $0xFF5, v16  }
0x63: {  	v17 =	vsel vm9, $0x1275, v17;
	v18 =	vsel vm9, $0x376, v18;
	v19 =	vsel vm9, $0x5F6, v19  }
0x64: {  	v20 =	vsel vm9, $0x876, v20;
	v21 =	vsel vm9, $0xAF6, v21;
	v22 =	vsel vm9, $0xD76, v22  }
0x65: {  	v23 =	vsel vm9, $0xFF6, v23;
	v24 =	vsel vm9, $0x1276, v24;
	v25 =	vsel vm9, $0x377, v25  }
0x66: {  	v26 =	vsel vm9, $0x5F7, v26;
	v27 =	vsel vm9, $0x877, v27;
	v28 =	vsel vm9, $0xAF7, v28  }
0x67: {  	v29 =	vsel vm9, $0xD77, v29;
	v30 =	vsel vm9, $0xFF7, v30;
	v31 =	vsel vm9, $0x1277, v31  }
0x68: {  	v0 =	vsel vm13, $0x1E3, v0;
	v33 =	vsel vm14, $0x1E6, v1;
	v1 =	vlaneseq.u32  }
0x69: {  	v10 =	vsel vm5, $0x1220, v10;
	v5 =	vsel vm6, $0x5A4, v5;
	v8 =	vsel vm6, $0xD24, v8  }
0x6a: {  	v9 =	vsel vm7, $0xFF0, v9;
	v6 =	vsel vm9, $0x874, v6;
	v4 =	vsel vm8, $0x3C0, v4  }
0x6b: {  	v7 =	vsel vm8, $0xB40, v7;
	v11 =	vsel vm8, $0x3C1, v11;
	v12 =	vsel vm8, $0x641, v12  }
0x6c: {  	v13 =	vsel vm8, $0x8C1, v13;
	v14 =	vsel vm8, $0xB41, v14;
	v15 =	vsel vm8, $0xDC1, v15  }
0x6d: {  	v16 =	vsel vm8, $0x1041, v16;
	v17 =	vsel vm8, $0x12C1, v17;
	v18 =	vsel vm8, $0x3C2, v18  }
0x6e: {  	v19 =	vsel vm8, $0x642, v19;
	v20 =	vsel vm8, $0x8C2, v20;
	v21 =	vsel vm8, $0xB42, v21  }
0x6f: {  	v22 =	vsel vm8, $0xDC2, v22;
	v23 =	vsel vm8, $0x1042, v23;
	v24 =	vsel vm8, $0x12C2, v24  }
0x70: {  	v25 =	vsel vm8, $0x3C3, v25;
	v26 =	vsel vm8, $0x643, v26;
	v27 =	vsel vm8, $0x8C3, v27  }
0x71: {  	v28 =	vsel vm8, $0xB43, v28;
	v29 =	vsel vm8, $0xDC3, v29;
	v30 =	vsel vm8, $0x1043, v30  }
0x72: {  	v31 =	vsel vm8, $0x12C3, v31;
	v34 =	vsel vm14, $0x1E7, v0;
	v0 =	vsel vm15, $0x230, v3  }
0x73: {  	v35 =	vand.u32 $0x1, v1;
	v10 =	vsel vm6, $0x1224, v10;
	v5 =	vsel vm7, $0x5F0, v5  }
0x74: {  	v8 =	vsel vm7, $0xD70, v8;
	v9 =	vsel vm9, $0xFF4, v9;
	v6 =	vsel vm8, $0x8C0, v6  }
0x75: {  	v4 =	vsel vm10, $0x3C4, v4;
	v7 =	vsel vm10, $0xB44, v7;
	v11 =	vsel vm10, $0x3C5, v11  }
0x76: {  	v12 =	vsel vm10, $0x645, v12;
	v13 =	vsel vm10, $0x8C5, v13;
	v14 =	vsel vm10, $0xB45, v14  }
0x77: {  	v15 =	vsel vm10, $0xDC5, v15;
	v16 =	vsel vm10, $0x1045, v16;
	v17 =	vsel vm10, $0x12C5, v17  }
0x78: {  	v18 =	vsel vm10, $0x3C6, v18;
	v19 =	vsel vm10, $0x646, v19;
	v20 =	vsel vm10, $0x8C6, v20  }
0x79: {  	v21 =	vsel vm10, $0xB46, v21;
	v22 =	vsel vm10, $0xDC6, v22;
	v23 =	vsel vm10, $0x1046, v23  }
0x7a: {  	v24 =	vsel vm10, $0x12C6, v24;
	v25 =	vsel vm10, $0x3C7, v25;
	v26 =	vsel vm10, $0x647, v26  }
0x7b: {  	v27 =	vsel vm10, $0x8C7, v27;
	v28 =	vsel vm10, $0xB47, v28;
	v29 =	vsel vm10, $0xDC7, v29  }
0x7c: {  	v30 =	vsel vm10, $0x1047, v30;
	v31 =	vsel vm10, $0x12C7, v31;
	v10 =	vsel vm7, $0x1270, v10  }
0x7d: {  	v5 =	vsel vm9, $0x5F4, v5;
	v8 =	vsel vm9, $0xD74, v8;
	v9 =	vsel vm8, $0x1040, v9  }
0x7e: {  	v6 =	vsel vm10, $0x8C4, v6;
	v4 =	vsel vm11, $0x410, v4;
	v7 =	vsel vm11, $0xB90, v7  }
0x7f: {  	v11 =	vsel vm11, $0x411, v11;
	v12 =	vsel vm11, $0x691, v12;
	v13 =	vsel vm11, $0x911, v13  }
0x80: {  	v14 =	vsel vm11, $0xB91, v14;
	v15 =	vsel vm11, $0xE11, v15;
	v16 =	vsel vm11, $0x1091, v16  }
0x81: {  	v17 =	vsel vm11, $0x1311, v17;
	v18 =	vsel vm11, $0x412, v18;
	v19 =	vsel vm11, $0x692, v19  }
0x82: {  	v20 =	vsel vm11, $0x912, v20;
	v21 =	vsel vm11, $0xB92, v21;
	v22 =	vsel vm11, $0xE12, v22  }
0x83: {  	v23 =	vsel vm11, $0x1092, v23;
	v24 =	vsel vm11, $0x1312, v24;
	v25 =	vsel vm11, $0x413, v25  }
0x84: {  	v26 =	vsel vm11, $0x693, v26;
	v27 =	vsel vm11, $0x913, v27;
	v28 =	vsel vm11, $0xB93, v28  }
0x85: {  	v29 =	vsel vm11, $0xE13, v29;
	v30 =	vsel vm11, $0x1093, v30;
	v31 =	vsel vm11, $0x1313, v31  }
0x86: {  	v10 =	vsel vm9, $0x1274, v10;
	v5 =	vsel vm8, $0x640, v5;
	v8 =	vsel vm8, $0xDC0, v8  }
0x87: {  	v9 =	vsel vm10, $0x1044, v9;
	v6 =	vsel vm11, $0x910, v6;
	v4 =	vsel vm12, $0x414, v4  }
0x88: {  	v7 =	vsel vm12, $0xB94, v7;
	v11 =	vsel vm12, $0x415, v11;
	v12 =	vsel vm12, $0x695, v12  }
0x89: {  	v13 =	vsel vm12, $0x915, v13;
	v14 =	vsel vm12, $0xB95, v14;
	v15 =	vsel vm12, $0xE15, v15  }
0x8a: {  	v16 =	vsel vm12, $0x1095, v16;
	v17 =	vsel vm12, $0x1315, v17;
	v18 =	vsel vm12, $0x416, v18  }
0x8b: {  	v19 =	vsel vm12, $0x696, v19;
	v20 =	vsel vm12, $0x916, v20;
	v21 =	vsel vm12, $0xB96, v21  }
0x8c: {  	v22 =	vsel vm12, $0xE16, v22;
	v23 =	vsel vm12, $0x1096, v23;
	v24 =	vsel vm12, $0x1316, v24  }
0x8d: {  	v25 =	vsel vm12, $0x417, v25;
	v26 =	vsel vm12, $0x697, v26;
	v27 =	vsel vm12, $0x917, v27  }
0x8e: {  	v28 =	vsel vm12, $0xB97, v28;
	v29 =	vsel vm12, $0xE17, v29;
	v30 =	vsel vm12, $0x1097, v30  }
0x8f: {  	v31 =	vsel vm12, $0x1317, v31;
	v10 =	vsel vm8, $0x12C0, v10;
	v5 =	vsel vm10, $0x644, v5  }
0x90: {  	v8 =	vsel vm10, $0xDC4, v8;
	v9 =	vsel vm11, $0x1090, v9;
	v6 =	vsel vm12, $0x914, v6  }
0x91: {  	v4 =	vsel vm13, $0x460, v4;
	v7 =	vsel vm13, $0xBE0, v7;
	v11 =	vsel vm13, $0x461, v11  }
0x92: {  	v12 =	vsel vm13, $0x6E1, v12;
	v13 =	vsel vm13, $0x961, v13;
	v14 =	vsel vm13, $0xBE1, v14  }
0x93: {  	v15 =	vsel vm13, $0xE61, v15;
	v16 =	vsel vm13, $0x10E1, v16;
	v17 =	vsel vm13, $0x1361, v17  }
0x94: {  	v18 =	vsel vm13, $0x462, v18;
	v19 =	vsel vm13, $0x6E2, v19;
	v20 =	vsel vm13, $0x962, v20  }
0x95: {  	v21 =	vsel vm13, $0xBE2, v21;
	v22 =	vsel vm13, $0xE62, v22;
	v23 =	vsel vm13, $0x10E2, v23  }
0x96: {  	v24 =	vsel vm13, $0x1362, v24;
	v25 =	vsel vm13, $0x463, v25;
	v26 =	vsel vm13, $0x6E3, v26  }
0x97: {  	v27 =	vsel vm13, $0x963, v27;
	v28 =	vsel vm13, $0xBE3, v28;
	v29 =	vsel vm13, $0xE63, v29  }
0x98: {  	v30 =	vsel vm13, $0x10E3, v30;
	v31 =	vsel vm13, $0x1363, v31;
	v10 =	vsel vm10, $0x12C4, v10  }
0x99: {  	v5 =	vsel vm11, $0x690, v5;
	v8 =	vsel vm11, $0xE10, v8;
	v9 =	vsel vm12, $0x1094, v9  }
0x9a: {  	v6 =	vsel vm13, $0x960, v6;
	v4 =	vsel vm14, $0x464, v4;
	v7 =	vsel vm14, $0xBE4, v7  }
0x9b: {  	v11 =	vsel vm14, $0x465, v11;
	v12 =	vsel vm14, $0x6E5, v12;
	v13 =	vsel vm14, $0x965, v13  }
0x9c: {  	v14 =	vsel vm14, $0xBE5, v14;
	v15 =	vsel vm14, $0xE65, v15;
	v16 =	vsel vm14, $0x10E5, v16  }
0x9d: {  	s0 =	stileid.u32;
	v17 =	vsel vm14, $0x1365, v17;
	v18 =	vsel vm14, $0x466, v18;
	v19 =	vsel vm14, $0x6E6, v19  }
0x9e: {  	s1 =	srdreg.scid;
	s4 =	rddreg [dreg:$0x0];
	s3 =	simm.s32 $0x0;
	v20 =	vsel vm14, $0x966, v20;
	v21 =	vsel vm14, $0xBE6, v21;
	v22 =	vsel vm14, $0xE66, v22  }
0x9f: {  	s15 =	simm.s32 $0x80;
	s16 =	simm.s32 $0x1400;
	s17 =	simm.s32 $0x1600;
	v23 =	vsel vm14, $0x10E6, v23;
	v24 =	vsel vm14, $0x1366, v24;
	v25 =	vsel vm14, $0x467, v25  }
0xa0: {  	s18 =	simm.s32 $0x1480;
	s19 =	simm.s32 $0x2600;
	s20 =	simm.s32 $0x1500;
	v26 =	vsel vm14, $0x6E7, v26;
	v27 =	vsel vm14, $0x967, v27;
	v28 =	vsel vm14, $0xBE7, v28  }
0xa1: {  	s21 =	simm.s32 $0x3600;
	s22 =	simm.s32 $0x1580;
	s2 =	sshll.u32 s0, $0x1;
	v29 =	vsel vm14, $0xE67, v29;
	v30 =	vsel vm14, $0x10E7, v30;
	v31 =	vsel vm14, $0x1367, v31  }
0xa2: {  	s7 =	sand.u32 $0x1, s1;
	s5 =	sshrl.u32 s0, $0x3;
	[smem:$0x7FF] =	sst s3;
	v10 =	vsel vm11, $0x1310, v10;
	v5 =	vsel vm12, $0x694, v5;
	v8 =	vsel vm12, $0xE14, v8  }
0xa3: {  	s9 =	sshll.u32 s0, $0xB;
	s11 =	sshll.u32 s0, $0xE;
	s28 =	sshll.u32 s0, $0x6;
	v9 =	vsel vm13, $0x10E0, v9;
	v6 =	vsel vm14, $0x964, v6;
	v1 =	vsel vm15, $0x4B0, v4  }
0xa4: {  	s29 =	sand.u32 $0x7, s0;
	s23 =	sand.u32 $0xE, s2;
	s8 =	smul.u32 $0x50, s5;
	v4 =	vsel vm15, $0xC30, v7;
	v25 =	vsel vm15, $0x4B3, v25;
	v26 =	vsel vm15, $0x733, v26  }
0xa5: {  	s2 =	rddreg [dreg:$0x1];
	s24 =	sadd.s32 s9, s4;
	s5 =	smul.u32 $0x50000, s5;
	v27 =	vsel vm15, $0x9B3, v27;
	v28 =	vsel vm15, $0xC33, v28;
	v29 =	vsel vm15, $0xEB3, v29  }
0xa6: {  	s25 =	ssub.s32 $0x2, s7;
	s14 =	sshll.u32 s29, $0xC;
	s30 =	sshll.u32 s7, $0xB;
	v30 =	vsel vm15, $0x1133, v30;
	v31 =	vsel vm15, $0x13B3, v31;
	v10 =	vsel vm12, $0x1314, v10  }
0xa7: {  	s1 =	sor.u32 s7, s23;
	s26 =	sshrl.u32 s25, $0x1;
	s11 =	sadd.s32 s11, s2;
	v5 =	vsel vm13, $0x6E0, v5;
	v8 =	vsel vm13, $0xE60, v8;
	v9 =	vsel vm14, $0x10E4, v9  }
0xa8: {  	s23 =	simm.s32 $0x4600;
	s6 =	smul.u32 $0x6400, s1;
	s1 =	rddreg [dreg:$0x2];
	v3 =	vsel vm15, $0x9B0, v6;
	v10 =	vsel vm13, $0x1360, v10;
	v5 =	vsel vm14, $0x6E4, v5  }
0xa9: {  	_ =	strace $0x8000004A;
	s12 =	sadd.s32 s5, s4;
	s9 =	ssub.s32 s25, s26;
	v8 =	vsel vm14, $0xE64, v8;
	v6 =	vsel vm15, $0x1130, v9;
	v9 =	vsel vm15, $0x4B1, v11  }
0xaa: {  	s5 =	sor.u32 $0x1C02, s28;
	s13 =	sadd.s32 $0x40000, s11;
	s25 =	simm.s32 $0x20;
	v11 =	vsel vm15, $0x9B1, v13;
	v13 =	vsel vm15, $0xEB1, v15;
	v15 =	vsel vm15, $0x13B1, v17  }
0xab: {  	s26 =	simm.s32 $0x0;
	s12 =	sadd.s32 s14, s12;
	s6 =	sor.u32 s6, s8;
	v17 =	vsel vm15, $0x4B2, v18;
	v18 =	vsel vm15, $0x732, v19;
	v19 =	vsel vm15, $0x9B2, v20  }
0xac: {  	s14 =	simm.s32 $0x190;
	s8 =	smax.u32 s9, $0x1;
	s6 =	sadd.s32 $0x50, s6;
	v20 =	vsel vm15, $0xC32, v21;
	v21 =	vsel vm15, $0xEB2, v22;
	v22 =	vsel vm15, $0x1132, v23  }
0xad: {  	s31 =	sadd.s32 s30, s12;
	s12 =	sshrl.u32 s13, $0x3;
	s6 =	sshrl.u32 s6, $0x3;
	v23 =	vsel vm15, $0x13B2, v24;
	v24 =	vsel vm15, $0x233, v34;
	v10 =	vsel vm14, $0x1364, v10  }
0xae: {  	s13 =	simm.s32 $0x50;
	s9 =	sadd.s32 $0x1EC00, s31;
	s10 =	sadd.s32 s6, s4;
	v2 =	vsel vm15, $0x730, v5;
	v5 =	vsel vm15, $0xEB0, v8;
	v8 =	vsel vm15, $0x231, v32  }
0xaf: {  	s4 =	sadd.s32 $0xA400, s24;
	s6 =	sadd.s32 $0x2400, s24;
	s24 =	simm.s32 $0x1;
	v32 =	vmul.u32 $0x2000, v35;
	v7 =	vsel vm15, $0x13B0, v10;
	v10 =	vsel vm15, $0x731, v12  }
0xb0: {  	s7 =	sadd.s32 $0x12400, s10;
	s10 =	sshrl.u32 s11, $0x3;
	s11 =	simm.s32 $0x2;
	v12 =	vsel vm15, $0xC31, v14;
	v14 =	vsel vm15, $0x1131, v16;
	v16 =	vsel vm15, $0x232, v33  }
.LBB2_1:
0xb1: {  	[spmem:s10], [sflag:s5] =	dma.local [hbm:s4], $0x800  }
0xb2: {  	_ =	swait.ge [sflag:s11], $0x800  }
0xb3: {  	[sflag:s11] =	ssyncset.done $0x0  }
0xb4: {  	[sflag:s11] =	ssyncadd.s32 $0xFFFFF800  }
0xb5: {  	[spmem:s12], [sflag:s5] =	dma.local [hbm:s6], $0x800  }
0xb6: {  	_ =	swait.ge [sflag:s11], $0x800  }
0xb7: {  	[sflag:s11] =	ssyncset.done $0x0  }
0xb8: {  	[sflag:s11] =	ssyncadd.s32 $0xFFFFF800  }
0xb9: {  	[tilespmem:s3], [sflag:$0x2] =	stream.strided.gather [hbm4b:s7+s13], $0x1400, s14, s13, $0x38;
	[tilespmem:$0xD600] =	vst v63  }
0xba: {  	_ =	swait.ge [sflag:s11], $0x1400  }
0xbb: {  	[sflag:s11] =	ssyncset.done $0x0  }
0xbc: {  	[sflag:s11] =	ssyncadd.s32 $0xFFFFEC00  }
0xbd: {  	s28 =	simm.s32 $0x0;
	s29 =	simm.s32 $0x0;
	[bflag:$0x0] =	sbarrier.arrive $0xFFFF  }
.LBB2_2:
0xbe: {  	v33 =	vmov s28  }
0xbf: {  	v33 =	vshrl.u32 v33, $0x3  }
0xc0: {  	v33 =	vshll.u32 v33, $0x3  }
0xc1: {  	v33 =	vbroadcast v33, $0x0;
	_ =	sdelay $0x1  }
0xc2: {  	v34 =	vadd.s32 v0, v33;
	_ =	sdelay $0x4  }
0xc3: {  	v34 =	vld.idx.msk [tilespmem:v34+s3+$0x0], $0xffff;
	_ =	sdelay $0x1  }
0xc4: {  	v35 =	vadd.s32 v1, v33;
	_ =	sdelay $0x2  }
0xc5: {  	v34 =	vadd.s32 v32, v34  }
0xc6: {  	[tilespmem:$0x1400] =	vst v34  }
0xc7: {  	v34 =	vld.idx.msk [tilespmem:v35+s3+$0x0], $0xffff;
	_ =	sdelay $0x1  }
0xc8: {  	v63 =	vadd.s32 v2, v33;
	_ =	sdelay $0x2  }
0xc9: {  	v34 =	vadd.s32 v32, v34  }
0xca: {  	[tilespmem:$0x1410] =	vst v34  }
0xcb: {  	v34 =	vld.idx.msk [tilespmem:v63+s3+$0x0], $0xffff;
	_ =	sdelay $0x1  }
0xcc: {  	v36 =	vadd.s32 v3, v33;
	_ =	sdelay $0x2  }
0xcd: {  	v34 =	vadd.s32 v32, v34  }
0xce: {  	[tilespmem:$0x1420] =	vst v34  }
0xcf: {  	v34 =	vld.idx.msk [tilespmem:v36+s3+$0x0], $0xffff;
	_ =	sdelay $0x1  }
0xd0: {  	v37 =	vadd.s32 v4, v33;
	_ =	sdelay $0x2  }
0xd1: {  	v34 =	vadd.s32 v32, v34  }
0xd2: {  	[tilespmem:$0x1430] =	vst v34  }
0xd3: {  	v34 =	vld.idx.msk [tilespmem:v37+s3+$0x0], $0xffff;
	_ =	sdelay $0x1  }
0xd4: {  	v38 =	vadd.s32 v5, v33;
	_ =	sdelay $0x2  }
0xd5: {  	v34 =	vadd.s32 v32, v34  }
0xd6: {  	[tilespmem:$0x1440] =	vst v34  }
0xd7: {  	v34 =	vld.idx.msk [tilespmem:v38+s3+$0x0], $0xffff;
	_ =	sdelay $0x1  }
0xd8: {  	v39 =	vadd.s32 v6, v33;
	_ =	sdelay $0x2  }
0xd9: {  	v34 =	vadd.s32 v32, v34  }
0xda: {  	[tilespmem:$0x1450] =	vst v34  }
0xdb: {  	v34 =	vld.idx.msk [tilespmem:v39+s3+$0x0], $0xffff;
	_ =	sdelay $0x1  }
0xdc: {  	v40 =	vadd.s32 v7, v33;
	_ =	sdelay $0x2  }
0xdd: {  	v34 =	vadd.s32 v32, v34  }
0xde: {  	[tilespmem:$0x1460] =	vst v34  }
0xdf: {  	v34 =	vld.idx.msk [tilespmem:v40+s3+$0x0], $0xffff;
	_ =	sdelay $0x1  }
0xe0: {  	v41 =	vadd.s32 v8, v33;
	_ =	sdelay $0x2  }
0xe1: {  	v34 =	vadd.s32 v32, v34  }
0xe2: {  	[tilespmem:$0x1470] =	vst v34  }
0xe3: {  	v34 =	vld.idx.msk [tilespmem:v41+s3+$0x0], $0xffff;
	_ =	sdelay $0x1  }
0xe4: {  	v42 =	vadd.s32 v9, v33;
	_ =	sdelay $0x2  }
0xe5: {  	v34 =	vadd.s32 v32, v34  }
0xe6: {  	[tilespmem:$0x1480] =	vst v34  }
0xe7: {  	v34 =	vld.idx.msk [tilespmem:v42+s3+$0x0], $0xffff;
	_ =	sdelay $0x1  }
0xe8: {  	v43 =	vadd.s32 v10, v33;
	_ =	sdelay $0x2  }
0xe9: {  	v34 =	vadd.s32 v32, v34  }
0xea: {  	[tilespmem:$0x1490] =	vst v34  }
0xeb: {  	v34 =	vld.idx.msk [tilespmem:v43+s3+$0x0], $0xffff;
	_ =	sdelay $0x1  }
0xec: {  	v44 =	vadd.s32 v11, v33;
	_ =	sdelay $0x2  }
0xed: {  	v34 =	vadd.s32 v32, v34  }
0xee: {  	[tilespmem:$0x14A0] =	vst v34  }
0xef: {  	v34 =	vld.idx.msk [tilespmem:v44+s3+$0x0], $0xffff;
	_ =	sdelay $0x1  }
0xf0: {  	v45 =	vadd.s32 v12, v33;
	_ =	sdelay $0x2  }
0xf1: {  	v34 =	vadd.s32 v32, v34  }
0xf2: {  	[tilespmem:$0x14B0] =	vst v34  }
0xf3: {  	v34 =	vld.idx.msk [tilespmem:v45+s3+$0x0], $0xffff;
	_ =	sdelay $0x1  }
0xf4: {  	v46 =	vadd.s32 v13, v33;
	_ =	sdelay $0x2  }
0xf5: {  	v34 =	vadd.s32 v32, v34  }
0xf6: {  	[tilespmem:$0x14C0] =	vst v34  }
0xf7: {  	v34 =	vld.idx.msk [tilespmem:v46+s3+$0x0], $0xffff;
	_ =	sdelay $0x1  }
0xf8: {  	v47 =	vadd.s32 v14, v33;
	_ =	sdelay $0x2  }
0xf9: {  	v34 =	vadd.s32 v32, v34  }
0xfa: {  	[tilespmem:$0x14D0] =	vst v34  }
0xfb: {  	v34 =	vld.idx.msk [tilespmem:v47+s3+$0x0], $0xffff;
	_ =	sdelay $0x1  }
0xfc: {  	v48 =	vadd.s32 v15, v33;
	_ =	sdelay $0x2  }
0xfd: {  	v34 =	vadd.s32 v32, v34  }
0xfe: {  	[tilespmem:$0x14E0] =	vst v34  }
0xff: {  	v34 =	vld.idx.msk [tilespmem:v48+s3+$0x0], $0xffff;
	_ =	sdelay $0x1  }
0x100: {  	v49 =	vadd.s32 v16, v33;
	_ =	sdelay $0x2  }
0x101: {  	v34 =	vadd.s32 v32, v34  }
0x102: {  	[tilespmem:$0x14F0] =	vst v34  }
0x103: {  	v34 =	vld.idx.msk [tilespmem:v49+s3+$0x0], $0xffff;
	_ =	sdelay $0x1  }
0x104: {  	v50 =	vadd.s32 v17, v33;
	_ =	sdelay $0x2  }
0x105: {  	v34 =	vadd.s32 v32, v34  }
0x106: {  	[tilespmem:$0x1500] =	vst v34  }
0x107: {  	v34 =	vld.idx.msk [tilespmem:v50+s3+$0x0], $0xffff;
	_ =	sdelay $0x1  }
0x108: {  	v51 =	vadd.s32 v18, v33;
	_ =	sdelay $0x2  }
0x109: {  	v34 =	vadd.s32 v32, v34  }
0x10a: {  	[tilespmem:$0x1510] =	vst v34  }
0x10b: {  	v34 =	vld.idx.msk [tilespmem:v51+s3+$0x0], $0xffff;
	_ =	sdelay $0x1  }
0x10c: {  	v52 =	vadd.s32 v19, v33;
	_ =	sdelay $0x2  }
0x10d: {  	v34 =	vadd.s32 v32, v34  }
0x10e: {  	[tilespmem:$0x1520] =	vst v34  }
0x10f: {  	v34 =	vld.idx.msk [tilespmem:v52+s3+$0x0], $0xffff;
	_ =	sdelay $0x1  }
0x110: {  	v53 =	vadd.s32 v20, v33;
	_ =	sdelay $0x2  }
0x111: {  	v34 =	vadd.s32 v32, v34  }
0x112: {  	[tilespmem:$0x1530] =	vst v34  }
0x113: {  	v34 =	vld.idx.msk [tilespmem:v53+s3+$0x0], $0xffff;
	_ =	sdelay $0x1  }
0x114: {  	v54 =	vadd.s32 v21, v33;
	_ =	sdelay $0x2  }
0x115: {  	v34 =	vadd.s32 v32, v34  }
0x116: {  	[tilespmem:$0x1540] =	vst v34  }
0x117: {  	v34 =	vld.idx.msk [tilespmem:v54+s3+$0x0], $0xffff;
	_ =	sdelay $0x1  }
0x118: {  	v55 =	vadd.s32 v22, v33;
	_ =	sdelay $0x2  }
0x119: {  	v34 =	vadd.s32 v32, v34  }
0x11a: {  	[tilespmem:$0x1550] =	vst v34  }
0x11b: {  	v34 =	vld.idx.msk [tilespmem:v55+s3+$0x0], $0xffff;
	_ =	sdelay $0x1  }
0x11c: {  	v56 =	vadd.s32 v23, v33;
	_ =	sdelay $0x2  }
0x11d: {  	v34 =	vadd.s32 v32, v34  }
0x11e: {  	[tilespmem:$0x1560] =	vst v34  }
0x11f: {  	v34 =	vld.idx.msk [tilespmem:v56+s3+$0x0], $0xffff;
	_ =	sdelay $0x1  }
0x120: {  	v57 =	vadd.s32 v24, v33;
	_ =	sdelay $0x2  }
0x121: {  	v34 =	vadd.s32 v32, v34  }
0x122: {  	[tilespmem:$0x1570] =	vst v34  }
0x123: {  	v34 =	vld.idx.msk [tilespmem:v57+s3+$0x0], $0xffff;
	_ =	sdelay $0x1  }
0x124: {  	v58 =	vadd.s32 v25, v33;
	_ =	sdelay $0x2  }
0x125: {  	v34 =	vadd.s32 v32, v34  }
0x126: {  	[tilespmem:$0x1580] =	vst v34  }
0x127: {  	v34 =	vld.idx.msk [tilespmem:v58+s3+$0x0], $0xffff;
	_ =	sdelay $0x1  }
0x128: {  	v59 =	vadd.s32 v26, v33;
	_ =	sdelay $0x2  }
0x129: {  	v34 =	vadd.s32 v32, v34  }
0x12a: {  	[tilespmem:$0x1590] =	vst v34  }
0x12b: {  	v34 =	vld.idx.msk [tilespmem:v59+s3+$0x0], $0xffff;
	_ =	sdelay $0x1  }
0x12c: {  	v60 =	vadd.s32 v27, v33;
	_ =	sdelay $0x2  }
0x12d: {  	v34 =	vadd.s32 v32, v34  }
0x12e: {  	[tilespmem:$0x15A0] =	vst v34  }
0x12f: {  	v34 =	vld.idx.msk [tilespmem:v60+s3+$0x0], $0xffff;
	_ =	sdelay $0x1  }
0x130: {  	v61 =	vadd.s32 v28, v33;
	_ =	sdelay $0x2  }
0x131: {  	v34 =	vadd.s32 v32, v34  }
0x132: {  	[tilespmem:$0x15B0] =	vst v34  }
0x133: {  	v34 =	vld.idx.msk [tilespmem:v61+s3+$0x0], $0xffff;
	_ =	sdelay $0x1  }
0x134: {  	v62 =	vadd.s32 v29, v33;
	_ =	sdelay $0x2  }
0x135: {  	v34 =	vadd.s32 v32, v34  }
0x136: {  	[tilespmem:$0x15C0] =	vst v34  }
0x137: {  	v34 =	vld.idx.msk [tilespmem:v62+s3+$0x0], $0xffff;
	_ =	sdelay $0x1  }
0x138: {  	v63 =	vadd.s32 v30, v33;
	_ =	sdelay $0x2  }
0x139: {  	v34 =	vadd.s32 v32, v34  }
0x13a: {  	[tilespmem:$0x15D0] =	vst v34  }
0x13b: {  	v34 =	vld.idx.msk [tilespmem:v63+s3+$0x0], $0xffff;
	_ =	sdelay $0x1  }
0x13c: {  	v33 =	vadd.s32 v31, v33;
	_ =	sdelay $0x2  }
0x13d: {  	v34 =	vadd.s32 v32, v34  }
0x13e: {  	[tilespmem:$0x15E0] =	vst v34  }
0x13f: {  	v33 =	vld.idx.msk [tilespmem:v33+s3+$0x0], $0xffff;
	_ =	sdelay $0x4  }
0x140: {  	v33 =	vadd.s32 v32, v33  }
0x141: {  	[tilespmem:$0x15F0] =	vst v33  }
0x142: {  	[tilespmem:s17], [sflag:$0x1] =	stream.indirect.gather [spmem:s2], $0x20, s16, s15, $0xb8;
	[tilespmem:$0xD600] =	vst v63  }
0x143: {  	_ = 	snop  }
0x144: {  	[tilespmem:s19], [sflag:$0x1] =	stream.indirect.gather [spmem:s2], $0x20, s18, s15, $0xb8;
	[tilespmem:$0xD600] =	vst v63  }
0x145: {  	_ = 	snop  }
0x146: {  	[tilespmem:s21], [sflag:$0x1] =	stream.indirect.gather [spmem:s2], $0x20, s20, s15, $0xb8;
	[tilespmem:$0xD600] =	vst v63  }
0x147: {  	_ = 	snop  }
0x148: {  	[tilespmem:s23], [sflag:$0x1] =	stream.indirect.gather [spmem:s2], $0x20, s22, s15, $0xb8;
	[tilespmem:$0xD600] =	vst v63  }
0x149: {  	_ =	swait.ge [sflag:s24], $0x1000  }
0x14a: {  	[sflag:s24] =	ssyncset.done $0x0  }
0x14b: {  	[sflag:s24] =	ssyncadd.s32 $0xFFFFF000  }
0x14c: {  	_ =	swait.ge [sflag:s24], $0x1000  }
0x14d: {  	[sflag:s24] =	ssyncset.done $0x0  }
0x14e: {  	[sflag:s24] =	ssyncadd.s32 $0xFFFFF000  }
0x14f: {  	_ =	swait.ge [sflag:s24], $0x1000  }
0x150: {  	[sflag:s24] =	ssyncset.done $0x0  }
0x151: {  	[sflag:s24] =	ssyncadd.s32 $0xFFFFF000  }
0x152: {  	_ =	swait.ge [sflag:s24], $0x1000  }
0x153: {  	[sflag:s24] =	ssyncset.done $0x0  }
0x154: {  	s30 =	sadd.s32 s29, s9;
	[sflag:s24] =	ssyncadd.s32 $0xFFFFF000  }
0x155: {  	[hbm4b:s30+s25] =	stream.strided.scatter [tilespmem:s17], [sflag:$0x2], $0x1000, s15, s25, $0x38;
	[tilespmem:$0xD600] =	vst v63  }
0x156: {  	_ =	swait.ge [sflag:s11], $0x1000  }
0x157: {  	[sflag:s11] =	ssyncset.done $0x0  }
0x158: {  	s31 =	sadd.s32 $0x4, s30;
	[sflag:s11] =	ssyncadd.s32 $0xFFFFF000  }
0x159: {  	[hbm4b:s31+s25] =	stream.strided.scatter [tilespmem:s19], [sflag:$0x2], $0x1000, s15, s25, $0x38;
	[tilespmem:$0xD600] =	vst v63  }
0x15a: {  	_ =	swait.ge [sflag:s11], $0x1000  }
0x15b: {  	[sflag:s11] =	ssyncset.done $0x0  }
0x15c: {  	s31 =	sadd.s32 $0x8, s30;
	[sflag:s11] =	ssyncadd.s32 $0xFFFFF000  }
0x15d: {  	[hbm4b:s31+s25] =	stream.strided.scatter [tilespmem:s21], [sflag:$0x2], $0x1000, s15, s25, $0x38;
	[tilespmem:$0xD600] =	vst v63  }
0x15e: {  	_ =	swait.ge [sflag:s11], $0x1000  }
0x15f: {  	p0 =	sne.s32 s29, $0x48000;
	[sflag:s11] =	ssyncset.done $0x0  }
.Ltmp0:
0x160: {  	s30 =	sadd.s32 $0xC, s30;
	[sflag:s11] =	ssyncadd.s32 $0xFFFFF000;
	(pc) =	sbr.rel @p0 .LBB2_2-.Ltmp0, $4  }
0x161: {  	[hbm4b:s30+s25] =	stream.strided.scatter [tilespmem:s23], [sflag:$0x2], $0x1000, s15, s25, $0x38;
	[tilespmem:$0xD600] =	vst v63  }
0x162: {  	_ =	swait.ge [sflag:s11], $0x1000  }
0x163: {  	[sflag:s11] =	ssyncset.done $0x0  }
0x164: {  	s28 =	sadd.s32 $0x8, s28;
	s29 =	sadd.s32 $0x8000, s29;
	[sflag:s11] =	ssyncadd.s32 $0xFFFFF000  }
0x165: {  	s26 =	sadd.s32 $0x1, s26  }
0x166: {  	p0 =	sne.s32 s26, s8  }
.Ltmp1:
0x167: {  	_ = 	snop;
	(pc) =	sbr.rel @p0 .LBB2_1-.Ltmp1, $1  }
0x168: {  	_ =	sdelay $0x3  }
0x169: {  	_ =	sfence.sel $0x180000  }
0x16a: {  	[bflag:$0x0] =	sbarrier.arrive $0xFFFF  }
0x16b: {  	p0 =	sne.s32 s0, $0x0;
	_ =	strace $0x9000004A  }
0x16c: {  	s0 =	sadd.s32 @!p0 $0x100000, s1;
	[bflag:$0x2] =	sbarrier.arrive $0xFFFF  }
0x16d: {  	[sflag:s0] =	ssyncadd.tile.s32 @!p0 $0x1;
	_ =	shalt  }
.Lfunc_end2:
_tile_overlayer_lowered:
.L_overlay_start_2:
0x16e: {  	(tag) =	ssettag $0x2  }
0x16f: {  	s0 =	rddreg [dreg:$0x0];
	s2 =	stileid.u32  }
0x170: {  	s1 =	rddreg [dreg:$0x1];
	p0 =	sne.s32 s2, $0x0  }
0x171: {  	s3 =	rddreg [dreg:$0x2];
	[bflag:$0x3] =	sbarrier.arrive $0xFFFF;
	s2 =	simm.s32 @!p0 $0x1C02  }
0x172: {  	[timem:s3], [sflag:s2] =	dma.local @!p0 [hbm:s0], s1  }
0x173: {  	s0 =	simm.s32 @!p0 $0x2  }
0x174: {  	_ =	swait.ge @!p0 [sflag:s0], s1  }
0x175: {  	s1 =	ssub.s32 @!p0 $0x0, s1;
	[sflag:s0] =	ssyncset.done @!p0 $0x0  }
0x176: {  	[sflag:s0] =	ssyncadd.s32 @!p0 s1  }
0x177: {  	[bflag:$0x3] =	sbarrier.arrive $0xFFFF  }
0x178: {  	_ =	shalt  }

// kernel: kernel.14.cloned.1.call-start
scs
__scs_entry_jumppad:
0x0: {  	(pc) =	sbr.rel $0x88, $3  }
0x1: {  	(tag) =	ssettag $0x0;
	lr =	simm.s32 $0x1  }
0x2: {  	[smem:$0x3F9A] =	sst lr;
	_ =	strace $0xD0000000  }
0x3: {  	_ = 	snop  }
0x4: {  	_ = 	snop  }
0x5: {  	_ = 	snop  }
0x6: {  	_ = 	snop  }
0x7: {  	_ = 	snop  }
__scs_overlays_trampoline_lowered:
0x8: {  	[smem:$0x3FA9] =	sst s0  }
0x9: {  	[smem:$0x3FAA] =	sst s1  }
0xa: {  	[smem:$0x3FAB] =	sst s2  }
0xb: {  	[smem:$0x3FAC] =	sst s3  }
0xc: {  	[smem:$0x3FAD] =	sst s4  }
0xd: {  	[smem:$0x3FAE] =	sst s5  }
0xe: {  	[smem:$0x3FAF] =	sst s6  }
0xf: {  	[smem:$0x3FB0] =	sst s7  }
0x10: {  	[smem:$0x3FB1] =	sst s8  }
0x11: {  	[smem:$0x3FB2] =	sst s9;
	s0 =	simm.s32 @!p0 $0x0  }
0x12: {  	s1 =	sld [smem:$0x3F98];
	s0 =	simm.s32 @p0 $0x1  }
0x13: {  	[smem:$0x3FB3] =	sst s0;
	s0 =	simm.s32 @!p1 $0x0  }
0x14: {  	s2 =	sld [smem:$0x3F97];
	s0 =	simm.s32 @p1 $0x1  }
0x15: {  	[smem:$0x3FB4] =	sst s0;
	s0 =	simm.s32 @!p2 $0x0  }
0x16: {  	s3 =	sld [smem:$0x3FDB];
	s0 =	simm.s32 @p2 $0x1  }
0x17: {  	s4 =	simm.s32 $0x1BF5;
	[smem:$0x3FB6] =	sst s0  }
0x18: {  	s0 =	sld [smem:$0x3F99];
	_ =	swait.ge [sflag:s4], $0x0  }
0x19: {  	s7 =	sld [smem:$0x3F9A]  }
0x1a: {  	s8 =	sadd.s32 $0xFFFFE003, lr  }
0x1b: {  	s9 =	sadd.s32 $0xFFFFFEF7, lr;
	s5 =	simm.s32 $0xFFFFFFFF;
	p2 =	slt.u32 s8, $0xFFFFF086  }
0x1c: {  	p1 =	slt.u32 s9, $0xF7A;
	s5 =	simm.s32 @!p2 $0x0  }
0x1d: {  	s5 =	simm.s32 @p1 $0x1;
	p0 =	seq.s32 s7, s2  }
0x1e: {  	s7 =	smul.u32 @!p0 $0xF7A, s2;
	p2 =	seq.s32 @!p0 s5, $0x0  }
0x1f: {  	s9 =	smul.u32 $0xF7A, s1;
	s8 =	simm.s32 @!p0 $0x1BF5;
	p2 =	por !p2, p0  }
0x20: {  	[sflag:s8] =	ssyncset.s32 @!p0 $0xFFFFF086;
	s6 =	sadd.s32 @!p0 s3, s7;
	s7 =	simm.s32 @!p0 $0x108  }
0x21: {  	s3 =	sadd.s32 s3, s9;
	s6 =	sadd.s32 @!p0 $0x88, s6;
	s7 =	simm.s32 @p2 $0x1082  }
0x22: {  	[simem:s7], [sflag:s8] =	dma.local @!p0 [hbm:s6], $0xF7A  }
0x23: {  	s9 =	sor.u32 $0xD0000000, s2;
	s6 =	simm.s32 $0x108;
	_ =	swait.ge @!p0 [sflag:s8], $0x0  }
0x24: {  	s3 =	sadd.s32 $0x88, s3;
	s6 =	simm.s32 @!p1 $0x1082;
	[sflag:s4] =	ssyncset.s32 $0xFFFFF086  }
0x25: {  	[simem:s6], [sflag:s4] =	dma.local [hbm:s3], $0xF7A  }
0x26: {  	[smem:$0x3F9A] =	sst s1;
	(tag) =	ssettag s2;
	_ =	strace s9  }
0x27: {  	s1 =	sld [smem:$0x3FAA]  }
0x28: {  	s2 =	sld [smem:$0x3FAB]  }
0x29: {  	s4 =	sld [smem:$0x3FAD]  }
0x2a: {  	p0 =	seq.s32 s5, $0x0;
	s5 =	sld [smem:$0x3FAE]  }
0x2b: {  	s6 =	sld [smem:$0x3FAF]  }
0x2c: {  	s7 =	sld [smem:$0x3FB0]  }
0x2d: {  	s3 =	simm.s32 $0x108;
	s8 =	sld [smem:$0x3FB1]  }
0x2e: {  	s3 =	simm.s32 @!p0 $0x1082;
	s9 =	sld [smem:$0x3FB2]  }
0x2f: {  	lr =	sadd.s32 s0, s3;
	s0 =	sld [smem:$0x3FA9]  }
0x30: {  	s3 =	sld [smem:$0x3FAC]  }
0x31: {  	[smem:$0x3FB5] =	sst s10  }
0x32: {  	s10 =	sld [smem:$0x3FB3];
	_ =	sdelay $0x3  }
0x33: {  	p0 =	seq.s32 s10, $0x1;
	s10 =	sld [smem:$0x3FB5];
	_ =	sdelay $0x3  }
0x34: {  	[smem:$0x3FB5] =	sst s10  }
0x35: {  	s10 =	sld [smem:$0x3FB4];
	_ =	sdelay $0x3  }
0x36: {  	p1 =	seq.s32 s10, $0x1;
	s10 =	sld [smem:$0x3FB5];
	_ =	sdelay $0x3  }
0x37: {  	[smem:$0x3FB5] =	sst s10  }
0x38: {  	s10 =	sld [smem:$0x3FB6]  }
0x39: {  	_ = 	snop;
	(pc) =	sbr.ind lr, $3  }
0x3a: {  	_ = 	snop  }
0x3b: {  	_ = 	snop  }
0x3c: {  	p2 =	seq.s32 s10, $0x1;
	s10 =	sld [smem:$0x3FB5]  }
0x3d: {  	_ =	shalt  }
0x3e: {  	_ =	shalt  }
0x3f: {  	_ =	shalt  }
0x40: {  	_ =	shalt  }
0x41: {  	_ =	shalt  }
0x42: {  	_ =	shalt  }
0x43: {  	_ =	shalt  }
0x44: {  	_ =	shalt  }
0x45: {  	_ =	shalt  }
0x46: {  	_ =	shalt  }
0x47: {  	_ =	shalt  }
0x48: {  	_ =	shalt  }
0x49: {  	_ =	shalt  }
0x4a: {  	_ =	shalt  }
0x4b: {  	_ =	shalt  }
0x4c: {  	_ =	shalt  }
0x4d: {  	_ =	shalt  }
0x4e: {  	_ =	shalt  }
0x4f: {  	_ =	shalt  }
0x50: {  	_ =	shalt  }
0x51: {  	_ =	shalt  }
0x52: {  	_ =	shalt  }
0x53: {  	_ =	shalt  }
0x54: {  	_ =	shalt  }
0x55: {  	_ =	shalt  }
0x56: {  	_ =	shalt  }
0x57: {  	_ =	shalt  }
0x58: {  	_ =	shalt  }
0x59: {  	_ =	shalt  }
0x5a: {  	_ =	shalt  }
0x5b: {  	_ =	shalt  }
0x5c: {  	_ =	shalt  }
0x5d: {  	_ =	shalt  }
0x5e: {  	_ =	shalt  }
0x5f: {  	_ =	shalt  }
0x60: {  	_ =	shalt  }
0x61: {  	_ =	shalt  }
0x62: {  	_ =	shalt  }
0x63: {  	_ =	shalt  }
0x64: {  	_ =	shalt  }
0x65: {  	_ =	shalt  }
0x66: {  	_ =	shalt  }
0x67: {  	_ =	shalt  }
0x68: {  	_ =	shalt  }
0x69: {  	_ =	shalt  }
0x6a: {  	_ =	shalt  }
0x6b: {  	_ =	shalt  }
0x6c: {  	_ =	shalt  }
0x6d: {  	_ =	shalt  }
0x6e: {  	_ =	shalt  }
0x6f: {  	_ =	shalt  }
0x70: {  	_ =	shalt  }
0x71: {  	_ =	shalt  }
0x72: {  	_ =	shalt  }
0x73: {  	_ =	shalt  }
0x74: {  	_ =	shalt  }
0x75: {  	_ =	shalt  }
0x76: {  	_ =	shalt  }
0x77: {  	_ =	shalt  }
0x78: {  	_ =	shalt  }
0x79: {  	_ =	shalt  }
0x7a: {  	_ =	shalt  }
0x7b: {  	_ =	shalt  }
0x7c: {  	_ =	shalt  }
0x7d: {  	_ =	shalt  }
0x7e: {  	_ =	shalt  }
0x7f: {  	_ =	shalt  }
0x80: {  	_ =	shalt  }
0x81: {  	_ =	shalt  }
0x82: {  	_ =	shalt  }
0x83: {  	_ =	shalt  }
0x84: {  	_ =	shalt  }
0x85: {  	_ =	shalt  }
0x86: {  	_ =	shalt  }
0x87: {  	_ =	shalt  }
.Lfunc_end0:
.L_simem_size_0:
called_computation.2_lowered:
.L_overlay_start_0:
0x88: {  	s2 =	sld [smem:$0x3FD9]  }
0x89: {  	s3 =	sld [smem:$0x3FFE];
	_ =	sdelay $0x1  }
0x8a: {  	s1 =	srdreg.scid  }
0x8b: {  	s0 =	sand.u32 $0x1, s1  }
0x8c: {  	s17 =	sshll.u32 s0, $0xA;
	s2 =	sadd.s32 s3, s2  }
0x8d: {  	s2 =	sadd.s32 s2, s17  }
0x8e: {  	[smem:$0x3FC1] =	sst s2  }
0x8f: {  	_ = 	snop  }
0x90: {  	(tm) =	ssettm $0x1  }
0x91: {  	s18 =	sld [smem:$0x3FFB];
	_ =	sdelay $0x3  }
0x92: {  	_ =	strace s18  }
0x93: {  	s2 =	sld [smem:$0x3FFC];
	_ =	sdelay $0x3  }
0x94: {  	_ =	strace s2  }
0x95: {  	s2 =	sld [smem:$0x3FFD];
	_ =	sdelay $0x3  }
0x96: {  	_ =	strace s2  }
0x97: {  	_ =	strace $0x8FFFFFFF  }
0x98: {  	s19 =	sld [smem:$0x3FDB];
	_ =	sdelay $0x1  }
0x99: {  	s20 =	simm.s32 $_scs_section_size  }
0x9a: {  	s4 =	simm.s32 $_size__tile_overlayer_lowered;
	s5 =	simm.s32 $_tile_overlayer_lowered  }
0x9b: {  	s6 =	simm.s32 $0x1BFF;
	s21 =	sshll.u32 s5, $0x1;
	s3 =	sadd.s32 s20, s19  }
0x9c: {  	s22 =	simm.s32 $0x0;
	s4 =	sshll.u32 s4, $0x1;
	s5 =	sadd.s32 s21, s3  }
0x9d: {  	[timem:s22], [sflag:s6] =	dma.local [hbm:s5], s4  }
0x9e: {  	_ =	swait.ge [sflag:s6], s4  }
0x9f: {  	s4 =	ssub.s32 $0x0, s4;
	[sflag:s6] =	ssyncset.done $0x0  }
0xa0: {  	[sflag:s6] =	ssyncadd.s32 s4;
	_ =	sdelay $0x1  }
0xa1: {  	s23 =	simm.s32 $0x1B8B  }
0xa2: {  	_ =	swait.ge [sflag:s23], $0x1  }
0xa3: {  	[sflag:s23] =	ssyncset.done $0x0  }
0xa4: {  	[sflag:s23] =	ssyncadd.s32 $0xFFFFFFFF  }
0xa5: {  	s4 =	sld [smem:$0x0]  }
0xa6: {  	s5 =	sand.u32 $0xFFFFFFFE, s1  }
0xa7: {  	p0 =	sne.s32 s1, s5  }
0xa8: {  	s5 =	sshll.u32 @p0 s5, $0xE  }
0xa9: {  	s5 =	sadd.s32 @p0 $0x11B8D, s5;
	s6 =	sshll.u32 @p0 s4, $0x11  }
0xaa: {  	s5 =	sor.u32 @p0 s6, s5  }
0xab: {  	[sflag:s5] =	ssyncadd.remote.s32 @p0 $0x1;
	_ =	sdelay $0x1  }
0xac: {  	s5 =	simm.s32 @p0 $0x1B8D  }
0xad: {  	_ =	swait.eq @p0 [sflag:s5], $0x1  }
0xae: {  	[sflag:s5] =	ssyncadd.s32 @p0 $0xFFFFFFFF  }
0xaf: {  	s6 =	sshll.u32 @!p0 s1, $0xE  }
0xb0: {  	s6 =	sor.u32 @!p0 $0x4000, s6;
	s5 =	simm.s32 @!p0 $0x1B8D  }
0xb1: {  	s4 =	sshll.u32 @!p0 s4, $0x11;
	s6 =	sadd.s32 @!p0 $0x11B8D, s6;
	_ =	swait.eq @!p0 [sflag:s5], $0x1  }
0xb2: {  	s4 =	sor.u32 @!p0 s4, s6;
	[sflag:s5] =	ssyncadd.s32 @!p0 $0xFFFFFFFF  }
0xb3: {  	s25 =	simm.s32 $0x1B8E;
	s24 =	sld [smem:$0x3FFE];
	[sflag:s4] =	ssyncadd.remote.s32 @!p0 $0x1  }
0xb4: {  	s26 =	simm.s32 $execute0_lowered;
	[smem:$0x3FD2] =	sst s25  }
0xb5: {  	s5 =	sshll.u32 s26, $0x1;
	_ =	strace $0x8000004C;
	[dreg:$0x1] =	wrdreg $0xFFFFFFFF  }
0xb6: {  	s28 =	simm.s32 $_size_execute0_lowered;
	s3 =	sadd.s32 s3, s5;
	[dreg:$0x0] =	wrdreg $0x0  }
0xb7: {  	s5 =	sshll.u32 s28, $0x1;
	[dreg:$0x2] =	wrdreg s3  }
0xb8: {  	[dreg:$0x3] =	wrdreg s5  }
0xb9: {  	[dreg:$0x4] =	wrdreg $0xC0  }
0xba: {  	_ =	task [dreg:s22], $0x5FFFF  }
0xbb: {  	[dreg:$0x1] =	wrdreg $0xFFFFFFFF  }
0xbc: {  	[dreg:$0x0] =	wrdreg $0x60  }
0xbd: {  	[dreg:$0x2] =	wrdreg s24  }
0xbe: {  	[dreg:$0x3] =	wrdreg $0x56000  }
0xbf: {  	[dreg:$0x4] =	wrdreg $0xB  }
0xc0: {  	_ =	task.clear_ibuf [dreg:s22], $0x5FFFF;
	_ =	strace $0x9000004C  }
0xc1: {  	s29 =	simm.s32 $0xB;
	_ =	strace $0x8000004E  }
0xc2: {  	_ =	swait.ge [sflag:s29], $0x1  }
0xc3: {  	[sflag:s29] =	ssyncadd.s32 $0xFFFFFFFF  }
0xc4: {  	_ =	strace $0x9000004E  }
0xc5: {  	_ =	sfence  }
0xc6: {  	s30 =	sld [smem:$0x0];
	_ =	sdelay $0x2  }
0xc7: {  	s31 =	sshll.u32 s1, $0xD;
	s1 =	sshrl.u32 s1, $0x2  }
0xc8: {  	s4 =	sand.u32 $0x4000, s31;
	s1 =	sadd.s32 s1, s30  }
0xc9: {  	s0 =	sor.u32 s4, s0;
	s1 =	sshll.u32 s1, $0x11  }
0xca: {  	s0 =	sor.u32 s1, s0  }
0xcb: {  	s0 =	sadd.s32 $0x8F2B, s0  }
0xcc: {  	[sflag:s0] =	ssyncadd.remote.s32 $0x1  }
0xcd: {  	_ =	sfence.sel $0xFFFF  }
0xce: {  	[dreg:$0x0] =	wrdreg $0xFFFFFFFF;
	(pc) =	sbr.abs _section_cstart, $3  }
0xcf: {  	[dreg:$0x1] =	wrdreg $0xFFFFFFFF  }
0xd0: {  	_ =	task.clear_ibuf [dreg:s22], $0x2FFFF;
	_ =	strace $0x9FFFFFFF  }
0xd1: {  	(tm) =	ssettm $0x7FFFFFFF  }
tec
execute0_lowered:
.L_overlay_start_1:
0x0: {  	(tag) =	ssettag $0x1  }
0x1: {  	v0 =	vimm.s32 $0x54500400;
	v1 =	vimm.s32 $0xF4F0A4A0;
	vm0 =	vcmask $0xF00  }
0x2: {  	vm4 =	vcmask $0x1F10;
	v2 =	vimm.s32 $0x4B4;
	vm2 =	vcmask $0x300  }
0x3: {  	v3 =	vimm.s32 $0x55510501;
	v4 =	vimm.s32 $0x56520602;
	vm3 =	vcmask $0x704  }
0x4: {  	v5 =	vimm.s32 $0x57530703;
	vm1 =	vcmask $0xB08;
	v11 =	vimm.s32 $0x4B5  }
0x5: {  	v12 =	vimm.s32 $0x735;
	v13 =	vimm.s32 $0x9B5;
	v14 =	vimm.s32 $0xC35  }
0x6: {  	v15 =	vimm.s32 $0xEB5;
	v16 =	vimm.s32 $0x1135;
	v17 =	vimm.s32 $0x13B5  }
0x7: {  	v18 =	vimm.s32 $0x4B6;
	v19 =	vimm.s32 $0x736;
	v20 =	vimm.s32 $0x9B6  }
0x8: {  	v21 =	vimm.s32 $0xC36;
	v22 =	vimm.s32 $0xEB6;
	v23 =	vimm.s32 $0x1136  }
0x9: {  	v24 =	vimm.s32 $0x13B6;
	v25 =	vimm.s32 $0x4B7;
	v26 =	vimm.s32 $0x737  }
0xa: {  	v27 =	vimm.s32 $0x9B7;
	v28 =	vimm.s32 $0xC37;
	v29 =	vimm.s32 $0xEB7  }
0xb: {  	v30 =	vimm.s32 $0x1137;
	v31 =	vimm.s32 $0x13B7;
	vm5 =	vcmask $0x1310  }
0xc: {  	vm6 =	vcmask $0x1714;
	vm7 =	vcmask $0x1B18;
	vm8 =	vcmask $0x2320  }
0xd: {  	vm9 =	vcmask $0x1F1C;
	vm10 =	vcmask $0x2724;
	vm11 =	vcmask $0x2B28  }
0xe: {  	vm12 =	vcmask $0x2F2C;
	vm13 =	vcmask $0x3330;
	vm14 =	vcmask $0x3734  }
0xf: {  	vm15 =	vcmask $0x3B38;
	v0 =	vunpack.c.0.s8.s32 v0;
	v1 =	vunpack.c.0.s8.s32 v1  }
0x10: {  	v2 =	vsel vm2, $0x280, v2;
	v3 =	vunpack.c.0.s8.s32 v3;
	v4 =	vunpack.c.0.s8.s32 v4  }
0x11: {  	v5 =	vunpack.c.0.s8.s32 v5;
	v11 =	vsel vm2, $0x281, v11;
	v12 =	vsel vm2, $0x501, v12  }
0x12: {  	v13 =	vsel vm2, $0x781, v13;
	v14 =	vsel vm2, $0xA01, v14;
	v15 =	vsel vm2, $0xC81, v15  }
0x13: {  	v16 =	vsel vm2, $0xF01, v16;
	v17 =	vsel vm2, $0x1181, v17;
	v18 =	vsel vm2, $0x282, v18  }
0x14: {  	v19 =	vsel vm2, $0x502, v19;
	v20 =	vsel vm2, $0x782, v20;
	v21 =	vsel vm2, $0xA02, v21  }
0x15: {  	v22 =	vsel vm2, $0xC82, v22;
	v23 =	vsel vm2, $0xF02, v23;
	v24 =	vsel vm2, $0x1182, v24  }
0x16: {  	v25 =	vsel vm2, $0x283, v25;
	v26 =	vsel vm2, $0x503, v26;
	v27 =	vsel vm2, $0x783, v27  }
0x17: {  	v28 =	vsel vm2, $0xA03, v28;
	v29 =	vsel vm2, $0xC83, v29;
	v30 =	vsel vm2, $0xF03, v30  }
0x18: {  	v31 =	vsel vm2, $0x1183, v31;
	v2 =	vsel vm3, $0x284, v2;
	v11 =	vsel vm3, $0x285, v11  }
0x19: {  	v12 =	vsel vm3, $0x505, v12;
	v13 =	vsel vm3, $0x785, v13;
	v14 =	vsel vm3, $0xA05, v14  }
0x1a: {  	v15 =	vsel vm3, $0xC85, v15;
	v16 =	vsel vm3, $0xF05, v16;
	v17 =	vsel vm3, $0x1185, v17  }
0x1b: {  	v18 =	vsel vm3, $0x286, v18;
	v19 =	vsel vm3, $0x506, v19;
	v20 =	vsel vm3, $0x786, v20  }
0x1c: {  	v21 =	vsel vm3, $0xA06, v21;
	v22 =	vsel vm3, $0xC86, v22;
	v23 =	vsel vm3, $0xF06, v23  }
0x1d: {  	v24 =	vsel vm3, $0x1186, v24;
	v25 =	vsel vm3, $0x287, v25;
	v26 =	vsel vm3, $0x507, v26  }
0x1e: {  	v27 =	vsel vm3, $0x787, v27;
	v28 =	vsel vm3, $0xA07, v28;
	v29 =	vsel vm3, $0xC87, v29  }
0x1f: {  	v30 =	vsel vm3, $0xF07, v30;
	v31 =	vsel vm3, $0x1187, v31;
	v0 =	vand.u32 $0xFF, v0  }
0x20: {  	v1 =	vand.u32 $0xFF, v1;
	v3 =	vand.u32 $0xFF, v3;
	v4 =	vand.u32 $0xFF, v4  }
0x21: {  	v10 =	vsel vm1, $0x2D0, v2;
	v11 =	vsel vm1, $0x2D1, v11;
	v12 =	vsel vm1, $0x551, v12  }
0x22: {  	v13 =	vsel vm1, $0x7D1, v13;
	v14 =	vsel vm1, $0xA51, v14;
	v15 =	vsel vm1, $0xCD1, v15  }
0x23: {  	v16 =	vsel vm1, $0xF51, v16;
	v17 =	vsel vm1, $0x11D1, v17;
	v18 =	vsel vm1, $0x2D2, v18  }
0x24: {  	v19 =	vsel vm1, $0x552, v19;
	v20 =	vsel vm1, $0x7D2, v20;
	v21 =	vsel vm1, $0xA52, v21  }
0x25: {  	v22 =	vsel vm1, $0xCD2, v22;
	v23 =	vsel vm1, $0xF52, v23;
	v24 =	vsel vm1, $0x11D2, v24  }
0x26: {  	v25 =	vsel vm1, $0x2D3, v25;
	v26 =	vsel vm1, $0x553, v26;
	v27 =	vsel vm1, $0x7D3, v27  }
0x27: {  	v28 =	vsel vm1, $0xA53, v28;
	v29 =	vsel vm1, $0xCD3, v29;
	v30 =	vsel vm1, $0xF53, v30  }
0x28: {  	v31 =	vsel vm1, $0x11D3, v31;
	v6 =	vnsel vm0, $0x235, v3;
	v3 =	vimm.s32 $0xF5F1A5A1  }
0x29: {  	v0 =	vnsel vm0, $0x234, v0;
	v7 =	vunpack.c.0.s8.s32 v3;
	v3 =	vand.u32 $0xFF, v5  }
0x2a: {  	v5 =	vimm.s32 $0xF6F2A6A2;
	v8 =	vnsel vm0, $0x237, v3;
	v3 =	vimm.s32 $0xF7F3A7A3  }
0x2b: {  	v4 =	vnsel vm0, $0x236, v4;
	v5 =	vunpack.c.0.s8.s32 v5;
	v9 =	vunpack.c.0.s8.s32 v3  }
0x2c: {  	v3 =	vsel vm4, v1, v0;
	v0 =	vand.u32 $0xFF, v7;
	v7 =	vimm.s32 $0xC34  }
0x2d: {  	v2 =	vsel vm4, v0, v6;
	v0 =	vand.u32 $0xFF, v5;
	v6 =	vimm.s32 $0x9B4  }
0x2e: {  	v7 =	vsel vm2, $0xA00, v7;
	v3 =	vsel vm8, $0x140, v3;
	v5 =	vand.u32 $0xFF, v9  }
0x2f: {  	v1 =	vsel vm4, v0, v4;
	v6 =	vsel vm2, $0x780, v6;
	v9 =	vimm.s32 $0x1134  }
0x30: {  	v7 =	vsel vm3, $0xA04, v7;
	v3 =	vsel vm10, $0x144, v3;
	v2 =	vsel vm8, $0x141, v2  }
0x31: {  	v0 =	vsel vm4, v5, v8;
	vm4 =	vcmask $0xF0C;
	v5 =	vimm.s32 $0x734  }
0x32: {  	v8 =	vimm.s32 $0xEB4;
	v9 =	vsel vm2, $0xF00, v9;
	v6 =	vsel vm3, $0x784, v6  }
0x33: {  	v7 =	vsel vm1, $0xA50, v7;
	v1 =	vsel vm8, $0x142, v1;
	v3 =	vsel vm11, $0x190, v3  }
0x34: {  	v2 =	vsel vm10, $0x145, v2;
	v4 =	vsel vm4, $0x2D4, v10;
	v5 =	vsel vm2, $0x500, v5  }
0x35: {  	v8 =	vsel vm2, $0xC80, v8;
	v10 =	vimm.s32 $0x13B4;
	v9 =	vsel vm3, $0xF04, v9  }
0x36: {  	v6 =	vsel vm1, $0x7D0, v6;
	v7 =	vsel vm4, $0xA54, v7;
	v11 =	vsel vm4, $0x2D5, v11  }
0x37: {  	v12 =	vsel vm4, $0x555, v12;
	v13 =	vsel vm4, $0x7D5, v13;
	v14 =	vsel vm4, $0xA55, v14  }
0x38: {  	v15 =	vsel vm4, $0xCD5, v15;
	v16 =	vsel vm4, $0xF55, v16;
	v17 =	vsel vm4, $0x11D5, v17  }
0x39: {  	v18 =	vsel vm4, $0x2D6, v18;
	v19 =	vsel vm4, $0x556, v19;
	v20 =	vsel vm4, $0x7D6, v20  }
0x3a: {  	v21 =	vsel vm4, $0xA56, v21;
	v22 =	vsel vm4, $0xCD6, v22;
	v23 =	vsel vm4, $0xF56, v23  }
0x3b: {  	v24 =	vsel vm4, $0x11D6, v24;
	v25 =	vsel vm4, $0x2D7, v25;
	v26 =	vsel vm4, $0x557, v26  }
0x3c: {  	v27 =	vsel vm4, $0x7D7, v27;
	v28 =	vsel vm4, $0xA57, v28;
	v29 =	vsel vm4, $0xCD7, v29  }
0x3d: {  	v30 =	vsel vm4, $0xF57, v30;
	v31 =	vsel vm4, $0x11D7, v31;
	v0 =	vsel vm8, $0x143, v0  }
0x3e: {  	v1 =	vsel vm10, $0x146, v1;
	v3 =	vsel vm12, $0x194, v3;
	v2 =	vsel vm11, $0x191, v2  }
0x3f: {  	v10 =	vsel vm2, $0x1180, v10;
	v5 =	vsel vm3, $0x504, v5;
	v8 =	vsel vm3, $0xC84, v8  }
0x40: {  	v4 =	vsel vm5, $0x320, v4;
	v9 =	vsel vm1, $0xF50, v9;
	v6 =	vsel vm4, $0x7D4, v6  }
0x41: {  	v7 =	vsel vm5, $0xAA0, v7;
	v11 =	vsel vm5, $0x321, v11;
	v12 =	vsel vm5, $0x5A1, v12  }
0x42: {  	v13 =	vsel vm5, $0x821, v13;
	v14 =	vsel vm5, $0xAA1, v14;
	v15 =	vsel vm5, $0xD21, v15  }
0x43: {  	v16 =	vsel vm5, $0xFA1, v16;
	v17 =	vsel vm5, $0x1221, v17;
	v18 =	vsel vm5, $0x322, v18  }
0x44: {  	v19 =	vsel vm5, $0x5A2, v19;
	v20 =	vsel vm5, $0x822, v20;
	v21 =	vsel vm5, $0xAA2, v21  }
0x45: {  	v22 =	vsel vm5, $0xD22, v22;
	v23 =	vsel vm5, $0xFA2, v23;
	v24 =	vsel vm5, $0x1222, v24  }
0x46: {  	v25 =	vsel vm5, $0x323, v25;
	v26 =	vsel vm5, $0x5A3, v26;
	v27 =	vsel vm5, $0x823, v27  }
0x47: {  	v28 =	vsel vm5, $0xAA3, v28;
	v29 =	vsel vm5, $0xD23, v29;
	v30 =	vsel vm5, $0xFA3, v30  }
0x48: {  	v31 =	vsel vm5, $0x1223, v31;
	v0 =	vsel vm10, $0x147, v0;
	v1 =	vsel vm11, $0x192, v1  }
0x49: {  	v3 =	vsel vm13, $0x1E0, v3;
	v2 =	vsel vm12, $0x195, v2;
	v10 =	vsel vm3, $0x1184, v10  }
0x4a: {  	v5 =	vsel vm1, $0x550, v5;
	v8 =	vsel vm1, $0xCD0, v8;
	v9 =	vsel vm4, $0xF54, v9  }
0x4b: {  	v4 =	vsel vm6, $0x324, v4;
	v6 =	vsel vm5, $0x820, v6;
	v7 =	vsel vm6, $0xAA4, v7  }
0x4c: {  	v11 =	vsel vm6, $0x325, v11;
	v12 =	vsel vm6, $0x5A5, v12;
	v13 =	vsel vm6, $0x825, v13  }
0x4d: {  	v14 =	vsel vm6, $0xAA5, v14;
	v15 =	vsel vm6, $0xD25, v15;
	v16 =	vsel vm6, $0xFA5, v16  }
0x4e: {  	v17 =	vsel vm6, $0x1225, v17;
	v18 =	vsel vm6, $0x326, v18;
	v19 =	vsel vm6, $0x5A6, v19  }
0x4f: {  	v20 =	vsel vm6, $0x826, v20;
	v21 =	vsel vm6, $0xAA6, v21;
	v22 =	vsel vm6, $0xD26, v22  }
0x50: {  	v23 =	vsel vm6, $0xFA6, v23;
	v24 =	vsel vm6, $0x1226, v24;
	v25 =	vsel vm6, $0x327, v25  }
0x51: {  	v26 =	vsel vm6, $0x5A7, v26;
	v27 =	vsel vm6, $0x827, v27;
	v28 =	vsel vm6, $0xAA7, v28  }
0x52: {  	v29 =	vsel vm6, $0xD27, v29;
	v30 =	vsel vm6, $0xFA7, v30;
	v31 =	vsel vm6, $0x1227, v31  }
0x53: {  	v0 =	vsel vm11, $0x193, v0;
	v1 =	vsel vm12, $0x196, v1;
	v3 =	vsel vm14, $0x1E4, v3  }
0x54: {  	v2 =	vsel vm13, $0x1E1, v2;
	v10 =	vsel vm1, $0x11D0, v10;
	v5 =	vsel vm4, $0x554, v5  }
0x55: {  	v8 =	vsel vm4, $0xCD4, v8;
	v9 =	vsel vm5, $0xFA0, v9;
	v6 =	vsel vm6, $0x824, v6  }
0x56: {  	v4 =	vsel vm7, $0x370, v4;
	v7 =	vsel vm7, $0xAF0, v7;
	v11 =	vsel vm7, $0x371, v11  }
0x57: {  	v12 =	vsel vm7, $0x5F1, v12;
	v13 =	vsel vm7, $0x871, v13;
	v14 =	vsel vm7, $0xAF1, v14  }
0x58: {  	v15 =	vsel vm7, $0xD71, v15;
	v16 =	vsel vm7, $0xFF1, v16;
	v17 =	vsel vm7, $0x1271, v17  }
0x59: {  	v18 =	vsel vm7, $0x372, v18;
	v19 =	vsel vm7, $0x5F2, v19;
	v20 =	vsel vm7, $0x872, v20  }
0x5a: {  	v21 =	vsel vm7, $0xAF2, v21;
	v22 =	vsel vm7, $0xD72, v22;
	v23 =	vsel vm7, $0xFF2, v23  }
0x5b: {  	v24 =	vsel vm7, $0x1272, v24;
	v25 =	vsel vm7, $0x373, v25;
	v26 =	vsel vm7, $0x5F3, v26  }
0x5c: {  	v27 =	vsel vm7, $0x873, v27;
	v28 =	vsel vm7, $0xAF3, v28;
	v29 =	vsel vm7, $0xD73, v29  }
0x5d: {  	v30 =	vsel vm7, $0xFF3, v30;
	v31 =	vsel vm7, $0x1273, v31;
	v0 =	vsel vm12, $0x197, v0  }
0x5e: {  	v1 =	vsel vm13, $0x1E2, v1;
	v32 =	vsel vm14, $0x1E5, v2;
	v10 =	vsel vm4, $0x11D4, v10  }
0x5f: {  	v5 =	vsel vm5, $0x5A0, v5;
	v8 =	vsel vm5, $0xD20, v8;
	v9 =	vsel vm6, $0xFA4, v9  }
0x60: {  	v6 =	vsel vm7, $0x870, v6;
	v4 =	vsel vm9, $0x374, v4;
	v7 =	vsel vm9, $0xAF4, v7  }
0x61: {  	v11 =	vsel vm9, $0x375, v11;
	v12 =	vsel vm9, $0x5F5, v12;
	v13 =	vsel vm9, $0x875, v13  }
0x62: {  	v14 =	vsel vm9, $0xAF5, v14;
	v15 =	vsel vm9, $0xD75, v15;
	v16 =	vsel vm9, $0xFF5, v16  }
0x63: {  	v17 =	vsel vm9, $0x1275, v17;
	v18 =	vsel vm9, $0x376, v18;
	v19 =	vsel vm9, $0x5F6, v19  }
0x64: {  	v20 =	vsel vm9, $0x876, v20;
	v21 =	vsel vm9, $0xAF6, v21;
	v22 =	vsel vm9, $0xD76, v22  }
0x65: {  	v23 =	vsel vm9, $0xFF6, v23;
	v24 =	vsel vm9, $0x1276, v24;
	v25 =	vsel vm9, $0x377, v25  }
0x66: {  	v26 =	vsel vm9, $0x5F7, v26;
	v27 =	vsel vm9, $0x877, v27;
	v28 =	vsel vm9, $0xAF7, v28  }
0x67: {  	v29 =	vsel vm9, $0xD77, v29;
	v30 =	vsel vm9, $0xFF7, v30;
	v31 =	vsel vm9, $0x1277, v31  }
0x68: {  	v0 =	vsel vm13, $0x1E3, v0;
	v33 =	vsel vm14, $0x1E6, v1;
	v1 =	vlaneseq.u32  }
0x69: {  	v10 =	vsel vm5, $0x1220, v10;
	v5 =	vsel vm6, $0x5A4, v5;
	v8 =	vsel vm6, $0xD24, v8  }
0x6a: {  	v9 =	vsel vm7, $0xFF0, v9;
	v6 =	vsel vm9, $0x874, v6;
	v4 =	vsel vm8, $0x3C0, v4  }
0x6b: {  	v7 =	vsel vm8, $0xB40, v7;
	v11 =	vsel vm8, $0x3C1, v11;
	v12 =	vsel vm8, $0x641, v12  }
0x6c: {  	v13 =	vsel vm8, $0x8C1, v13;
	v14 =	vsel vm8, $0xB41, v14;
	v15 =	vsel vm8, $0xDC1, v15  }
0x6d: {  	v16 =	vsel vm8, $0x1041, v16;
	v17 =	vsel vm8, $0x12C1, v17;
	v18 =	vsel vm8, $0x3C2, v18  }
0x6e: {  	v19 =	vsel vm8, $0x642, v19;
	v20 =	vsel vm8, $0x8C2, v20;
	v21 =	vsel vm8, $0xB42, v21  }
0x6f: {  	v22 =	vsel vm8, $0xDC2, v22;
	v23 =	vsel vm8, $0x1042, v23;
	v24 =	vsel vm8, $0x12C2, v24  }
0x70: {  	v25 =	vsel vm8, $0x3C3, v25;
	v26 =	vsel vm8, $0x643, v26;
	v27 =	vsel vm8, $0x8C3, v27  }
0x71: {  	v28 =	vsel vm8, $0xB43, v28;
	v29 =	vsel vm8, $0xDC3, v29;
	v30 =	vsel vm8, $0x1043, v30  }
0x72: {  	v31 =	vsel vm8, $0x12C3, v31;
	v34 =	vsel vm14, $0x1E7, v0;
	v0 =	vsel vm15, $0x230, v3  }
0x73: {  	v35 =	vand.u32 $0x1, v1;
	v10 =	vsel vm6, $0x1224, v10;
	v5 =	vsel vm7, $0x5F0, v5  }
0x74: {  	v8 =	vsel vm7, $0xD70, v8;
	v9 =	vsel vm9, $0xFF4, v9;
	v6 =	vsel vm8, $0x8C0, v6  }
0x75: {  	v4 =	vsel vm10, $0x3C4, v4;
	v7 =	vsel vm10, $0xB44, v7;
	v11 =	vsel vm10, $0x3C5, v11  }
0x76: {  	v12 =	vsel vm10, $0x645, v12;
	v13 =	vsel vm10, $0x8C5, v13;
	v14 =	vsel vm10, $0xB45, v14  }
0x77: {  	v15 =	vsel vm10, $0xDC5, v15;
	v16 =	vsel vm10, $0x1045, v16;
	v17 =	vsel vm10, $0x12C5, v17  }
0x78: {  	v18 =	vsel vm10, $0x3C6, v18;
	v19 =	vsel vm10, $0x646, v19;
	v20 =	vsel vm10, $0x8C6, v20  }
0x79: {  	v21 =	vsel vm10, $0xB46, v21;
	v22 =	vsel vm10, $0xDC6, v22;
	v23 =	vsel vm10, $0x1046, v23  }
0x7a: {  	v24 =	vsel vm10, $0x12C6, v24;
	v25 =	vsel vm10, $0x3C7, v25;
	v26 =	vsel vm10, $0x647, v26  }
0x7b: {  	v27 =	vsel vm10, $0x8C7, v27;
	v28 =	vsel vm10, $0xB47, v28;
	v29 =	vsel vm10, $0xDC7, v29  }
0x7c: {  	v30 =	vsel vm10, $0x1047, v30;
	v31 =	vsel vm10, $0x12C7, v31;
	v10 =	vsel vm7, $0x1270, v10  }
0x7d: {  	v5 =	vsel vm9, $0x5F4, v5;
	v8 =	vsel vm9, $0xD74, v8;
	v9 =	vsel vm8, $0x1040, v9  }
0x7e: {  	v6 =	vsel vm10, $0x8C4, v6;
	v4 =	vsel vm11, $0x410, v4;
	v7 =	vsel vm11, $0xB90, v7  }
0x7f: {  	v11 =	vsel vm11, $0x411, v11;
	v12 =	vsel vm11, $0x691, v12;
	v13 =	vsel vm11, $0x911, v13  }
0x80: {  	v14 =	vsel vm11, $0xB91, v14;
	v15 =	vsel vm11, $0xE11, v15;
	v16 =	vsel vm11, $0x1091, v16  }
0x81: {  	v17 =	vsel vm11, $0x1311, v17;
	v18 =	vsel vm11, $0x412, v18;
	v19 =	vsel vm11, $0x692, v19  }
0x82: {  	v20 =	vsel vm11, $0x912, v20;
	v21 =	vsel vm11, $0xB92, v21;
	v22 =	vsel vm11, $0xE12, v22  }
0x83: {  	v23 =	vsel vm11, $0x1092, v23;
	v24 =	vsel vm11, $0x1312, v24;
	v25 =	vsel vm11, $0x413, v25  }
0x84: {  	v26 =	vsel vm11, $0x693, v26;
	v27 =	vsel vm11, $0x913, v27;
	v28 =	vsel vm11, $0xB93, v28  }
0x85: {  	v29 =	vsel vm11, $0xE13, v29;
	v30 =	vsel vm11, $0x1093, v30;
	v31 =	vsel vm11, $0x1313, v31  }
0x86: {  	v10 =	vsel vm9, $0x1274, v10;
	v5 =	vsel vm8, $0x640, v5;
	v8 =	vsel vm8, $0xDC0, v8  }
0x87: {  	v9 =	vsel vm10, $0x1044, v9;
	v6 =	vsel vm11, $0x910, v6;
	v4 =	vsel vm12, $0x414, v4  }
0x88: {  	v7 =	vsel vm12, $0xB94, v7;
	v11 =	vsel vm12, $0x415, v11;
	v12 =	vsel vm12, $0x695, v12  }
0x89: {  	v13 =	vsel vm12, $0x915, v13;
	v14 =	vsel vm12, $0xB95, v14;
	v15 =	vsel vm12, $0xE15, v15  }
0x8a: {  	v16 =	vsel vm12, $0x1095, v16;
	v17 =	vsel vm12, $0x1315, v17;
	v18 =	vsel vm12, $0x416, v18  }
0x8b: {  	v19 =	vsel vm12, $0x696, v19;
	v20 =	vsel vm12, $0x916, v20;
	v21 =	vsel vm12, $0xB96, v21  }
0x8c: {  	v22 =	vsel vm12, $0xE16, v22;
	v23 =	vsel vm12, $0x1096, v23;
	v24 =	vsel vm12, $0x1316, v24  }
0x8d: {  	v25 =	vsel vm12, $0x417, v25;
	v26 =	vsel vm12, $0x697, v26;
	v27 =	vsel vm12, $0x917, v27  }
0x8e: {  	v28 =	vsel vm12, $0xB97, v28;
	v29 =	vsel vm12, $0xE17, v29;
	v30 =	vsel vm12, $0x1097, v30  }
0x8f: {  	v31 =	vsel vm12, $0x1317, v31;
	v10 =	vsel vm8, $0x12C0, v10;
	v5 =	vsel vm10, $0x644, v5  }
0x90: {  	v8 =	vsel vm10, $0xDC4, v8;
	v9 =	vsel vm11, $0x1090, v9;
	v6 =	vsel vm12, $0x914, v6  }
0x91: {  	v4 =	vsel vm13, $0x460, v4;
	v7 =	vsel vm13, $0xBE0, v7;
	v11 =	vsel vm13, $0x461, v11  }
0x92: {  	v12 =	vsel vm13, $0x6E1, v12;
	v13 =	vsel vm13, $0x961, v13;
	v14 =	vsel vm13, $0xBE1, v14  }
0x93: {  	v15 =	vsel vm13, $0xE61, v15;
	v16 =	vsel vm13, $0x10E1, v16;
	v17 =	vsel vm13, $0x1361, v17  }
0x94: {  	v18 =	vsel vm13, $0x462, v18;
	v19 =	vsel vm13, $0x6E2, v19;
	v20 =	vsel vm13, $0x962, v20  }
0x95: {  	v21 =	vsel vm13, $0xBE2, v21;
	v22 =	vsel vm13, $0xE62, v22;
	v23 =	vsel vm13, $0x10E2, v23  }
0x96: {  	v24 =	vsel vm13, $0x1362, v24;
	v25 =	vsel vm13, $0x463, v25;
	v26 =	vsel vm13, $0x6E3, v26  }
0x97: {  	v27 =	vsel vm13, $0x963, v27;
	v28 =	vsel vm13, $0xBE3, v28;
	v29 =	vsel vm13, $0xE63, v29  }
0x98: {  	v30 =	vsel vm13, $0x10E3, v30;
	v31 =	vsel vm13, $0x1363, v31;
	v10 =	vsel vm10, $0x12C4, v10  }
0x99: {  	v5 =	vsel vm11, $0x690, v5;
	v8 =	vsel vm11, $0xE10, v8;
	v9 =	vsel vm12, $0x1094, v9  }
0x9a: {  	v6 =	vsel vm13, $0x960, v6;
	v4 =	vsel vm14, $0x464, v4;
	v7 =	vsel vm14, $0xBE4, v7  }
0x9b: {  	v11 =	vsel vm14, $0x465, v11;
	v12 =	vsel vm14, $0x6E5, v12;
	v13 =	vsel vm14, $0x965, v13  }
0x9c: {  	v14 =	vsel vm14, $0xBE5, v14;
	v15 =	vsel vm14, $0xE65, v15;
	v16 =	vsel vm14, $0x10E5, v16  }
0x9d: {  	s0 =	stileid.u32;
	v17 =	vsel vm14, $0x1365, v17;
	v18 =	vsel vm14, $0x466, v18;
	v19 =	vsel vm14, $0x6E6, v19  }
0x9e: {  	s1 =	srdreg.scid;
	s4 =	rddreg [dreg:$0x0];
	s3 =	simm.s32 $0x0;
	v20 =	vsel vm14, $0x966, v20;
	v21 =	vsel vm14, $0xBE6, v21;
	v22 =	vsel vm14, $0xE66, v22  }
0x9f: {  	s15 =	simm.s32 $0x80;
	s16 =	simm.s32 $0x1400;
	s17 =	simm.s32 $0x1600;
	v23 =	vsel vm14, $0x10E6, v23;
	v24 =	vsel vm14, $0x1366, v24;
	v25 =	vsel vm14, $0x467, v25  }
0xa0: {  	s18 =	simm.s32 $0x1480;
	s19 =	simm.s32 $0x2600;
	s20 =	simm.s32 $0x1500;
	v26 =	vsel vm14, $0x6E7, v26;
	v27 =	vsel vm14, $0x967, v27;
	v28 =	vsel vm14, $0xBE7, v28  }
0xa1: {  	s21 =	simm.s32 $0x3600;
	s22 =	simm.s32 $0x1580;
	s2 =	sshll.u32 s0, $0x1;
	v29 =	vsel vm14, $0xE67, v29;
	v30 =	vsel vm14, $0x10E7, v30;
	v31 =	vsel vm14, $0x1367, v31  }
0xa2: {  	s7 =	sand.u32 $0x1, s1;
	s5 =	sshrl.u32 s0, $0x3;
	[smem:$0x7FF] =	sst s3;
	v10 =	vsel vm11, $0x1310, v10;
	v5 =	vsel vm12, $0x694, v5;
	v8 =	vsel vm12, $0xE14, v8  }
0xa3: {  	s9 =	sshll.u32 s0, $0xB;
	s11 =	sshll.u32 s0, $0xE;
	s28 =	sshll.u32 s0, $0x6;
	v9 =	vsel vm13, $0x10E0, v9;
	v6 =	vsel vm14, $0x964, v6;
	v1 =	vsel vm15, $0x4B0, v4  }
0xa4: {  	s29 =	sand.u32 $0x7, s0;
	s23 =	sand.u32 $0xE, s2;
	s8 =	smul.u32 $0x50, s5;
	v4 =	vsel vm15, $0xC30, v7;
	v25 =	vsel vm15, $0x4B3, v25;
	v26 =	vsel vm15, $0x733, v26  }
0xa5: {  	s2 =	rddreg [dreg:$0x1];
	s24 =	sadd.s32 s9, s4;
	s5 =	smul.u32 $0x50000, s5;
	v27 =	vsel vm15, $0x9B3, v27;
	v28 =	vsel vm15, $0xC33, v28;
	v29 =	vsel vm15, $0xEB3, v29  }
0xa6: {  	s25 =	ssub.s32 $0x2, s7;
	s14 =	sshll.u32 s29, $0xC;
	s30 =	sshll.u32 s7, $0xB;
	v30 =	vsel vm15, $0x1133, v30;
	v31 =	vsel vm15, $0x13B3, v31;
	v10 =	vsel vm12, $0x1314, v10  }
0xa7: {  	s1 =	sor.u32 s7, s23;
	s26 =	sshrl.u32 s25, $0x1;
	s11 =	sadd.s32 s11, s2;
	v5 =	vsel vm13, $0x6E0, v5;
	v8 =	vsel vm13, $0xE60, v8;
	v9 =	vsel vm14, $0x10E4, v9  }
0xa8: {  	s23 =	simm.s32 $0x4600;
	s6 =	smul.u32 $0x6400, s1;
	s1 =	rddreg [dreg:$0x2];
	v3 =	vsel vm15, $0x9B0, v6;
	v10 =	vsel vm13, $0x1360, v10;
	v5 =	vsel vm14, $0x6E4, v5  }
0xa9: {  	_ =	strace $0x8000004D;
	s12 =	sadd.s32 s5, s4;
	s9 =	ssub.s32 s25, s26;
	v8 =	vsel vm14, $0xE64, v8;
	v6 =	vsel vm15, $0x1130, v9;
	v9 =	vsel vm15, $0x4B1, v11  }
0xaa: {  	s5 =	sor.u32 $0x1C02, s28;
	s13 =	sadd.s32 $0x40000, s11;
	s25 =	simm.s32 $0x20;
	v11 =	vsel vm15, $0x9B1, v13;
	v13 =	vsel vm15, $0xEB1, v15;
	v15 =	vsel vm15, $0x13B1, v17  }
0xab: {  	s26 =	simm.s32 $0x0;
	s12 =	sadd.s32 s14, s12;
	s6 =	sor.u32 s6, s8;
	v17 =	vsel vm15, $0x4B2, v18;
	v18 =	vsel vm15, $0x732, v19;
	v19 =	vsel vm15, $0x9B2, v20  }
0xac: {  	s14 =	simm.s32 $0x190;
	s8 =	smax.u32 s9, $0x1;
	s6 =	sadd.s32 $0xF0, s6;
	v20 =	vsel vm15, $0xC32, v21;
	v21 =	vsel vm15, $0xEB2, v22;
	v22 =	vsel vm15, $0x1132, v23  }
0xad: {  	s31 =	sadd.s32 s30, s12;
	s12 =	sshrl.u32 s13, $0x3;
	s6 =	sshrl.u32 s6, $0x3;
	v23 =	vsel vm15, $0x13B2, v24;
	v24 =	vsel vm15, $0x233, v34;
	v10 =	vsel vm14, $0x1364, v10  }
0xae: {  	s13 =	simm.s32 $0x50;
	s9 =	sadd.s32 $0xBEC00, s31;
	s10 =	sadd.s32 s6, s4;
	v2 =	vsel vm15, $0x730, v5;
	v5 =	vsel vm15, $0xEB0, v8;
	v8 =	vsel vm15, $0x231, v32  }
0xaf: {  	s4 =	sadd.s32 $0xA400, s24;
	s6 =	sadd.s32 $0x2400, s24;
	s24 =	simm.s32 $0x1;
	v32 =	vmul.u32 $0x2000, v35;
	v7 =	vsel vm15, $0x13B0, v10;
	v10 =	vsel vm15, $0x731, v12  }
0xb0: {  	s7 =	sadd.s32 $0x12400, s10;
	s10 =	sshrl.u32 s11, $0x3;
	s11 =	simm.s32 $0x2;
	v12 =	vsel vm15, $0xC31, v14;
	v14 =	vsel vm15, $0x1131, v16;
	v16 =	vsel vm15, $0x232, v33  }
.LBB2_1:
0xb1: {  	[spmem:s10], [sflag:s5] =	dma.local [hbm:s4], $0x800  }
0xb2: {  	_ =	swait.ge [sflag:s11], $0x800  }
0xb3: {  	[sflag:s11] =	ssyncset.done $0x0  }
0xb4: {  	[sflag:s11] =	ssyncadd.s32 $0xFFFFF800  }
0xb5: {  	[spmem:s12], [sflag:s5] =	dma.local [hbm:s6], $0x800  }
0xb6: {  	_ =	swait.ge [sflag:s11], $0x800  }
0xb7: {  	[sflag:s11] =	ssyncset.done $0x0  }
0xb8: {  	[sflag:s11] =	ssyncadd.s32 $0xFFFFF800  }
0xb9: {  	[tilespmem:s3], [sflag:$0x2] =	stream.strided.gather [hbm4b:s7+s13], $0x1400, s14, s13, $0x38;
	[tilespmem:$0xD600] =	vst v63  }
0xba: {  	_ =	swait.ge [sflag:s11], $0x1400  }
0xbb: {  	[sflag:s11] =	ssyncset.done $0x0  }
0xbc: {  	[sflag:s11] =	ssyncadd.s32 $0xFFFFEC00  }
0xbd: {  	s28 =	simm.s32 $0x0;
	s29 =	simm.s32 $0x0;
	[bflag:$0x0] =	sbarrier.arrive $0xFFFF  }
.LBB2_2:
0xbe: {  	v33 =	vmov s28  }
0xbf: {  	v33 =	vshrl.u32 v33, $0x3  }
0xc0: {  	v33 =	vshll.u32 v33, $0x3  }
0xc1: {  	v33 =	vbroadcast v33, $0x0;
	_ =	sdelay $0x1  }
0xc2: {  	v34 =	vadd.s32 v0, v33;
	_ =	sdelay $0x4  }
0xc3: {  	v34 =	vld.idx.msk [tilespmem:v34+s3+$0x0], $0xffff;
	_ =	sdelay $0x1  }
0xc4: {  	v35 =	vadd.s32 v1, v33;
	_ =	sdelay $0x2  }
0xc5: {  	v34 =	vadd.s32 v32, v34  }
0xc6: {  	[tilespmem:$0x1400] =	vst v34  }
0xc7: {  	v34 =	vld.idx.msk [tilespmem:v35+s3+$0x0], $0xffff;
	_ =	sdelay $0x1  }
0xc8: {  	v63 =	vadd.s32 v2, v33;
	_ =	sdelay $0x2  }
0xc9: {  	v34 =	vadd.s32 v32, v34  }
0xca: {  	[tilespmem:$0x1410] =	vst v34  }
0xcb: {  	v34 =	vld.idx.msk [tilespmem:v63+s3+$0x0], $0xffff;
	_ =	sdelay $0x1  }
0xcc: {  	v36 =	vadd.s32 v3, v33;
	_ =	sdelay $0x2  }
0xcd: {  	v34 =	vadd.s32 v32, v34  }
0xce: {  	[tilespmem:$0x1420] =	vst v34  }
0xcf: {  	v34 =	vld.idx.msk [tilespmem:v36+s3+$0x0], $0xffff;
	_ =	sdelay $0x1  }
0xd0: {  	v37 =	vadd.s32 v4, v33;
	_ =	sdelay $0x2  }
0xd1: {  	v34 =	vadd.s32 v32, v34  }
0xd2: {  	[tilespmem:$0x1430] =	vst v34  }
0xd3: {  	v34 =	vld.idx.msk [tilespmem:v37+s3+$0x0], $0xffff;
	_ =	sdelay $0x1  }
0xd4: {  	v38 =	vadd.s32 v5, v33;
	_ =	sdelay $0x2  }
0xd5: {  	v34 =	vadd.s32 v32, v34  }
0xd6: {  	[tilespmem:$0x1440] =	vst v34  }
0xd7: {  	v34 =	vld.idx.msk [tilespmem:v38+s3+$0x0], $0xffff;
	_ =	sdelay $0x1  }
0xd8: {  	v39 =	vadd.s32 v6, v33;
	_ =	sdelay $0x2  }
0xd9: {  	v34 =	vadd.s32 v32, v34  }
0xda: {  	[tilespmem:$0x1450] =	vst v34  }
0xdb: {  	v34 =	vld.idx.msk [tilespmem:v39+s3+$0x0], $0xffff;
	_ =	sdelay $0x1  }
0xdc: {  	v40 =	vadd.s32 v7, v33;
	_ =	sdelay $0x2  }
0xdd: {  	v34 =	vadd.s32 v32, v34  }
0xde: {  	[tilespmem:$0x1460] =	vst v34  }
0xdf: {  	v34 =	vld.idx.msk [tilespmem:v40+s3+$0x0], $0xffff;
	_ =	sdelay $0x1  }
0xe0: {  	v41 =	vadd.s32 v8, v33;
	_ =	sdelay $0x2  }
0xe1: {  	v34 =	vadd.s32 v32, v34  }
0xe2: {  	[tilespmem:$0x1470] =	vst v34  }
0xe3: {  	v34 =	vld.idx.msk [tilespmem:v41+s3+$0x0], $0xffff;
	_ =	sdelay $0x1  }
0xe4: {  	v42 =	vadd.s32 v9, v33;
	_ =	sdelay $0x2  }
0xe5: {  	v34 =	vadd.s32 v32, v34  }
0xe6: {  	[tilespmem:$0x1480] =	vst v34  }
0xe7: {  	v34 =	vld.idx.msk [tilespmem:v42+s3+$0x0], $0xffff;
	_ =	sdelay $0x1  }
0xe8: {  	v43 =	vadd.s32 v10, v33;
	_ =	sdelay $0x2  }
0xe9: {  	v34 =	vadd.s32 v32, v34  }
0xea: {  	[tilespmem:$0x1490] =	vst v34  }
0xeb: {  	v34 =	vld.idx.msk [tilespmem:v43+s3+$0x0], $0xffff;
	_ =	sdelay $0x1  }
0xec: {  	v44 =	vadd.s32 v11, v33;
	_ =	sdelay $0x2  }
0xed: {  	v34 =	vadd.s32 v32, v34  }
0xee: {  	[tilespmem:$0x14A0] =	vst v34  }
0xef: {  	v34 =	vld.idx.msk [tilespmem:v44+s3+$0x0], $0xffff;
	_ =	sdelay $0x1  }
0xf0: {  	v45 =	vadd.s32 v12, v33;
	_ =	sdelay $0x2  }
0xf1: {  	v34 =	vadd.s32 v32, v34  }
0xf2: {  	[tilespmem:$0x14B0] =	vst v34  }
0xf3: {  	v34 =	vld.idx.msk [tilespmem:v45+s3+$0x0], $0xffff;
	_ =	sdelay $0x1  }
0xf4: {  	v46 =	vadd.s32 v13, v33;
	_ =	sdelay $0x2  }
0xf5: {  	v34 =	vadd.s32 v32, v34  }
0xf6: {  	[tilespmem:$0x14C0] =	vst v34  }
0xf7: {  	v34 =	vld.idx.msk [tilespmem:v46+s3+$0x0], $0xffff;
	_ =	sdelay $0x1  }
0xf8: {  	v47 =	vadd.s32 v14, v33;
	_ =	sdelay $0x2  }
0xf9: {  	v34 =	vadd.s32 v32, v34  }
0xfa: {  	[tilespmem:$0x14D0] =	vst v34  }
0xfb: {  	v34 =	vld.idx.msk [tilespmem:v47+s3+$0x0], $0xffff;
	_ =	sdelay $0x1  }
0xfc: {  	v48 =	vadd.s32 v15, v33;
	_ =	sdelay $0x2  }
0xfd: {  	v34 =	vadd.s32 v32, v34  }
0xfe: {  	[tilespmem:$0x14E0] =	vst v34  }
0xff: {  	v34 =	vld.idx.msk [tilespmem:v48+s3+$0x0], $0xffff;
	_ =	sdelay $0x1  }
0x100: {  	v49 =	vadd.s32 v16, v33;
	_ =	sdelay $0x2  }
0x101: {  	v34 =	vadd.s32 v32, v34  }
0x102: {  	[tilespmem:$0x14F0] =	vst v34  }
0x103: {  	v34 =	vld.idx.msk [tilespmem:v49+s3+$0x0], $0xffff;
	_ =	sdelay $0x1  }
0x104: {  	v50 =	vadd.s32 v17, v33;
	_ =	sdelay $0x2  }
0x105: {  	v34 =	vadd.s32 v32, v34  }
0x106: {  	[tilespmem:$0x1500] =	vst v34  }
0x107: {  	v34 =	vld.idx.msk [tilespmem:v50+s3+$0x0], $0xffff;
	_ =	sdelay $0x1  }
0x108: {  	v51 =	vadd.s32 v18, v33;
	_ =	sdelay $0x2  }
0x109: {  	v34 =	vadd.s32 v32, v34  }
0x10a: {  	[tilespmem:$0x1510] =	vst v34  }
0x10b: {  	v34 =	vld.idx.msk [tilespmem:v51+s3+$0x0], $0xffff;
	_ =	sdelay $0x1  }
0x10c: {  	v52 =	vadd.s32 v19, v33;
	_ =	sdelay $0x2  }
0x10d: {  	v34 =	vadd.s32 v32, v34  }
0x10e: {  	[tilespmem:$0x1520] =	vst v34  }
0x10f: {  	v34 =	vld.idx.msk [tilespmem:v52+s3+$0x0], $0xffff;
	_ =	sdelay $0x1  }
0x110: {  	v53 =	vadd.s32 v20, v33;
	_ =	sdelay $0x2  }
0x111: {  	v34 =	vadd.s32 v32, v34  }
0x112: {  	[tilespmem:$0x1530] =	vst v34  }
0x113: {  	v34 =	vld.idx.msk [tilespmem:v53+s3+$0x0], $0xffff;
	_ =	sdelay $0x1  }
0x114: {  	v54 =	vadd.s32 v21, v33;
	_ =	sdelay $0x2  }
0x115: {  	v34 =	vadd.s32 v32, v34  }
0x116: {  	[tilespmem:$0x1540] =	vst v34  }
0x117: {  	v34 =	vld.idx.msk [tilespmem:v54+s3+$0x0], $0xffff;
	_ =	sdelay $0x1  }
0x118: {  	v55 =	vadd.s32 v22, v33;
	_ =	sdelay $0x2  }
0x119: {  	v34 =	vadd.s32 v32, v34  }
0x11a: {  	[tilespmem:$0x1550] =	vst v34  }
0x11b: {  	v34 =	vld.idx.msk [tilespmem:v55+s3+$0x0], $0xffff;
	_ =	sdelay $0x1  }
0x11c: {  	v56 =	vadd.s32 v23, v33;
	_ =	sdelay $0x2  }
0x11d: {  	v34 =	vadd.s32 v32, v34  }
0x11e: {  	[tilespmem:$0x1560] =	vst v34  }
0x11f: {  	v34 =	vld.idx.msk [tilespmem:v56+s3+$0x0], $0xffff;
	_ =	sdelay $0x1  }
0x120: {  	v57 =	vadd.s32 v24, v33;
	_ =	sdelay $0x2  }
0x121: {  	v34 =	vadd.s32 v32, v34  }
0x122: {  	[tilespmem:$0x1570] =	vst v34  }
0x123: {  	v34 =	vld.idx.msk [tilespmem:v57+s3+$0x0], $0xffff;
	_ =	sdelay $0x1  }
0x124: {  	v58 =	vadd.s32 v25, v33;
	_ =	sdelay $0x2  }
0x125: {  	v34 =	vadd.s32 v32, v34  }
0x126: {  	[tilespmem:$0x1580] =	vst v34  }
0x127: {  	v34 =	vld.idx.msk [tilespmem:v58+s3+$0x0], $0xffff;
	_ =	sdelay $0x1  }
0x128: {  	v59 =	vadd.s32 v26, v33;
	_ =	sdelay $0x2  }
0x129: {  	v34 =	vadd.s32 v32, v34  }
0x12a: {  	[tilespmem:$0x1590] =	vst v34  }
0x12b: {  	v34 =	vld.idx.msk [tilespmem:v59+s3+$0x0], $0xffff;
	_ =	sdelay $0x1  }
0x12c: {  	v60 =	vadd.s32 v27, v33;
	_ =	sdelay $0x2  }
0x12d: {  	v34 =	vadd.s32 v32, v34  }
0x12e: {  	[tilespmem:$0x15A0] =	vst v34  }
0x12f: {  	v34 =	vld.idx.msk [tilespmem:v60+s3+$0x0], $0xffff;
	_ =	sdelay $0x1  }
0x130: {  	v61 =	vadd.s32 v28, v33;
	_ =	sdelay $0x2  }
0x131: {  	v34 =	vadd.s32 v32, v34  }
0x132: {  	[tilespmem:$0x15B0] =	vst v34  }
0x133: {  	v34 =	vld.idx.msk [tilespmem:v61+s3+$0x0], $0xffff;
	_ =	sdelay $0x1  }
0x134: {  	v62 =	vadd.s32 v29, v33;
	_ =	sdelay $0x2  }
0x135: {  	v34 =	vadd.s32 v32, v34  }
0x136: {  	[tilespmem:$0x15C0] =	vst v34  }
0x137: {  	v34 =	vld.idx.msk [tilespmem:v62+s3+$0x0], $0xffff;
	_ =	sdelay $0x1  }
0x138: {  	v63 =	vadd.s32 v30, v33;
	_ =	sdelay $0x2  }
0x139: {  	v34 =	vadd.s32 v32, v34  }
0x13a: {  	[tilespmem:$0x15D0] =	vst v34  }
0x13b: {  	v34 =	vld.idx.msk [tilespmem:v63+s3+$0x0], $0xffff;
	_ =	sdelay $0x1  }
0x13c: {  	v33 =	vadd.s32 v31, v33;
	_ =	sdelay $0x2  }
0x13d: {  	v34 =	vadd.s32 v32, v34  }
0x13e: {  	[tilespmem:$0x15E0] =	vst v34  }
0x13f: {  	v33 =	vld.idx.msk [tilespmem:v33+s3+$0x0], $0xffff;
	_ =	sdelay $0x4  }
0x140: {  	v33 =	vadd.s32 v32, v33  }
0x141: {  	[tilespmem:$0x15F0] =	vst v33  }
0x142: {  	[tilespmem:s17], [sflag:$0x1] =	stream.indirect.gather [spmem:s2], $0x20, s16, s15, $0xb8;
	[tilespmem:$0xD600] =	vst v63  }
0x143: {  	_ = 	snop  }
0x144: {  	[tilespmem:s19], [sflag:$0x1] =	stream.indirect.gather [spmem:s2], $0x20, s18, s15, $0xb8;
	[tilespmem:$0xD600] =	vst v63  }
0x145: {  	_ = 	snop  }
0x146: {  	[tilespmem:s21], [sflag:$0x1] =	stream.indirect.gather [spmem:s2], $0x20, s20, s15, $0xb8;
	[tilespmem:$0xD600] =	vst v63  }
0x147: {  	_ = 	snop  }
0x148: {  	[tilespmem:s23], [sflag:$0x1] =	stream.indirect.gather [spmem:s2], $0x20, s22, s15, $0xb8;
	[tilespmem:$0xD600] =	vst v63  }
0x149: {  	_ =	swait.ge [sflag:s24], $0x1000  }
0x14a: {  	[sflag:s24] =	ssyncset.done $0x0  }
0x14b: {  	[sflag:s24] =	ssyncadd.s32 $0xFFFFF000  }
0x14c: {  	_ =	swait.ge [sflag:s24], $0x1000  }
0x14d: {  	[sflag:s24] =	ssyncset.done $0x0  }
0x14e: {  	[sflag:s24] =	ssyncadd.s32 $0xFFFFF000  }
0x14f: {  	_ =	swait.ge [sflag:s24], $0x1000  }
0x150: {  	[sflag:s24] =	ssyncset.done $0x0  }
0x151: {  	[sflag:s24] =	ssyncadd.s32 $0xFFFFF000  }
0x152: {  	_ =	swait.ge [sflag:s24], $0x1000  }
0x153: {  	[sflag:s24] =	ssyncset.done $0x0  }
0x154: {  	s30 =	sadd.s32 s29, s9;
	[sflag:s24] =	ssyncadd.s32 $0xFFFFF000  }
0x155: {  	[hbm4b:s30+s25] =	stream.strided.scatter [tilespmem:s17], [sflag:$0x2], $0x1000, s15, s25, $0x38;
	[tilespmem:$0xD600] =	vst v63  }
0x156: {  	_ =	swait.ge [sflag:s11], $0x1000  }
0x157: {  	[sflag:s11] =	ssyncset.done $0x0  }
0x158: {  	s31 =	sadd.s32 $0x4, s30;
	[sflag:s11] =	ssyncadd.s32 $0xFFFFF000  }
0x159: {  	[hbm4b:s31+s25] =	stream.strided.scatter [tilespmem:s19], [sflag:$0x2], $0x1000, s15, s25, $0x38;
	[tilespmem:$0xD600] =	vst v63  }
0x15a: {  	_ =	swait.ge [sflag:s11], $0x1000  }
0x15b: {  	[sflag:s11] =	ssyncset.done $0x0  }
0x15c: {  	s31 =	sadd.s32 $0x8, s30;
	[sflag:s11] =	ssyncadd.s32 $0xFFFFF000  }
0x15d: {  	[hbm4b:s31+s25] =	stream.strided.scatter [tilespmem:s21], [sflag:$0x2], $0x1000, s15, s25, $0x38;
	[tilespmem:$0xD600] =	vst v63  }
0x15e: {  	_ =	swait.ge [sflag:s11], $0x1000  }
0x15f: {  	p0 =	sne.s32 s29, $0x48000;
	[sflag:s11] =	ssyncset.done $0x0  }
.Ltmp0:
0x160: {  	s30 =	sadd.s32 $0xC, s30;
	[sflag:s11] =	ssyncadd.s32 $0xFFFFF000;
	(pc) =	sbr.rel @p0 .LBB2_2-.Ltmp0, $4  }
0x161: {  	[hbm4b:s30+s25] =	stream.strided.scatter [tilespmem:s23], [sflag:$0x2], $0x1000, s15, s25, $0x38;
	[tilespmem:$0xD600] =	vst v63  }
0x162: {  	_ =	swait.ge [sflag:s11], $0x1000  }
0x163: {  	[sflag:s11] =	ssyncset.done $0x0  }
0x164: {  	s28 =	sadd.s32 $0x8, s28;
	s29 =	sadd.s32 $0x8000, s29;
	[sflag:s11] =	ssyncadd.s32 $0xFFFFF000  }
0x165: {  	s26 =	sadd.s32 $0x1, s26  }
0x166: {  	p0 =	sne.s32 s26, s8  }
.Ltmp1:
0x167: {  	_ = 	snop;
	(pc) =	sbr.rel @p0 .LBB2_1-.Ltmp1, $1  }
0x168: {  	_ =	sdelay $0x3  }
0x169: {  	_ =	sfence.sel $0x180000  }
0x16a: {  	[bflag:$0x0] =	sbarrier.arrive $0xFFFF  }
0x16b: {  	p0 =	sne.s32 s0, $0x0;
	_ =	strace $0x9000004D  }
0x16c: {  	s0 =	sadd.s32 @!p0 $0x100000, s1;
	[bflag:$0x2] =	sbarrier.arrive $0xFFFF  }
0x16d: {  	[sflag:s0] =	ssyncadd.tile.s32 @!p0 $0x1;
	_ =	shalt  }
.Lfunc_end2:
_tile_overlayer_lowered:
.L_overlay_start_2:
0x16e: {  	(tag) =	ssettag $0x2  }
0x16f: {  	s0 =	rddreg [dreg:$0x0];
	s2 =	stileid.u32  }
0x170: {  	s1 =	rddreg [dreg:$0x1];
	p0 =	sne.s32 s2, $0x0  }
0x171: {  	s3 =	rddreg [dreg:$0x2];
	[bflag:$0x3] =	sbarrier.arrive $0xFFFF;
	s2 =	simm.s32 @!p0 $0x1C02  }
0x172: {  	[timem:s3], [sflag:s2] =	dma.local @!p0 [hbm:s0], s1  }
0x173: {  	s0 =	simm.s32 @!p0 $0x2  }
0x174: {  	_ =	swait.ge @!p0 [sflag:s0], s1  }
0x175: {  	s1 =	ssub.s32 @!p0 $0x0, s1;
	[sflag:s0] =	ssyncset.done @!p0 $0x0  }
0x176: {  	[sflag:s0] =	ssyncadd.s32 @!p0 s1  }
0x177: {  	[bflag:$0x3] =	sbarrier.arrive $0xFFFF  }
0x178: {  	_ =	shalt  }

// kernel: kernel.8.cloned.1.call-start
scs
__scs_entry_jumppad:
0x0: {  	(pc) =	sbr.rel $0x88, $3  }
0x1: {  	(tag) =	ssettag $0x0;
	lr =	simm.s32 $0x1  }
0x2: {  	[smem:$0x3F9A] =	sst lr;
	_ =	strace $0xD0000000  }
0x3: {  	_ = 	snop  }
0x4: {  	_ = 	snop  }
0x5: {  	_ = 	snop  }
0x6: {  	_ = 	snop  }
0x7: {  	_ = 	snop  }
__scs_overlays_trampoline_lowered:
0x8: {  	[smem:$0x3FA9] =	sst s0  }
0x9: {  	[smem:$0x3FAA] =	sst s1  }
0xa: {  	[smem:$0x3FAB] =	sst s2  }
0xb: {  	[smem:$0x3FAC] =	sst s3  }
0xc: {  	[smem:$0x3FAD] =	sst s4  }
0xd: {  	[smem:$0x3FAE] =	sst s5  }
0xe: {  	[smem:$0x3FAF] =	sst s6  }
0xf: {  	[smem:$0x3FB0] =	sst s7  }
0x10: {  	[smem:$0x3FB1] =	sst s8  }
0x11: {  	[smem:$0x3FB2] =	sst s9;
	s0 =	simm.s32 @!p0 $0x0  }
0x12: {  	s1 =	sld [smem:$0x3F98];
	s0 =	simm.s32 @p0 $0x1  }
0x13: {  	[smem:$0x3FB3] =	sst s0;
	s0 =	simm.s32 @!p1 $0x0  }
0x14: {  	s2 =	sld [smem:$0x3F97];
	s0 =	simm.s32 @p1 $0x1  }
0x15: {  	[smem:$0x3FB4] =	sst s0;
	s0 =	simm.s32 @!p2 $0x0  }
0x16: {  	s3 =	sld [smem:$0x3FDB];
	s0 =	simm.s32 @p2 $0x1  }
0x17: {  	s4 =	simm.s32 $0x1BF5;
	[smem:$0x3FB6] =	sst s0  }
0x18: {  	s0 =	sld [smem:$0x3F99];
	_ =	swait.ge [sflag:s4], $0x0  }
0x19: {  	s7 =	sld [smem:$0x3F9A]  }
0x1a: {  	s8 =	sadd.s32 $0xFFFFE003, lr  }
0x1b: {  	s9 =	sadd.s32 $0xFFFFFEF7, lr;
	s5 =	simm.s32 $0xFFFFFFFF;
	p2 =	slt.u32 s8, $0xFFFFF086  }
0x1c: {  	p1 =	slt.u32 s9, $0xF7A;
	s5 =	simm.s32 @!p2 $0x0  }
0x1d: {  	s5 =	simm.s32 @p1 $0x1;
	p0 =	seq.s32 s7, s2  }
0x1e: {  	s7 =	smul.u32 @!p0 $0xF7A, s2;
	p2 =	seq.s32 @!p0 s5, $0x0  }
0x1f: {  	s9 =	smul.u32 $0xF7A, s1;
	s8 =	simm.s32 @!p0 $0x1BF5;
	p2 =	por !p2, p0  }
0x20: {  	[sflag:s8] =	ssyncset.s32 @!p0 $0xFFFFF086;
	s6 =	sadd.s32 @!p0 s3, s7;
	s7 =	simm.s32 @!p0 $0x108  }
0x21: {  	s3 =	sadd.s32 s3, s9;
	s6 =	sadd.s32 @!p0 $0x88, s6;
	s7 =	simm.s32 @p2 $0x1082  }
0x22: {  	[simem:s7], [sflag:s8] =	dma.local @!p0 [hbm:s6], $0xF7A  }
0x23: {  	s9 =	sor.u32 $0xD0000000, s2;
	s6 =	simm.s32 $0x108;
	_ =	swait.ge @!p0 [sflag:s8], $0x0  }
0x24: {  	s3 =	sadd.s32 $0x88, s3;
	s6 =	simm.s32 @!p1 $0x1082;
	[sflag:s4] =	ssyncset.s32 $0xFFFFF086  }
0x25: {  	[simem:s6], [sflag:s4] =	dma.local [hbm:s3], $0xF7A  }
0x26: {  	[smem:$0x3F9A] =	sst s1;
	(tag) =	ssettag s2;
	_ =	strace s9  }
0x27: {  	s1 =	sld [smem:$0x3FAA]  }
0x28: {  	s2 =	sld [smem:$0x3FAB]  }
0x29: {  	s4 =	sld [smem:$0x3FAD]  }
0x2a: {  	p0 =	seq.s32 s5, $0x0;
	s5 =	sld [smem:$0x3FAE]  }
0x2b: {  	s6 =	sld [smem:$0x3FAF]  }
0x2c: {  	s7 =	sld [smem:$0x3FB0]  }
0x2d: {  	s3 =	simm.s32 $0x108;
	s8 =	sld [smem:$0x3FB1]  }
0x2e: {  	s3 =	simm.s32 @!p0 $0x1082;
	s9 =	sld [smem:$0x3FB2]  }
0x2f: {  	lr =	sadd.s32 s0, s3;
	s0 =	sld [smem:$0x3FA9]  }
0x30: {  	s3 =	sld [smem:$0x3FAC]  }
0x31: {  	[smem:$0x3FB5] =	sst s10  }
0x32: {  	s10 =	sld [smem:$0x3FB3];
	_ =	sdelay $0x3  }
0x33: {  	p0 =	seq.s32 s10, $0x1;
	s10 =	sld [smem:$0x3FB5];
	_ =	sdelay $0x3  }
0x34: {  	[smem:$0x3FB5] =	sst s10  }
0x35: {  	s10 =	sld [smem:$0x3FB4];
	_ =	sdelay $0x3  }
0x36: {  	p1 =	seq.s32 s10, $0x1;
	s10 =	sld [smem:$0x3FB5];
	_ =	sdelay $0x3  }
0x37: {  	[smem:$0x3FB5] =	sst s10  }
0x38: {  	s10 =	sld [smem:$0x3FB6]  }
0x39: {  	_ = 	snop;
	(pc) =	sbr.ind lr, $3  }
0x3a: {  	_ = 	snop  }
0x3b: {  	_ = 	snop  }
0x3c: {  	p2 =	seq.s32 s10, $0x1;
	s10 =	sld [smem:$0x3FB5]  }
0x3d: {  	_ =	shalt  }
0x3e: {  	_ =	shalt  }
0x3f: {  	_ =	shalt  }
0x40: {  	_ =	shalt  }
0x41: {  	_ =	shalt  }
0x42: {  	_ =	shalt  }
0x43: {  	_ =	shalt  }
0x44: {  	_ =	shalt  }
0x45: {  	_ =	shalt  }
0x46: {  	_ =	shalt  }
0x47: {  	_ =	shalt  }
0x48: {  	_ =	shalt  }
0x49: {  	_ =	shalt  }
0x4a: {  	_ =	shalt  }
0x4b: {  	_ =	shalt  }
0x4c: {  	_ =	shalt  }
0x4d: {  	_ =	shalt  }
0x4e: {  	_ =	shalt  }
0x4f: {  	_ =	shalt  }
0x50: {  	_ =	shalt  }
0x51: {  	_ =	shalt  }
0x52: {  	_ =	shalt  }
0x53: {  	_ =	shalt  }
0x54: {  	_ =	shalt  }
0x55: {  	_ =	shalt  }
0x56: {  	_ =	shalt  }
0x57: {  	_ =	shalt  }
0x58: {  	_ =	shalt  }
0x59: {  	_ =	shalt  }
0x5a: {  	_ =	shalt  }
0x5b: {  	_ =	shalt  }
0x5c: {  	_ =	shalt  }
0x5d: {  	_ =	shalt  }
0x5e: {  	_ =	shalt  }
0x5f: {  	_ =	shalt  }
0x60: {  	_ =	shalt  }
0x61: {  	_ =	shalt  }
0x62: {  	_ =	shalt  }
0x63: {  	_ =	shalt  }
0x64: {  	_ =	shalt  }
0x65: {  	_ =	shalt  }
0x66: {  	_ =	shalt  }
0x67: {  	_ =	shalt  }
0x68: {  	_ =	shalt  }
0x69: {  	_ =	shalt  }
0x6a: {  	_ =	shalt  }
0x6b: {  	_ =	shalt  }
0x6c: {  	_ =	shalt  }
0x6d: {  	_ =	shalt  }
0x6e: {  	_ =	shalt  }
0x6f: {  	_ =	shalt  }
0x70: {  	_ =	shalt  }
0x71: {  	_ =	shalt  }
0x72: {  	_ =	shalt  }
0x73: {  	_ =	shalt  }
0x74: {  	_ =	shalt  }
0x75: {  	_ =	shalt  }
0x76: {  	_ =	shalt  }
0x77: {  	_ =	shalt  }
0x78: {  	_ =	shalt  }
0x79: {  	_ =	shalt  }
0x7a: {  	_ =	shalt  }
0x7b: {  	_ =	shalt  }
0x7c: {  	_ =	shalt  }
0x7d: {  	_ =	shalt  }
0x7e: {  	_ =	shalt  }
0x7f: {  	_ =	shalt  }
0x80: {  	_ =	shalt  }
0x81: {  	_ =	shalt  }
0x82: {  	_ =	shalt  }
0x83: {  	_ =	shalt  }
0x84: {  	_ =	shalt  }
0x85: {  	_ =	shalt  }
0x86: {  	_ =	shalt  }
0x87: {  	_ =	shalt  }
.Lfunc_end0:
.L_simem_size_0:
called_computation_lowered:
.L_overlay_start_0:
0x88: {  	s2 =	sld [smem:$0x3FD9]  }
0x89: {  	s3 =	sld [smem:$0x3FFE];
	_ =	sdelay $0x1  }
0x8a: {  	s1 =	srdreg.scid  }
0x8b: {  	s0 =	sand.u32 $0x1, s1  }
0x8c: {  	s14 =	sshll.u32 s0, $0xA;
	s2 =	sadd.s32 s3, s2  }
0x8d: {  	s2 =	sadd.s32 s2, s14  }
0x8e: {  	[smem:$0x3FC1] =	sst s2  }
0x8f: {  	_ = 	snop  }
0x90: {  	s2 =	sld [smem:$0x3FD0];
	_ =	sdelay $0x2  }
0x91: {  	s15 =	simm.s32 $0xC;
	s4 =	simm.s32 $0x10  }
0x92: {  	[smem:s4], [sflag:s15] =	dma.local [hbm:s2], $0x1  }
0x93: {  	_ =	swait.eq [sflag:s15], $0x1  }
0x94: {  	[sflag:s15] =	ssyncset.done $0x0  }
0x95: {  	[sflag:s15] =	ssyncadd.s32 $0xFFFFFFFF  }
0x96: {  	s16 =	sld [smem:$0x10];
	(tm) =	ssettm $0x1  }
0x97: {  	s17 =	sld [smem:$0x3FFB];
	_ =	sdelay $0x3  }
0x98: {  	_ =	strace s17  }
0x99: {  	s3 =	sld [smem:$0x3FFC];
	_ =	sdelay $0x3  }
0x9a: {  	_ =	strace s3  }
0x9b: {  	s3 =	sld [smem:$0x3FFD];
	_ =	sdelay $0x3  }
0x9c: {  	_ =	strace s3  }
0x9d: {  	_ =	strace $0x8FFFFFFF  }
0x9e: {  	s18 =	sld [smem:$0x3FDB];
	_ =	sdelay $0x1  }
0x9f: {  	s19 =	simm.s32 $_scs_section_size  }
0xa0: {  	s5 =	simm.s32 $_size__tile_overlayer_lowered;
	s6 =	simm.s32 $_tile_overlayer_lowered  }
0xa1: {  	s22 =	simm.s32 $0x1BFF;
	s21 =	sshll.u32 s6, $0x1;
	s3 =	sadd.s32 s19, s18  }
0xa2: {  	s7 =	simm.s32 $0x0;
	s20 =	sshll.u32 s5, $0x1;
	s5 =	sadd.s32 s21, s3  }
0xa3: {  	[timem:s7], [sflag:s22] =	dma.local [hbm:s5], s20  }
0xa4: {  	_ =	swait.ge [sflag:s22], s20  }
0xa5: {  	s4 =	ssub.s32 $0x0, s20;
	[sflag:s22] =	ssyncset.done $0x0  }
0xa6: {  	[sflag:s22] =	ssyncadd.s32 s4;
	_ =	sdelay $0x1  }
0xa7: {  	s23 =	simm.s32 $0x1B8B  }
0xa8: {  	_ =	swait.ge [sflag:s23], $0x1  }
0xa9: {  	[sflag:s23] =	ssyncset.done $0x0  }
0xaa: {  	s25 =	simm.s32 $0x1B8E;
	s24 =	sld [smem:$0x3FFE];
	[sflag:s23] =	ssyncadd.s32 $0xFFFFFFFF  }
0xab: {  	s26 =	simm.s32 $execute0_lowered;
	[smem:$0x3FD2] =	sst s25  }
0xac: {  	s5 =	sshll.u32 s26, $0x1;
	_ =	strace $0x80000046;
	[dreg:$0x1] =	wrdreg $0xFFFFFFFF  }
0xad: {  	s28 =	simm.s32 $_size_execute0_lowered;
	s3 =	sadd.s32 s3, s5;
	[dreg:$0x0] =	wrdreg $0x0  }
0xae: {  	s5 =	sshll.u32 s28, $0x1;
	[dreg:$0x2] =	wrdreg s3  }
0xaf: {  	[dreg:$0x3] =	wrdreg s5  }
0xb0: {  	[dreg:$0x4] =	wrdreg $0xC0  }
0xb1: {  	_ =	task [dreg:s7], $0x5FFFF  }
0xb2: {  	[dreg:$0x1] =	wrdreg $0xFFFFFFFF  }
0xb3: {  	[dreg:$0x0] =	wrdreg $0x60  }
0xb4: {  	[dreg:$0x2] =	wrdreg s24  }
0xb5: {  	[dreg:$0x3] =	wrdreg s16  }
0xb6: {  	[dreg:$0x4] =	wrdreg $0x4C000  }
0xb7: {  	[dreg:$0x5] =	wrdreg $0x9  }
0xb8: {  	_ =	task.clear_ibuf [dreg:s7], $0x6FFFF;
	_ =	strace $0x90000046  }
0xb9: {  	s29 =	simm.s32 $0x9;
	_ =	strace $0x80000048  }
0xba: {  	_ =	swait.ge [sflag:s29], $0x1  }
0xbb: {  	[sflag:s29] =	ssyncadd.s32 $0xFFFFFFFF  }
0xbc: {  	_ =	strace $0x90000048  }
0xbd: {  	_ =	sfence  }
0xbe: {  	s30 =	sld [smem:$0x0];
	_ =	sdelay $0x2  }
0xbf: {  	s31 =	sshll.u32 s1, $0xD;
	s1 =	sshrl.u32 s1, $0x2  }
0xc0: {  	s3 =	sand.u32 $0x4000, s31;
	s1 =	sadd.s32 s1, s30  }
0xc1: {  	s0 =	sor.u32 s3, s0;
	s1 =	sshll.u32 s1, $0x11  }
0xc2: {  	s0 =	sor.u32 s1, s0  }
0xc3: {  	s0 =	sadd.s32 $0x8F2B, s0  }
0xc4: {  	[sflag:s0] =	ssyncadd.remote.s32 $0x1  }
0xc5: {  	_ =	sfence.sel $0xFFFF  }
0xc6: {  	[dreg:$0x0] =	wrdreg $0xFFFFFFFF;
	(pc) =	sbr.abs _section_cstart, $3  }
0xc7: {  	[dreg:$0x1] =	wrdreg $0xFFFFFFFF  }
0xc8: {  	_ =	task.clear_ibuf [dreg:s7], $0x2FFFF;
	_ =	strace $0x9FFFFFFF  }
0xc9: {  	(tm) =	ssettm $0x7FFFFFFF  }
tec
execute0_lowered:
.L_overlay_start_1:
0x0: {  	(tag) =	ssettag $0x1  }
0x1: {  	v0 =	vimm.s32 $0x2C280400;
	v1 =	vimm.s32 $0x7C785450;
	v2 =	vimm.s32 $0xCCC8A4A0  }
0x2: {  	vm2 =	vcmask $0xF00;
	vm1 =	vcmask $0x1F10;
	vm0 =	vcmask $0x2F20  }
0x3: {  	v3 =	vimm.s32 $0x25C;
	vm5 =	vcmask $0x300;
	vm4 =	vcmask $0x704  }
0x4: {  	vm3 =	vcmask $0xB08;
	v4 =	vimm.s32 $0x2F2B0703;
	v5 =	vimm.s32 $0x7D795551  }
0x5: {  	v6 =	vimm.s32 $0x7E7A5652;
	vm12 =	vcmask $0xF0C;
	v7 =	vimm.s32 $0xCDC9A5A1  }
0x6: {  	v8 =	vimm.s32 $0xCFCBA7A3;
	vm13 =	vcmask $0x1310;
	vm14 =	vcmask $0x1714  }
0x7: {  	v9 =	vimm.s32 $0x89C;
	v10 =	vimm.s32 $0x9DC;
	v11 =	vimm.s32 $0x25D  }
0x8: {  	v12 =	vimm.s32 $0x39D;
	v13 =	vimm.s32 $0x4DD;
	v14 =	vimm.s32 $0x61D  }
0x9: {  	v15 =	vimm.s32 $0x75D;
	v16 =	vimm.s32 $0x89D;
	v17 =	vimm.s32 $0x9DD  }
0xa: {  	v18 =	vimm.s32 $0x25E;
	v19 =	vimm.s32 $0x39E;
	v20 =	vimm.s32 $0x4DE  }
0xb: {  	v21 =	vimm.s32 $0x61E;
	v22 =	vimm.s32 $0x75E;
	v23 =	vimm.s32 $0x89E  }
0xc: {  	v24 =	vimm.s32 $0x9DE;
	v25 =	vimm.s32 $0x25F;
	v26 =	vimm.s32 $0x39F  }
0xd: {  	v27 =	vimm.s32 $0x4DF;
	v28 =	vimm.s32 $0x61F;
	v29 =	vimm.s32 $0x75F  }
0xe: {  	v30 =	vimm.s32 $0x89F;
	v31 =	vimm.s32 $0x9DF;
	vm15 =	vcmask $0x1B18  }
0xf: {  	vm8 =	vcmask $0x1F1C;
	vm9 =	vcmask $0x2320;
	vm10 =	vcmask $0x2724  }
0x10: {  	vm11 =	vcmask $0x2B28;
	v0 =	vunpack.c.0.s8.s32 v0;
	v1 =	vunpack.c.0.s8.s32 v1  }
0x11: {  	v2 =	vunpack.c.0.s8.s32 v2;
	v4 =	vunpack.c.0.s8.s32 v4;
	v5 =	vunpack.c.0.s8.s32 v5  }
0x12: {  	v6 =	vunpack.c.0.s8.s32 v6;
	v7 =	vunpack.c.0.s8.s32 v7;
	v9 =	vsel vm5, $0x780, v9  }
0x13: {  	v10 =	vsel vm5, $0x8C0, v10;
	v11 =	vsel vm5, $0x141, v11;
	v12 =	vsel vm5, $0x281, v12  }
0x14: {  	v13 =	vsel vm5, $0x3C1, v13;
	v14 =	vsel vm5, $0x501, v14;
	v15 =	vsel vm5, $0x641, v15  }
0x15: {  	v16 =	vsel vm5, $0x781, v16;
	v17 =	vsel vm5, $0x8C1, v17;
	v18 =	vsel vm5, $0x142, v18  }
0x16: {  	v19 =	vsel vm5, $0x282, v19;
	v20 =	vsel vm5, $0x3C2, v20;
	v21 =	vsel vm5, $0x502, v21  }
0x17: {  	v22 =	vsel vm5, $0x642, v22;
	v23 =	vsel vm5, $0x782, v23;
	v24 =	vsel vm5, $0x8C2, v24  }
0x18: {  	v25 =	vsel vm5, $0x143, v25;
	v26 =	vsel vm5, $0x283, v26;
	v27 =	vsel vm5, $0x3C3, v27  }
0x19: {  	v28 =	vsel vm5, $0x503, v28;
	v29 =	vsel vm5, $0x643, v29;
	v30 =	vsel vm5, $0x783, v30  }
0x1a: {  	v31 =	vsel vm5, $0x8C3, v31;
	v9 =	vsel vm4, $0x784, v9;
	v10 =	vsel vm4, $0x8C4, v10  }
0x1b: {  	v11 =	vsel vm4, $0x145, v11;
	v12 =	vsel vm4, $0x285, v12;
	v13 =	vsel vm4, $0x3C5, v13  }
0x1c: {  	v14 =	vsel vm4, $0x505, v14;
	v15 =	vsel vm4, $0x645, v15;
	v16 =	vsel vm4, $0x785, v16  }
0x1d: {  	v17 =	vsel vm4, $0x8C5, v17;
	v18 =	vsel vm4, $0x146, v18;
	v19 =	vsel vm4, $0x286, v19  }
0x1e: {  	v20 =	vsel vm4, $0x3C6, v20;
	v21 =	vsel vm4, $0x506, v21;
	v22 =	vsel vm4, $0x646, v22  }
0x1f: {  	v23 =	vsel vm4, $0x786, v23;
	v24 =	vsel vm4, $0x8C6, v24;
	v25 =	vsel vm4, $0x147, v25  }
0x20: {  	v26 =	vsel vm4, $0x287, v26;
	v27 =	vsel vm4, $0x3C7, v27;
	v28 =	vsel vm4, $0x507, v28  }
0x21: {  	v29 =	vsel vm4, $0x647, v29;
	v30 =	vsel vm4, $0x787, v30;
	v31 =	vsel vm4, $0x8C7, v31  }
0x22: {  	v0 =	vnsel vm2, $0x11C, v0;
	v1 =	vand.u32 $0xFF, v1;
	v4 =	vnsel vm2, $0x11F, v4  }
0x23: {  	v5 =	vand.u32 $0xFF, v5;
	v6 =	vand.u32 $0xFF, v6;
	v9 =	vsel vm3, $0x7A8, v9  }
0x24: {  	v10 =	vsel vm3, $0x8E8, v10;
	v11 =	vsel vm3, $0x169, v11;
	v12 =	vsel vm3, $0x2A9, v12  }
0x25: {  	v13 =	vsel vm3, $0x3E9, v13;
	v14 =	vsel vm3, $0x529, v14;
	v15 =	vsel vm3, $0x669, v15  }
0x26: {  	v16 =	vsel vm3, $0x7A9, v16;
	v17 =	vsel vm3, $0x8E9, v17;
	v18 =	vsel vm3, $0x16A, v18  }
0x27: {  	v19 =	vsel vm3, $0x2AA, v19;
	v20 =	vsel vm3, $0x3EA, v20;
	v21 =	vsel vm3, $0x52A, v21  }
0x28: {  	v22 =	vsel vm3, $0x66A, v22;
	v23 =	vsel vm3, $0x7AA, v23;
	v24 =	vsel vm3, $0x8EA, v24  }
0x29: {  	v25 =	vsel vm3, $0x16B, v25;
	v26 =	vsel vm3, $0x2AB, v26;
	v27 =	vsel vm3, $0x3EB, v27  }
0x2a: {  	v28 =	vsel vm3, $0x52B, v28;
	v29 =	vsel vm3, $0x66B, v29;
	v30 =	vsel vm3, $0x7AB, v30  }
0x2b: {  	v31 =	vsel vm3, $0x8EB, v31;
	v0 =	vsel vm1, v1, v0;
	v1 =	vand.u32 $0xFF, v2  }
0x2c: {  	v9 =	vsel vm12, $0x7AC, v9;
	v10 =	vsel vm12, $0x8EC, v10;
	v11 =	vsel vm12, $0x16D, v11  }
0x2d: {  	v12 =	vsel vm12, $0x2AD, v12;
	v13 =	vsel vm12, $0x3ED, v13;
	v14 =	vsel vm12, $0x52D, v14  }
0x2e: {  	v15 =	vsel vm12, $0x66D, v15;
	v16 =	vsel vm12, $0x7AD, v16;
	v17 =	vsel vm12, $0x8ED, v17  }
0x2f: {  	v18 =	vsel vm12, $0x16E, v18;
	v19 =	vsel vm12, $0x2AE, v19;
	v20 =	vsel vm12, $0x3EE, v20  }
0x30: {  	v21 =	vsel vm12, $0x52E, v21;
	v22 =	vsel vm12, $0x66E, v22;
	v23 =	vsel vm12, $0x7AE, v23  }
0x31: {  	v24 =	vsel vm12, $0x8EE, v24;
	v25 =	vsel vm12, $0x16F, v25;
	v26 =	vsel vm12, $0x2AF, v26  }
0x32: {  	v27 =	vsel vm12, $0x3EF, v27;
	v28 =	vsel vm12, $0x52F, v28;
	v29 =	vsel vm12, $0x66F, v29  }
0x33: {  	v30 =	vsel vm12, $0x7AF, v30;
	v31 =	vsel vm12, $0x8EF, v31;
	v2 =	vsel vm0, v1, v0  }
0x34: {  	v0 =	vsel vm5, $0x140, v3;
	v1 =	vimm.s32 $0x2D290501;
	v3 =	vimm.s32 $0x2E2A0602  }
0x35: {  	v9 =	vsel vm13, $0x7D0, v9;
	v10 =	vsel vm13, $0x910, v10;
	v11 =	vsel vm13, $0x191, v11  }
0x36: {  	v12 =	vsel vm13, $0x2D1, v12;
	v13 =	vsel vm13, $0x411, v13;
	v14 =	vsel vm13, $0x551, v14  }
0x37: {  	v15 =	vsel vm13, $0x691, v15;
	v16 =	vsel vm13, $0x7D1, v16;
	v17 =	vsel vm13, $0x911, v17  }
0x38: {  	v18 =	vsel vm13, $0x192, v18;
	v19 =	vsel vm13, $0x2D2, v19;
	v20 =	vsel vm13, $0x412, v20  }
0x39: {  	v21 =	vsel vm13, $0x552, v21;
	v22 =	vsel vm13, $0x692, v22;
	v23 =	vsel vm13, $0x7D2, v23  }
0x3a: {  	v24 =	vsel vm13, $0x912, v24;
	v25 =	vsel vm13, $0x193, v25;
	v26 =	vsel vm13, $0x2D3, v26  }
0x3b: {  	v27 =	vsel vm13, $0x413, v27;
	v28 =	vsel vm13, $0x553, v28;
	v29 =	vsel vm13, $0x693, v29  }
0x3c: {  	v30 =	vsel vm13, $0x7D3, v30;
	v31 =	vsel vm13, $0x913, v31;
	v0 =	vsel vm4, $0x144, v0  }
0x3d: {  	v1 =	vunpack.c.0.s8.s32 v1;
	v3 =	vunpack.c.0.s8.s32 v3;
	v9 =	vsel vm14, $0x7D4, v9  }
0x3e: {  	v10 =	vsel vm14, $0x914, v10;
	v11 =	vsel vm14, $0x195, v11;
	v12 =	vsel vm14, $0x2D5, v12  }
0x3f: {  	v13 =	vsel vm14, $0x415, v13;
	v14 =	vsel vm14, $0x555, v14;
	v15 =	vsel vm14, $0x695, v15  }
0x40: {  	v16 =	vsel vm14, $0x7D5, v16;
	v17 =	vsel vm14, $0x915, v17;
	v18 =	vsel vm14, $0x196, v18  }
0x41: {  	v19 =	vsel vm14, $0x2D6, v19;
	v20 =	vsel vm14, $0x416, v20;
	v21 =	vsel vm14, $0x556, v21  }
0x42: {  	v22 =	vsel vm14, $0x696, v22;
	v23 =	vsel vm14, $0x7D6, v23;
	v24 =	vsel vm14, $0x916, v24  }
0x43: {  	v25 =	vsel vm14, $0x197, v25;
	v26 =	vsel vm14, $0x2D7, v26;
	v27 =	vsel vm14, $0x417, v27  }
0x44: {  	v28 =	vsel vm14, $0x557, v28;
	v29 =	vsel vm14, $0x697, v29;
	v30 =	vsel vm14, $0x7D7, v30  }
0x45: {  	v31 =	vsel vm14, $0x917, v31;
	v0 =	vsel vm3, $0x168, v0;
	v9 =	vsel vm15, $0x7F8, v9  }
0x46: {  	v10 =	vsel vm15, $0x938, v10;
	v11 =	vsel vm15, $0x1B9, v11;
	v12 =	vsel vm15, $0x2F9, v12  }
0x47: {  	v13 =	vsel vm15, $0x439, v13;
	v14 =	vsel vm15, $0x579, v14;
	v15 =	vsel vm15, $0x6B9, v15  }
0x48: {  	v16 =	vsel vm15, $0x7F9, v16;
	v17 =	vsel vm15, $0x939, v17;
	v18 =	vsel vm15, $0x1BA, v18  }
0x49: {  	v19 =	vsel vm15, $0x2FA, v19;
	v20 =	vsel vm15, $0x43A, v20;
	v21 =	vsel vm15, $0x57A, v21  }
0x4a: {  	v22 =	vsel vm15, $0x6BA, v22;
	v23 =	vsel vm15, $0x7FA, v23;
	v24 =	vsel vm15, $0x93A, v24  }
0x4b: {  	v25 =	vsel vm15, $0x1BB, v25;
	v26 =	vsel vm15, $0x2FB, v26;
	v27 =	vsel vm15, $0x43B, v27  }
0x4c: {  	v28 =	vsel vm15, $0x57B, v28;
	v29 =	vsel vm15, $0x6BB, v29;
	v30 =	vsel vm15, $0x7FB, v30  }
0x4d: {  	v31 =	vsel vm15, $0x93B, v31;
	v1 =	vnsel vm2, $0x11D, v1;
	v3 =	vnsel vm2, $0x11E, v3  }
0x4e: {  	v0 =	vsel vm12, $0x16C, v0;
	v9 =	vsel vm8, $0x7FC, v9;
	v10 =	vsel vm8, $0x93C, v10  }
0x4f: {  	v11 =	vsel vm8, $0x1BD, v11;
	v12 =	vsel vm8, $0x2FD, v12;
	v13 =	vsel vm8, $0x43D, v13  }
0x50: {  	v14 =	vsel vm8, $0x57D, v14;
	v15 =	vsel vm8, $0x6BD, v15;
	v16 =	vsel vm8, $0x7FD, v16  }
0x51: {  	v17 =	vsel vm8, $0x93D, v17;
	v18 =	vsel vm8, $0x1BE, v18;
	v19 =	vsel vm8, $0x2FE, v19  }
0x52: {  	v20 =	vsel vm8, $0x43E, v20;
	v21 =	vsel vm8, $0x57E, v21;
	v22 =	vsel vm8, $0x6BE, v22  }
0x53: {  	v23 =	vsel vm8, $0x7FE, v23;
	v24 =	vsel vm8, $0x93E, v24;
	v25 =	vsel vm8, $0x1BF, v25  }
0x54: {  	v26 =	vsel vm8, $0x2FF, v26;
	v27 =	vsel vm8, $0x43F, v27;
	v28 =	vsel vm8, $0x57F, v28  }
0x55: {  	v29 =	vsel vm8, $0x6BF, v29;
	v30 =	vsel vm8, $0x7FF, v30;
	v31 =	vsel vm8, $0x93F, v31  }
0x56: {  	v1 =	vsel vm1, v5, v1;
	v5 =	vimm.s32 $0x7F7B5753;
	v6 =	vsel vm1, v6, v3  }
0x57: {  	v3 =	vimm.s32 $0xCECAA6A2;
	v9 =	vsel vm9, $0x820, v9;
	v10 =	vsel vm9, $0x960, v10  }
0x58: {  	v11 =	vsel vm9, $0x1E1, v11;
	v12 =	vsel vm9, $0x321, v12;
	v13 =	vsel vm9, $0x461, v13  }
0x59: {  	v14 =	vsel vm9, $0x5A1, v14;
	v15 =	vsel vm9, $0x6E1, v15;
	v16 =	vsel vm9, $0x821, v16  }
0x5a: {  	v17 =	vsel vm9, $0x961, v17;
	v18 =	vsel vm9, $0x1E2, v18;
	v19 =	vsel vm9, $0x322, v19  }
0x5b: {  	v20 =	vsel vm9, $0x462, v20;
	v21 =	vsel vm9, $0x5A2, v21;
	v22 =	vsel vm9, $0x6E2, v22  }
0x5c: {  	v23 =	vsel vm9, $0x822, v23;
	v24 =	vsel vm9, $0x962, v24;
	v25 =	vsel vm9, $0x1E3, v25  }
0x5d: {  	v26 =	vsel vm9, $0x323, v26;
	v27 =	vsel vm9, $0x463, v27;
	v28 =	vsel vm9, $0x5A3, v28  }
0x5e: {  	v29 =	vsel vm9, $0x6E3, v29;
	v30 =	vsel vm9, $0x823, v30;
	v31 =	vsel vm9, $0x963, v31  }
0x5f: {  	v5 =	vunpack.c.0.s8.s32 v5;
	v3 =	vunpack.c.0.s8.s32 v3;
	v9 =	vsel vm10, $0x824, v9  }
0x60: {  	v10 =	vsel vm10, $0x964, v10;
	v11 =	vsel vm10, $0x1E5, v11;
	v12 =	vsel vm10, $0x325, v12  }
0x61: {  	v13 =	vsel vm10, $0x465, v13;
	v14 =	vsel vm10, $0x5A5, v14;
	v15 =	vsel vm10, $0x6E5, v15  }
0x62: {  	v16 =	vsel vm10, $0x825, v16;
	v17 =	vsel vm10, $0x965, v17;
	v18 =	vsel vm10, $0x1E6, v18  }
0x63: {  	v19 =	vsel vm10, $0x326, v19;
	v20 =	vsel vm10, $0x466, v20;
	v21 =	vsel vm10, $0x5A6, v21  }
0x64: {  	v22 =	vsel vm10, $0x6E6, v22;
	v23 =	vsel vm10, $0x826, v23;
	v24 =	vsel vm10, $0x966, v24  }
0x65: {  	v25 =	vsel vm10, $0x1E7, v25;
	v26 =	vsel vm10, $0x327, v26;
	v27 =	vsel vm10, $0x467, v27  }
0x66: {  	v28 =	vsel vm10, $0x5A7, v28;
	v29 =	vsel vm10, $0x6E7, v29;
	v30 =	vsel vm10, $0x827, v30  }
0x67: {  	v31 =	vsel vm10, $0x967, v31;
	v9 =	vsel vm11, $0x848, v9;
	v10 =	vsel vm11, $0x988, v10  }
0x68: {  	v11 =	vsel vm11, $0x209, v11;
	v12 =	vsel vm11, $0x349, v12;
	v13 =	vsel vm11, $0x489, v13  }
0x69: {  	v14 =	vsel vm11, $0x5C9, v14;
	v15 =	vsel vm11, $0x709, v15;
	v16 =	vsel vm11, $0x849, v16  }
0x6a: {  	v17 =	vsel vm11, $0x989, v17;
	v18 =	vsel vm11, $0x20A, v18;
	v19 =	vsel vm11, $0x34A, v19  }
0x6b: {  	v20 =	vsel vm11, $0x48A, v20;
	v21 =	vsel vm11, $0x5CA, v21;
	v22 =	vsel vm11, $0x70A, v22  }
0x6c: {  	v23 =	vsel vm11, $0x84A, v23;
	v24 =	vsel vm11, $0x98A, v24;
	v25 =	vsel vm11, $0x20B, v25  }
0x6d: {  	v26 =	vsel vm11, $0x34B, v26;
	v27 =	vsel vm11, $0x48B, v27;
	v28 =	vsel vm11, $0x5CB, v28  }
0x6e: {  	v29 =	vsel vm11, $0x70B, v29;
	v30 =	vsel vm11, $0x84B, v30;
	v5 =	vand.u32 $0xFF, v5  }
0x6f: {  	v31 =	vsel vm11, $0x98B, v31;
	v4 =	vsel vm1, v5, v4;
	v5 =	vunpack.c.0.s8.s32 v8  }
0x70: {  	v8 =	vsel vm13, $0x190, v0;
	v0 =	vand.u32 $0xFF, v7;
	v7 =	vand.u32 $0xFF, v3  }
0x71: {  	v3 =	vsel vm0, v0, v1;
	v1 =	vsel vm0, v7, v6;
	v6 =	vimm.s32 $0x61C  }
0x72: {  	v7 =	vimm.s32 $0x75C;
	v8 =	vsel vm14, $0x194, v8;
	v0 =	vand.u32 $0xFF, v5  }
0x73: {  	v5 =	vimm.s32 $0x4DC;
	v6 =	vsel vm5, $0x500, v6;
	v7 =	vsel vm5, $0x640, v7  }
0x74: {  	v8 =	vsel vm15, $0x1B8, v8;
	v0 =	vsel vm0, v0, v4;
	v4 =	vimm.s32 $0x39C  }
0x75: {  	v5 =	vsel vm5, $0x3C0, v5;
	v6 =	vsel vm4, $0x504, v6;
	v7 =	vsel vm4, $0x644, v7  }
0x76: {  	v8 =	vsel vm8, $0x1BC, v8;
	v4 =	vsel vm5, $0x280, v4;
	v5 =	vsel vm4, $0x3C4, v5  }
0x77: {  	v6 =	vsel vm3, $0x528, v6;
	v7 =	vsel vm3, $0x668, v7;
	v8 =	vsel vm9, $0x1E0, v8  }
0x78: {  	v4 =	vsel vm4, $0x284, v4;
	v5 =	vsel vm3, $0x3E8, v5;
	v6 =	vsel vm12, $0x52C, v6  }
0x79: {  	v7 =	vsel vm12, $0x66C, v7;
	v8 =	vsel vm10, $0x1E4, v8;
	v4 =	vsel vm3, $0x2A8, v4  }
0x7a: {  	v5 =	vsel vm12, $0x3EC, v5;
	v6 =	vsel vm13, $0x550, v6;
	v7 =	vsel vm13, $0x690, v7  }
0x7b: {  	v8 =	vsel vm11, $0x208, v8;
	v4 =	vsel vm12, $0x2AC, v4;
	v5 =	vsel vm13, $0x410, v5  }
0x7c: {  	v6 =	vsel vm14, $0x554, v6;
	v7 =	vsel vm14, $0x694, v7;
	vm12 =	vcmask $0x3330  }
0x7d: {  	v4 =	vsel vm13, $0x2D0, v4;
	v5 =	vsel vm14, $0x414, v5;
	v6 =	vsel vm15, $0x578, v6  }
0x7e: {  	v7 =	vsel vm15, $0x6B8, v7;
	vm13 =	vcmask $0x2F2C;
	v2 =	vsel vm12, $0xF0, v2  }
0x7f: {  	v3 =	vsel vm12, $0xF1, v3;
	v1 =	vsel vm12, $0xF2, v1;
	v0 =	vsel vm12, $0xF3, v0  }
0x80: {  	v4 =	vsel vm14, $0x2D4, v4;
	v5 =	vsel vm15, $0x438, v5;
	v6 =	vsel vm8, $0x57C, v6  }
0x81: {  	v7 =	vsel vm8, $0x6BC, v7;
	v8 =	vsel vm13, $0x20C, v8;
	v9 =	vsel vm13, $0x84C, v9  }
0x82: {  	v10 =	vsel vm13, $0x98C, v10;
	v11 =	vsel vm13, $0x20D, v11;
	v12 =	vsel vm13, $0x34D, v12  }
0x83: {  	v13 =	vsel vm13, $0x48D, v13;
	v14 =	vsel vm13, $0x5CD, v14;
	v15 =	vsel vm13, $0x70D, v15  }
0x84: {  	v16 =	vsel vm13, $0x84D, v16;
	v17 =	vsel vm13, $0x98D, v17;
	v18 =	vsel vm13, $0x20E, v18  }
0x85: {  	v19 =	vsel vm13, $0x34E, v19;
	v20 =	vsel vm13, $0x48E, v20;
	v21 =	vsel vm13, $0x5CE, v21  }
0x86: {  	v22 =	vsel vm13, $0x70E, v22;
	v23 =	vsel vm13, $0x84E, v23;
	v24 =	vsel vm13, $0x98E, v24  }
0x87: {  	v25 =	vsel vm13, $0x20F, v25;
	v26 =	vsel vm13, $0x34F, v26;
	v27 =	vsel vm13, $0x48F, v27  }
0x88: {  	v28 =	vsel vm13, $0x5CF, v28;
	v29 =	vsel vm13, $0x70F, v29;
	v30 =	vsel vm13, $0x84F, v30  }
0x89: {  	v31 =	vsel vm13, $0x98F, v31;
	vm14 =	vcmask $0x3734;
	v4 =	vsel vm15, $0x2F8, v4  }
0x8a: {  	v5 =	vsel vm8, $0x43C, v5;
	v6 =	vsel vm9, $0x5A0, v6;
	v7 =	vsel vm9, $0x6E0, v7  }
0x8b: {  	v2 =	vsel vm14, $0xF4, v2;
	v8 =	vsel vm12, $0x230, v8;
	v9 =	vsel vm12, $0x870, v9  }
0x8c: {  	v10 =	vsel vm12, $0x9B0, v10;
	v11 =	vsel vm12, $0x231, v11;
	v12 =	vsel vm12, $0x371, v12  }
0x8d: {  	v13 =	vsel vm12, $0x4B1, v13;
	v14 =	vsel vm12, $0x5F1, v14;
	v15 =	vsel vm12, $0x731, v15  }
0x8e: {  	v16 =	vsel vm12, $0x871, v16;
	v17 =	vsel vm12, $0x9B1, v17;
	v18 =	vsel vm12, $0x232, v18  }
0x8f: {  	v19 =	vsel vm12, $0x372, v19;
	v20 =	vsel vm12, $0x4B2, v20;
	v21 =	vsel vm12, $0x5F2, v21  }
0x90: {  	v22 =	vsel vm12, $0x732, v22;
	v23 =	vsel vm12, $0x872, v23;
	v24 =	vsel vm12, $0x9B2, v24  }
0x91: {  	v25 =	vsel vm12, $0x233, v25;
	v26 =	vsel vm12, $0x373, v26;
	v27 =	vsel vm12, $0x4B3, v27  }
0x92: {  	v28 =	vsel vm12, $0x5F3, v28;
	v29 =	vsel vm12, $0x733, v29;
	v30 =	vsel vm12, $0x873, v30  }
0x93: {  	v31 =	vsel vm12, $0x9B3, v31;
	vm15 =	vcmask $0x3B38;
	v32 =	vsel vm14, $0xF5, v3  }
0x94: {  	v33 =	vsel vm14, $0xF6, v1;
	v34 =	vsel vm14, $0xF7, v0;
	v1 =	vlaneseq.u32  }
0x95: {  	v4 =	vsel vm8, $0x2FC, v4;
	v5 =	vsel vm9, $0x460, v5;
	v6 =	vsel vm10, $0x5A4, v6  }
0x96: {  	v7 =	vsel vm10, $0x6E4, v7;
	v8 =	vsel vm14, $0x234, v8;
	v9 =	vsel vm14, $0x874, v9  }
0x97: {  	v10 =	vsel vm14, $0x9B4, v10;
	v11 =	vsel vm14, $0x235, v11;
	v12 =	vsel vm14, $0x375, v12  }
0x98: {  	v13 =	vsel vm14, $0x4B5, v13;
	v14 =	vsel vm14, $0x5F5, v14;
	v15 =	vsel vm14, $0x735, v15  }
0x99: {  	v16 =	vsel vm14, $0x875, v16;
	v17 =	vsel vm14, $0x9B5, v17;
	v18 =	vsel vm14, $0x236, v18  }
0x9a: {  	v19 =	vsel vm14, $0x376, v19;
	v20 =	vsel vm14, $0x4B6, v20;
	v21 =	vsel vm14, $0x5F6, v21  }
0x9b: {  	v22 =	vsel vm14, $0x736, v22;
	v23 =	vsel vm14, $0x876, v23;
	v24 =	vsel vm14, $0x9B6, v24  }
0x9c: {  	s0 =	stileid.u32;
	v25 =	vsel vm14, $0x237, v25;
	v26 =	vsel vm14, $0x377, v26;
	v27 =	vsel vm14, $0x4B7, v27  }
0x9d: {  	s1 =	srdreg.scid;
	s4 =	rddreg [dreg:$0x0];
	v28 =	vsel vm14, $0x5F7, v28;
	v29 =	vsel vm14, $0x737, v29;
	v30 =	vsel vm14, $0x877, v30  }
0x9e: {  	s8 =	rddreg [dreg:$0x1];
	s3 =	simm.s32 $0x0;
	s16 =	simm.s32 $0xA00;
	v31 =	vsel vm14, $0x9B7, v31;
	v0 =	vsel vm15, $0x118, v2;
	v35 =	vand.u32 $0x1, v1  }
0x9f: {  	s17 =	simm.s32 $0xC00;
	s18 =	simm.s32 $0xA80;
	s19 =	simm.s32 $0x1C00;
	v4 =	vsel vm9, $0x320, v4;
	v5 =	vsel vm10, $0x464, v5;
	v6 =	vsel vm11, $0x5C8, v6  }
0xa0: {  	s20 =	simm.s32 $0xB00;
	s21 =	simm.s32 $0x2C00;
	s2 =	sshll.u32 s0, $0x1;
	v7 =	vsel vm11, $0x708, v7;
	v1 =	vsel vm15, $0x258, v8;
	v8 =	vsel vm15, $0x119, v32  }
0xa1: {  	s9 =	sand.u32 $0x1, s1;
	s6 =	sshrl.u32 s0, $0x3;
	[smem:$0x7FF] =	sst s3;
	v25 =	vsel vm15, $0x25B, v25;
	v26 =	vsel vm15, $0x39B, v26;
	v27 =	vsel vm15, $0x4DB, v27  }
0xa2: {  	s10 =	sshll.u32 s0, $0xB;
	s26 =	sshll.u32 s0, $0xE;
	s28 =	sshll.u32 s0, $0x6;
	v28 =	vsel vm15, $0x61B, v28;
	v29 =	vsel vm15, $0x75B, v29;
	v30 =	vsel vm15, $0x89B, v30  }
0xa3: {  	s15 =	sand.u32 $0x7, s0;
	s22 =	sand.u32 $0xE, s2;
	s2 =	rddreg [dreg:$0x2];
	v31 =	vsel vm15, $0x9DB, v31;
	v32 =	vmul.u32 $0x2000, v35;
	v4 =	vsel vm10, $0x324, v4  }
0xa4: {  	s7 =	smul.u32 $0x28, s6;
	s23 =	sadd.s32 s10, s4;
	s24 =	ssub.s32 $0x2, s9;
	v5 =	vsel vm11, $0x488, v5;
	v6 =	vsel vm13, $0x5CC, v6;
	v7 =	vsel vm13, $0x70C, v7  }
0xa5: {  	s13 =	smul.u32 $0x28000, s6;
	s30 =	sshll.u32 s15, $0xC;
	s15 =	simm.s32 $0x80;
	v4 =	vsel vm11, $0x348, v4;
	v5 =	vsel vm13, $0x48C, v5;
	v6 =	vsel vm12, $0x5F0, v6  }
0xa6: {  	s1 =	sor.u32 s9, s22;
	s25 =	sshrl.u32 s24, $0x1;
	s12 =	sadd.s32 s26, s2;
	v7 =	vsel vm12, $0x730, v7;
	v4 =	vsel vm13, $0x34C, v4;
	v5 =	vsel vm12, $0x4B0, v5  }
0xa7: {  	s6 =	sadd.s32 $0x2400, s23;
	s9 =	sshll.u32 s9, $0xB;
	s22 =	simm.s32 $0xB80;
	v6 =	vsel vm14, $0x5F4, v6;
	v4 =	vsel vm12, $0x370, v4;
	v5 =	vsel vm14, $0x4B4, v5  }
0xa8: {  	s26 =	simm.s32 $0x0;
	s5 =	smul.u32 $0x6400, s1;
	s1 =	rddreg [dreg:$0x3];
	v7 =	vsel vm14, $0x734, v7;
	v4 =	vsel vm14, $0x374, v4;
	v3 =	vsel vm15, $0x4D8, v5  }
0xa9: {  	_ =	strace $0x80000047;
	s10 =	ssub.s32 s24, s25;
	s14 =	sadd.s32 $0x40000, s12;
	v5 =	vsel vm15, $0x758, v7;
	v7 =	vsel vm15, $0x9D8, v10;
	v10 =	vsel vm15, $0x399, v12  }
0xaa: {  	s29 =	sadd.s32 s13, s8;
	s13 =	simm.s32 $0x28;
	s24 =	simm.s32 $0x1;
	v12 =	vsel vm15, $0x619, v14;
	v14 =	vsel vm15, $0x899, v16;
	v16 =	vsel vm15, $0x11A, v33  }
0xab: {  	s25 =	simm.s32 $0x20;
	s8 =	smax.u32 s10, $0x1;
	s31 =	sadd.s32 s30, s29;
	v2 =	vsel vm15, $0x398, v4;
	v4 =	vsel vm15, $0x618, v6;
	v6 =	vsel vm15, $0x898, v9  }
0xac: {  	s10 =	sshrl.u32 s12, $0x3;
	s12 =	sshrl.u32 s14, $0x3;
	s5 =	sor.u32 s7, s5;
	v9 =	vsel vm15, $0x259, v11;
	v11 =	vsel vm15, $0x4D9, v13;
	v13 =	vsel vm15, $0x759, v15  }
0xad: {  	s14 =	simm.s32 $0x190;
	s9 =	sadd.s32 s9, s31;
	s5 =	sshrl.u32 s5, $0x3;
	v15 =	vsel vm15, $0x9D9, v17;
	v17 =	vsel vm15, $0x25A, v18;
	v18 =	vsel vm15, $0x39A, v19  }
0xae: {  	s11 =	sadd.s32 s5, s4;
	s4 =	sadd.s32 $0xA400, s23;
	s5 =	sor.u32 $0x1C02, s28;
	v19 =	vsel vm15, $0x4DA, v20;
	v20 =	vsel vm15, $0x61A, v21;
	v21 =	vsel vm15, $0x75A, v22  }
0xaf: {  	s23 =	simm.s32 $0x3C00;
	s7 =	sadd.s32 $0x12400, s11;
	s11 =	simm.s32 $0x2;
	v22 =	vsel vm15, $0x89A, v23;
	v23 =	vsel vm15, $0x9DA, v24;
	v24 =	vsel vm15, $0x11B, v34  }
.LBB2_1:
0xb0: {  	[spmem:s10], [sflag:s5] =	dma.local [hbm:s4], $0x800  }
0xb1: {  	_ =	swait.ge [sflag:s11], $0x800  }
0xb2: {  	[sflag:s11] =	ssyncset.done $0x0  }
0xb3: {  	[sflag:s11] =	ssyncadd.s32 $0xFFFFF800  }
0xb4: {  	[spmem:s12], [sflag:s5] =	dma.local [hbm:s6], $0x800  }
0xb5: {  	_ =	swait.ge [sflag:s11], $0x800  }
0xb6: {  	[sflag:s11] =	ssyncset.done $0x0  }
0xb7: {  	[sflag:s11] =	ssyncadd.s32 $0xFFFFF800  }
0xb8: {  	[tilespmem:s3], [sflag:$0x2] =	stream.strided.gather [hbm4b:s7+s13], $0xA00, s14, s13, $0x38;
	[tilespmem:$0xCC00] =	vst v63  }
0xb9: {  	_ =	swait.ge [sflag:s11], $0xA00  }
0xba: {  	[sflag:s11] =	ssyncset.done $0x0  }
0xbb: {  	[sflag:s11] =	ssyncadd.s32 $0xFFFFF600  }
0xbc: {  	s28 =	simm.s32 $0x0;
	s29 =	simm.s32 $0x0;
	[bflag:$0x0] =	sbarrier.arrive $0xFFFF  }
.LBB2_2:
0xbd: {  	v33 =	vmov s28  }
0xbe: {  	v33 =	vshrl.u32 v33, $0x3  }
0xbf: {  	v33 =	vshll.u32 v33, $0x3  }
0xc0: {  	v33 =	vbroadcast v33, $0x0;
	_ =	sdelay $0x1  }
0xc1: {  	v34 =	vadd.s32 v0, v33;
	_ =	sdelay $0x4  }
0xc2: {  	v34 =	vld.idx.msk [tilespmem:v34+s3+$0x0], $0xffff;
	_ =	sdelay $0x1  }
0xc3: {  	v35 =	vadd.s32 v1, v33;
	_ =	sdelay $0x2  }
0xc4: {  	v34 =	vadd.s32 v32, v34  }
0xc5: {  	[tilespmem:$0xA00] =	vst v34  }
0xc6: {  	v34 =	vld.idx.msk [tilespmem:v35+s3+$0x0], $0xffff;
	_ =	sdelay $0x1  }
0xc7: {  	v63 =	vadd.s32 v2, v33;
	_ =	sdelay $0x2  }
0xc8: {  	v34 =	vadd.s32 v32, v34  }
0xc9: {  	[tilespmem:$0xA10] =	vst v34  }
0xca: {  	v34 =	vld.idx.msk [tilespmem:v63+s3+$0x0], $0xffff;
	_ =	sdelay $0x1  }
0xcb: {  	v36 =	vadd.s32 v3, v33;
	_ =	sdelay $0x2  }
0xcc: {  	v34 =	vadd.s32 v32, v34  }
0xcd: {  	[tilespmem:$0xA20] =	vst v34  }
0xce: {  	v34 =	vld.idx.msk [tilespmem:v36+s3+$0x0], $0xffff;
	_ =	sdelay $0x1  }
0xcf: {  	v37 =	vadd.s32 v4, v33;
	_ =	sdelay $0x2  }
0xd0: {  	v34 =	vadd.s32 v32, v34  }
0xd1: {  	[tilespmem:$0xA30] =	vst v34  }
0xd2: {  	v34 =	vld.idx.msk [tilespmem:v37+s3+$0x0], $0xffff;
	_ =	sdelay $0x1  }
0xd3: {  	v38 =	vadd.s32 v5, v33;
	_ =	sdelay $0x2  }
0xd4: {  	v34 =	vadd.s32 v32, v34  }
0xd5: {  	[tilespmem:$0xA40] =	vst v34  }
0xd6: {  	v34 =	vld.idx.msk [tilespmem:v38+s3+$0x0], $0xffff;
	_ =	sdelay $0x1  }
0xd7: {  	v39 =	vadd.s32 v6, v33;
	_ =	sdelay $0x2  }
0xd8: {  	v34 =	vadd.s32 v32, v34  }
0xd9: {  	[tilespmem:$0xA50] =	vst v34  }
0xda: {  	v34 =	vld.idx.msk [tilespmem:v39+s3+$0x0], $0xffff;
	_ =	sdelay $0x1  }
0xdb: {  	v40 =	vadd.s32 v7, v33;
	_ =	sdelay $0x2  }
0xdc: {  	v34 =	vadd.s32 v32, v34  }
0xdd: {  	[tilespmem:$0xA60] =	vst v34  }
0xde: {  	v34 =	vld.idx.msk [tilespmem:v40+s3+$0x0], $0xffff;
	_ =	sdelay $0x1  }
0xdf: {  	v41 =	vadd.s32 v8, v33;
	_ =	sdelay $0x2  }
0xe0: {  	v34 =	vadd.s32 v32, v34  }
0xe1: {  	[tilespmem:$0xA70] =	vst v34  }
0xe2: {  	v34 =	vld.idx.msk [tilespmem:v41+s3+$0x0], $0xffff;
	_ =	sdelay $0x1  }
0xe3: {  	v42 =	vadd.s32 v9, v33;
	_ =	sdelay $0x2  }
0xe4: {  	v34 =	vadd.s32 v32, v34  }
0xe5: {  	[tilespmem:$0xA80] =	vst v34  }
0xe6: {  	v34 =	vld.idx.msk [tilespmem:v42+s3+$0x0], $0xffff;
	_ =	sdelay $0x1  }
0xe7: {  	v43 =	vadd.s32 v10, v33;
	_ =	sdelay $0x2  }
0xe8: {  	v34 =	vadd.s32 v32, v34  }
0xe9: {  	[tilespmem:$0xA90] =	vst v34  }
0xea: {  	v34 =	vld.idx.msk [tilespmem:v43+s3+$0x0], $0xffff;
	_ =	sdelay $0x1  }
0xeb: {  	v44 =	vadd.s32 v11, v33;
	_ =	sdelay $0x2  }
0xec: {  	v34 =	vadd.s32 v32, v34  }
0xed: {  	[tilespmem:$0xAA0] =	vst v34  }
0xee: {  	v34 =	vld.idx.msk [tilespmem:v44+s3+$0x0], $0xffff;
	_ =	sdelay $0x1  }
0xef: {  	v45 =	vadd.s32 v12, v33;
	_ =	sdelay $0x2  }
0xf0: {  	v34 =	vadd.s32 v32, v34  }
0xf1: {  	[tilespmem:$0xAB0] =	vst v34  }
0xf2: {  	v34 =	vld.idx.msk [tilespmem:v45+s3+$0x0], $0xffff;
	_ =	sdelay $0x1  }
0xf3: {  	v46 =	vadd.s32 v13, v33;
	_ =	sdelay $0x2  }
0xf4: {  	v34 =	vadd.s32 v32, v34  }
0xf5: {  	[tilespmem:$0xAC0] =	vst v34  }
0xf6: {  	v34 =	vld.idx.msk [tilespmem:v46+s3+$0x0], $0xffff;
	_ =	sdelay $0x1  }
0xf7: {  	v47 =	vadd.s32 v14, v33;
	_ =	sdelay $0x2  }
0xf8: {  	v34 =	vadd.s32 v32, v34  }
0xf9: {  	[tilespmem:$0xAD0] =	vst v34  }
0xfa: {  	v34 =	vld.idx.msk [tilespmem:v47+s3+$0x0], $0xffff;
	_ =	sdelay $0x1  }
0xfb: {  	v48 =	vadd.s32 v15, v33;
	_ =	sdelay $0x2  }
0xfc: {  	v34 =	vadd.s32 v32, v34  }
0xfd: {  	[tilespmem:$0xAE0] =	vst v34  }
0xfe: {  	v34 =	vld.idx.msk [tilespmem:v48+s3+$0x0], $0xffff;
	_ =	sdelay $0x1  }
0xff: {  	v49 =	vadd.s32 v16, v33;
	_ =	sdelay $0x2  }
0x100: {  	v34 =	vadd.s32 v32, v34  }
0x101: {  	[tilespmem:$0xAF0] =	vst v34  }
0x102: {  	v34 =	vld.idx.msk [tilespmem:v49+s3+$0x0], $0xffff;
	_ =	sdelay $0x1  }
0x103: {  	v50 =	vadd.s32 v17, v33;
	_ =	sdelay $0x2  }
0x104: {  	v34 =	vadd.s32 v32, v34  }
0x105: {  	[tilespmem:$0xB00] =	vst v34  }
0x106: {  	v34 =	vld.idx.msk [tilespmem:v50+s3+$0x0], $0xffff;
	_ =	sdelay $0x1  }
0x107: {  	v51 =	vadd.s32 v18, v33;
	_ =	sdelay $0x2  }
0x108: {  	v34 =	vadd.s32 v32, v34  }
0x109: {  	[tilespmem:$0xB10] =	vst v34  }
0x10a: {  	v34 =	vld.idx.msk [tilespmem:v51+s3+$0x0], $0xffff;
	_ =	sdelay $0x1  }
0x10b: {  	v52 =	vadd.s32 v19, v33;
	_ =	sdelay $0x2  }
0x10c: {  	v34 =	vadd.s32 v32, v34  }
0x10d: {  	[tilespmem:$0xB20] =	vst v34  }
0x10e: {  	v34 =	vld.idx.msk [tilespmem:v52+s3+$0x0], $0xffff;
	_ =	sdelay $0x1  }
0x10f: {  	v53 =	vadd.s32 v20, v33;
	_ =	sdelay $0x2  }
0x110: {  	v34 =	vadd.s32 v32, v34  }
0x111: {  	[tilespmem:$0xB30] =	vst v34  }
0x112: {  	v34 =	vld.idx.msk [tilespmem:v53+s3+$0x0], $0xffff;
	_ =	sdelay $0x1  }
0x113: {  	v54 =	vadd.s32 v21, v33;
	_ =	sdelay $0x2  }
0x114: {  	v34 =	vadd.s32 v32, v34  }
0x115: {  	[tilespmem:$0xB40] =	vst v34  }
0x116: {  	v34 =	vld.idx.msk [tilespmem:v54+s3+$0x0], $0xffff;
	_ =	sdelay $0x1  }
0x117: {  	v55 =	vadd.s32 v22, v33;
	_ =	sdelay $0x2  }
0x118: {  	v34 =	vadd.s32 v32, v34  }
0x119: {  	[tilespmem:$0xB50] =	vst v34  }
0x11a: {  	v34 =	vld.idx.msk [tilespmem:v55+s3+$0x0], $0xffff;
	_ =	sdelay $0x1  }
0x11b: {  	v56 =	vadd.s32 v23, v33;
	_ =	sdelay $0x2  }
0x11c: {  	v34 =	vadd.s32 v32, v34  }
0x11d: {  	[tilespmem:$0xB60] =	vst v34  }
0x11e: {  	v34 =	vld.idx.msk [tilespmem:v56+s3+$0x0], $0xffff;
	_ =	sdelay $0x1  }
0x11f: {  	v57 =	vadd.s32 v24, v33;
	_ =	sdelay $0x2  }
0x120: {  	v34 =	vadd.s32 v32, v34  }
0x121: {  	[tilespmem:$0xB70] =	vst v34  }
0x122: {  	v34 =	vld.idx.msk [tilespmem:v57+s3+$0x0], $0xffff;
	_ =	sdelay $0x1  }
0x123: {  	v58 =	vadd.s32 v25, v33;
	_ =	sdelay $0x2  }
0x124: {  	v34 =	vadd.s32 v32, v34  }
0x125: {  	[tilespmem:$0xB80] =	vst v34  }
0x126: {  	v34 =	vld.idx.msk [tilespmem:v58+s3+$0x0], $0xffff;
	_ =	sdelay $0x1  }
0x127: {  	v59 =	vadd.s32 v26, v33;
	_ =	sdelay $0x2  }
0x128: {  	v34 =	vadd.s32 v32, v34  }
0x129: {  	[tilespmem:$0xB90] =	vst v34  }
0x12a: {  	v34 =	vld.idx.msk [tilespmem:v59+s3+$0x0], $0xffff;
	_ =	sdelay $0x1  }
0x12b: {  	v60 =	vadd.s32 v27, v33;
	_ =	sdelay $0x2  }
0x12c: {  	v34 =	vadd.s32 v32, v34  }
0x12d: {  	[tilespmem:$0xBA0] =	vst v34  }
0x12e: {  	v34 =	vld.idx.msk [tilespmem:v60+s3+$0x0], $0xffff;
	_ =	sdelay $0x1  }
0x12f: {  	v61 =	vadd.s32 v28, v33;
	_ =	sdelay $0x2  }
0x130: {  	v34 =	vadd.s32 v32, v34  }
0x131: {  	[tilespmem:$0xBB0] =	vst v34  }
0x132: {  	v34 =	vld.idx.msk [tilespmem:v61+s3+$0x0], $0xffff;
	_ =	sdelay $0x1  }
0x133: {  	v62 =	vadd.s32 v29, v33;
	_ =	sdelay $0x2  }
0x134: {  	v34 =	vadd.s32 v32, v34  }
0x135: {  	[tilespmem:$0xBC0] =	vst v34  }
0x136: {  	v34 =	vld.idx.msk [tilespmem:v62+s3+$0x0], $0xffff;
	_ =	sdelay $0x1  }
0x137: {  	v63 =	vadd.s32 v30, v33;
	_ =	sdelay $0x2  }
0x138: {  	v34 =	vadd.s32 v32, v34  }
0x139: {  	[tilespmem:$0xBD0] =	vst v34  }
0x13a: {  	v34 =	vld.idx.msk [tilespmem:v63+s3+$0x0], $0xffff;
	_ =	sdelay $0x1  }
0x13b: {  	v33 =	vadd.s32 v31, v33;
	_ =	sdelay $0x2  }
0x13c: {  	v34 =	vadd.s32 v32, v34  }
0x13d: {  	[tilespmem:$0xBE0] =	vst v34  }
0x13e: {  	v33 =	vld.idx.msk [tilespmem:v33+s3+$0x0], $0xffff;
	_ =	sdelay $0x4  }
0x13f: {  	v33 =	vadd.s32 v32, v33  }
0x140: {  	[tilespmem:$0xBF0] =	vst v33  }
0x141: {  	[tilespmem:s17], [sflag:$0x1] =	stream.indirect.gather [spmem:s2], $0x20, s16, s15, $0xb8;
	[tilespmem:$0xCC00] =	vst v63  }
0x142: {  	_ = 	snop  }
0x143: {  	[tilespmem:s19], [sflag:$0x1] =	stream.indirect.gather [spmem:s2], $0x20, s18, s15, $0xb8;
	[tilespmem:$0xCC00] =	vst v63  }
0x144: {  	_ = 	snop  }
0x145: {  	[tilespmem:s21], [sflag:$0x1] =	stream.indirect.gather [spmem:s2], $0x20, s20, s15, $0xb8;
	[tilespmem:$0xCC00] =	vst v63  }
0x146: {  	_ = 	snop  }
0x147: {  	[tilespmem:s23], [sflag:$0x1] =	stream.indirect.gather [spmem:s2], $0x20, s22, s15, $0xb8;
	[tilespmem:$0xCC00] =	vst v63  }
0x148: {  	_ =	swait.ge [sflag:s24], $0x1000  }
0x149: {  	[sflag:s24] =	ssyncset.done $0x0  }
0x14a: {  	[sflag:s24] =	ssyncadd.s32 $0xFFFFF000  }
0x14b: {  	_ =	swait.ge [sflag:s24], $0x1000  }
0x14c: {  	[sflag:s24] =	ssyncset.done $0x0  }
0x14d: {  	[sflag:s24] =	ssyncadd.s32 $0xFFFFF000  }
0x14e: {  	_ =	swait.ge [sflag:s24], $0x1000  }
0x14f: {  	[sflag:s24] =	ssyncset.done $0x0  }
0x150: {  	[sflag:s24] =	ssyncadd.s32 $0xFFFFF000  }
0x151: {  	_ =	swait.ge [sflag:s24], $0x1000  }
0x152: {  	[sflag:s24] =	ssyncset.done $0x0  }
0x153: {  	s30 =	sadd.s32 s29, s9;
	[sflag:s24] =	ssyncadd.s32 $0xFFFFF000  }
0x154: {  	[hbm4b:s30+s25] =	stream.strided.scatter [tilespmem:s17], [sflag:$0x2], $0x1000, s15, s25, $0x38;
	[tilespmem:$0xCC00] =	vst v63  }
0x155: {  	_ =	swait.ge [sflag:s11], $0x1000  }
0x156: {  	[sflag:s11] =	ssyncset.done $0x0  }
0x157: {  	s31 =	sadd.s32 $0x4, s30;
	[sflag:s11] =	ssyncadd.s32 $0xFFFFF000  }
0x158: {  	[hbm4b:s31+s25] =	stream.strided.scatter [tilespmem:s19], [sflag:$0x2], $0x1000, s15, s25, $0x38;
	[tilespmem:$0xCC00] =	vst v63  }
0x159: {  	_ =	swait.ge [sflag:s11], $0x1000  }
0x15a: {  	[sflag:s11] =	ssyncset.done $0x0  }
0x15b: {  	s31 =	sadd.s32 $0x8, s30;
	[sflag:s11] =	ssyncadd.s32 $0xFFFFF000  }
0x15c: {  	[hbm4b:s31+s25] =	stream.strided.scatter [tilespmem:s21], [sflag:$0x2], $0x1000, s15, s25, $0x38;
	[tilespmem:$0xCC00] =	vst v63  }
0x15d: {  	_ =	swait.ge [sflag:s11], $0x1000  }
0x15e: {  	p0 =	sne.s32 s29, $0x20000;
	[sflag:s11] =	ssyncset.done $0x0  }
.Ltmp0:
0x15f: {  	s30 =	sadd.s32 $0xC, s30;
	[sflag:s11] =	ssyncadd.s32 $0xFFFFF000;
	(pc) =	sbr.rel @p0 .LBB2_2-.Ltmp0, $4  }
0x160: {  	[hbm4b:s30+s25] =	stream.strided.scatter [tilespmem:s23], [sflag:$0x2], $0x1000, s15, s25, $0x38;
	[tilespmem:$0xCC00] =	vst v63  }
0x161: {  	_ =	swait.ge [sflag:s11], $0x1000  }
0x162: {  	[sflag:s11] =	ssyncset.done $0x0  }
0x163: {  	s28 =	sadd.s32 $0x8, s28;
	s29 =	sadd.s32 $0x8000, s29;
	[sflag:s11] =	ssyncadd.s32 $0xFFFFF000  }
0x164: {  	s26 =	sadd.s32 $0x1, s26  }
0x165: {  	p0 =	sne.s32 s26, s8  }
.Ltmp1:
0x166: {  	_ = 	snop;
	(pc) =	sbr.rel @p0 .LBB2_1-.Ltmp1, $1  }
0x167: {  	_ =	sdelay $0x3  }
0x168: {  	_ =	sfence.sel $0x180000  }
0x169: {  	[bflag:$0x0] =	sbarrier.arrive $0xFFFF  }
0x16a: {  	p0 =	sne.s32 s0, $0x0;
	_ =	strace $0x90000047  }
0x16b: {  	s0 =	sadd.s32 @!p0 $0x100000, s1;
	[bflag:$0x2] =	sbarrier.arrive $0xFFFF  }
0x16c: {  	[sflag:s0] =	ssyncadd.tile.s32 @!p0 $0x1;
	_ =	shalt  }
.Lfunc_end2:
_tile_overlayer_lowered:
.L_overlay_start_2:
0x16d: {  	(tag) =	ssettag $0x2  }
0x16e: {  	s0 =	rddreg [dreg:$0x0];
	s2 =	stileid.u32  }
0x16f: {  	s1 =	rddreg [dreg:$0x1];
	p0 =	sne.s32 s2, $0x0  }
0x170: {  	s3 =	rddreg [dreg:$0x2];
	[bflag:$0x3] =	sbarrier.arrive $0xFFFF;
	s2 =	simm.s32 @!p0 $0x1C02  }
0x171: {  	[timem:s3], [sflag:s2] =	dma.local @!p0 [hbm:s0], s1  }
0x172: {  	s0 =	simm.s32 @!p0 $0x2  }
0x173: {  	_ =	swait.ge @!p0 [sflag:s0], s1  }
0x174: {  	s1 =	ssub.s32 @!p0 $0x0, s1;
	[sflag:s0] =	ssyncset.done @!p0 $0x0  }
0x175: {  	[sflag:s0] =	ssyncadd.s32 @!p0 s1  }
0x176: {  	[bflag:$0x3] =	sbarrier.arrive $0xFFFF  }
0x177: {  	_ =	shalt  }

</sc_bundles>
